<compile_context>
chip_gen: v7x
topology: tpu7x:2x2x1
jax: 0.10.2.dev20260603
libtpu: 0.0.44.dev20260713+nightly
codegen_flags: <defaults>
</compile_context>

<pallas_src>
import functools

import jax
import jax.numpy as jnp
from jax import lax
from jax.experimental import pallas as pl
from jax.experimental.pallas import tpu as pltpu
from jax.experimental.pallas import tpu_sc as plsc

B, L, V, D, H1, C = 16384, 50, 100000, 128, 1024, 1000
SLOPE = 0.01

NC, NS = 2, 16
NW = NC * NS
NSPLIT = 2
BS = B // NSPLIT
SPW = BS // NW
X2_COLS = 2 * L
ROWS_PW = SPW // 2
NBUF = 4


def _pool_body(half, x2_hbm, tab_hbm, out_hbm, idx_v, rows_bufs, outb, gsems,
               osems):
    del half
    wid = lax.axis_index("s") * NC + lax.axis_index("c")
    row0 = wid * ROWS_PW
    out0 = wid * SPW

    pltpu.sync_copy(x2_hbm.at[pl.ds(row0, ROWS_PW)], idx_v)

    bufs = tuple(zip(rows_bufs, gsems, osems))
    for b, (rows, gsem, _) in enumerate(bufs):
        pltpu.async_copy(tab_hbm.at[idx_v.at[b]], rows, gsem)

    def step(cc, carry):
        for b, (rows, gsem, osem) in enumerate(bufs):
            c = NBUF * cc + b
            pltpu.make_async_copy(tab_hbm.at[idx_v.at[0]], rows, gsem).wait()

            @pl.when(cc >= 1)
            def _():
                pltpu.make_async_copy(
                    outb.at[pl.ds(2 * b, 2)], out_hbm.at[pl.ds(0, 2)], osem
                ).wait()

            for s in range(2):
                row = 2 * b + s
                init = tuple(
                    rows[s * L, pl.ds(d * 16, 16)] for d in range(D // 16)
                )

                def _acc_body(j, acc):
                    return tuple(
                        a + rows[j, pl.ds(d * 16, 16)]
                        for d, a in enumerate(acc)
                    )

                acc = plsc.parallel_loop(
                    s * L + 1, s * L + L, unroll=7, carry=init
                )(_acc_body)
                for d in range(D // 16):
                    outb[row, pl.ds(d * 16, 16)] = acc[d]
            pltpu.async_copy(
                outb.at[pl.ds(2 * b, 2)], out_hbm.at[pl.ds(out0 + 2 * c, 2)], osem
            )
            nxt = c + NBUF

            @pl.when(nxt < ROWS_PW)
            def _():
                pltpu.async_copy(tab_hbm.at[idx_v.at[nxt]], rows, gsem)

        return carry

    lax.fori_loop(0, ROWS_PW // NBUF, step, 0)
    for b, (_, _, osem) in enumerate(bufs):
        pltpu.make_async_copy(
            outb.at[pl.ds(2 * b, 2)], out_hbm.at[pl.ds(0, 2)], osem
        ).wait()


def _make_pool(half):
    return functools.partial(
        pl.kernel,
        out_type=jax.ShapeDtypeStruct((BS, D), jnp.float32),
        mesh=plsc.VectorSubcoreMesh(core_axis_name="c", subcore_axis_name="s"),
        scratch_types=[
            pltpu.VMEM((ROWS_PW, X2_COLS), jnp.int32),
            tuple(pltpu.VMEM((X2_COLS, D), jnp.float32) for _ in range(NBUF)),
            pltpu.VMEM((2 * NBUF, D), jnp.float32),
            tuple(pltpu.SemaphoreType.DMA for _ in range(NBUF)),
            tuple(pltpu.SemaphoreType.DMA for _ in range(NBUF)),
        ],
    )(functools.partial(_pool_body, half))


_pools = [_make_pool(h) for h in range(NSPLIT)]


def _mlp_body(a_ref, w1_ref, b1_ref, w2_ref, b2_ref, w3_ref, b3_ref, o_ref):
    a = a_ref[...].astype(jnp.bfloat16)
    h1 = lax.dot_general(
        w1_ref[...], a, (((0,), (1,)), ((), ())),
        preferred_element_type=jnp.float32,
    ) + b1_ref[...]
    h1 = jnp.where(h1 > 0, h1, SLOPE * h1).astype(jnp.bfloat16)
    h2 = lax.dot_general(
        w2_ref[...], h1, (((0,), (0,)), ((), ())),
        preferred_element_type=jnp.float32,
    ) + b2_ref[...]
    h2 = jnp.where(h2 > 0, h2, SLOPE * h2).astype(jnp.bfloat16)
    lg = lax.dot_general(
        w3_ref[...], h2, (((0,), (0,)), ((), ())),
        preferred_element_type=jnp.float32,
    ) + b3_ref[...]
    m = jnp.max(lg, axis=0, keepdims=True)
    lse = jnp.log(jnp.sum(jnp.exp(lg - m), axis=0, keepdims=True))
    o_ref[...] = (lg - m) - lse


BT = 512


def _mlp_pass_body(a_ref, prev_ref, w1_ref, b1_ref, w2_ref, b2_ref, w3_ref,
                   b3_ref, o_ref):
    del prev_ref
    _mlp_body(a_ref, w1_ref, b1_ref, w2_ref, b2_ref, w3_ref, b3_ref, o_ref)


def _make_mlp(split):
    blk0 = split * (BS // BT)
    w_specs = [
        pl.BlockSpec((D, H1), lambda i: (0, 0)),
        pl.BlockSpec((H1, 1), lambda i: (0, 0)),
        pl.BlockSpec((H1, D), lambda i: (0, 0)),
        pl.BlockSpec((D, 1), lambda i: (0, 0)),
        pl.BlockSpec((D, C), lambda i: (0, 0)),
        pl.BlockSpec((C, 1), lambda i: (0, 0)),
    ]
    if split == 0:
        return pl.pallas_call(
            _mlp_body,
            grid=(BS // BT,),
            in_specs=[pl.BlockSpec((BT, D), lambda i: (i, 0))] + w_specs,
            out_specs=pl.BlockSpec((C, BT), lambda i: (0, i + blk0)),
            out_shape=jax.ShapeDtypeStruct((C, B), jnp.float32),
        )
    return pl.pallas_call(
        _mlp_pass_body,
        grid=(BS // BT,),
        in_specs=[
            pl.BlockSpec((BT, D), lambda i: (i, 0)),
            pl.BlockSpec((8, 128), lambda i: (0, 0)),
        ] + w_specs,
        out_specs=pl.BlockSpec((C, BT), lambda i: (0, i + blk0)),
        out_shape=jax.ShapeDtypeStruct((C, B), jnp.float32),
        input_output_aliases={1: 0},
    )


_mlps = [_make_mlp(sp) for sp in range(NSPLIT)]


def kernel(X_batch, table, W1, b1, W2, b2, W3, b3):
    xi = X_batch.astype(jnp.int32)
    xs = [
        lax.slice_in_dim(xi, sp * BS, (sp + 1) * BS).reshape(BS // 2, X2_COLS)
        for sp in range(NSPLIT)
    ]
    ws = (
        (W1 * (1.0 / L)).astype(jnp.bfloat16),
        b1.reshape(H1, 1),
        W2.astype(jnp.bfloat16),
        b2.reshape(D, 1),
        W3.astype(jnp.bfloat16),
        b3.reshape(C, 1),
    )
    pooled = [_pools[sp](xs[sp], table) for sp in range(NSPLIT)]
    out_t = _mlps[0](pooled[0], *ws)
    for sp in range(1, NSPLIT):
        out_t = _mlps[sp](pooled[sp], out_t, *ws)
    return out_t.T

# --- scband reference (transcript-rebuilt; emitter-appended) ---
"""Pipeline reference for scband-deep-averaging-network-32598801776695 (READ-ONLY COPY).

The authoritative reference and input builder live on the scoring server;
editing this copy changes nothing except your own understanding.
"""

import jax, jax.numpy as jnp
import numpy as np

B, L, V, D, H1, C = 16384, 50, 100000, 128, 1024, 1000
SLOPE = 0.01

def setup_inputs(seed: int = 0) -> dict:
    key = jax.random.key(seed)
    ks = jax.random.split(key, 8)
    X_batch = jax.random.randint(ks[0], (B, L), 0, V, dtype=jnp.int64 if jax.config.jax_enable_x64 else jnp.int32)
    table = jax.random.normal(ks[1], (V, D), dtype=jnp.float32) * 0.02
    W1 = jax.random.normal(ks[2], (D, H1), dtype=jnp.float32) * (1.0 / np.sqrt(D))
    b1 = jnp.zeros((H1,), dtype=jnp.float32)
    W2 = jax.random.normal(ks[3], (H1, D), dtype=jnp.float32) * (1.0 / np.sqrt(H1))
    b2 = jnp.zeros((D,), dtype=jnp.float32)
    W3 = jax.random.normal(ks[4], (D, C), dtype=jnp.float32) * (1.0 / np.sqrt(D))
    b3 = jnp.zeros((C,), dtype=jnp.float32)
    return {"X_batch": X_batch, "table": table, "W1": W1, "b1": b1, "W2": W2, "b2": b2, "W3": W3, "b3": b3}

def reference(X_batch, table, W1, b1, W2, b2, W3, b3):
    # embedding lookup (frozen pretrained table); dropout_probability=0.0 -> identity in eval
    emb = jnp.take(table, X_batch, axis=0)          # [B, L, D]
    a = jnp.mean(emb, axis=1)                        # [B, D]
    h1 = jax.nn.leaky_relu(a @ W1 + b1, negative_slope=SLOPE)
    h2 = jax.nn.leaky_relu(h1 @ W2 + b2, negative_slope=SLOPE)
    out = h2 @ W3 + b3
    log_probs = jax.nn.log_softmax(out, axis=1)
    return log_probs

if __name__ == "__main__":
    import jax
    _d = setup_inputs()
    print(jax.jit(kernel)(*tuple(_d.values())))

</pallas_src>

<mosaic_0001>
#map = affine_map<(d0, d1) -> (0, 0)>
module attributes {stable_mosaic.version = 14 : i64} {
  func.func @_pool_body(%arg0: i32, %arg1: i32, %arg2: memref<4096x100xi32, #tpu.memory_space<hbm>>, %arg3: memref<100000x128xf32, #tpu.memory_space<hbm>>, %arg4: memref<8192x128xf32, #tpu.memory_space<hbm>>, %arg5: memref<128x100xi32, #tpu.memory_space<vmem>>, %arg6: memref<100x128xf32, #tpu.memory_space<vmem>>, %arg7: memref<100x128xf32, #tpu.memory_space<vmem>>, %arg8: memref<100x128xf32, #tpu.memory_space<vmem>>, %arg9: memref<100x128xf32, #tpu.memory_space<vmem>>, %arg10: memref<8x128xf32, #tpu.memory_space<vmem>>, %arg11: memref<!tpu.dma_semaphore, #tpu.memory_space<semaphore_mem>>, %arg12: memref<!tpu.dma_semaphore, #tpu.memory_space<semaphore_mem>>, %arg13: memref<!tpu.dma_semaphore, #tpu.memory_space<semaphore_mem>>, %arg14: memref<!tpu.dma_semaphore, #tpu.memory_space<semaphore_mem>>, %arg15: memref<!tpu.dma_semaphore, #tpu.memory_space<semaphore_mem>>, %arg16: memref<!tpu.dma_semaphore, #tpu.memory_space<semaphore_mem>>, %arg17: memref<!tpu.dma_semaphore, #tpu.memory_space<semaphore_mem>>, %arg18: memref<!tpu.dma_semaphore, #tpu.memory_space<semaphore_mem>>) attributes {dimension_semantics = [#tpu.dimension_semantics<core_parallel>, #tpu.dimension_semantics<subcore_parallel>], iteration_bounds = array<i64: 2, 16>, scalar_prefetch = 0 : i64, scratch_operands = 14 : i64, tpu.core_type = #tpu.core_type<sc_vector_subcore>, window_params = [{transform_indices = #map}, {transform_indices = #map}, {transform_indices = #map}]} {
    %mul3A = arith.constant 2 : i32
    %mul3A_0 = arith.muli %arg1, %mul3A : i32
    %add3A = arith.addi %mul3A_0, %arg0 : i32
    %mul3A_1 = arith.constant 128 : i32
    %mul3A_2 = arith.muli %add3A, %mul3A_1 : i32
    %mul3A_3 = arith.constant 256 : i32
    %mul3A_4 = arith.muli %add3A, %mul3A_3 : i32
    "tpu.region"() ({
      %run_scoped3A = tpu.sem_alloc : memref<!tpu.dma_semaphore, #tpu.memory_space<semaphore_mem>>
      %dma_start3A_84 = arith.constant 0 : i32
      %dma_start3A_85 = tpu.memref_slice %arg2[%mul3A_2, %dma_start3A_84] : memref<4096x100xi32, #tpu.memory_space<hbm>> -> memref<128x100xi32, #tpu.memory_space<hbm>>
      %dma_start3A_86 = arith.constant 0 : i32
      %dma_start3A_87 = tpu.memref_slice %arg2[%mul3A_2, %dma_start3A_86] : memref<4096x100xi32, #tpu.memory_space<hbm>> -> memref<128x100xi32, #tpu.memory_space<hbm>>
      tpu.enqueue_dma source(%dma_start3A_87 : memref<128x100xi32, #tpu.memory_space<hbm>>) target(%arg5 : memref<128x100xi32, #tpu.memory_space<vmem>>) target_semaphore(%run_scoped3A : memref<!tpu.dma_semaphore, #tpu.memory_space<semaphore_mem>>)
      %dma_wait3A_88 = arith.constant 0 : i32
      %dma_wait3A_89 = tpu.memref_slice %arg2[%mul3A_2, %dma_wait3A_88] : memref<4096x100xi32, #tpu.memory_space<hbm>> -> memref<128x100xi32, #tpu.memory_space<hbm>>
      %dma_wait3A_90 = arith.constant 0 : i32
      %dma_wait3A_91 = tpu.memref_slice %arg2[%mul3A_2, %dma_wait3A_90] : memref<4096x100xi32, #tpu.memory_space<hbm>> -> memref<128x100xi32, #tpu.memory_space<hbm>>
      tpu.wait_dma2 semaphore(%run_scoped3A : memref<!tpu.dma_semaphore, #tpu.memory_space<semaphore_mem>>) src(%dma_wait3A_91 : memref<128x100xi32, #tpu.memory_space<hbm>>) dst(%arg5 : memref<128x100xi32, #tpu.memory_space<vmem>>)
      tpu.yield
    }) : () -> ()
    %dma_start3A = arith.constant 0 : i32
    %dma_start3A_5 = arith.constant 0 : i32
    %dma_start3A_6 = tpu.memref_slice %arg5[%dma_start3A, %dma_start3A_5] : memref<128x100xi32, #tpu.memory_space<vmem>> -> memref<1x100xi32, #tpu.memory_space<vmem>>
    %dma_start3A_7 = tpu.memref_squeeze %dma_start3A_6 : memref<1x100xi32, #tpu.memory_space<vmem>> -> memref<100xi32, #tpu.memory_space<vmem>>
    %dma_start3A_8 = arith.constant 0 : i32
    %dma_start3A_9 = arith.constant 0 : i32
    %dma_start3A_10 = tpu.memref_slice %arg3[%dma_start3A_8, %dma_start3A_9] : memref<100000x128xf32, #tpu.memory_space<hbm>> -> memref<100000x128xf32, #tpu.memory_space<hbm>>
    tpu.enqueue_indirect_dma source(%dma_start3A_10 : memref<100000x128xf32, #tpu.memory_space<hbm>>) target(%arg6 : memref<100x128xf32, #tpu.memory_space<vmem>>) offsets(%dma_start3A_7 : memref<100xi32, #tpu.memory_space<vmem>>) semaphore(%arg11 : memref<!tpu.dma_semaphore, #tpu.memory_space<semaphore_mem>>)
    %dma_start3A_11 = arith.constant 1 : i32
    %dma_start3A_12 = arith.constant 0 : i32
    %dma_start3A_13 = tpu.memref_slice %arg5[%dma_start3A_11, %dma_start3A_12] : memref<128x100xi32, #tpu.memory_space<vmem>> -> memref<1x100xi32, #tpu.memory_space<vmem>>
    %dma_start3A_14 = tpu.memref_squeeze %dma_start3A_13 : memref<1x100xi32, #tpu.memory_space<vmem>> -> memref<100xi32, #tpu.memory_space<vmem>>
    %dma_start3A_15 = arith.constant 0 : i32
    %dma_start3A_16 = arith.constant 0 : i32
    %dma_start3A_17 = tpu.memref_slice %arg3[%dma_start3A_15, %dma_start3A_16] : memref<100000x128xf32, #tpu.memory_space<hbm>> -> memref<100000x128xf32, #tpu.memory_space<hbm>>
    tpu.enqueue_indirect_dma source(%dma_start3A_17 : memref<100000x128xf32, #tpu.memory_space<hbm>>) target(%arg7 : memref<100x128xf32, #tpu.memory_space<vmem>>) offsets(%dma_start3A_14 : memref<100xi32, #tpu.memory_space<vmem>>) semaphore(%arg12 : memref<!tpu.dma_semaphore, #tpu.memory_space<semaphore_mem>>)
    %dma_start3A_18 = arith.constant 2 : i32
    %dma_start3A_19 = arith.constant 0 : i32
    %dma_start3A_20 = tpu.memref_slice %arg5[%dma_start3A_18, %dma_start3A_19] : memref<128x100xi32, #tpu.memory_space<vmem>> -> memref<1x100xi32, #tpu.memory_space<vmem>>
    %dma_start3A_21 = tpu.memref_squeeze %dma_start3A_20 : memref<1x100xi32, #tpu.memory_space<vmem>> -> memref<100xi32, #tpu.memory_space<vmem>>
    %dma_start3A_22 = arith.constant 0 : i32
    %dma_start3A_23 = arith.constant 0 : i32
    %dma_start3A_24 = tpu.memref_slice %arg3[%dma_start3A_22, %dma_start3A_23] : memref<100000x128xf32, #tpu.memory_space<hbm>> -> memref<100000x128xf32, #tpu.memory_space<hbm>>
    tpu.enqueue_indirect_dma source(%dma_start3A_24 : memref<100000x128xf32, #tpu.memory_space<hbm>>) target(%arg8 : memref<100x128xf32, #tpu.memory_space<vmem>>) offsets(%dma_start3A_21 : memref<100xi32, #tpu.memory_space<vmem>>) semaphore(%arg13 : memref<!tpu.dma_semaphore, #tpu.memory_space<semaphore_mem>>)
    %dma_start3A_25 = arith.constant 3 : i32
    %dma_start3A_26 = arith.constant 0 : i32
    %dma_start3A_27 = tpu.memref_slice %arg5[%dma_start3A_25, %dma_start3A_26] : memref<128x100xi32, #tpu.memory_space<vmem>> -> memref<1x100xi32, #tpu.memory_space<vmem>>
    %dma_start3A_28 = tpu.memref_squeeze %dma_start3A_27 : memref<1x100xi32, #tpu.memory_space<vmem>> -> memref<100xi32, #tpu.memory_space<vmem>>
    %dma_start3A_29 = arith.constant 0 : i32
    %dma_start3A_30 = arith.constant 0 : i32
    %dma_start3A_31 = tpu.memref_slice %arg3[%dma_start3A_29, %dma_start3A_30] : memref<100000x128xf32, #tpu.memory_space<hbm>> -> memref<100000x128xf32, #tpu.memory_space<hbm>>
    tpu.enqueue_indirect_dma source(%dma_start3A_31 : memref<100000x128xf32, #tpu.memory_space<hbm>>) target(%arg9 : memref<100x128xf32, #tpu.memory_space<vmem>>) offsets(%dma_start3A_28 : memref<100xi32, #tpu.memory_space<vmem>>) semaphore(%arg14 : memref<!tpu.dma_semaphore, #tpu.memory_space<semaphore_mem>>)
    %scan3A = arith.constant 0 : i32
    %scan3A_32 = arith.constant 0 : i32
    %scan3A_33 = arith.constant 32 : i32
    %scan3A_34 = arith.addi %scan3A_32, %scan3A_33 : i32
    %scan3A_35 = arith.constant 1 : i32
    scf.for %scan3A_84 = %scan3A_32 to %scan3A_34 step %scan3A_35  : i32 {
      %mul3A_85 = arith.constant 4 : i32
      %mul3A_86 = arith.muli %mul3A_85, %scan3A_84 : i32
      %add3A_87 = arith.constant 0 : i32
      %add3A_88 = arith.addi %mul3A_86, %add3A_87 : i32
      %dma_wait3A_89 = arith.constant 0 : i32
      %dma_wait3A_90 = arith.constant 0 : i32
      %dma_wait3A_91 = tpu.memref_slice %arg5[%dma_wait3A_89, %dma_wait3A_90] : memref<128x100xi32, #tpu.memory_space<vmem>> -> memref<1x100xi32, #tpu.memory_space<vmem>>
      %dma_wait3A_92 = tpu.memref_squeeze %dma_wait3A_91 : memref<1x100xi32, #tpu.memory_space<vmem>> -> memref<100xi32, #tpu.memory_space<vmem>>
      %dma_wait3A_93 = arith.constant 0 : i32
      %dma_wait3A_94 = arith.constant 0 : i32
      %dma_wait3A_95 = tpu.memref_slice %arg3[%dma_wait3A_93, %dma_wait3A_94] : memref<100000x128xf32, #tpu.memory_space<hbm>> -> memref<100000x128xf32, #tpu.memory_space<hbm>>
      tpu.wait_indirect_dma semaphore(%arg11 : memref<!tpu.dma_semaphore, #tpu.memory_space<semaphore_mem>>) src(%dma_wait3A_95 : memref<100000x128xf32, #tpu.memory_space<hbm>>) dst(%arg6 : memref<100x128xf32, #tpu.memory_space<vmem>>)
      %ge3A = arith.constant 1 : i32
      %ge3A_96 = arith.cmpi sge, %scan3A_84, %ge3A : i32
      %convert_element_type3A = arith.extui %ge3A_96 : i1 to i32
      %cond3A = arith.constant 0 : i32
      %cond3A_97 = arith.cmpi ne, %convert_element_type3A, %cond3A : i32
      scf.if %cond3A_97 {
        %dma_wait3A_958 = arith.constant 0 : i32
        %dma_wait3A_959 = arith.constant 0 : i32
        %dma_wait3A_960 = tpu.memref_slice %arg10[%dma_wait3A_958, %dma_wait3A_959] : memref<8x128xf32, #tpu.memory_space<vmem>> -> memref<2x128xf32, #tpu.memory_space<vmem>>
        %dma_wait3A_961 = arith.constant 0 : i32
        %dma_wait3A_962 = arith.constant 0 : i32
        %dma_wait3A_963 = tpu.memref_slice %arg4[%dma_wait3A_961, %dma_wait3A_962] : memref<8192x128xf32, #tpu.memory_space<hbm>> -> memref<2x128xf32, #tpu.memory_space<hbm>>
        %dma_wait3A_964 = arith.constant 0 : i32
        %dma_wait3A_965 = arith.constant 0 : i32
        %dma_wait3A_966 = tpu.memref_slice %arg4[%dma_wait3A_964, %dma_wait3A_965] : memref<8192x128xf32, #tpu.memory_space<hbm>> -> memref<2x128xf32, #tpu.memory_space<hbm>>
        %dma_wait3A_967 = arith.constant 0 : i32
        %dma_wait3A_968 = arith.constant 0 : i32
        %dma_wait3A_969 = tpu.memref_slice %arg10[%dma_wait3A_967, %dma_wait3A_968] : memref<8x128xf32, #tpu.memory_space<vmem>> -> memref<2x128xf32, #tpu.memory_space<vmem>>
        tpu.wait_dma2 semaphore(%arg15 : memref<!tpu.dma_semaphore, #tpu.memory_space<semaphore_mem>>) src(%dma_wait3A_969 : memref<2x128xf32, #tpu.memory_space<vmem>>) dst(%dma_wait3A_966 : memref<2x128xf32, #tpu.memory_space<hbm>>)
      } else {
      }
      %get3A = arith.constant 0 : i32
      %get3A_98 = arith.index_cast %get3A : i32 to index
      %get3A_99 = arith.constant 0 : index
      %get3A_100 = tpu.vector_load %arg6[%get3A_98, %get3A_99] {strides = array<i32>} : memref<100x128xf32, #tpu.memory_space<vmem>>, vector<1x16xf32>,
      %get3A_101 = vector.shape_cast %get3A_100 : vector<1x16xf32> to vector<16xf32>
      %get3A_102 = arith.constant 0 : i32
      %get3A_103 = arith.index_cast %get3A_102 : i32 to index
      %get3A_104 = arith.constant 16 : index
      %get3A_105 = tpu.vector_load %arg6[%get3A_103, %get3A_104] {strides = array<i32>} : memref<100x128xf32, #tpu.memory_space<vmem>>, vector<1x16xf32>,
      %get3A_106 = vector.shape_cast %get3A_105 : vector<1x16xf32> to vector<16xf32>
      %get3A_107 = arith.constant 0 : i32
      %get3A_108 = arith.index_cast %get3A_107 : i32 to index
      %get3A_109 = arith.constant 32 : index
      %get3A_110 = tpu.vector_load %arg6[%get3A_108, %get3A_109] {strides = array<i32>} : memref<100x128xf32, #tpu.memory_space<vmem>>, vector<1x16xf32>,
      %get3A_111 = vector.shape_cast %get3A_110 : vector<1x16xf32> to vector<16xf32>
      %get3A_112 = arith.constant 0 : i32
      %get3A_113 = arith.index_cast %get3A_112 : i32 to index
      %get3A_114 = arith.constant 48 : index
      %get3A_115 = tpu.vector_load %arg6[%get3A_113, %get3A_114] {strides = array<i32>} : memref<100x128xf32, #tpu.memory_space<vmem>>, vector<1x16xf32>,
      %get3A_116 = vector.shape_cast %get3A_115 : vector<1x16xf32> to vector<16xf32>
      %get3A_117 = arith.constant 0 : i32
      %get3A_118 = arith.index_cast %get3A_117 : i32 to index
      %get3A_119 = arith.constant 64 : index
      %get3A_120 = tpu.vector_load %arg6[%get3A_118, %get3A_119] {strides = array<i32>} : memref<100x128xf32, #tpu.memory_space<vmem>>, vector<1x16xf32>,
      %get3A_121 = vector.shape_cast %get3A_120 : vector<1x16xf32> to vector<16xf32>
      %get3A_122 = arith.constant 0 : i32
      %get3A_123 = arith.index_cast %get3A_122 : i32 to index
      %get3A_124 = arith.constant 80 : index
      %get3A_125 = tpu.vector_load %arg6[%get3A_123, %get3A_124] {strides = array<i32>} : memref<100x128xf32, #tpu.memory_space<vmem>>, vector<1x16xf32>,
      %get3A_126 = vector.shape_cast %get3A_125 : vector<1x16xf32> to vector<16xf32>
      %get3A_127 = arith.constant 0 : i32
      %get3A_128 = arith.index_cast %get3A_127 : i32 to index
      %get3A_129 = arith.constant 96 : index
      %get3A_130 = tpu.vector_load %arg6[%get3A_128, %get3A_129] {strides = array<i32>} : memref<100x128xf32, #tpu.memory_space<vmem>>, vector<1x16xf32>,
      %get3A_131 = vector.shape_cast %get3A_130 : vector<1x16xf32> to vector<16xf32>
      %get3A_132 = arith.constant 0 : i32
      %get3A_133 = arith.index_cast %get3A_132 : i32 to index
      %get3A_134 = arith.constant 112 : index
      %get3A_135 = tpu.vector_load %arg6[%get3A_133, %get3A_134] {strides = array<i32>} : memref<100x128xf32, #tpu.memory_space<vmem>>, vector<1x16xf32>,
      %get3A_136 = vector.shape_cast %get3A_135 : vector<1x16xf32> to vector<16xf32>
      %parallel_loop3A = arith.constant 1 : i32
      %parallel_loop3A_137 = arith.constant 50 : i32
      %parallel_loop3A_138 = arith.constant 1 : i32
      %parallel_loop3A_139:8 = scf.for %parallel_loop3A_958 = %parallel_loop3A to %parallel_loop3A_137 step %parallel_loop3A_138 iter_args(%parallel_loop3A_959 = %get3A_101, %parallel_loop3A_960 = %get3A_106, %parallel_loop3A_961 = %get3A_111, %parallel_loop3A_962 = %get3A_116, %parallel_loop3A_963 = %get3A_121, %parallel_loop3A_964 = %get3A_126, %parallel_loop3A_965 = %get3A_131, %parallel_loop3A_966 = %get3A_136) -> (vector<16xf32>, vector<16xf32>, vector<16xf32>, vector<16xf32>, vector<16xf32>, vector<16xf32>, vector<16xf32>, vector<16xf32>)  : i32 {
        %parallel_loop3A_967 = arith.index_cast %parallel_loop3A_958 : i32 to index
        %parallel_loop3A_968 = arith.constant 0 : index
        %parallel_loop3A_969 = tpu.vector_load %arg6[%parallel_loop3A_967, %parallel_loop3A_968] {strides = array<i32>} : memref<100x128xf32, #tpu.memory_space<vmem>>, vector<1x16xf32>,
        %parallel_loop3A_970 = vector.shape_cast %parallel_loop3A_969 : vector<1x16xf32> to vector<16xf32>
        %parallel_loop3A_971 = arith.addf %parallel_loop3A_959, %parallel_loop3A_970 : vector<16xf32>
        %parallel_loop3A_972 = arith.index_cast %parallel_loop3A_958 : i32 to index
        %parallel_loop3A_973 = arith.constant 16 : index
        %parallel_loop3A_974 = tpu.vector_load %arg6[%parallel_loop3A_972, %parallel_loop3A_973] {strides = array<i32>} : memref<100x128xf32, #tpu.memory_space<vmem>>, vector<1x16xf32>,
        %parallel_loop3A_975 = vector.shape_cast %parallel_loop3A_974 : vector<1x16xf32> to vector<16xf32>
        %parallel_loop3A_976 = arith.addf %parallel_loop3A_960, %parallel_loop3A_975 : vector<16xf32>
        %parallel_loop3A_977 = arith.index_cast %parallel_loop3A_958 : i32 to index
        %parallel_loop3A_978 = arith.constant 32 : index
        %parallel_loop3A_979 = tpu.vector_load %arg6[%parallel_loop3A_977, %parallel_loop3A_978] {strides = array<i32>} : memref<100x128xf32, #tpu.memory_space<vmem>>, vector<1x16xf32>,
        %parallel_loop3A_980 = vector.shape_cast %parallel_loop3A_979 : vector<1x16xf32> to vector<16xf32>
        %parallel_loop3A_981 = arith.addf %parallel_loop3A_961, %parallel_loop3A_980 : vector<16xf32>
        %parallel_loop3A_982 = arith.index_cast %parallel_loop3A_958 : i32 to index
        %parallel_loop3A_983 = arith.constant 48 : index
        %parallel_loop3A_984 = tpu.vector_load %arg6[%parallel_loop3A_982, %parallel_loop3A_983] {strides = array<i32>} : memref<100x128xf32, #tpu.memory_space<vmem>>, vector<1x16xf32>,
        %parallel_loop3A_985 = vector.shape_cast %parallel_loop3A_984 : vector<1x16xf32> to vector<16xf32>
        %parallel_loop3A_986 = arith.addf %parallel_loop3A_962, %parallel_loop3A_985 : vector<16xf32>
        %parallel_loop3A_987 = arith.index_cast %parallel_loop3A_958 : i32 to index
        %parallel_loop3A_988 = arith.constant 64 : index
        %parallel_loop3A_989 = tpu.vector_load %arg6[%parallel_loop3A_987, %parallel_loop3A_988] {strides = array<i32>} : memref<100x128xf32, #tpu.memory_space<vmem>>, vector<1x16xf32>,
        %parallel_loop3A_990 = vector.shape_cast %parallel_loop3A_989 : vector<1x16xf32> to vector<16xf32>
        %parallel_loop3A_991 = arith.addf %parallel_loop3A_963, %parallel_loop3A_990 : vector<16xf32>
        %parallel_loop3A_992 = arith.index_cast %parallel_loop3A_958 : i32 to index
        %parallel_loop3A_993 = arith.constant 80 : index
        %parallel_loop3A_994 = tpu.vector_load %arg6[%parallel_loop3A_992, %parallel_loop3A_993] {strides = array<i32>} : memref<100x128xf32, #tpu.memory_space<vmem>>, vector<1x16xf32>,
        %parallel_loop3A_995 = vector.shape_cast %parallel_loop3A_994 : vector<1x16xf32> to vector<16xf32>
        %parallel_loop3A_996 = arith.addf %parallel_loop3A_964, %parallel_loop3A_995 : vector<16xf32>
        %parallel_loop3A_997 = arith.index_cast %parallel_loop3A_958 : i32 to index
        %parallel_loop3A_998 = arith.constant 96 : index
        %parallel_loop3A_999 = tpu.vector_load %arg6[%parallel_loop3A_997, %parallel_loop3A_998] {strides = array<i32>} : memref<100x128xf32, #tpu.memory_space<vmem>>, vector<1x16xf32>,
        %parallel_loop3A_1000 = vector.shape_cast %parallel_loop3A_999 : vector<1x16xf32> to vector<16xf32>
        %parallel_loop3A_1001 = arith.addf %parallel_loop3A_965, %parallel_loop3A_1000 : vector<16xf32>
        %parallel_loop3A_1002 = arith.index_cast %parallel_loop3A_958 : i32 to index
        %parallel_loop3A_1003 = arith.constant 112 : index
        %parallel_loop3A_1004 = tpu.vector_load %arg6[%parallel_loop3A_1002, %parallel_loop3A_1003] {strides = array<i32>} : memref<100x128xf32, #tpu.memory_space<vmem>>, vector<1x16xf32>,
        %parallel_loop3A_1005 = vector.shape_cast %parallel_loop3A_1004 : vector<1x16xf32> to vector<16xf32>
        %parallel_loop3A_1006 = arith.addf %parallel_loop3A_966, %parallel_loop3A_1005 : vector<16xf32>
        scf.yield %parallel_loop3A_971, %parallel_loop3A_976, %parallel_loop3A_981, %parallel_loop3A_986, %parallel_loop3A_991, %parallel_loop3A_996, %parallel_loop3A_1001, %parallel_loop3A_1006 : vector<16xf32>, vector<16xf32>, vector<16xf32>, vector<16xf32>, vector<16xf32>, vector<16xf32>, vector<16xf32>, vector<16xf32>
      } {sc.loop_unroll_factor = 7 : i64, sc.parallel_access}
      %swap3A = arith.constant 0 : i32
      %swap3A_140 = arith.index_cast %swap3A : i32 to index
      %swap3A_141 = arith.constant 0 : index
      %swap3A_142 = tpu.vector_load %arg10[%swap3A_140, %swap3A_141] {strides = array<i32>} : memref<8x128xf32, #tpu.memory_space<vmem>>, vector<1x16xf32>,
      %swap3A_143 = vector.shape_cast %swap3A_142 : vector<1x16xf32> to vector<16xf32>
      %swap3A_144 = vector.shape_cast %parallel_loop3A_139#0 : vector<16xf32> to vector<1x16xf32>
      tpu.vector_store %arg10[%swap3A_140, %swap3A_141], %swap3A_144 {strides = array<i32>} : memref<8x128xf32, #tpu.memory_space<vmem>>, vector<1x16xf32>,
      %swap3A_145 = arith.constant 0 : i32
      %swap3A_146 = arith.index_cast %swap3A_145 : i32 to index
      %swap3A_147 = arith.constant 16 : index
      %swap3A_148 = tpu.vector_load %arg10[%swap3A_146, %swap3A_147] {strides = array<i32>} : memref<8x128xf32, #tpu.memory_space<vmem>>, vector<1x16xf32>,
      %swap3A_149 = vector.shape_cast %swap3A_148 : vector<1x16xf32> to vector<16xf32>
      %swap3A_150 = vector.shape_cast %parallel_loop3A_139#1 : vector<16xf32> to vector<1x16xf32>
      tpu.vector_store %arg10[%swap3A_146, %swap3A_147], %swap3A_150 {strides = array<i32>} : memref<8x128xf32, #tpu.memory_space<vmem>>, vector<1x16xf32>,
      %swap3A_151 = arith.constant 0 : i32
      %swap3A_152 = arith.index_cast %swap3A_151 : i32 to index
      %swap3A_153 = arith.constant 32 : index
      %swap3A_154 = tpu.vector_load %arg10[%swap3A_152, %swap3A_153] {strides = array<i32>} : memref<8x128xf32, #tpu.memory_space<vmem>>, vector<1x16xf32>,
      %swap3A_155 = vector.shape_cast %swap3A_154 : vector<1x16xf32> to vector<16xf32>
      %swap3A_156 = vector.shape_cast %parallel_loop3A_139#2 : vector<16xf32> to vector<1x16xf32>
      tpu.vector_store %arg10[%swap3A_152, %swap3A_153], %swap3A_156 {strides = array<i32>} : memref<8x128xf32, #tpu.memory_space<vmem>>, vector<1x16xf32>,
      %swap3A_157 = arith.constant 0 : i32
      %swap3A_158 = arith.index_cast %swap3A_157 : i32 to index
      %swap3A_159 = arith.constant 48 : index
      %swap3A_160 = tpu.vector_load %arg10[%swap3A_158, %swap3A_159] {strides = array<i32>} : memref<8x128xf32, #tpu.memory_space<vmem>>, vector<1x16xf32>,
      %swap3A_161 = vector.shape_cast %swap3A_160 : vector<1x16xf32> to vector<16xf32>
      %swap3A_162 = vector.shape_cast %parallel_loop3A_139#3 : vector<16xf32> to vector<1x16xf32>
      tpu.vector_store %arg10[%swap3A_158, %swap3A_159], %swap3A_162 {strides = array<i32>} : memref<8x128xf32, #tpu.memory_space<vmem>>, vector<1x16xf32>,
      %swap3A_163 = arith.constant 0 : i32
      %swap3A_164 = arith.index_cast %swap3A_163 : i32 to index
      %swap3A_165 = arith.constant 64 : index
      %swap3A_166 = tpu.vector_load %arg10[%swap3A_164, %swap3A_165] {strides = array<i32>} : memref<8x128xf32, #tpu.memory_space<vmem>>, vector<1x16xf32>,
      %swap3A_167 = vector.shape_cast %swap3A_166 : vector<1x16xf32> to vector<16xf32>
      %swap3A_168 = vector.shape_cast %parallel_loop3A_139#4 : vector<16xf32> to vector<1x16xf32>
      tpu.vector_store %arg10[%swap3A_164, %swap3A_165], %swap3A_168 {strides = array<i32>} : memref<8x128xf32, #tpu.memory_space<vmem>>, vector<1x16xf32>,
      %swap3A_169 = arith.constant 0 : i32
      %swap3A_170 = arith.index_cast %swap3A_169 : i32 to index
      %swap3A_171 = arith.constant 80 : index
      %swap3A_172 = tpu.vector_load %arg10[%swap3A_170, %swap3A_171] {strides = array<i32>} : memref<8x128xf32, #tpu.memory_space<vmem>>, vector<1x16xf32>,
      %swap3A_173 = vector.shape_cast %swap3A_172 : vector<1x16xf32> to vector<16xf32>
      %swap3A_174 = vector.shape_cast %parallel_loop3A_139#5 : vector<16xf32> to vector<1x16xf32>
      tpu.vector_store %arg10[%swap3A_170, %swap3A_171], %swap3A_174 {strides = array<i32>} : memref<8x128xf32, #tpu.memory_space<vmem>>, vector<1x16xf32>,
      %swap3A_175 = arith.constant 0 : i32
      %swap3A_176 = arith.index_cast %swap3A_175 : i32 to index
      %swap3A_177 = arith.constant 96 : index
      %swap3A_178 = tpu.vector_load %arg10[%swap3A_176, %swap3A_177] {strides = array<i32>} : memref<8x128xf32, #tpu.memory_space<vmem>>, vector<1x16xf32>,
      %swap3A_179 = vector.shape_cast %swap3A_178 : vector<1x16xf32> to vector<16xf32>
      %swap3A_180 = vector.shape_cast %parallel_loop3A_139#6 : vector<16xf32> to vector<1x16xf32>
      tpu.vector_store %arg10[%swap3A_176, %swap3A_177], %swap3A_180 {strides = array<i32>} : memref<8x128xf32, #tpu.memory_space<vmem>>, vector<1x16xf32>,
      %swap3A_181 = arith.constant 0 : i32
      %swap3A_182 = arith.index_cast %swap3A_181 : i32 to index
      %swap3A_183 = arith.constant 112 : index
      %swap3A_184 = tpu.vector_load %arg10[%swap3A_182, %swap3A_183] {strides = array<i32>} : memref<8x128xf32, #tpu.memory_space<vmem>>, vector<1x16xf32>,
      %swap3A_185 = vector.shape_cast %swap3A_184 : vector<1x16xf32> to vector<16xf32>
      %swap3A_186 = vector.shape_cast %parallel_loop3A_139#7 : vector<16xf32> to vector<1x16xf32>
      tpu.vector_store %arg10[%swap3A_182, %swap3A_183], %swap3A_186 {strides = array<i32>} : memref<8x128xf32, #tpu.memory_space<vmem>>, vector<1x16xf32>,
      %get3A_187 = arith.constant 50 : i32
      %get3A_188 = arith.index_cast %get3A_187 : i32 to index
      %get3A_189 = arith.constant 0 : index
      %get3A_190 = tpu.vector_load %arg6[%get3A_188, %get3A_189] {strides = array<i32>} : memref<100x128xf32, #tpu.memory_space<vmem>>, vector<1x16xf32>,
      %get3A_191 = vector.shape_cast %get3A_190 : vector<1x16xf32> to vector<16xf32>
      %get3A_192 = arith.constant 50 : i32
      %get3A_193 = arith.index_cast %get3A_192 : i32 to index
      %get3A_194 = arith.constant 16 : index
      %get3A_195 = tpu.vector_load %arg6[%get3A_193, %get3A_194] {strides = array<i32>} : memref<100x128xf32, #tpu.memory_space<vmem>>, vector<1x16xf32>,
      %get3A_196 = vector.shape_cast %get3A_195 : vector<1x16xf32> to vector<16xf32>
      %get3A_197 = arith.constant 50 : i32
      %get3A_198 = arith.index_cast %get3A_197 : i32 to index
      %get3A_199 = arith.constant 32 : index
      %get3A_200 = tpu.vector_load %arg6[%get3A_198, %get3A_199] {strides = array<i32>} : memref<100x128xf32, #tpu.memory_space<vmem>>, vector<1x16xf32>,
      %get3A_201 = vector.shape_cast %get3A_200 : vector<1x16xf32> to vector<16xf32>
      %get3A_202 = arith.constant 50 : i32
      %get3A_203 = arith.index_cast %get3A_202 : i32 to index
      %get3A_204 = arith.constant 48 : index
      %get3A_205 = tpu.vector_load %arg6[%get3A_203, %get3A_204] {strides = array<i32>} : memref<100x128xf32, #tpu.memory_space<vmem>>, vector<1x16xf32>,
      %get3A_206 = vector.shape_cast %get3A_205 : vector<1x16xf32> to vector<16xf32>
      %get3A_207 = arith.constant 50 : i32
      %get3A_208 = arith.index_cast %get3A_207 : i32 to index
      %get3A_209 = arith.constant 64 : index
      %get3A_210 = tpu.vector_load %arg6[%get3A_208, %get3A_209] {strides = array<i32>} : memref<100x128xf32, #tpu.memory_space<vmem>>, vector<1x16xf32>,
      %get3A_211 = vector.shape_cast %get3A_210 : vector<1x16xf32> to vector<16xf32>
      %get3A_212 = arith.constant 50 : i32
      %get3A_213 = arith.index_cast %get3A_212 : i32 to index
      %get3A_214 = arith.constant 80 : index
      %get3A_215 = tpu.vector_load %arg6[%get3A_213, %get3A_214] {strides = array<i32>} : memref<100x128xf32, #tpu.memory_space<vmem>>, vector<1x16xf32>,
      %get3A_216 = vector.shape_cast %get3A_215 : vector<1x16xf32> to vector<16xf32>
      %get3A_217 = arith.constant 50 : i32
      %get3A_218 = arith.index_cast %get3A_217 : i32 to index
      %get3A_219 = arith.constant 96 : index
      %get3A_220 = tpu.vector_load %arg6[%get3A_218, %get3A_219] {strides = array<i32>} : memref<100x128xf32, #tpu.memory_space<vmem>>, vector<1x16xf32>,
      %get3A_221 = vector.shape_cast %get3A_220 : vector<1x16xf32> to vector<16xf32>
      %get3A_222 = arith.constant 50 : i32
      %get3A_223 = arith.index_cast %get3A_222 : i32 to index
      %get3A_224 = arith.constant 112 : index
      %get3A_225 = tpu.vector_load %arg6[%get3A_223, %get3A_224] {strides = array<i32>} : memref<100x128xf32, #tpu.memory_space<vmem>>, vector<1x16xf32>,
      %get3A_226 = vector.shape_cast %get3A_225 : vector<1x16xf32> to vector<16xf32>
      %parallel_loop3A_227 = arith.constant 51 : i32
      %parallel_loop3A_228 = arith.constant 100 : i32
      %parallel_loop3A_229 = arith.constant 1 : i32
      %parallel_loop3A_230:8 = scf.for %parallel_loop3A_958 = %parallel_loop3A_227 to %parallel_loop3A_228 step %parallel_loop3A_229 iter_args(%parallel_loop3A_959 = %get3A_191, %parallel_loop3A_960 = %get3A_196, %parallel_loop3A_961 = %get3A_201, %parallel_loop3A_962 = %get3A_206, %parallel_loop3A_963 = %get3A_211, %parallel_loop3A_964 = %get3A_216, %parallel_loop3A_965 = %get3A_221, %parallel_loop3A_966 = %get3A_226) -> (vector<16xf32>, vector<16xf32>, vector<16xf32>, vector<16xf32>, vector<16xf32>, vector<16xf32>, vector<16xf32>, vector<16xf32>)  : i32 {
        %parallel_loop3A_967 = arith.index_cast %parallel_loop3A_958 : i32 to index
        %parallel_loop3A_968 = arith.constant 0 : index
        %parallel_loop3A_969 = tpu.vector_load %arg6[%parallel_loop3A_967, %parallel_loop3A_968] {strides = array<i32>} : memref<100x128xf32, #tpu.memory_space<vmem>>, vector<1x16xf32>,
        %parallel_loop3A_970 = vector.shape_cast %parallel_loop3A_969 : vector<1x16xf32> to vector<16xf32>
        %parallel_loop3A_971 = arith.addf %parallel_loop3A_959, %parallel_loop3A_970 : vector<16xf32>
        %parallel_loop3A_972 = arith.index_cast %parallel_loop3A_958 : i32 to index
        %parallel_loop3A_973 = arith.constant 16 : index
        %parallel_loop3A_974 = tpu.vector_load %arg6[%parallel_loop3A_972, %parallel_loop3A_973] {strides = array<i32>} : memref<100x128xf32, #tpu.memory_space<vmem>>, vector<1x16xf32>,
        %parallel_loop3A_975 = vector.shape_cast %parallel_loop3A_974 : vector<1x16xf32> to vector<16xf32>
        %parallel_loop3A_976 = arith.addf %parallel_loop3A_960, %parallel_loop3A_975 : vector<16xf32>
        %parallel_loop3A_977 = arith.index_cast %parallel_loop3A_958 : i32 to index
        %parallel_loop3A_978 = arith.constant 32 : index
        %parallel_loop3A_979 = tpu.vector_load %arg6[%parallel_loop3A_977, %parallel_loop3A_978] {strides = array<i32>} : memref<100x128xf32, #tpu.memory_space<vmem>>, vector<1x16xf32>,
        %parallel_loop3A_980 = vector.shape_cast %parallel_loop3A_979 : vector<1x16xf32> to vector<16xf32>
        %parallel_loop3A_981 = arith.addf %parallel_loop3A_961, %parallel_loop3A_980 : vector<16xf32>
        %parallel_loop3A_982 = arith.index_cast %parallel_loop3A_958 : i32 to index
        %parallel_loop3A_983 = arith.constant 48 : index
        %parallel_loop3A_984 = tpu.vector_load %arg6[%parallel_loop3A_982, %parallel_loop3A_983] {strides = array<i32>} : memref<100x128xf32, #tpu.memory_space<vmem>>, vector<1x16xf32>,
        %parallel_loop3A_985 = vector.shape_cast %parallel_loop3A_984 : vector<1x16xf32> to vector<16xf32>
        %parallel_loop3A_986 = arith.addf %parallel_loop3A_962, %parallel_loop3A_985 : vector<16xf32>
        %parallel_loop3A_987 = arith.index_cast %parallel_loop3A_958 : i32 to index
        %parallel_loop3A_988 = arith.constant 64 : index
        %parallel_loop3A_989 = tpu.vector_load %arg6[%parallel_loop3A_987, %parallel_loop3A_988] {strides = array<i32>} : memref<100x128xf32, #tpu.memory_space<vmem>>, vector<1x16xf32>,
        %parallel_loop3A_990 = vector.shape_cast %parallel_loop3A_989 : vector<1x16xf32> to vector<16xf32>
        %parallel_loop3A_991 = arith.addf %parallel_loop3A_963, %parallel_loop3A_990 : vector<16xf32>
        %parallel_loop3A_992 = arith.index_cast %parallel_loop3A_958 : i32 to index
        %parallel_loop3A_993 = arith.constant 80 : index
        %parallel_loop3A_994 = tpu.vector_load %arg6[%parallel_loop3A_992, %parallel_loop3A_993] {strides = array<i32>} : memref<100x128xf32, #tpu.memory_space<vmem>>, vector<1x16xf32>,
        %parallel_loop3A_995 = vector.shape_cast %parallel_loop3A_994 : vector<1x16xf32> to vector<16xf32>
        %parallel_loop3A_996 = arith.addf %parallel_loop3A_964, %parallel_loop3A_995 : vector<16xf32>
        %parallel_loop3A_997 = arith.index_cast %parallel_loop3A_958 : i32 to index
        %parallel_loop3A_998 = arith.constant 96 : index
        %parallel_loop3A_999 = tpu.vector_load %arg6[%parallel_loop3A_997, %parallel_loop3A_998] {strides = array<i32>} : memref<100x128xf32, #tpu.memory_space<vmem>>, vector<1x16xf32>,
        %parallel_loop3A_1000 = vector.shape_cast %parallel_loop3A_999 : vector<1x16xf32> to vector<16xf32>
        %parallel_loop3A_1001 = arith.addf %parallel_loop3A_965, %parallel_loop3A_1000 : vector<16xf32>
        %parallel_loop3A_1002 = arith.index_cast %parallel_loop3A_958 : i32 to index
        %parallel_loop3A_1003 = arith.constant 112 : index
        %parallel_loop3A_1004 = tpu.vector_load %arg6[%parallel_loop3A_1002, %parallel_loop3A_1003] {strides = array<i32>} : memref<100x128xf32, #tpu.memory_space<vmem>>, vector<1x16xf32>,
        %parallel_loop3A_1005 = vector.shape_cast %parallel_loop3A_1004 : vector<1x16xf32> to vector<16xf32>
        %parallel_loop3A_1006 = arith.addf %parallel_loop3A_966, %parallel_loop3A_1005 : vector<16xf32>
        scf.yield %parallel_loop3A_971, %parallel_loop3A_976, %parallel_loop3A_981, %parallel_loop3A_986, %parallel_loop3A_991, %parallel_loop3A_996, %parallel_loop3A_1001, %parallel_loop3A_1006 : vector<16xf32>, vector<16xf32>, vector<16xf32>, vector<16xf32>, vector<16xf32>, vector<16xf32>, vector<16xf32>, vector<16xf32>
      } {sc.loop_unroll_factor = 7 : i64, sc.parallel_access}
      %swap3A_231 = arith.constant 1 : i32
      %swap3A_232 = arith.index_cast %swap3A_231 : i32 to index
      %swap3A_233 = arith.constant 0 : index
      %swap3A_234 = tpu.vector_load %arg10[%swap3A_232, %swap3A_233] {strides = array<i32>} : memref<8x128xf32, #tpu.memory_space<vmem>>, vector<1x16xf32>,
      %swap3A_235 = vector.shape_cast %swap3A_234 : vector<1x16xf32> to vector<16xf32>
      %swap3A_236 = vector.shape_cast %parallel_loop3A_230#0 : vector<16xf32> to vector<1x16xf32>
      tpu.vector_store %arg10[%swap3A_232, %swap3A_233], %swap3A_236 {strides = array<i32>} : memref<8x128xf32, #tpu.memory_space<vmem>>, vector<1x16xf32>,
      %swap3A_237 = arith.constant 1 : i32
      %swap3A_238 = arith.index_cast %swap3A_237 : i32 to index
      %swap3A_239 = arith.constant 16 : index
      %swap3A_240 = tpu.vector_load %arg10[%swap3A_238, %swap3A_239] {strides = array<i32>} : memref<8x128xf32, #tpu.memory_space<vmem>>, vector<1x16xf32>,
      %swap3A_241 = vector.shape_cast %swap3A_240 : vector<1x16xf32> to vector<16xf32>
      %swap3A_242 = vector.shape_cast %parallel_loop3A_230#1 : vector<16xf32> to vector<1x16xf32>
      tpu.vector_store %arg10[%swap3A_238, %swap3A_239], %swap3A_242 {strides = array<i32>} : memref<8x128xf32, #tpu.memory_space<vmem>>, vector<1x16xf32>,
      %swap3A_243 = arith.constant 1 : i32
      %swap3A_244 = arith.index_cast %swap3A_243 : i32 to index
      %swap3A_245 = arith.constant 32 : index
      %swap3A_246 = tpu.vector_load %arg10[%swap3A_244, %swap3A_245] {strides = array<i32>} : memref<8x128xf32, #tpu.memory_space<vmem>>, vector<1x16xf32>,
      %swap3A_247 = vector.shape_cast %swap3A_246 : vector<1x16xf32> to vector<16xf32>
      %swap3A_248 = vector.shape_cast %parallel_loop3A_230#2 : vector<16xf32> to vector<1x16xf32>
      tpu.vector_store %arg10[%swap3A_244, %swap3A_245], %swap3A_248 {strides = array<i32>} : memref<8x128xf32, #tpu.memory_space<vmem>>, vector<1x16xf32>,
      %swap3A_249 = arith.constant 1 : i32
      %swap3A_250 = arith.index_cast %swap3A_249 : i32 to index
      %swap3A_251 = arith.constant 48 : index
      %swap3A_252 = tpu.vector_load %arg10[%swap3A_250, %swap3A_251] {strides = array<i32>} : memref<8x128xf32, #tpu.memory_space<vmem>>, vector<1x16xf32>,
      %swap3A_253 = vector.shape_cast %swap3A_252 : vector<1x16xf32> to vector<16xf32>
      %swap3A_254 = vector.shape_cast %parallel_loop3A_230#3 : vector<16xf32> to vector<1x16xf32>
      tpu.vector_store %arg10[%swap3A_250, %swap3A_251], %swap3A_254 {strides = array<i32>} : memref<8x128xf32, #tpu.memory_space<vmem>>, vector<1x16xf32>,
      %swap3A_255 = arith.constant 1 : i32
      %swap3A_256 = arith.index_cast %swap3A_255 : i32 to index
      %swap3A_257 = arith.constant 64 : index
      %swap3A_258 = tpu.vector_load %arg10[%swap3A_256, %swap3A_257] {strides = array<i32>} : memref<8x128xf32, #tpu.memory_space<vmem>>, vector<1x16xf32>,
      %swap3A_259 = vector.shape_cast %swap3A_258 : vector<1x16xf32> to vector<16xf32>
      %swap3A_260 = vector.shape_cast %parallel_loop3A_230#4 : vector<16xf32> to vector<1x16xf32>
      tpu.vector_store %arg10[%swap3A_256, %swap3A_257], %swap3A_260 {strides = array<i32>} : memref<8x128xf32, #tpu.memory_space<vmem>>, vector<1x16xf32>,
      %swap3A_261 = arith.constant 1 : i32
      %swap3A_262 = arith.index_cast %swap3A_261 : i32 to index
      %swap3A_263 = arith.constant 80 : index
      %swap3A_264 = tpu.vector_load %arg10[%swap3A_262, %swap3A_263] {strides = array<i32>} : memref<8x128xf32, #tpu.memory_space<vmem>>, vector<1x16xf32>,
      %swap3A_265 = vector.shape_cast %swap3A_264 : vector<1x16xf32> to vector<16xf32>
      %swap3A_266 = vector.shape_cast %parallel_loop3A_230#5 : vector<16xf32> to vector<1x16xf32>
      tpu.vector_store %arg10[%swap3A_262, %swap3A_263], %swap3A_266 {strides = array<i32>} : memref<8x128xf32, #tpu.memory_space<vmem>>, vector<1x16xf32>,
      %swap3A_267 = arith.constant 1 : i32
      %swap3A_268 = arith.index_cast %swap3A_267 : i32 to index
      %swap3A_269 = arith.constant 96 : index
      %swap3A_270 = tpu.vector_load %arg10[%swap3A_268, %swap3A_269] {strides = array<i32>} : memref<8x128xf32, #tpu.memory_space<vmem>>, vector<1x16xf32>,
      %swap3A_271 = vector.shape_cast %swap3A_270 : vector<1x16xf32> to vector<16xf32>
      %swap3A_272 = vector.shape_cast %parallel_loop3A_230#6 : vector<16xf32> to vector<1x16xf32>
      tpu.vector_store %arg10[%swap3A_268, %swap3A_269], %swap3A_272 {strides = array<i32>} : memref<8x128xf32, #tpu.memory_space<vmem>>, vector<1x16xf32>,
      %swap3A_273 = arith.constant 1 : i32
      %swap3A_274 = arith.index_cast %swap3A_273 : i32 to index
      %swap3A_275 = arith.constant 112 : index
      %swap3A_276 = tpu.vector_load %arg10[%swap3A_274, %swap3A_275] {strides = array<i32>} : memref<8x128xf32, #tpu.memory_space<vmem>>, vector<1x16xf32>,
      %swap3A_277 = vector.shape_cast %swap3A_276 : vector<1x16xf32> to vector<16xf32>
      %swap3A_278 = vector.shape_cast %parallel_loop3A_230#7 : vector<16xf32> to vector<1x16xf32>
      tpu.vector_store %arg10[%swap3A_274, %swap3A_275], %swap3A_278 {strides = array<i32>} : memref<8x128xf32, #tpu.memory_space<vmem>>, vector<1x16xf32>,
      %mul3A_279 = arith.constant 2 : i32
      %mul3A_280 = arith.muli %mul3A_279, %add3A_88 : i32
      %add3A_281 = arith.addi %mul3A_4, %mul3A_280 : i32
      %dma_start3A_282 = arith.constant 0 : i32
      %dma_start3A_283 = arith.constant 0 : i32
      %dma_start3A_284 = tpu.memref_slice %arg10[%dma_start3A_282, %dma_start3A_283] : memref<8x128xf32, #tpu.memory_space<vmem>> -> memref<2x128xf32, #tpu.memory_space<vmem>>
      %dma_start3A_285 = arith.constant 0 : i32
      %dma_start3A_286 = tpu.memref_slice %arg4[%add3A_281, %dma_start3A_285] : memref<8192x128xf32, #tpu.memory_space<hbm>> -> memref<2x128xf32, #tpu.memory_space<hbm>>
      %dma_start3A_287 = arith.constant 0 : i32
      %dma_start3A_288 = tpu.memref_slice %arg4[%add3A_281, %dma_start3A_287] : memref<8192x128xf32, #tpu.memory_space<hbm>> -> memref<2x128xf32, #tpu.memory_space<hbm>>
      %dma_start3A_289 = arith.constant 0 : i32
      %dma_start3A_290 = arith.constant 0 : i32
      %dma_start3A_291 = tpu.memref_slice %arg10[%dma_start3A_289, %dma_start3A_290] : memref<8x128xf32, #tpu.memory_space<vmem>> -> memref<2x128xf32, #tpu.memory_space<vmem>>
      tpu.enqueue_dma source(%dma_start3A_291 : memref<2x128xf32, #tpu.memory_space<vmem>>) target(%dma_start3A_288 : memref<2x128xf32, #tpu.memory_space<hbm>>) target_semaphore(%arg15 : memref<!tpu.dma_semaphore, #tpu.memory_space<semaphore_mem>>)
      %add3A_292 = arith.constant 4 : i32
      %add3A_293 = arith.addi %add3A_88, %add3A_292 : i32
      %lt3A = arith.constant 128 : i32
      %lt3A_294 = arith.cmpi slt, %add3A_293, %lt3A : i32
      %convert_element_type3A_295 = arith.extui %lt3A_294 : i1 to i32
      %cond3A_296 = arith.constant 0 : i32
      %cond3A_297 = arith.cmpi ne, %convert_element_type3A_295, %cond3A_296 : i32
      scf.if %cond3A_297 {
        %dma_start3A_958 = arith.constant 0 : i32
        %dma_start3A_959 = tpu.memref_slice %arg5[%add3A_293, %dma_start3A_958] : memref<128x100xi32, #tpu.memory_space<vmem>> -> memref<1x100xi32, #tpu.memory_space<vmem>>
        %dma_start3A_960 = tpu.memref_squeeze %dma_start3A_959 : memref<1x100xi32, #tpu.memory_space<vmem>> -> memref<100xi32, #tpu.memory_space<vmem>>
        %dma_start3A_961 = arith.constant 0 : i32
        %dma_start3A_962 = arith.constant 0 : i32
        %dma_start3A_963 = tpu.memref_slice %arg3[%dma_start3A_961, %dma_start3A_962] : memref<100000x128xf32, #tpu.memory_space<hbm>> -> memref<100000x128xf32, #tpu.memory_space<hbm>>
        tpu.enqueue_indirect_dma source(%dma_start3A_963 : memref<100000x128xf32, #tpu.memory_space<hbm>>) target(%arg6 : memref<100x128xf32, #tpu.memory_space<vmem>>) offsets(%dma_start3A_960 : memref<100xi32, #tpu.memory_space<vmem>>) semaphore(%arg11 : memref<!tpu.dma_semaphore, #tpu.memory_space<semaphore_mem>>)
      } else {
      }
      %mul3A_298 = arith.constant 4 : i32
      %mul3A_299 = arith.muli %mul3A_298, %scan3A_84 : i32
      %add3A_300 = arith.constant 1 : i32
      %add3A_301 = arith.addi %mul3A_299, %add3A_300 : i32
      %dma_wait3A_302 = arith.constant 0 : i32
      %dma_wait3A_303 = arith.constant 0 : i32
      %dma_wait3A_304 = tpu.memref_slice %arg5[%dma_wait3A_302, %dma_wait3A_303] : memref<128x100xi32, #tpu.memory_space<vmem>> -> memref<1x100xi32, #tpu.memory_space<vmem>>
      %dma_wait3A_305 = tpu.memref_squeeze %dma_wait3A_304 : memref<1x100xi32, #tpu.memory_space<vmem>> -> memref<100xi32, #tpu.memory_space<vmem>>
      %dma_wait3A_306 = arith.constant 0 : i32
      %dma_wait3A_307 = arith.constant 0 : i32
      %dma_wait3A_308 = tpu.memref_slice %arg3[%dma_wait3A_306, %dma_wait3A_307] : memref<100000x128xf32, #tpu.memory_space<hbm>> -> memref<100000x128xf32, #tpu.memory_space<hbm>>
      tpu.wait_indirect_dma semaphore(%arg12 : memref<!tpu.dma_semaphore, #tpu.memory_space<semaphore_mem>>) src(%dma_wait3A_308 : memref<100000x128xf32, #tpu.memory_space<hbm>>) dst(%arg7 : memref<100x128xf32, #tpu.memory_space<vmem>>)
      %ge3A_309 = arith.constant 1 : i32
      %ge3A_310 = arith.cmpi sge, %scan3A_84, %ge3A_309 : i32
      %convert_element_type3A_311 = arith.extui %ge3A_310 : i1 to i32
      %cond3A_312 = arith.constant 0 : i32
      %cond3A_313 = arith.cmpi ne, %convert_element_type3A_311, %cond3A_312 : i32
      scf.if %cond3A_313 {
        %dma_wait3A_958 = arith.constant 2 : i32
        %dma_wait3A_959 = arith.constant 0 : i32
        %dma_wait3A_960 = tpu.memref_slice %arg10[%dma_wait3A_958, %dma_wait3A_959] : memref<8x128xf32, #tpu.memory_space<vmem>> -> memref<2x128xf32, #tpu.memory_space<vmem>>
        %dma_wait3A_961 = arith.constant 0 : i32
        %dma_wait3A_962 = arith.constant 0 : i32
        %dma_wait3A_963 = tpu.memref_slice %arg4[%dma_wait3A_961, %dma_wait3A_962] : memref<8192x128xf32, #tpu.memory_space<hbm>> -> memref<2x128xf32, #tpu.memory_space<hbm>>
        %dma_wait3A_964 = arith.constant 0 : i32
        %dma_wait3A_965 = arith.constant 0 : i32
        %dma_wait3A_966 = tpu.memref_slice %arg4[%dma_wait3A_964, %dma_wait3A_965] : memref<8192x128xf32, #tpu.memory_space<hbm>> -> memref<2x128xf32, #tpu.memory_space<hbm>>
        %dma_wait3A_967 = arith.constant 2 : i32
        %dma_wait3A_968 = arith.constant 0 : i32
        %dma_wait3A_969 = tpu.memref_slice %arg10[%dma_wait3A_967, %dma_wait3A_968] : memref<8x128xf32, #tpu.memory_space<vmem>> -> memref<2x128xf32, #tpu.memory_space<vmem>>
        tpu.wait_dma2 semaphore(%arg16 : memref<!tpu.dma_semaphore, #tpu.memory_space<semaphore_mem>>) src(%dma_wait3A_969 : memref<2x128xf32, #tpu.memory_space<vmem>>) dst(%dma_wait3A_966 : memref<2x128xf32, #tpu.memory_space<hbm>>)
      } else {
      }
      %get3A_314 = arith.constant 0 : i32
      %get3A_315 = arith.index_cast %get3A_314 : i32 to index
      %get3A_316 = arith.constant 0 : index
      %get3A_317 = tpu.vector_load %arg7[%get3A_315, %get3A_316] {strides = array<i32>} : memref<100x128xf32, #tpu.memory_space<vmem>>, vector<1x16xf32>,
      %get3A_318 = vector.shape_cast %get3A_317 : vector<1x16xf32> to vector<16xf32>
      %get3A_319 = arith.constant 0 : i32
      %get3A_320 = arith.index_cast %get3A_319 : i32 to index
      %get3A_321 = arith.constant 16 : index
      %get3A_322 = tpu.vector_load %arg7[%get3A_320, %get3A_321] {strides = array<i32>} : memref<100x128xf32, #tpu.memory_space<vmem>>, vector<1x16xf32>,
      %get3A_323 = vector.shape_cast %get3A_322 : vector<1x16xf32> to vector<16xf32>
      %get3A_324 = arith.constant 0 : i32
      %get3A_325 = arith.index_cast %get3A_324 : i32 to index
      %get3A_326 = arith.constant 32 : index
      %get3A_327 = tpu.vector_load %arg7[%get3A_325, %get3A_326] {strides = array<i32>} : memref<100x128xf32, #tpu.memory_space<vmem>>, vector<1x16xf32>,
      %get3A_328 = vector.shape_cast %get3A_327 : vector<1x16xf32> to vector<16xf32>
      %get3A_329 = arith.constant 0 : i32
      %get3A_330 = arith.index_cast %get3A_329 : i32 to index
      %get3A_331 = arith.constant 48 : index
      %get3A_332 = tpu.vector_load %arg7[%get3A_330, %get3A_331] {strides = array<i32>} : memref<100x128xf32, #tpu.memory_space<vmem>>, vector<1x16xf32>,
      %get3A_333 = vector.shape_cast %get3A_332 : vector<1x16xf32> to vector<16xf32>
      %get3A_334 = arith.constant 0 : i32
      %get3A_335 = arith.index_cast %get3A_334 : i32 to index
      %get3A_336 = arith.constant 64 : index
      %get3A_337 = tpu.vector_load %arg7[%get3A_335, %get3A_336] {strides = array<i32>} : memref<100x128xf32, #tpu.memory_space<vmem>>, vector<1x16xf32>,
      %get3A_338 = vector.shape_cast %get3A_337 : vector<1x16xf32> to vector<16xf32>
      %get3A_339 = arith.constant 0 : i32
      %get3A_340 = arith.index_cast %get3A_339 : i32 to index
      %get3A_341 = arith.constant 80 : index
      %get3A_342 = tpu.vector_load %arg7[%get3A_340, %get3A_341] {strides = array<i32>} : memref<100x128xf32, #tpu.memory_space<vmem>>, vector<1x16xf32>,
      %get3A_343 = vector.shape_cast %get3A_342 : vector<1x16xf32> to vector<16xf32>
      %get3A_344 = arith.constant 0 : i32
      %get3A_345 = arith.index_cast %get3A_344 : i32 to index
      %get3A_346 = arith.constant 96 : index
      %get3A_347 = tpu.vector_load %arg7[%get3A_345, %get3A_346] {strides = array<i32>} : memref<100x128xf32, #tpu.memory_space<vmem>>, vector<1x16xf32>,
      %get3A_348 = vector.shape_cast %get3A_347 : vector<1x16xf32> to vector<16xf32>
      %get3A_349 = arith.constant 0 : i32
      %get3A_350 = arith.index_cast %get3A_349 : i32 to index
      %get3A_351 = arith.constant 112 : index
      %get3A_352 = tpu.vector_load %arg7[%get3A_350, %get3A_351] {strides = array<i32>} : memref<100x128xf32, #tpu.memory_space<vmem>>, vector<1x16xf32>,
      %get3A_353 = vector.shape_cast %get3A_352 : vector<1x16xf32> to vector<16xf32>
      %parallel_loop3A_354 = arith.constant 1 : i32
      %parallel_loop3A_355 = arith.constant 50 : i32
      %parallel_loop3A_356 = arith.constant 1 : i32
      %parallel_loop3A_357:8 = scf.for %parallel_loop3A_958 = %parallel_loop3A_354 to %parallel_loop3A_355 step %parallel_loop3A_356 iter_args(%parallel_loop3A_959 = %get3A_318, %parallel_loop3A_960 = %get3A_323, %parallel_loop3A_961 = %get3A_328, %parallel_loop3A_962 = %get3A_333, %parallel_loop3A_963 = %get3A_338, %parallel_loop3A_964 = %get3A_343, %parallel_loop3A_965 = %get3A_348, %parallel_loop3A_966 = %get3A_353) -> (vector<16xf32>, vector<16xf32>, vector<16xf32>, vector<16xf32>, vector<16xf32>, vector<16xf32>, vector<16xf32>, vector<16xf32>)  : i32 {
        %parallel_loop3A_967 = arith.index_cast %parallel_loop3A_958 : i32 to index
        %parallel_loop3A_968 = arith.constant 0 : index
        %parallel_loop3A_969 = tpu.vector_load %arg7[%parallel_loop3A_967, %parallel_loop3A_968] {strides = array<i32>} : memref<100x128xf32, #tpu.memory_space<vmem>>, vector<1x16xf32>,
        %parallel_loop3A_970 = vector.shape_cast %parallel_loop3A_969 : vector<1x16xf32> to vector<16xf32>
        %parallel_loop3A_971 = arith.addf %parallel_loop3A_959, %parallel_loop3A_970 : vector<16xf32>
        %parallel_loop3A_972 = arith.index_cast %parallel_loop3A_958 : i32 to index
        %parallel_loop3A_973 = arith.constant 16 : index
        %parallel_loop3A_974 = tpu.vector_load %arg7[%parallel_loop3A_972, %parallel_loop3A_973] {strides = array<i32>} : memref<100x128xf32, #tpu.memory_space<vmem>>, vector<1x16xf32>,
        %parallel_loop3A_975 = vector.shape_cast %parallel_loop3A_974 : vector<1x16xf32> to vector<16xf32>
        %parallel_loop3A_976 = arith.addf %parallel_loop3A_960, %parallel_loop3A_975 : vector<16xf32>
        %parallel_loop3A_977 = arith.index_cast %parallel_loop3A_958 : i32 to index
        %parallel_loop3A_978 = arith.constant 32 : index
        %parallel_loop3A_979 = tpu.vector_load %arg7[%parallel_loop3A_977, %parallel_loop3A_978] {strides = array<i32>} : memref<100x128xf32, #tpu.memory_space<vmem>>, vector<1x16xf32>,
        %parallel_loop3A_980 = vector.shape_cast %parallel_loop3A_979 : vector<1x16xf32> to vector<16xf32>
        %parallel_loop3A_981 = arith.addf %parallel_loop3A_961, %parallel_loop3A_980 : vector<16xf32>
        %parallel_loop3A_982 = arith.index_cast %parallel_loop3A_958 : i32 to index
        %parallel_loop3A_983 = arith.constant 48 : index
        %parallel_loop3A_984 = tpu.vector_load %arg7[%parallel_loop3A_982, %parallel_loop3A_983] {strides = array<i32>} : memref<100x128xf32, #tpu.memory_space<vmem>>, vector<1x16xf32>,
        %parallel_loop3A_985 = vector.shape_cast %parallel_loop3A_984 : vector<1x16xf32> to vector<16xf32>
        %parallel_loop3A_986 = arith.addf %parallel_loop3A_962, %parallel_loop3A_985 : vector<16xf32>
        %parallel_loop3A_987 = arith.index_cast %parallel_loop3A_958 : i32 to index
        %parallel_loop3A_988 = arith.constant 64 : index
        %parallel_loop3A_989 = tpu.vector_load %arg7[%parallel_loop3A_987, %parallel_loop3A_988] {strides = array<i32>} : memref<100x128xf32, #tpu.memory_space<vmem>>, vector<1x16xf32>,
        %parallel_loop3A_990 = vector.shape_cast %parallel_loop3A_989 : vector<1x16xf32> to vector<16xf32>
        %parallel_loop3A_991 = arith.addf %parallel_loop3A_963, %parallel_loop3A_990 : vector<16xf32>
        %parallel_loop3A_992 = arith.index_cast %parallel_loop3A_958 : i32 to index
        %parallel_loop3A_993 = arith.constant 80 : index
        %parallel_loop3A_994 = tpu.vector_load %arg7[%parallel_loop3A_992, %parallel_loop3A_993] {strides = array<i32>} : memref<100x128xf32, #tpu.memory_space<vmem>>, vector<1x16xf32>,
        %parallel_loop3A_995 = vector.shape_cast %parallel_loop3A_994 : vector<1x16xf32> to vector<16xf32>
        %parallel_loop3A_996 = arith.addf %parallel_loop3A_964, %parallel_loop3A_995 : vector<16xf32>
        %parallel_loop3A_997 = arith.index_cast %parallel_loop3A_958 : i32 to index
        %parallel_loop3A_998 = arith.constant 96 : index
        %parallel_loop3A_999 = tpu.vector_load %arg7[%parallel_loop3A_997, %parallel_loop3A_998] {strides = array<i32>} : memref<100x128xf32, #tpu.memory_space<vmem>>, vector<1x16xf32>,
        %parallel_loop3A_1000 = vector.shape_cast %parallel_loop3A_999 : vector<1x16xf32> to vector<16xf32>
        %parallel_loop3A_1001 = arith.addf %parallel_loop3A_965, %parallel_loop3A_1000 : vector<16xf32>
        %parallel_loop3A_1002 = arith.index_cast %parallel_loop3A_958 : i32 to index
        %parallel_loop3A_1003 = arith.constant 112 : index
        %parallel_loop3A_1004 = tpu.vector_load %arg7[%parallel_loop3A_1002, %parallel_loop3A_1003] {strides = array<i32>} : memref<100x128xf32, #tpu.memory_space<vmem>>, vector<1x16xf32>,
        %parallel_loop3A_1005 = vector.shape_cast %parallel_loop3A_1004 : vector<1x16xf32> to vector<16xf32>
        %parallel_loop3A_1006 = arith.addf %parallel_loop3A_966, %parallel_loop3A_1005 : vector<16xf32>
        scf.yield %parallel_loop3A_971, %parallel_loop3A_976, %parallel_loop3A_981, %parallel_loop3A_986, %parallel_loop3A_991, %parallel_loop3A_996, %parallel_loop3A_1001, %parallel_loop3A_1006 : vector<16xf32>, vector<16xf32>, vector<16xf32>, vector<16xf32>, vector<16xf32>, vector<16xf32>, vector<16xf32>, vector<16xf32>
      } {sc.loop_unroll_factor = 7 : i64, sc.parallel_access}
      %swap3A_358 = arith.constant 2 : i32
      %swap3A_359 = arith.index_cast %swap3A_358 : i32 to index
      %swap3A_360 = arith.constant 0 : index
      %swap3A_361 = tpu.vector_load %arg10[%swap3A_359, %swap3A_360] {strides = array<i32>} : memref<8x128xf32, #tpu.memory_space<vmem>>, vector<1x16xf32>,
      %swap3A_362 = vector.shape_cast %swap3A_361 : vector<1x16xf32> to vector<16xf32>
      %swap3A_363 = vector.shape_cast %parallel_loop3A_357#0 : vector<16xf32> to vector<1x16xf32>
      tpu.vector_store %arg10[%swap3A_359, %swap3A_360], %swap3A_363 {strides = array<i32>} : memref<8x128xf32, #tpu.memory_space<vmem>>, vector<1x16xf32>,
      %swap3A_364 = arith.constant 2 : i32
      %swap3A_365 = arith.index_cast %swap3A_364 : i32 to index
      %swap3A_366 = arith.constant 16 : index
      %swap3A_367 = tpu.vector_load %arg10[%swap3A_365, %swap3A_366] {strides = array<i32>} : memref<8x128xf32, #tpu.memory_space<vmem>>, vector<1x16xf32>,
      %swap3A_368 = vector.shape_cast %swap3A_367 : vector<1x16xf32> to vector<16xf32>
      %swap3A_369 = vector.shape_cast %parallel_loop3A_357#1 : vector<16xf32> to vector<1x16xf32>
      tpu.vector_store %arg10[%swap3A_365, %swap3A_366], %swap3A_369 {strides = array<i32>} : memref<8x128xf32, #tpu.memory_space<vmem>>, vector<1x16xf32>,
      %swap3A_370 = arith.constant 2 : i32
      %swap3A_371 = arith.index_cast %swap3A_370 : i32 to index
      %swap3A_372 = arith.constant 32 : index
      %swap3A_373 = tpu.vector_load %arg10[%swap3A_371, %swap3A_372] {strides = array<i32>} : memref<8x128xf32, #tpu.memory_space<vmem>>, vector<1x16xf32>,
      %swap3A_374 = vector.shape_cast %swap3A_373 : vector<1x16xf32> to vector<16xf32>
      %swap3A_375 = vector.shape_cast %parallel_loop3A_357#2 : vector<16xf32> to vector<1x16xf32>
      tpu.vector_store %arg10[%swap3A_371, %swap3A_372], %swap3A_375 {strides = array<i32>} : memref<8x128xf32, #tpu.memory_space<vmem>>, vector<1x16xf32>,
      %swap3A_376 = arith.constant 2 : i32
      %swap3A_377 = arith.index_cast %swap3A_376 : i32 to index
      %swap3A_378 = arith.constant 48 : index
      %swap3A_379 = tpu.vector_load %arg10[%swap3A_377, %swap3A_378] {strides = array<i32>} : memref<8x128xf32, #tpu.memory_space<vmem>>, vector<1x16xf32>,
      %swap3A_380 = vector.shape_cast %swap3A_379 : vector<1x16xf32> to vector<16xf32>
      %swap3A_381 = vector.shape_cast %parallel_loop3A_357#3 : vector<16xf32> to vector<1x16xf32>
      tpu.vector_store %arg10[%swap3A_377, %swap3A_378], %swap3A_381 {strides = array<i32>} : memref<8x128xf32, #tpu.memory_space<vmem>>, vector<1x16xf32>,
      %swap3A_382 = arith.constant 2 : i32
      %swap3A_383 = arith.index_cast %swap3A_382 : i32 to index
      %swap3A_384 = arith.constant 64 : index
      %swap3A_385 = tpu.vector_load %arg10[%swap3A_383, %swap3A_384] {strides = array<i32>} : memref<8x128xf32, #tpu.memory_space<vmem>>, vector<1x16xf32>,
      %swap3A_386 = vector.shape_cast %swap3A_385 : vector<1x16xf32> to vector<16xf32>
      %swap3A_387 = vector.shape_cast %parallel_loop3A_357#4 : vector<16xf32> to vector<1x16xf32>
      tpu.vector_store %arg10[%swap3A_383, %swap3A_384], %swap3A_387 {strides = array<i32>} : memref<8x128xf32, #tpu.memory_space<vmem>>, vector<1x16xf32>,
      %swap3A_388 = arith.constant 2 : i32
      %swap3A_389 = arith.index_cast %swap3A_388 : i32 to index
      %swap3A_390 = arith.constant 80 : index
      %swap3A_391 = tpu.vector_load %arg10[%swap3A_389, %swap3A_390] {strides = array<i32>} : memref<8x128xf32, #tpu.memory_space<vmem>>, vector<1x16xf32>,
      %swap3A_392 = vector.shape_cast %swap3A_391 : vector<1x16xf32> to vector<16xf32>
      %swap3A_393 = vector.shape_cast %parallel_loop3A_357#5 : vector<16xf32> to vector<1x16xf32>
      tpu.vector_store %arg10[%swap3A_389, %swap3A_390], %swap3A_393 {strides = array<i32>} : memref<8x128xf32, #tpu.memory_space<vmem>>, vector<1x16xf32>,
      %swap3A_394 = arith.constant 2 : i32
      %swap3A_395 = arith.index_cast %swap3A_394 : i32 to index
      %swap3A_396 = arith.constant 96 : index
      %swap3A_397 = tpu.vector_load %arg10[%swap3A_395, %swap3A_396] {strides = array<i32>} : memref<8x128xf32, #tpu.memory_space<vmem>>, vector<1x16xf32>,
      %swap3A_398 = vector.shape_cast %swap3A_397 : vector<1x16xf32> to vector<16xf32>
      %swap3A_399 = vector.shape_cast %parallel_loop3A_357#6 : vector<16xf32> to vector<1x16xf32>
      tpu.vector_store %arg10[%swap3A_395, %swap3A_396], %swap3A_399 {strides = array<i32>} : memref<8x128xf32, #tpu.memory_space<vmem>>, vector<1x16xf32>,
      %swap3A_400 = arith.constant 2 : i32
      %swap3A_401 = arith.index_cast %swap3A_400 : i32 to index
      %swap3A_402 = arith.constant 112 : index
      %swap3A_403 = tpu.vector_load %arg10[%swap3A_401, %swap3A_402] {strides = array<i32>} : memref<8x128xf32, #tpu.memory_space<vmem>>, vector<1x16xf32>,
      %swap3A_404 = vector.shape_cast %swap3A_403 : vector<1x16xf32> to vector<16xf32>
      %swap3A_405 = vector.shape_cast %parallel_loop3A_357#7 : vector<16xf32> to vector<1x16xf32>
      tpu.vector_store %arg10[%swap3A_401, %swap3A_402], %swap3A_405 {strides = array<i32>} : memref<8x128xf32, #tpu.memory_space<vmem>>, vector<1x16xf32>,
      %get3A_406 = arith.constant 50 : i32
      %get3A_407 = arith.index_cast %get3A_406 : i32 to index
      %get3A_408 = arith.constant 0 : index
      %get3A_409 = tpu.vector_load %arg7[%get3A_407, %get3A_408] {strides = array<i32>} : memref<100x128xf32, #tpu.memory_space<vmem>>, vector<1x16xf32>,
      %get3A_410 = vector.shape_cast %get3A_409 : vector<1x16xf32> to vector<16xf32>
      %get3A_411 = arith.constant 50 : i32
      %get3A_412 = arith.index_cast %get3A_411 : i32 to index
      %get3A_413 = arith.constant 16 : index
      %get3A_414 = tpu.vector_load %arg7[%get3A_412, %get3A_413] {strides = array<i32>} : memref<100x128xf32, #tpu.memory_space<vmem>>, vector<1x16xf32>,
      %get3A_415 = vector.shape_cast %get3A_414 : vector<1x16xf32> to vector<16xf32>
      %get3A_416 = arith.constant 50 : i32
      %get3A_417 = arith.index_cast %get3A_416 : i32 to index
      %get3A_418 = arith.constant 32 : index
      %get3A_419 = tpu.vector_load %arg7[%get3A_417, %get3A_418] {strides = array<i32>} : memref<100x128xf32, #tpu.memory_space<vmem>>, vector<1x16xf32>,
      %get3A_420 = vector.shape_cast %get3A_419 : vector<1x16xf32> to vector<16xf32>
      %get3A_421 = arith.constant 50 : i32
      %get3A_422 = arith.index_cast %get3A_421 : i32 to index
      %get3A_423 = arith.constant 48 : index
      %get3A_424 = tpu.vector_load %arg7[%get3A_422, %get3A_423] {strides = array<i32>} : memref<100x128xf32, #tpu.memory_space<vmem>>, vector<1x16xf32>,
      %get3A_425 = vector.shape_cast %get3A_424 : vector<1x16xf32> to vector<16xf32>
      %get3A_426 = arith.constant 50 : i32
      %get3A_427 = arith.index_cast %get3A_426 : i32 to index
      %get3A_428 = arith.constant 64 : index
      %get3A_429 = tpu.vector_load %arg7[%get3A_427, %get3A_428] {strides = array<i32>} : memref<100x128xf32, #tpu.memory_space<vmem>>, vector<1x16xf32>,
      %get3A_430 = vector.shape_cast %get3A_429 : vector<1x16xf32> to vector<16xf32>
      %get3A_431 = arith.constant 50 : i32
      %get3A_432 = arith.index_cast %get3A_431 : i32 to index
      %get3A_433 = arith.constant 80 : index
      %get3A_434 = tpu.vector_load %arg7[%get3A_432, %get3A_433] {strides = array<i32>} : memref<100x128xf32, #tpu.memory_space<vmem>>, vector<1x16xf32>,
      %get3A_435 = vector.shape_cast %get3A_434 : vector<1x16xf32> to vector<16xf32>
      %get3A_436 = arith.constant 50 : i32
      %get3A_437 = arith.index_cast %get3A_436 : i32 to index
      %get3A_438 = arith.constant 96 : index
      %get3A_439 = tpu.vector_load %arg7[%get3A_437, %get3A_438] {strides = array<i32>} : memref<100x128xf32, #tpu.memory_space<vmem>>, vector<1x16xf32>,
      %get3A_440 = vector.shape_cast %get3A_439 : vector<1x16xf32> to vector<16xf32>
      %get3A_441 = arith.constant 50 : i32
      %get3A_442 = arith.index_cast %get3A_441 : i32 to index
      %get3A_443 = arith.constant 112 : index
      %get3A_444 = tpu.vector_load %arg7[%get3A_442, %get3A_443] {strides = array<i32>} : memref<100x128xf32, #tpu.memory_space<vmem>>, vector<1x16xf32>,
      %get3A_445 = vector.shape_cast %get3A_444 : vector<1x16xf32> to vector<16xf32>
      %parallel_loop3A_446 = arith.constant 51 : i32
      %parallel_loop3A_447 = arith.constant 100 : i32
      %parallel_loop3A_448 = arith.constant 1 : i32
      %parallel_loop3A_449:8 = scf.for %parallel_loop3A_958 = %parallel_loop3A_446 to %parallel_loop3A_447 step %parallel_loop3A_448 iter_args(%parallel_loop3A_959 = %get3A_410, %parallel_loop3A_960 = %get3A_415, %parallel_loop3A_961 = %get3A_420, %parallel_loop3A_962 = %get3A_425, %parallel_loop3A_963 = %get3A_430, %parallel_loop3A_964 = %get3A_435, %parallel_loop3A_965 = %get3A_440, %parallel_loop3A_966 = %get3A_445) -> (vector<16xf32>, vector<16xf32>, vector<16xf32>, vector<16xf32>, vector<16xf32>, vector<16xf32>, vector<16xf32>, vector<16xf32>)  : i32 {
        %parallel_loop3A_967 = arith.index_cast %parallel_loop3A_958 : i32 to index
        %parallel_loop3A_968 = arith.constant 0 : index
        %parallel_loop3A_969 = tpu.vector_load %arg7[%parallel_loop3A_967, %parallel_loop3A_968] {strides = array<i32>} : memref<100x128xf32, #tpu.memory_space<vmem>>, vector<1x16xf32>,
        %parallel_loop3A_970 = vector.shape_cast %parallel_loop3A_969 : vector<1x16xf32> to vector<16xf32>
        %parallel_loop3A_971 = arith.addf %parallel_loop3A_959, %parallel_loop3A_970 : vector<16xf32>
        %parallel_loop3A_972 = arith.index_cast %parallel_loop3A_958 : i32 to index
        %parallel_loop3A_973 = arith.constant 16 : index
        %parallel_loop3A_974 = tpu.vector_load %arg7[%parallel_loop3A_972, %parallel_loop3A_973] {strides = array<i32>} : memref<100x128xf32, #tpu.memory_space<vmem>>, vector<1x16xf32>,
        %parallel_loop3A_975 = vector.shape_cast %parallel_loop3A_974 : vector<1x16xf32> to vector<16xf32>
        %parallel_loop3A_976 = arith.addf %parallel_loop3A_960, %parallel_loop3A_975 : vector<16xf32>
        %parallel_loop3A_977 = arith.index_cast %parallel_loop3A_958 : i32 to index
        %parallel_loop3A_978 = arith.constant 32 : index
        %parallel_loop3A_979 = tpu.vector_load %arg7[%parallel_loop3A_977, %parallel_loop3A_978] {strides = array<i32>} : memref<100x128xf32, #tpu.memory_space<vmem>>, vector<1x16xf32>,
        %parallel_loop3A_980 = vector.shape_cast %parallel_loop3A_979 : vector<1x16xf32> to vector<16xf32>
        %parallel_loop3A_981 = arith.addf %parallel_loop3A_961, %parallel_loop3A_980 : vector<16xf32>
        %parallel_loop3A_982 = arith.index_cast %parallel_loop3A_958 : i32 to index
        %parallel_loop3A_983 = arith.constant 48 : index
        %parallel_loop3A_984 = tpu.vector_load %arg7[%parallel_loop3A_982, %parallel_loop3A_983] {strides = array<i32>} : memref<100x128xf32, #tpu.memory_space<vmem>>, vector<1x16xf32>,
        %parallel_loop3A_985 = vector.shape_cast %parallel_loop3A_984 : vector<1x16xf32> to vector<16xf32>
        %parallel_loop3A_986 = arith.addf %parallel_loop3A_962, %parallel_loop3A_985 : vector<16xf32>
        %parallel_loop3A_987 = arith.index_cast %parallel_loop3A_958 : i32 to index
        %parallel_loop3A_988 = arith.constant 64 : index
        %parallel_loop3A_989 = tpu.vector_load %arg7[%parallel_loop3A_987, %parallel_loop3A_988] {strides = array<i32>} : memref<100x128xf32, #tpu.memory_space<vmem>>, vector<1x16xf32>,
        %parallel_loop3A_990 = vector.shape_cast %parallel_loop3A_989 : vector<1x16xf32> to vector<16xf32>
        %parallel_loop3A_991 = arith.addf %parallel_loop3A_963, %parallel_loop3A_990 : vector<16xf32>
        %parallel_loop3A_992 = arith.index_cast %parallel_loop3A_958 : i32 to index
        %parallel_loop3A_993 = arith.constant 80 : index
        %parallel_loop3A_994 = tpu.vector_load %arg7[%parallel_loop3A_992, %parallel_loop3A_993] {strides = array<i32>} : memref<100x128xf32, #tpu.memory_space<vmem>>, vector<1x16xf32>,
        %parallel_loop3A_995 = vector.shape_cast %parallel_loop3A_994 : vector<1x16xf32> to vector<16xf32>
        %parallel_loop3A_996 = arith.addf %parallel_loop3A_964, %parallel_loop3A_995 : vector<16xf32>
        %parallel_loop3A_997 = arith.index_cast %parallel_loop3A_958 : i32 to index
        %parallel_loop3A_998 = arith.constant 96 : index
        %parallel_loop3A_999 = tpu.vector_load %arg7[%parallel_loop3A_997, %parallel_loop3A_998] {strides = array<i32>} : memref<100x128xf32, #tpu.memory_space<vmem>>, vector<1x16xf32>,
        %parallel_loop3A_1000 = vector.shape_cast %parallel_loop3A_999 : vector<1x16xf32> to vector<16xf32>
        %parallel_loop3A_1001 = arith.addf %parallel_loop3A_965, %parallel_loop3A_1000 : vector<16xf32>
        %parallel_loop3A_1002 = arith.index_cast %parallel_loop3A_958 : i32 to index
        %parallel_loop3A_1003 = arith.constant 112 : index
        %parallel_loop3A_1004 = tpu.vector_load %arg7[%parallel_loop3A_1002, %parallel_loop3A_1003] {strides = array<i32>} : memref<100x128xf32, #tpu.memory_space<vmem>>, vector<1x16xf32>,
        %parallel_loop3A_1005 = vector.shape_cast %parallel_loop3A_1004 : vector<1x16xf32> to vector<16xf32>
        %parallel_loop3A_1006 = arith.addf %parallel_loop3A_966, %parallel_loop3A_1005 : vector<16xf32>
        scf.yield %parallel_loop3A_971, %parallel_loop3A_976, %parallel_loop3A_981, %parallel_loop3A_986, %parallel_loop3A_991, %parallel_loop3A_996, %parallel_loop3A_1001, %parallel_loop3A_1006 : vector<16xf32>, vector<16xf32>, vector<16xf32>, vector<16xf32>, vector<16xf32>, vector<16xf32>, vector<16xf32>, vector<16xf32>
      } {sc.loop_unroll_factor = 7 : i64, sc.parallel_access}
      %swap3A_450 = arith.constant 3 : i32
      %swap3A_451 = arith.index_cast %swap3A_450 : i32 to index
      %swap3A_452 = arith.constant 0 : index
      %swap3A_453 = tpu.vector_load %arg10[%swap3A_451, %swap3A_452] {strides = array<i32>} : memref<8x128xf32, #tpu.memory_space<vmem>>, vector<1x16xf32>,
      %swap3A_454 = vector.shape_cast %swap3A_453 : vector<1x16xf32> to vector<16xf32>
      %swap3A_455 = vector.shape_cast %parallel_loop3A_449#0 : vector<16xf32> to vector<1x16xf32>
      tpu.vector_store %arg10[%swap3A_451, %swap3A_452], %swap3A_455 {strides = array<i32>} : memref<8x128xf32, #tpu.memory_space<vmem>>, vector<1x16xf32>,
      %swap3A_456 = arith.constant 3 : i32
      %swap3A_457 = arith.index_cast %swap3A_456 : i32 to index
      %swap3A_458 = arith.constant 16 : index
      %swap3A_459 = tpu.vector_load %arg10[%swap3A_457, %swap3A_458] {strides = array<i32>} : memref<8x128xf32, #tpu.memory_space<vmem>>, vector<1x16xf32>,
      %swap3A_460 = vector.shape_cast %swap3A_459 : vector<1x16xf32> to vector<16xf32>
      %swap3A_461 = vector.shape_cast %parallel_loop3A_449#1 : vector<16xf32> to vector<1x16xf32>
      tpu.vector_store %arg10[%swap3A_457, %swap3A_458], %swap3A_461 {strides = array<i32>} : memref<8x128xf32, #tpu.memory_space<vmem>>, vector<1x16xf32>,
      %swap3A_462 = arith.constant 3 : i32
      %swap3A_463 = arith.index_cast %swap3A_462 : i32 to index
      %swap3A_464 = arith.constant 32 : index
      %swap3A_465 = tpu.vector_load %arg10[%swap3A_463, %swap3A_464] {strides = array<i32>} : memref<8x128xf32, #tpu.memory_space<vmem>>, vector<1x16xf32>,
      %swap3A_466 = vector.shape_cast %swap3A_465 : vector<1x16xf32> to vector<16xf32>
      %swap3A_467 = vector.shape_cast %parallel_loop3A_449#2 : vector<16xf32> to vector<1x16xf32>
      tpu.vector_store %arg10[%swap3A_463, %swap3A_464], %swap3A_467 {strides = array<i32>} : memref<8x128xf32, #tpu.memory_space<vmem>>, vector<1x16xf32>,
      %swap3A_468 = arith.constant 3 : i32
      %swap3A_469 = arith.index_cast %swap3A_468 : i32 to index
      %swap3A_470 = arith.constant 48 : index
      %swap3A_471 = tpu.vector_load %arg10[%swap3A_469, %swap3A_470] {strides = array<i32>} : memref<8x128xf32, #tpu.memory_space<vmem>>, vector<1x16xf32>,
      %swap3A_472 = vector.shape_cast %swap3A_471 : vector<1x16xf32> to vector<16xf32>
      %swap3A_473 = vector.shape_cast %parallel_loop3A_449#3 : vector<16xf32> to vector<1x16xf32>
      tpu.vector_store %arg10[%swap3A_469, %swap3A_470], %swap3A_473 {strides = array<i32>} : memref<8x128xf32, #tpu.memory_space<vmem>>, vector<1x16xf32>,
      %swap3A_474 = arith.constant 3 : i32
      %swap3A_475 = arith.index_cast %swap3A_474 : i32 to index
      %swap3A_476 = arith.constant 64 : index
      %swap3A_477 = tpu.vector_load %arg10[%swap3A_475, %swap3A_476] {strides = array<i32>} : memref<8x128xf32, #tpu.memory_space<vmem>>, vector<1x16xf32>,
      %swap3A_478 = vector.shape_cast %swap3A_477 : vector<1x16xf32> to vector<16xf32>
      %swap3A_479 = vector.shape_cast %parallel_loop3A_449#4 : vector<16xf32> to vector<1x16xf32>
      tpu.vector_store %arg10[%swap3A_475, %swap3A_476], %swap3A_479 {strides = array<i32>} : memref<8x128xf32, #tpu.memory_space<vmem>>, vector<1x16xf32>,
      %swap3A_480 = arith.constant 3 : i32
      %swap3A_481 = arith.index_cast %swap3A_480 : i32 to index
      %swap3A_482 = arith.constant 80 : index
      %swap3A_483 = tpu.vector_load %arg10[%swap3A_481, %swap3A_482] {strides = array<i32>} : memref<8x128xf32, #tpu.memory_space<vmem>>, vector<1x16xf32>,
      %swap3A_484 = vector.shape_cast %swap3A_483 : vector<1x16xf32> to vector<16xf32>
      %swap3A_485 = vector.shape_cast %parallel_loop3A_449#5 : vector<16xf32> to vector<1x16xf32>
      tpu.vector_store %arg10[%swap3A_481, %swap3A_482], %swap3A_485 {strides = array<i32>} : memref<8x128xf32, #tpu.memory_space<vmem>>, vector<1x16xf32>,
      %swap3A_486 = arith.constant 3 : i32
      %swap3A_487 = arith.index_cast %swap3A_486 : i32 to index
      %swap3A_488 = arith.constant 96 : index
      %swap3A_489 = tpu.vector_load %arg10[%swap3A_487, %swap3A_488] {strides = array<i32>} : memref<8x128xf32, #tpu.memory_space<vmem>>, vector<1x16xf32>,
      %swap3A_490 = vector.shape_cast %swap3A_489 : vector<1x16xf32> to vector<16xf32>
      %swap3A_491 = vector.shape_cast %parallel_loop3A_449#6 : vector<16xf32> to vector<1x16xf32>
      tpu.vector_store %arg10[%swap3A_487, %swap3A_488], %swap3A_491 {strides = array<i32>} : memref<8x128xf32, #tpu.memory_space<vmem>>, vector<1x16xf32>,
      %swap3A_492 = arith.constant 3 : i32
      %swap3A_493 = arith.index_cast %swap3A_492 : i32 to index
      %swap3A_494 = arith.constant 112 : index
      %swap3A_495 = tpu.vector_load %arg10[%swap3A_493, %swap3A_494] {strides = array<i32>} : memref<8x128xf32, #tpu.memory_space<vmem>>, vector<1x16xf32>,
      %swap3A_496 = vector.shape_cast %swap3A_495 : vector<1x16xf32> to vector<16xf32>
      %swap3A_497 = vector.shape_cast %parallel_loop3A_449#7 : vector<16xf32> to vector<1x16xf32>
      tpu.vector_store %arg10[%swap3A_493, %swap3A_494], %swap3A_497 {strides = array<i32>} : memref<8x128xf32, #tpu.memory_space<vmem>>, vector<1x16xf32>,
      %mul3A_498 = arith.constant 2 : i32
      %mul3A_499 = arith.muli %mul3A_498, %add3A_301 : i32
      %add3A_500 = arith.addi %mul3A_4, %mul3A_499 : i32
      %dma_start3A_501 = arith.constant 2 : i32
      %dma_start3A_502 = arith.constant 0 : i32
      %dma_start3A_503 = tpu.memref_slice %arg10[%dma_start3A_501, %dma_start3A_502] : memref<8x128xf32, #tpu.memory_space<vmem>> -> memref<2x128xf32, #tpu.memory_space<vmem>>
      %dma_start3A_504 = arith.constant 0 : i32
      %dma_start3A_505 = tpu.memref_slice %arg4[%add3A_500, %dma_start3A_504] : memref<8192x128xf32, #tpu.memory_space<hbm>> -> memref<2x128xf32, #tpu.memory_space<hbm>>
      %dma_start3A_506 = arith.constant 0 : i32
      %dma_start3A_507 = tpu.memref_slice %arg4[%add3A_500, %dma_start3A_506] : memref<8192x128xf32, #tpu.memory_space<hbm>> -> memref<2x128xf32, #tpu.memory_space<hbm>>
      %dma_start3A_508 = arith.constant 2 : i32
      %dma_start3A_509 = arith.constant 0 : i32
      %dma_start3A_510 = tpu.memref_slice %arg10[%dma_start3A_508, %dma_start3A_509] : memref<8x128xf32, #tpu.memory_space<vmem>> -> memref<2x128xf32, #tpu.memory_space<vmem>>
      tpu.enqueue_dma source(%dma_start3A_510 : memref<2x128xf32, #tpu.memory_space<vmem>>) target(%dma_start3A_507 : memref<2x128xf32, #tpu.memory_space<hbm>>) target_semaphore(%arg16 : memref<!tpu.dma_semaphore, #tpu.memory_space<semaphore_mem>>)
      %add3A_511 = arith.constant 4 : i32
      %add3A_512 = arith.addi %add3A_301, %add3A_511 : i32
      %lt3A_513 = arith.constant 128 : i32
      %lt3A_514 = arith.cmpi slt, %add3A_512, %lt3A_513 : i32
      %convert_element_type3A_515 = arith.extui %lt3A_514 : i1 to i32
      %cond3A_516 = arith.constant 0 : i32
      %cond3A_517 = arith.cmpi ne, %convert_element_type3A_515, %cond3A_516 : i32
      scf.if %cond3A_517 {
        %dma_start3A_958 = arith.constant 0 : i32
        %dma_start3A_959 = tpu.memref_slice %arg5[%add3A_512, %dma_start3A_958] : memref<128x100xi32, #tpu.memory_space<vmem>> -> memref<1x100xi32, #tpu.memory_space<vmem>>
        %dma_start3A_960 = tpu.memref_squeeze %dma_start3A_959 : memref<1x100xi32, #tpu.memory_space<vmem>> -> memref<100xi32, #tpu.memory_space<vmem>>
        %dma_start3A_961 = arith.constant 0 : i32
        %dma_start3A_962 = arith.constant 0 : i32
        %dma_start3A_963 = tpu.memref_slice %arg3[%dma_start3A_961, %dma_start3A_962] : memref<100000x128xf32, #tpu.memory_space<hbm>> -> memref<100000x128xf32, #tpu.memory_space<hbm>>
        tpu.enqueue_indirect_dma source(%dma_start3A_963 : memref<100000x128xf32, #tpu.memory_space<hbm>>) target(%arg7 : memref<100x128xf32, #tpu.memory_space<vmem>>) offsets(%dma_start3A_960 : memref<100xi32, #tpu.memory_space<vmem>>) semaphore(%arg12 : memref<!tpu.dma_semaphore, #tpu.memory_space<semaphore_mem>>)
      } else {
      }
      %mul3A_518 = arith.constant 4 : i32
      %mul3A_519 = arith.muli %mul3A_518, %scan3A_84 : i32
      %add3A_520 = arith.constant 2 : i32
      %add3A_521 = arith.addi %mul3A_519, %add3A_520 : i32
      %dma_wait3A_522 = arith.constant 0 : i32
      %dma_wait3A_523 = arith.constant 0 : i32
      %dma_wait3A_524 = tpu.memref_slice %arg5[%dma_wait3A_522, %dma_wait3A_523] : memref<128x100xi32, #tpu.memory_space<vmem>> -> memref<1x100xi32, #tpu.memory_space<vmem>>
      %dma_wait3A_525 = tpu.memref_squeeze %dma_wait3A_524 : memref<1x100xi32, #tpu.memory_space<vmem>> -> memref<100xi32, #tpu.memory_space<vmem>>
      %dma_wait3A_526 = arith.constant 0 : i32
      %dma_wait3A_527 = arith.constant 0 : i32
      %dma_wait3A_528 = tpu.memref_slice %arg3[%dma_wait3A_526, %dma_wait3A_527] : memref<100000x128xf32, #tpu.memory_space<hbm>> -> memref<100000x128xf32, #tpu.memory_space<hbm>>
      tpu.wait_indirect_dma semaphore(%arg13 : memref<!tpu.dma_semaphore, #tpu.memory_space<semaphore_mem>>) src(%dma_wait3A_528 : memref<100000x128xf32, #tpu.memory_space<hbm>>) dst(%arg8 : memref<100x128xf32, #tpu.memory_space<vmem>>)
      %ge3A_529 = arith.constant 1 : i32
      %ge3A_530 = arith.cmpi sge, %scan3A_84, %ge3A_529 : i32
      %convert_element_type3A_531 = arith.extui %ge3A_530 : i1 to i32
      %cond3A_532 = arith.constant 0 : i32
      %cond3A_533 = arith.cmpi ne, %convert_element_type3A_531, %cond3A_532 : i32
      scf.if %cond3A_533 {
        %dma_wait3A_958 = arith.constant 4 : i32
        %dma_wait3A_959 = arith.constant 0 : i32
        %dma_wait3A_960 = tpu.memref_slice %arg10[%dma_wait3A_958, %dma_wait3A_959] : memref<8x128xf32, #tpu.memory_space<vmem>> -> memref<2x128xf32, #tpu.memory_space<vmem>>
        %dma_wait3A_961 = arith.constant 0 : i32
        %dma_wait3A_962 = arith.constant 0 : i32
        %dma_wait3A_963 = tpu.memref_slice %arg4[%dma_wait3A_961, %dma_wait3A_962] : memref<8192x128xf32, #tpu.memory_space<hbm>> -> memref<2x128xf32, #tpu.memory_space<hbm>>
        %dma_wait3A_964 = arith.constant 0 : i32
        %dma_wait3A_965 = arith.constant 0 : i32
        %dma_wait3A_966 = tpu.memref_slice %arg4[%dma_wait3A_964, %dma_wait3A_965] : memref<8192x128xf32, #tpu.memory_space<hbm>> -> memref<2x128xf32, #tpu.memory_space<hbm>>
        %dma_wait3A_967 = arith.constant 4 : i32
        %dma_wait3A_968 = arith.constant 0 : i32
        %dma_wait3A_969 = tpu.memref_slice %arg10[%dma_wait3A_967, %dma_wait3A_968] : memref<8x128xf32, #tpu.memory_space<vmem>> -> memref<2x128xf32, #tpu.memory_space<vmem>>
        tpu.wait_dma2 semaphore(%arg17 : memref<!tpu.dma_semaphore, #tpu.memory_space<semaphore_mem>>) src(%dma_wait3A_969 : memref<2x128xf32, #tpu.memory_space<vmem>>) dst(%dma_wait3A_966 : memref<2x128xf32, #tpu.memory_space<hbm>>)
      } else {
      }
      %get3A_534 = arith.constant 0 : i32
      %get3A_535 = arith.index_cast %get3A_534 : i32 to index
      %get3A_536 = arith.constant 0 : index
      %get3A_537 = tpu.vector_load %arg8[%get3A_535, %get3A_536] {strides = array<i32>} : memref<100x128xf32, #tpu.memory_space<vmem>>, vector<1x16xf32>,
      %get3A_538 = vector.shape_cast %get3A_537 : vector<1x16xf32> to vector<16xf32>
      %get3A_539 = arith.constant 0 : i32
      %get3A_540 = arith.index_cast %get3A_539 : i32 to index
      %get3A_541 = arith.constant 16 : index
      %get3A_542 = tpu.vector_load %arg8[%get3A_540, %get3A_541] {strides = array<i32>} : memref<100x128xf32, #tpu.memory_space<vmem>>, vector<1x16xf32>,
      %get3A_543 = vector.shape_cast %get3A_542 : vector<1x16xf32> to vector<16xf32>
      %get3A_544 = arith.constant 0 : i32
      %get3A_545 = arith.index_cast %get3A_544 : i32 to index
      %get3A_546 = arith.constant 32 : index
      %get3A_547 = tpu.vector_load %arg8[%get3A_545, %get3A_546] {strides = array<i32>} : memref<100x128xf32, #tpu.memory_space<vmem>>, vector<1x16xf32>,
      %get3A_548 = vector.shape_cast %get3A_547 : vector<1x16xf32> to vector<16xf32>
      %get3A_549 = arith.constant 0 : i32
      %get3A_550 = arith.index_cast %get3A_549 : i32 to index
      %get3A_551 = arith.constant 48 : index
      %get3A_552 = tpu.vector_load %arg8[%get3A_550, %get3A_551] {strides = array<i32>} : memref<100x128xf32, #tpu.memory_space<vmem>>, vector<1x16xf32>,
      %get3A_553 = vector.shape_cast %get3A_552 : vector<1x16xf32> to vector<16xf32>
      %get3A_554 = arith.constant 0 : i32
      %get3A_555 = arith.index_cast %get3A_554 : i32 to index
      %get3A_556 = arith.constant 64 : index
      %get3A_557 = tpu.vector_load %arg8[%get3A_555, %get3A_556] {strides = array<i32>} : memref<100x128xf32, #tpu.memory_space<vmem>>, vector<1x16xf32>,
      %get3A_558 = vector.shape_cast %get3A_557 : vector<1x16xf32> to vector<16xf32>
      %get3A_559 = arith.constant 0 : i32
      %get3A_560 = arith.index_cast %get3A_559 : i32 to index
      %get3A_561 = arith.constant 80 : index
      %get3A_562 = tpu.vector_load %arg8[%get3A_560, %get3A_561] {strides = array<i32>} : memref<100x128xf32, #tpu.memory_space<vmem>>, vector<1x16xf32>,
      %get3A_563 = vector.shape_cast %get3A_562 : vector<1x16xf32> to vector<16xf32>
      %get3A_564 = arith.constant 0 : i32
      %get3A_565 = arith.index_cast %get3A_564 : i32 to index
      %get3A_566 = arith.constant 96 : index
      %get3A_567 = tpu.vector_load %arg8[%get3A_565, %get3A_566] {strides = array<i32>} : memref<100x128xf32, #tpu.memory_space<vmem>>, vector<1x16xf32>,
      %get3A_568 = vector.shape_cast %get3A_567 : vector<1x16xf32> to vector<16xf32>
      %get3A_569 = arith.constant 0 : i32
      %get3A_570 = arith.index_cast %get3A_569 : i32 to index
      %get3A_571 = arith.constant 112 : index
      %get3A_572 = tpu.vector_load %arg8[%get3A_570, %get3A_571] {strides = array<i32>} : memref<100x128xf32, #tpu.memory_space<vmem>>, vector<1x16xf32>,
      %get3A_573 = vector.shape_cast %get3A_572 : vector<1x16xf32> to vector<16xf32>
      %parallel_loop3A_574 = arith.constant 1 : i32
      %parallel_loop3A_575 = arith.constant 50 : i32
      %parallel_loop3A_576 = arith.constant 1 : i32
      %parallel_loop3A_577:8 = scf.for %parallel_loop3A_958 = %parallel_loop3A_574 to %parallel_loop3A_575 step %parallel_loop3A_576 iter_args(%parallel_loop3A_959 = %get3A_538, %parallel_loop3A_960 = %get3A_543, %parallel_loop3A_961 = %get3A_548, %parallel_loop3A_962 = %get3A_553, %parallel_loop3A_963 = %get3A_558, %parallel_loop3A_964 = %get3A_563, %parallel_loop3A_965 = %get3A_568, %parallel_loop3A_966 = %get3A_573) -> (vector<16xf32>, vector<16xf32>, vector<16xf32>, vector<16xf32>, vector<16xf32>, vector<16xf32>, vector<16xf32>, vector<16xf32>)  : i32 {
        %parallel_loop3A_967 = arith.index_cast %parallel_loop3A_958 : i32 to index
        %parallel_loop3A_968 = arith.constant 0 : index
        %parallel_loop3A_969 = tpu.vector_load %arg8[%parallel_loop3A_967, %parallel_loop3A_968] {strides = array<i32>} : memref<100x128xf32, #tpu.memory_space<vmem>>, vector<1x16xf32>,
        %parallel_loop3A_970 = vector.shape_cast %parallel_loop3A_969 : vector<1x16xf32> to vector<16xf32>
        %parallel_loop3A_971 = arith.addf %parallel_loop3A_959, %parallel_loop3A_970 : vector<16xf32>
        %parallel_loop3A_972 = arith.index_cast %parallel_loop3A_958 : i32 to index
        %parallel_loop3A_973 = arith.constant 16 : index
        %parallel_loop3A_974 = tpu.vector_load %arg8[%parallel_loop3A_972, %parallel_loop3A_973] {strides = array<i32>} : memref<100x128xf32, #tpu.memory_space<vmem>>, vector<1x16xf32>,
        %parallel_loop3A_975 = vector.shape_cast %parallel_loop3A_974 : vector<1x16xf32> to vector<16xf32>
        %parallel_loop3A_976 = arith.addf %parallel_loop3A_960, %parallel_loop3A_975 : vector<16xf32>
        %parallel_loop3A_977 = arith.index_cast %parallel_loop3A_958 : i32 to index
        %parallel_loop3A_978 = arith.constant 32 : index
        %parallel_loop3A_979 = tpu.vector_load %arg8[%parallel_loop3A_977, %parallel_loop3A_978] {strides = array<i32>} : memref<100x128xf32, #tpu.memory_space<vmem>>, vector<1x16xf32>,
        %parallel_loop3A_980 = vector.shape_cast %parallel_loop3A_979 : vector<1x16xf32> to vector<16xf32>
        %parallel_loop3A_981 = arith.addf %parallel_loop3A_961, %parallel_loop3A_980 : vector<16xf32>
        %parallel_loop3A_982 = arith.index_cast %parallel_loop3A_958 : i32 to index
        %parallel_loop3A_983 = arith.constant 48 : index
        %parallel_loop3A_984 = tpu.vector_load %arg8[%parallel_loop3A_982, %parallel_loop3A_983] {strides = array<i32>} : memref<100x128xf32, #tpu.memory_space<vmem>>, vector<1x16xf32>,
        %parallel_loop3A_985 = vector.shape_cast %parallel_loop3A_984 : vector<1x16xf32> to vector<16xf32>
        %parallel_loop3A_986 = arith.addf %parallel_loop3A_962, %parallel_loop3A_985 : vector<16xf32>
        %parallel_loop3A_987 = arith.index_cast %parallel_loop3A_958 : i32 to index
        %parallel_loop3A_988 = arith.constant 64 : index
        %parallel_loop3A_989 = tpu.vector_load %arg8[%parallel_loop3A_987, %parallel_loop3A_988] {strides = array<i32>} : memref<100x128xf32, #tpu.memory_space<vmem>>, vector<1x16xf32>,
        %parallel_loop3A_990 = vector.shape_cast %parallel_loop3A_989 : vector<1x16xf32> to vector<16xf32>
        %parallel_loop3A_991 = arith.addf %parallel_loop3A_963, %parallel_loop3A_990 : vector<16xf32>
        %parallel_loop3A_992 = arith.index_cast %parallel_loop3A_958 : i32 to index
        %parallel_loop3A_993 = arith.constant 80 : index
        %parallel_loop3A_994 = tpu.vector_load %arg8[%parallel_loop3A_992, %parallel_loop3A_993] {strides = array<i32>} : memref<100x128xf32, #tpu.memory_space<vmem>>, vector<1x16xf32>,
        %parallel_loop3A_995 = vector.shape_cast %parallel_loop3A_994 : vector<1x16xf32> to vector<16xf32>
        %parallel_loop3A_996 = arith.addf %parallel_loop3A_964, %parallel_loop3A_995 : vector<16xf32>
        %parallel_loop3A_997 = arith.index_cast %parallel_loop3A_958 : i32 to index
        %parallel_loop3A_998 = arith.constant 96 : index
        %parallel_loop3A_999 = tpu.vector_load %arg8[%parallel_loop3A_997, %parallel_loop3A_998] {strides = array<i32>} : memref<100x128xf32, #tpu.memory_space<vmem>>, vector<1x16xf32>,
        %parallel_loop3A_1000 = vector.shape_cast %parallel_loop3A_999 : vector<1x16xf32> to vector<16xf32>
        %parallel_loop3A_1001 = arith.addf %parallel_loop3A_965, %parallel_loop3A_1000 : vector<16xf32>
        %parallel_loop3A_1002 = arith.index_cast %parallel_loop3A_958 : i32 to index
        %parallel_loop3A_1003 = arith.constant 112 : index
        %parallel_loop3A_1004 = tpu.vector_load %arg8[%parallel_loop3A_1002, %parallel_loop3A_1003] {strides = array<i32>} : memref<100x128xf32, #tpu.memory_space<vmem>>, vector<1x16xf32>,
        %parallel_loop3A_1005 = vector.shape_cast %parallel_loop3A_1004 : vector<1x16xf32> to vector<16xf32>
        %parallel_loop3A_1006 = arith.addf %parallel_loop3A_966, %parallel_loop3A_1005 : vector<16xf32>
        scf.yield %parallel_loop3A_971, %parallel_loop3A_976, %parallel_loop3A_981, %parallel_loop3A_986, %parallel_loop3A_991, %parallel_loop3A_996, %parallel_loop3A_1001, %parallel_loop3A_1006 : vector<16xf32>, vector<16xf32>, vector<16xf32>, vector<16xf32>, vector<16xf32>, vector<16xf32>, vector<16xf32>, vector<16xf32>
      } {sc.loop_unroll_factor = 7 : i64, sc.parallel_access}
      %swap3A_578 = arith.constant 4 : i32
      %swap3A_579 = arith.index_cast %swap3A_578 : i32 to index
      %swap3A_580 = arith.constant 0 : index
      %swap3A_581 = tpu.vector_load %arg10[%swap3A_579, %swap3A_580] {strides = array<i32>} : memref<8x128xf32, #tpu.memory_space<vmem>>, vector<1x16xf32>,
      %swap3A_582 = vector.shape_cast %swap3A_581 : vector<1x16xf32> to vector<16xf32>
      %swap3A_583 = vector.shape_cast %parallel_loop3A_577#0 : vector<16xf32> to vector<1x16xf32>
      tpu.vector_store %arg10[%swap3A_579, %swap3A_580], %swap3A_583 {strides = array<i32>} : memref<8x128xf32, #tpu.memory_space<vmem>>, vector<1x16xf32>,
      %swap3A_584 = arith.constant 4 : i32
      %swap3A_585 = arith.index_cast %swap3A_584 : i32 to index
      %swap3A_586 = arith.constant 16 : index
      %swap3A_587 = tpu.vector_load %arg10[%swap3A_585, %swap3A_586] {strides = array<i32>} : memref<8x128xf32, #tpu.memory_space<vmem>>, vector<1x16xf32>,
      %swap3A_588 = vector.shape_cast %swap3A_587 : vector<1x16xf32> to vector<16xf32>
      %swap3A_589 = vector.shape_cast %parallel_loop3A_577#1 : vector<16xf32> to vector<1x16xf32>
      tpu.vector_store %arg10[%swap3A_585, %swap3A_586], %swap3A_589 {strides = array<i32>} : memref<8x128xf32, #tpu.memory_space<vmem>>, vector<1x16xf32>,
      %swap3A_590 = arith.constant 4 : i32
      %swap3A_591 = arith.index_cast %swap3A_590 : i32 to index
      %swap3A_592 = arith.constant 32 : index
      %swap3A_593 = tpu.vector_load %arg10[%swap3A_591, %swap3A_592] {strides = array<i32>} : memref<8x128xf32, #tpu.memory_space<vmem>>, vector<1x16xf32>,
      %swap3A_594 = vector.shape_cast %swap3A_593 : vector<1x16xf32> to vector<16xf32>
      %swap3A_595 = vector.shape_cast %parallel_loop3A_577#2 : vector<16xf32> to vector<1x16xf32>
      tpu.vector_store %arg10[%swap3A_591, %swap3A_592], %swap3A_595 {strides = array<i32>} : memref<8x128xf32, #tpu.memory_space<vmem>>, vector<1x16xf32>,
      %swap3A_596 = arith.constant 4 : i32
      %swap3A_597 = arith.index_cast %swap3A_596 : i32 to index
      %swap3A_598 = arith.constant 48 : index
      %swap3A_599 = tpu.vector_load %arg10[%swap3A_597, %swap3A_598] {strides = array<i32>} : memref<8x128xf32, #tpu.memory_space<vmem>>, vector<1x16xf32>,
      %swap3A_600 = vector.shape_cast %swap3A_599 : vector<1x16xf32> to vector<16xf32>
      %swap3A_601 = vector.shape_cast %parallel_loop3A_577#3 : vector<16xf32> to vector<1x16xf32>
      tpu.vector_store %arg10[%swap3A_597, %swap3A_598], %swap3A_601 {strides = array<i32>} : memref<8x128xf32, #tpu.memory_space<vmem>>, vector<1x16xf32>,
      %swap3A_602 = arith.constant 4 : i32
      %swap3A_603 = arith.index_cast %swap3A_602 : i32 to index
      %swap3A_604 = arith.constant 64 : index
      %swap3A_605 = tpu.vector_load %arg10[%swap3A_603, %swap3A_604] {strides = array<i32>} : memref<8x128xf32, #tpu.memory_space<vmem>>, vector<1x16xf32>,
      %swap3A_606 = vector.shape_cast %swap3A_605 : vector<1x16xf32> to vector<16xf32>
      %swap3A_607 = vector.shape_cast %parallel_loop3A_577#4 : vector<16xf32> to vector<1x16xf32>
      tpu.vector_store %arg10[%swap3A_603, %swap3A_604], %swap3A_607 {strides = array<i32>} : memref<8x128xf32, #tpu.memory_space<vmem>>, vector<1x16xf32>,
      %swap3A_608 = arith.constant 4 : i32
      %swap3A_609 = arith.index_cast %swap3A_608 : i32 to index
      %swap3A_610 = arith.constant 80 : index
      %swap3A_611 = tpu.vector_load %arg10[%swap3A_609, %swap3A_610] {strides = array<i32>} : memref<8x128xf32, #tpu.memory_space<vmem>>, vector<1x16xf32>,
      %swap3A_612 = vector.shape_cast %swap3A_611 : vector<1x16xf32> to vector<16xf32>
      %swap3A_613 = vector.shape_cast %parallel_loop3A_577#5 : vector<16xf32> to vector<1x16xf32>
      tpu.vector_store %arg10[%swap3A_609, %swap3A_610], %swap3A_613 {strides = array<i32>} : memref<8x128xf32, #tpu.memory_space<vmem>>, vector<1x16xf32>,
      %swap3A_614 = arith.constant 4 : i32
      %swap3A_615 = arith.index_cast %swap3A_614 : i32 to index
      %swap3A_616 = arith.constant 96 : index
      %swap3A_617 = tpu.vector_load %arg10[%swap3A_615, %swap3A_616] {strides = array<i32>} : memref<8x128xf32, #tpu.memory_space<vmem>>, vector<1x16xf32>,
      %swap3A_618 = vector.shape_cast %swap3A_617 : vector<1x16xf32> to vector<16xf32>
      %swap3A_619 = vector.shape_cast %parallel_loop3A_577#6 : vector<16xf32> to vector<1x16xf32>
      tpu.vector_store %arg10[%swap3A_615, %swap3A_616], %swap3A_619 {strides = array<i32>} : memref<8x128xf32, #tpu.memory_space<vmem>>, vector<1x16xf32>,
      %swap3A_620 = arith.constant 4 : i32
      %swap3A_621 = arith.index_cast %swap3A_620 : i32 to index
      %swap3A_622 = arith.constant 112 : index
      %swap3A_623 = tpu.vector_load %arg10[%swap3A_621, %swap3A_622] {strides = array<i32>} : memref<8x128xf32, #tpu.memory_space<vmem>>, vector<1x16xf32>,
      %swap3A_624 = vector.shape_cast %swap3A_623 : vector<1x16xf32> to vector<16xf32>
      %swap3A_625 = vector.shape_cast %parallel_loop3A_577#7 : vector<16xf32> to vector<1x16xf32>
      tpu.vector_store %arg10[%swap3A_621, %swap3A_622], %swap3A_625 {strides = array<i32>} : memref<8x128xf32, #tpu.memory_space<vmem>>, vector<1x16xf32>,
      %get3A_626 = arith.constant 50 : i32
      %get3A_627 = arith.index_cast %get3A_626 : i32 to index
      %get3A_628 = arith.constant 0 : index
      %get3A_629 = tpu.vector_load %arg8[%get3A_627, %get3A_628] {strides = array<i32>} : memref<100x128xf32, #tpu.memory_space<vmem>>, vector<1x16xf32>,
      %get3A_630 = vector.shape_cast %get3A_629 : vector<1x16xf32> to vector<16xf32>
      %get3A_631 = arith.constant 50 : i32
      %get3A_632 = arith.index_cast %get3A_631 : i32 to index
      %get3A_633 = arith.constant 16 : index
      %get3A_634 = tpu.vector_load %arg8[%get3A_632, %get3A_633] {strides = array<i32>} : memref<100x128xf32, #tpu.memory_space<vmem>>, vector<1x16xf32>,
      %get3A_635 = vector.shape_cast %get3A_634 : vector<1x16xf32> to vector<16xf32>
      %get3A_636 = arith.constant 50 : i32
      %get3A_637 = arith.index_cast %get3A_636 : i32 to index
      %get3A_638 = arith.constant 32 : index
      %get3A_639 = tpu.vector_load %arg8[%get3A_637, %get3A_638] {strides = array<i32>} : memref<100x128xf32, #tpu.memory_space<vmem>>, vector<1x16xf32>,
      %get3A_640 = vector.shape_cast %get3A_639 : vector<1x16xf32> to vector<16xf32>
      %get3A_641 = arith.constant 50 : i32
      %get3A_642 = arith.index_cast %get3A_641 : i32 to index
      %get3A_643 = arith.constant 48 : index
      %get3A_644 = tpu.vector_load %arg8[%get3A_642, %get3A_643] {strides = array<i32>} : memref<100x128xf32, #tpu.memory_space<vmem>>, vector<1x16xf32>,
      %get3A_645 = vector.shape_cast %get3A_644 : vector<1x16xf32> to vector<16xf32>
      %get3A_646 = arith.constant 50 : i32
      %get3A_647 = arith.index_cast %get3A_646 : i32 to index
      %get3A_648 = arith.constant 64 : index
      %get3A_649 = tpu.vector_load %arg8[%get3A_647, %get3A_648] {strides = array<i32>} : memref<100x128xf32, #tpu.memory_space<vmem>>, vector<1x16xf32>,
      %get3A_650 = vector.shape_cast %get3A_649 : vector<1x16xf32> to vector<16xf32>
      %get3A_651 = arith.constant 50 : i32
      %get3A_652 = arith.index_cast %get3A_651 : i32 to index
      %get3A_653 = arith.constant 80 : index
      %get3A_654 = tpu.vector_load %arg8[%get3A_652, %get3A_653] {strides = array<i32>} : memref<100x128xf32, #tpu.memory_space<vmem>>, vector<1x16xf32>,
      %get3A_655 = vector.shape_cast %get3A_654 : vector<1x16xf32> to vector<16xf32>
      %get3A_656 = arith.constant 50 : i32
      %get3A_657 = arith.index_cast %get3A_656 : i32 to index
      %get3A_658 = arith.constant 96 : index
      %get3A_659 = tpu.vector_load %arg8[%get3A_657, %get3A_658] {strides = array<i32>} : memref<100x128xf32, #tpu.memory_space<vmem>>, vector<1x16xf32>,
      %get3A_660 = vector.shape_cast %get3A_659 : vector<1x16xf32> to vector<16xf32>
      %get3A_661 = arith.constant 50 : i32
      %get3A_662 = arith.index_cast %get3A_661 : i32 to index
      %get3A_663 = arith.constant 112 : index
      %get3A_664 = tpu.vector_load %arg8[%get3A_662, %get3A_663] {strides = array<i32>} : memref<100x128xf32, #tpu.memory_space<vmem>>, vector<1x16xf32>,
      %get3A_665 = vector.shape_cast %get3A_664 : vector<1x16xf32> to vector<16xf32>
      %parallel_loop3A_666 = arith.constant 51 : i32
      %parallel_loop3A_667 = arith.constant 100 : i32
      %parallel_loop3A_668 = arith.constant 1 : i32
      %parallel_loop3A_669:8 = scf.for %parallel_loop3A_958 = %parallel_loop3A_666 to %parallel_loop3A_667 step %parallel_loop3A_668 iter_args(%parallel_loop3A_959 = %get3A_630, %parallel_loop3A_960 = %get3A_635, %parallel_loop3A_961 = %get3A_640, %parallel_loop3A_962 = %get3A_645, %parallel_loop3A_963 = %get3A_650, %parallel_loop3A_964 = %get3A_655, %parallel_loop3A_965 = %get3A_660, %parallel_loop3A_966 = %get3A_665) -> (vector<16xf32>, vector<16xf32>, vector<16xf32>, vector<16xf32>, vector<16xf32>, vector<16xf32>, vector<16xf32>, vector<16xf32>)  : i32 {
        %parallel_loop3A_967 = arith.index_cast %parallel_loop3A_958 : i32 to index
        %parallel_loop3A_968 = arith.constant 0 : index
        %parallel_loop3A_969 = tpu.vector_load %arg8[%parallel_loop3A_967, %parallel_loop3A_968] {strides = array<i32>} : memref<100x128xf32, #tpu.memory_space<vmem>>, vector<1x16xf32>,
        %parallel_loop3A_970 = vector.shape_cast %parallel_loop3A_969 : vector<1x16xf32> to vector<16xf32>
        %parallel_loop3A_971 = arith.addf %parallel_loop3A_959, %parallel_loop3A_970 : vector<16xf32>
        %parallel_loop3A_972 = arith.index_cast %parallel_loop3A_958 : i32 to index
        %parallel_loop3A_973 = arith.constant 16 : index
        %parallel_loop3A_974 = tpu.vector_load %arg8[%parallel_loop3A_972, %parallel_loop3A_973] {strides = array<i32>} : memref<100x128xf32, #tpu.memory_space<vmem>>, vector<1x16xf32>,
        %parallel_loop3A_975 = vector.shape_cast %parallel_loop3A_974 : vector<1x16xf32> to vector<16xf32>
        %parallel_loop3A_976 = arith.addf %parallel_loop3A_960, %parallel_loop3A_975 : vector<16xf32>
        %parallel_loop3A_977 = arith.index_cast %parallel_loop3A_958 : i32 to index
        %parallel_loop3A_978 = arith.constant 32 : index
        %parallel_loop3A_979 = tpu.vector_load %arg8[%parallel_loop3A_977, %parallel_loop3A_978] {strides = array<i32>} : memref<100x128xf32, #tpu.memory_space<vmem>>, vector<1x16xf32>,
        %parallel_loop3A_980 = vector.shape_cast %parallel_loop3A_979 : vector<1x16xf32> to vector<16xf32>
        %parallel_loop3A_981 = arith.addf %parallel_loop3A_961, %parallel_loop3A_980 : vector<16xf32>
        %parallel_loop3A_982 = arith.index_cast %parallel_loop3A_958 : i32 to index
        %parallel_loop3A_983 = arith.constant 48 : index
        %parallel_loop3A_984 = tpu.vector_load %arg8[%parallel_loop3A_982, %parallel_loop3A_983] {strides = array<i32>} : memref<100x128xf32, #tpu.memory_space<vmem>>, vector<1x16xf32>,
        %parallel_loop3A_985 = vector.shape_cast %parallel_loop3A_984 : vector<1x16xf32> to vector<16xf32>
        %parallel_loop3A_986 = arith.addf %parallel_loop3A_962, %parallel_loop3A_985 : vector<16xf32>
        %parallel_loop3A_987 = arith.index_cast %parallel_loop3A_958 : i32 to index
        %parallel_loop3A_988 = arith.constant 64 : index
        %parallel_loop3A_989 = tpu.vector_load %arg8[%parallel_loop3A_987, %parallel_loop3A_988] {strides = array<i32>} : memref<100x128xf32, #tpu.memory_space<vmem>>, vector<1x16xf32>,
        %parallel_loop3A_990 = vector.shape_cast %parallel_loop3A_989 : vector<1x16xf32> to vector<16xf32>
        %parallel_loop3A_991 = arith.addf %parallel_loop3A_963, %parallel_loop3A_990 : vector<16xf32>
        %parallel_loop3A_992 = arith.index_cast %parallel_loop3A_958 : i32 to index
        %parallel_loop3A_993 = arith.constant 80 : index
        %parallel_loop3A_994 = tpu.vector_load %arg8[%parallel_loop3A_992, %parallel_loop3A_993] {strides = array<i32>} : memref<100x128xf32, #tpu.memory_space<vmem>>, vector<1x16xf32>,
        %parallel_loop3A_995 = vector.shape_cast %parallel_loop3A_994 : vector<1x16xf32> to vector<16xf32>
        %parallel_loop3A_996 = arith.addf %parallel_loop3A_964, %parallel_loop3A_995 : vector<16xf32>
        %parallel_loop3A_997 = arith.index_cast %parallel_loop3A_958 : i32 to index
        %parallel_loop3A_998 = arith.constant 96 : index
        %parallel_loop3A_999 = tpu.vector_load %arg8[%parallel_loop3A_997, %parallel_loop3A_998] {strides = array<i32>} : memref<100x128xf32, #tpu.memory_space<vmem>>, vector<1x16xf32>,
        %parallel_loop3A_1000 = vector.shape_cast %parallel_loop3A_999 : vector<1x16xf32> to vector<16xf32>
        %parallel_loop3A_1001 = arith.addf %parallel_loop3A_965, %parallel_loop3A_1000 : vector<16xf32>
        %parallel_loop3A_1002 = arith.index_cast %parallel_loop3A_958 : i32 to index
        %parallel_loop3A_1003 = arith.constant 112 : index
        %parallel_loop3A_1004 = tpu.vector_load %arg8[%parallel_loop3A_1002, %parallel_loop3A_1003] {strides = array<i32>} : memref<100x128xf32, #tpu.memory_space<vmem>>, vector<1x16xf32>,
        %parallel_loop3A_1005 = vector.shape_cast %parallel_loop3A_1004 : vector<1x16xf32> to vector<16xf32>
        %parallel_loop3A_1006 = arith.addf %parallel_loop3A_966, %parallel_loop3A_1005 : vector<16xf32>
        scf.yield %parallel_loop3A_971, %parallel_loop3A_976, %parallel_loop3A_981, %parallel_loop3A_986, %parallel_loop3A_991, %parallel_loop3A_996, %parallel_loop3A_1001, %parallel_loop3A_1006 : vector<16xf32>, vector<16xf32>, vector<16xf32>, vector<16xf32>, vector<16xf32>, vector<16xf32>, vector<16xf32>, vector<16xf32>
      } {sc.loop_unroll_factor = 7 : i64, sc.parallel_access}
      %swap3A_670 = arith.constant 5 : i32
      %swap3A_671 = arith.index_cast %swap3A_670 : i32 to index
      %swap3A_672 = arith.constant 0 : index
      %swap3A_673 = tpu.vector_load %arg10[%swap3A_671, %swap3A_672] {strides = array<i32>} : memref<8x128xf32, #tpu.memory_space<vmem>>, vector<1x16xf32>,
      %swap3A_674 = vector.shape_cast %swap3A_673 : vector<1x16xf32> to vector<16xf32>
      %swap3A_675 = vector.shape_cast %parallel_loop3A_669#0 : vector<16xf32> to vector<1x16xf32>
      tpu.vector_store %arg10[%swap3A_671, %swap3A_672], %swap3A_675 {strides = array<i32>} : memref<8x128xf32, #tpu.memory_space<vmem>>, vector<1x16xf32>,
      %swap3A_676 = arith.constant 5 : i32
      %swap3A_677 = arith.index_cast %swap3A_676 : i32 to index
      %swap3A_678 = arith.constant 16 : index
      %swap3A_679 = tpu.vector_load %arg10[%swap3A_677, %swap3A_678] {strides = array<i32>} : memref<8x128xf32, #tpu.memory_space<vmem>>, vector<1x16xf32>,
      %swap3A_680 = vector.shape_cast %swap3A_679 : vector<1x16xf32> to vector<16xf32>
      %swap3A_681 = vector.shape_cast %parallel_loop3A_669#1 : vector<16xf32> to vector<1x16xf32>
      tpu.vector_store %arg10[%swap3A_677, %swap3A_678], %swap3A_681 {strides = array<i32>} : memref<8x128xf32, #tpu.memory_space<vmem>>, vector<1x16xf32>,
      %swap3A_682 = arith.constant 5 : i32
      %swap3A_683 = arith.index_cast %swap3A_682 : i32 to index
      %swap3A_684 = arith.constant 32 : index
      %swap3A_685 = tpu.vector_load %arg10[%swap3A_683, %swap3A_684] {strides = array<i32>} : memref<8x128xf32, #tpu.memory_space<vmem>>, vector<1x16xf32>,
      %swap3A_686 = vector.shape_cast %swap3A_685 : vector<1x16xf32> to vector<16xf32>
      %swap3A_687 = vector.shape_cast %parallel_loop3A_669#2 : vector<16xf32> to vector<1x16xf32>
      tpu.vector_store %arg10[%swap3A_683, %swap3A_684], %swap3A_687 {strides = array<i32>} : memref<8x128xf32, #tpu.memory_space<vmem>>, vector<1x16xf32>,
      %swap3A_688 = arith.constant 5 : i32
      %swap3A_689 = arith.index_cast %swap3A_688 : i32 to index
      %swap3A_690 = arith.constant 48 : index
      %swap3A_691 = tpu.vector_load %arg10[%swap3A_689, %swap3A_690] {strides = array<i32>} : memref<8x128xf32, #tpu.memory_space<vmem>>, vector<1x16xf32>,
      %swap3A_692 = vector.shape_cast %swap3A_691 : vector<1x16xf32> to vector<16xf32>
      %swap3A_693 = vector.shape_cast %parallel_loop3A_669#3 : vector<16xf32> to vector<1x16xf32>
      tpu.vector_store %arg10[%swap3A_689, %swap3A_690], %swap3A_693 {strides = array<i32>} : memref<8x128xf32, #tpu.memory_space<vmem>>, vector<1x16xf32>,
      %swap3A_694 = arith.constant 5 : i32
      %swap3A_695 = arith.index_cast %swap3A_694 : i32 to index
      %swap3A_696 = arith.constant 64 : index
      %swap3A_697 = tpu.vector_load %arg10[%swap3A_695, %swap3A_696] {strides = array<i32>} : memref<8x128xf32, #tpu.memory_space<vmem>>, vector<1x16xf32>,
      %swap3A_698 = vector.shape_cast %swap3A_697 : vector<1x16xf32> to vector<16xf32>
      %swap3A_699 = vector.shape_cast %parallel_loop3A_669#4 : vector<16xf32> to vector<1x16xf32>
      tpu.vector_store %arg10[%swap3A_695, %swap3A_696], %swap3A_699 {strides = array<i32>} : memref<8x128xf32, #tpu.memory_space<vmem>>, vector<1x16xf32>,
      %swap3A_700 = arith.constant 5 : i32
      %swap3A_701 = arith.index_cast %swap3A_700 : i32 to index
      %swap3A_702 = arith.constant 80 : index
      %swap3A_703 = tpu.vector_load %arg10[%swap3A_701, %swap3A_702] {strides = array<i32>} : memref<8x128xf32, #tpu.memory_space<vmem>>, vector<1x16xf32>,
      %swap3A_704 = vector.shape_cast %swap3A_703 : vector<1x16xf32> to vector<16xf32>
      %swap3A_705 = vector.shape_cast %parallel_loop3A_669#5 : vector<16xf32> to vector<1x16xf32>
      tpu.vector_store %arg10[%swap3A_701, %swap3A_702], %swap3A_705 {strides = array<i32>} : memref<8x128xf32, #tpu.memory_space<vmem>>, vector<1x16xf32>,
      %swap3A_706 = arith.constant 5 : i32
      %swap3A_707 = arith.index_cast %swap3A_706 : i32 to index
      %swap3A_708 = arith.constant 96 : index
      %swap3A_709 = tpu.vector_load %arg10[%swap3A_707, %swap3A_708] {strides = array<i32>} : memref<8x128xf32, #tpu.memory_space<vmem>>, vector<1x16xf32>,
      %swap3A_710 = vector.shape_cast %swap3A_709 : vector<1x16xf32> to vector<16xf32>
      %swap3A_711 = vector.shape_cast %parallel_loop3A_669#6 : vector<16xf32> to vector<1x16xf32>
      tpu.vector_store %arg10[%swap3A_707, %swap3A_708], %swap3A_711 {strides = array<i32>} : memref<8x128xf32, #tpu.memory_space<vmem>>, vector<1x16xf32>,
      %swap3A_712 = arith.constant 5 : i32
      %swap3A_713 = arith.index_cast %swap3A_712 : i32 to index
      %swap3A_714 = arith.constant 112 : index
      %swap3A_715 = tpu.vector_load %arg10[%swap3A_713, %swap3A_714] {strides = array<i32>} : memref<8x128xf32, #tpu.memory_space<vmem>>, vector<1x16xf32>,
      %swap3A_716 = vector.shape_cast %swap3A_715 : vector<1x16xf32> to vector<16xf32>
      %swap3A_717 = vector.shape_cast %parallel_loop3A_669#7 : vector<16xf32> to vector<1x16xf32>
      tpu.vector_store %arg10[%swap3A_713, %swap3A_714], %swap3A_717 {strides = array<i32>} : memref<8x128xf32, #tpu.memory_space<vmem>>, vector<1x16xf32>,
      %mul3A_718 = arith.constant 2 : i32
      %mul3A_719 = arith.muli %mul3A_718, %add3A_521 : i32
      %add3A_720 = arith.addi %mul3A_4, %mul3A_719 : i32
      %dma_start3A_721 = arith.constant 4 : i32
      %dma_start3A_722 = arith.constant 0 : i32
      %dma_start3A_723 = tpu.memref_slice %arg10[%dma_start3A_721, %dma_start3A_722] : memref<8x128xf32, #tpu.memory_space<vmem>> -> memref<2x128xf32, #tpu.memory_space<vmem>>
      %dma_start3A_724 = arith.constant 0 : i32
      %dma_start3A_725 = tpu.memref_slice %arg4[%add3A_720, %dma_start3A_724] : memref<8192x128xf32, #tpu.memory_space<hbm>> -> memref<2x128xf32, #tpu.memory_space<hbm>>
      %dma_start3A_726 = arith.constant 0 : i32
      %dma_start3A_727 = tpu.memref_slice %arg4[%add3A_720, %dma_start3A_726] : memref<8192x128xf32, #tpu.memory_space<hbm>> -> memref<2x128xf32, #tpu.memory_space<hbm>>
      %dma_start3A_728 = arith.constant 4 : i32
      %dma_start3A_729 = arith.constant 0 : i32
      %dma_start3A_730 = tpu.memref_slice %arg10[%dma_start3A_728, %dma_start3A_729] : memref<8x128xf32, #tpu.memory_space<vmem>> -> memref<2x128xf32, #tpu.memory_space<vmem>>
      tpu.enqueue_dma source(%dma_start3A_730 : memref<2x128xf32, #tpu.memory_space<vmem>>) target(%dma_start3A_727 : memref<2x128xf32, #tpu.memory_space<hbm>>) target_semaphore(%arg17 : memref<!tpu.dma_semaphore, #tpu.memory_space<semaphore_mem>>)
      %add3A_731 = arith.constant 4 : i32
      %add3A_732 = arith.addi %add3A_521, %add3A_731 : i32
      %lt3A_733 = arith.constant 128 : i32
      %lt3A_734 = arith.cmpi slt, %add3A_732, %lt3A_733 : i32
      %convert_element_type3A_735 = arith.extui %lt3A_734 : i1 to i32
      %cond3A_736 = arith.constant 0 : i32
      %cond3A_737 = arith.cmpi ne, %convert_element_type3A_735, %cond3A_736 : i32
      scf.if %cond3A_737 {
        %dma_start3A_958 = arith.constant 0 : i32
        %dma_start3A_959 = tpu.memref_slice %arg5[%add3A_732, %dma_start3A_958] : memref<128x100xi32, #tpu.memory_space<vmem>> -> memref<1x100xi32, #tpu.memory_space<vmem>>
        %dma_start3A_960 = tpu.memref_squeeze %dma_start3A_959 : memref<1x100xi32, #tpu.memory_space<vmem>> -> memref<100xi32, #tpu.memory_space<vmem>>
        %dma_start3A_961 = arith.constant 0 : i32
        %dma_start3A_962 = arith.constant 0 : i32
        %dma_start3A_963 = tpu.memref_slice %arg3[%dma_start3A_961, %dma_start3A_962] : memref<100000x128xf32, #tpu.memory_space<hbm>> -> memref<100000x128xf32, #tpu.memory_space<hbm>>
        tpu.enqueue_indirect_dma source(%dma_start3A_963 : memref<100000x128xf32, #tpu.memory_space<hbm>>) target(%arg8 : memref<100x128xf32, #tpu.memory_space<vmem>>) offsets(%dma_start3A_960 : memref<100xi32, #tpu.memory_space<vmem>>) semaphore(%arg13 : memref<!tpu.dma_semaphore, #tpu.memory_space<semaphore_mem>>)
      } else {
      }
      %mul3A_738 = arith.constant 4 : i32
      %mul3A_739 = arith.muli %mul3A_738, %scan3A_84 : i32
      %add3A_740 = arith.constant 3 : i32
      %add3A_741 = arith.addi %mul3A_739, %add3A_740 : i32
      %dma_wait3A_742 = arith.constant 0 : i32
      %dma_wait3A_743 = arith.constant 0 : i32
      %dma_wait3A_744 = tpu.memref_slice %arg5[%dma_wait3A_742, %dma_wait3A_743] : memref<128x100xi32, #tpu.memory_space<vmem>> -> memref<1x100xi32, #tpu.memory_space<vmem>>
      %dma_wait3A_745 = tpu.memref_squeeze %dma_wait3A_744 : memref<1x100xi32, #tpu.memory_space<vmem>> -> memref<100xi32, #tpu.memory_space<vmem>>
      %dma_wait3A_746 = arith.constant 0 : i32
      %dma_wait3A_747 = arith.constant 0 : i32
      %dma_wait3A_748 = tpu.memref_slice %arg3[%dma_wait3A_746, %dma_wait3A_747] : memref<100000x128xf32, #tpu.memory_space<hbm>> -> memref<100000x128xf32, #tpu.memory_space<hbm>>
      tpu.wait_indirect_dma semaphore(%arg14 : memref<!tpu.dma_semaphore, #tpu.memory_space<semaphore_mem>>) src(%dma_wait3A_748 : memref<100000x128xf32, #tpu.memory_space<hbm>>) dst(%arg9 : memref<100x128xf32, #tpu.memory_space<vmem>>)
      %ge3A_749 = arith.constant 1 : i32
      %ge3A_750 = arith.cmpi sge, %scan3A_84, %ge3A_749 : i32
      %convert_element_type3A_751 = arith.extui %ge3A_750 : i1 to i32
      %cond3A_752 = arith.constant 0 : i32
      %cond3A_753 = arith.cmpi ne, %convert_element_type3A_751, %cond3A_752 : i32
      scf.if %cond3A_753 {
        %dma_wait3A_958 = arith.constant 6 : i32
        %dma_wait3A_959 = arith.constant 0 : i32
        %dma_wait3A_960 = tpu.memref_slice %arg10[%dma_wait3A_958, %dma_wait3A_959] : memref<8x128xf32, #tpu.memory_space<vmem>> -> memref<2x128xf32, #tpu.memory_space<vmem>>
        %dma_wait3A_961 = arith.constant 0 : i32
        %dma_wait3A_962 = arith.constant 0 : i32
        %dma_wait3A_963 = tpu.memref_slice %arg4[%dma_wait3A_961, %dma_wait3A_962] : memref<8192x128xf32, #tpu.memory_space<hbm>> -> memref<2x128xf32, #tpu.memory_space<hbm>>
        %dma_wait3A_964 = arith.constant 0 : i32
        %dma_wait3A_965 = arith.constant 0 : i32
        %dma_wait3A_966 = tpu.memref_slice %arg4[%dma_wait3A_964, %dma_wait3A_965] : memref<8192x128xf32, #tpu.memory_space<hbm>> -> memref<2x128xf32, #tpu.memory_space<hbm>>
        %dma_wait3A_967 = arith.constant 6 : i32
        %dma_wait3A_968 = arith.constant 0 : i32
        %dma_wait3A_969 = tpu.memref_slice %arg10[%dma_wait3A_967, %dma_wait3A_968] : memref<8x128xf32, #tpu.memory_space<vmem>> -> memref<2x128xf32, #tpu.memory_space<vmem>>
        tpu.wait_dma2 semaphore(%arg18 : memref<!tpu.dma_semaphore, #tpu.memory_space<semaphore_mem>>) src(%dma_wait3A_969 : memref<2x128xf32, #tpu.memory_space<vmem>>) dst(%dma_wait3A_966 : memref<2x128xf32, #tpu.memory_space<hbm>>)
      } else {
      }
      %get3A_754 = arith.constant 0 : i32
      %get3A_755 = arith.index_cast %get3A_754 : i32 to index
      %get3A_756 = arith.constant 0 : index
      %get3A_757 = tpu.vector_load %arg9[%get3A_755, %get3A_756] {strides = array<i32>} : memref<100x128xf32, #tpu.memory_space<vmem>>, vector<1x16xf32>,
      %get3A_758 = vector.shape_cast %get3A_757 : vector<1x16xf32> to vector<16xf32>
      %get3A_759 = arith.constant 0 : i32
      %get3A_760 = arith.index_cast %get3A_759 : i32 to index
      %get3A_761 = arith.constant 16 : index
      %get3A_762 = tpu.vector_load %arg9[%get3A_760, %get3A_761] {strides = array<i32>} : memref<100x128xf32, #tpu.memory_space<vmem>>, vector<1x16xf32>,
      %get3A_763 = vector.shape_cast %get3A_762 : vector<1x16xf32> to vector<16xf32>
      %get3A_764 = arith.constant 0 : i32
      %get3A_765 = arith.index_cast %get3A_764 : i32 to index
      %get3A_766 = arith.constant 32 : index
      %get3A_767 = tpu.vector_load %arg9[%get3A_765, %get3A_766] {strides = array<i32>} : memref<100x128xf32, #tpu.memory_space<vmem>>, vector<1x16xf32>,
      %get3A_768 = vector.shape_cast %get3A_767 : vector<1x16xf32> to vector<16xf32>
      %get3A_769 = arith.constant 0 : i32
      %get3A_770 = arith.index_cast %get3A_769 : i32 to index
      %get3A_771 = arith.constant 48 : index
      %get3A_772 = tpu.vector_load %arg9[%get3A_770, %get3A_771] {strides = array<i32>} : memref<100x128xf32, #tpu.memory_space<vmem>>, vector<1x16xf32>,
      %get3A_773 = vector.shape_cast %get3A_772 : vector<1x16xf32> to vector<16xf32>
      %get3A_774 = arith.constant 0 : i32
      %get3A_775 = arith.index_cast %get3A_774 : i32 to index
      %get3A_776 = arith.constant 64 : index
      %get3A_777 = tpu.vector_load %arg9[%get3A_775, %get3A_776] {strides = array<i32>} : memref<100x128xf32, #tpu.memory_space<vmem>>, vector<1x16xf32>,
      %get3A_778 = vector.shape_cast %get3A_777 : vector<1x16xf32> to vector<16xf32>
      %get3A_779 = arith.constant 0 : i32
      %get3A_780 = arith.index_cast %get3A_779 : i32 to index
      %get3A_781 = arith.constant 80 : index
      %get3A_782 = tpu.vector_load %arg9[%get3A_780, %get3A_781] {strides = array<i32>} : memref<100x128xf32, #tpu.memory_space<vmem>>, vector<1x16xf32>,
      %get3A_783 = vector.shape_cast %get3A_782 : vector<1x16xf32> to vector<16xf32>
      %get3A_784 = arith.constant 0 : i32
      %get3A_785 = arith.index_cast %get3A_784 : i32 to index
      %get3A_786 = arith.constant 96 : index
      %get3A_787 = tpu.vector_load %arg9[%get3A_785, %get3A_786] {strides = array<i32>} : memref<100x128xf32, #tpu.memory_space<vmem>>, vector<1x16xf32>,
      %get3A_788 = vector.shape_cast %get3A_787 : vector<1x16xf32> to vector<16xf32>
      %get3A_789 = arith.constant 0 : i32
      %get3A_790 = arith.index_cast %get3A_789 : i32 to index
      %get3A_791 = arith.constant 112 : index
      %get3A_792 = tpu.vector_load %arg9[%get3A_790, %get3A_791] {strides = array<i32>} : memref<100x128xf32, #tpu.memory_space<vmem>>, vector<1x16xf32>,
      %get3A_793 = vector.shape_cast %get3A_792 : vector<1x16xf32> to vector<16xf32>
      %parallel_loop3A_794 = arith.constant 1 : i32
      %parallel_loop3A_795 = arith.constant 50 : i32
      %parallel_loop3A_796 = arith.constant 1 : i32
      %parallel_loop3A_797:8 = scf.for %parallel_loop3A_958 = %parallel_loop3A_794 to %parallel_loop3A_795 step %parallel_loop3A_796 iter_args(%parallel_loop3A_959 = %get3A_758, %parallel_loop3A_960 = %get3A_763, %parallel_loop3A_961 = %get3A_768, %parallel_loop3A_962 = %get3A_773, %parallel_loop3A_963 = %get3A_778, %parallel_loop3A_964 = %get3A_783, %parallel_loop3A_965 = %get3A_788, %parallel_loop3A_966 = %get3A_793) -> (vector<16xf32>, vector<16xf32>, vector<16xf32>, vector<16xf32>, vector<16xf32>, vector<16xf32>, vector<16xf32>, vector<16xf32>)  : i32 {
        %parallel_loop3A_967 = arith.index_cast %parallel_loop3A_958 : i32 to index
        %parallel_loop3A_968 = arith.constant 0 : index
        %parallel_loop3A_969 = tpu.vector_load %arg9[%parallel_loop3A_967, %parallel_loop3A_968] {strides = array<i32>} : memref<100x128xf32, #tpu.memory_space<vmem>>, vector<1x16xf32>,
        %parallel_loop3A_970 = vector.shape_cast %parallel_loop3A_969 : vector<1x16xf32> to vector<16xf32>
        %parallel_loop3A_971 = arith.addf %parallel_loop3A_959, %parallel_loop3A_970 : vector<16xf32>
        %parallel_loop3A_972 = arith.index_cast %parallel_loop3A_958 : i32 to index
        %parallel_loop3A_973 = arith.constant 16 : index
        %parallel_loop3A_974 = tpu.vector_load %arg9[%parallel_loop3A_972, %parallel_loop3A_973] {strides = array<i32>} : memref<100x128xf32, #tpu.memory_space<vmem>>, vector<1x16xf32>,
        %parallel_loop3A_975 = vector.shape_cast %parallel_loop3A_974 : vector<1x16xf32> to vector<16xf32>
        %parallel_loop3A_976 = arith.addf %parallel_loop3A_960, %parallel_loop3A_975 : vector<16xf32>
        %parallel_loop3A_977 = arith.index_cast %parallel_loop3A_958 : i32 to index
        %parallel_loop3A_978 = arith.constant 32 : index
        %parallel_loop3A_979 = tpu.vector_load %arg9[%parallel_loop3A_977, %parallel_loop3A_978] {strides = array<i32>} : memref<100x128xf32, #tpu.memory_space<vmem>>, vector<1x16xf32>,
        %parallel_loop3A_980 = vector.shape_cast %parallel_loop3A_979 : vector<1x16xf32> to vector<16xf32>
        %parallel_loop3A_981 = arith.addf %parallel_loop3A_961, %parallel_loop3A_980 : vector<16xf32>
        %parallel_loop3A_982 = arith.index_cast %parallel_loop3A_958 : i32 to index
        %parallel_loop3A_983 = arith.constant 48 : index
        %parallel_loop3A_984 = tpu.vector_load %arg9[%parallel_loop3A_982, %parallel_loop3A_983] {strides = array<i32>} : memref<100x128xf32, #tpu.memory_space<vmem>>, vector<1x16xf32>,
        %parallel_loop3A_985 = vector.shape_cast %parallel_loop3A_984 : vector<1x16xf32> to vector<16xf32>
        %parallel_loop3A_986 = arith.addf %parallel_loop3A_962, %parallel_loop3A_985 : vector<16xf32>
        %parallel_loop3A_987 = arith.index_cast %parallel_loop3A_958 : i32 to index
        %parallel_loop3A_988 = arith.constant 64 : index
        %parallel_loop3A_989 = tpu.vector_load %arg9[%parallel_loop3A_987, %parallel_loop3A_988] {strides = array<i32>} : memref<100x128xf32, #tpu.memory_space<vmem>>, vector<1x16xf32>,
        %parallel_loop3A_990 = vector.shape_cast %parallel_loop3A_989 : vector<1x16xf32> to vector<16xf32>
        %parallel_loop3A_991 = arith.addf %parallel_loop3A_963, %parallel_loop3A_990 : vector<16xf32>
        %parallel_loop3A_992 = arith.index_cast %parallel_loop3A_958 : i32 to index
        %parallel_loop3A_993 = arith.constant 80 : index
        %parallel_loop3A_994 = tpu.vector_load %arg9[%parallel_loop3A_992, %parallel_loop3A_993] {strides = array<i32>} : memref<100x128xf32, #tpu.memory_space<vmem>>, vector<1x16xf32>,
        %parallel_loop3A_995 = vector.shape_cast %parallel_loop3A_994 : vector<1x16xf32> to vector<16xf32>
        %parallel_loop3A_996 = arith.addf %parallel_loop3A_964, %parallel_loop3A_995 : vector<16xf32>
        %parallel_loop3A_997 = arith.index_cast %parallel_loop3A_958 : i32 to index
        %parallel_loop3A_998 = arith.constant 96 : index
        %parallel_loop3A_999 = tpu.vector_load %arg9[%parallel_loop3A_997, %parallel_loop3A_998] {strides = array<i32>} : memref<100x128xf32, #tpu.memory_space<vmem>>, vector<1x16xf32>,
        %parallel_loop3A_1000 = vector.shape_cast %parallel_loop3A_999 : vector<1x16xf32> to vector<16xf32>
        %parallel_loop3A_1001 = arith.addf %parallel_loop3A_965, %parallel_loop3A_1000 : vector<16xf32>
        %parallel_loop3A_1002 = arith.index_cast %parallel_loop3A_958 : i32 to index
        %parallel_loop3A_1003 = arith.constant 112 : index
        %parallel_loop3A_1004 = tpu.vector_load %arg9[%parallel_loop3A_1002, %parallel_loop3A_1003] {strides = array<i32>} : memref<100x128xf32, #tpu.memory_space<vmem>>, vector<1x16xf32>,
        %parallel_loop3A_1005 = vector.shape_cast %parallel_loop3A_1004 : vector<1x16xf32> to vector<16xf32>
        %parallel_loop3A_1006 = arith.addf %parallel_loop3A_966, %parallel_loop3A_1005 : vector<16xf32>
        scf.yield %parallel_loop3A_971, %parallel_loop3A_976, %parallel_loop3A_981, %parallel_loop3A_986, %parallel_loop3A_991, %parallel_loop3A_996, %parallel_loop3A_1001, %parallel_loop3A_1006 : vector<16xf32>, vector<16xf32>, vector<16xf32>, vector<16xf32>, vector<16xf32>, vector<16xf32>, vector<16xf32>, vector<16xf32>
      } {sc.loop_unroll_factor = 7 : i64, sc.parallel_access}
      %swap3A_798 = arith.constant 6 : i32
      %swap3A_799 = arith.index_cast %swap3A_798 : i32 to index
      %swap3A_800 = arith.constant 0 : index
      %swap3A_801 = tpu.vector_load %arg10[%swap3A_799, %swap3A_800] {strides = array<i32>} : memref<8x128xf32, #tpu.memory_space<vmem>>, vector<1x16xf32>,
      %swap3A_802 = vector.shape_cast %swap3A_801 : vector<1x16xf32> to vector<16xf32>
      %swap3A_803 = vector.shape_cast %parallel_loop3A_797#0 : vector<16xf32> to vector<1x16xf32>
      tpu.vector_store %arg10[%swap3A_799, %swap3A_800], %swap3A_803 {strides = array<i32>} : memref<8x128xf32, #tpu.memory_space<vmem>>, vector<1x16xf32>,
      %swap3A_804 = arith.constant 6 : i32
      %swap3A_805 = arith.index_cast %swap3A_804 : i32 to index
      %swap3A_806 = arith.constant 16 : index
      %swap3A_807 = tpu.vector_load %arg10[%swap3A_805, %swap3A_806] {strides = array<i32>} : memref<8x128xf32, #tpu.memory_space<vmem>>, vector<1x16xf32>,
      %swap3A_808 = vector.shape_cast %swap3A_807 : vector<1x16xf32> to vector<16xf32>
      %swap3A_809 = vector.shape_cast %parallel_loop3A_797#1 : vector<16xf32> to vector<1x16xf32>
      tpu.vector_store %arg10[%swap3A_805, %swap3A_806], %swap3A_809 {strides = array<i32>} : memref<8x128xf32, #tpu.memory_space<vmem>>, vector<1x16xf32>,
      %swap3A_810 = arith.constant 6 : i32
      %swap3A_811 = arith.index_cast %swap3A_810 : i32 to index
      %swap3A_812 = arith.constant 32 : index
      %swap3A_813 = tpu.vector_load %arg10[%swap3A_811, %swap3A_812] {strides = array<i32>} : memref<8x128xf32, #tpu.memory_space<vmem>>, vector<1x16xf32>,
      %swap3A_814 = vector.shape_cast %swap3A_813 : vector<1x16xf32> to vector<16xf32>
      %swap3A_815 = vector.shape_cast %parallel_loop3A_797#2 : vector<16xf32> to vector<1x16xf32>
      tpu.vector_store %arg10[%swap3A_811, %swap3A_812], %swap3A_815 {strides = array<i32>} : memref<8x128xf32, #tpu.memory_space<vmem>>, vector<1x16xf32>,
      %swap3A_816 = arith.constant 6 : i32
      %swap3A_817 = arith.index_cast %swap3A_816 : i32 to index
      %swap3A_818 = arith.constant 48 : index
      %swap3A_819 = tpu.vector_load %arg10[%swap3A_817, %swap3A_818] {strides = array<i32>} : memref<8x128xf32, #tpu.memory_space<vmem>>, vector<1x16xf32>,
      %swap3A_820 = vector.shape_cast %swap3A_819 : vector<1x16xf32> to vector<16xf32>
      %swap3A_821 = vector.shape_cast %parallel_loop3A_797#3 : vector<16xf32> to vector<1x16xf32>
      tpu.vector_store %arg10[%swap3A_817, %swap3A_818], %swap3A_821 {strides = array<i32>} : memref<8x128xf32, #tpu.memory_space<vmem>>, vector<1x16xf32>,
      %swap3A_822 = arith.constant 6 : i32
      %swap3A_823 = arith.index_cast %swap3A_822 : i32 to index
      %swap3A_824 = arith.constant 64 : index
      %swap3A_825 = tpu.vector_load %arg10[%swap3A_823, %swap3A_824] {strides = array<i32>} : memref<8x128xf32, #tpu.memory_space<vmem>>, vector<1x16xf32>,
      %swap3A_826 = vector.shape_cast %swap3A_825 : vector<1x16xf32> to vector<16xf32>
      %swap3A_827 = vector.shape_cast %parallel_loop3A_797#4 : vector<16xf32> to vector<1x16xf32>
      tpu.vector_store %arg10[%swap3A_823, %swap3A_824], %swap3A_827 {strides = array<i32>} : memref<8x128xf32, #tpu.memory_space<vmem>>, vector<1x16xf32>,
      %swap3A_828 = arith.constant 6 : i32
      %swap3A_829 = arith.index_cast %swap3A_828 : i32 to index
      %swap3A_830 = arith.constant 80 : index
      %swap3A_831 = tpu.vector_load %arg10[%swap3A_829, %swap3A_830] {strides = array<i32>} : memref<8x128xf32, #tpu.memory_space<vmem>>, vector<1x16xf32>,
      %swap3A_832 = vector.shape_cast %swap3A_831 : vector<1x16xf32> to vector<16xf32>
      %swap3A_833 = vector.shape_cast %parallel_loop3A_797#5 : vector<16xf32> to vector<1x16xf32>
      tpu.vector_store %arg10[%swap3A_829, %swap3A_830], %swap3A_833 {strides = array<i32>} : memref<8x128xf32, #tpu.memory_space<vmem>>, vector<1x16xf32>,
      %swap3A_834 = arith.constant 6 : i32
      %swap3A_835 = arith.index_cast %swap3A_834 : i32 to index
      %swap3A_836 = arith.constant 96 : index
      %swap3A_837 = tpu.vector_load %arg10[%swap3A_835, %swap3A_836] {strides = array<i32>} : memref<8x128xf32, #tpu.memory_space<vmem>>, vector<1x16xf32>,
      %swap3A_838 = vector.shape_cast %swap3A_837 : vector<1x16xf32> to vector<16xf32>
      %swap3A_839 = vector.shape_cast %parallel_loop3A_797#6 : vector<16xf32> to vector<1x16xf32>
      tpu.vector_store %arg10[%swap3A_835, %swap3A_836], %swap3A_839 {strides = array<i32>} : memref<8x128xf32, #tpu.memory_space<vmem>>, vector<1x16xf32>,
      %swap3A_840 = arith.constant 6 : i32
      %swap3A_841 = arith.index_cast %swap3A_840 : i32 to index
      %swap3A_842 = arith.constant 112 : index
      %swap3A_843 = tpu.vector_load %arg10[%swap3A_841, %swap3A_842] {strides = array<i32>} : memref<8x128xf32, #tpu.memory_space<vmem>>, vector<1x16xf32>,
      %swap3A_844 = vector.shape_cast %swap3A_843 : vector<1x16xf32> to vector<16xf32>
      %swap3A_845 = vector.shape_cast %parallel_loop3A_797#7 : vector<16xf32> to vector<1x16xf32>
      tpu.vector_store %arg10[%swap3A_841, %swap3A_842], %swap3A_845 {strides = array<i32>} : memref<8x128xf32, #tpu.memory_space<vmem>>, vector<1x16xf32>,
      %get3A_846 = arith.constant 50 : i32
      %get3A_847 = arith.index_cast %get3A_846 : i32 to index
      %get3A_848 = arith.constant 0 : index
      %get3A_849 = tpu.vector_load %arg9[%get3A_847, %get3A_848] {strides = array<i32>} : memref<100x128xf32, #tpu.memory_space<vmem>>, vector<1x16xf32>,
      %get3A_850 = vector.shape_cast %get3A_849 : vector<1x16xf32> to vector<16xf32>
      %get3A_851 = arith.constant 50 : i32
      %get3A_852 = arith.index_cast %get3A_851 : i32 to index
      %get3A_853 = arith.constant 16 : index
      %get3A_854 = tpu.vector_load %arg9[%get3A_852, %get3A_853] {strides = array<i32>} : memref<100x128xf32, #tpu.memory_space<vmem>>, vector<1x16xf32>,
      %get3A_855 = vector.shape_cast %get3A_854 : vector<1x16xf32> to vector<16xf32>
      %get3A_856 = arith.constant 50 : i32
      %get3A_857 = arith.index_cast %get3A_856 : i32 to index
      %get3A_858 = arith.constant 32 : index
      %get3A_859 = tpu.vector_load %arg9[%get3A_857, %get3A_858] {strides = array<i32>} : memref<100x128xf32, #tpu.memory_space<vmem>>, vector<1x16xf32>,
      %get3A_860 = vector.shape_cast %get3A_859 : vector<1x16xf32> to vector<16xf32>
      %get3A_861 = arith.constant 50 : i32
      %get3A_862 = arith.index_cast %get3A_861 : i32 to index
      %get3A_863 = arith.constant 48 : index
      %get3A_864 = tpu.vector_load %arg9[%get3A_862, %get3A_863] {strides = array<i32>} : memref<100x128xf32, #tpu.memory_space<vmem>>, vector<1x16xf32>,
      %get3A_865 = vector.shape_cast %get3A_864 : vector<1x16xf32> to vector<16xf32>
      %get3A_866 = arith.constant 50 : i32
      %get3A_867 = arith.index_cast %get3A_866 : i32 to index
      %get3A_868 = arith.constant 64 : index
      %get3A_869 = tpu.vector_load %arg9[%get3A_867, %get3A_868] {strides = array<i32>} : memref<100x128xf32, #tpu.memory_space<vmem>>, vector<1x16xf32>,
      %get3A_870 = vector.shape_cast %get3A_869 : vector<1x16xf32> to vector<16xf32>
      %get3A_871 = arith.constant 50 : i32
      %get3A_872 = arith.index_cast %get3A_871 : i32 to index
      %get3A_873 = arith.constant 80 : index
      %get3A_874 = tpu.vector_load %arg9[%get3A_872, %get3A_873] {strides = array<i32>} : memref<100x128xf32, #tpu.memory_space<vmem>>, vector<1x16xf32>,
      %get3A_875 = vector.shape_cast %get3A_874 : vector<1x16xf32> to vector<16xf32>
      %get3A_876 = arith.constant 50 : i32
      %get3A_877 = arith.index_cast %get3A_876 : i32 to index
      %get3A_878 = arith.constant 96 : index
      %get3A_879 = tpu.vector_load %arg9[%get3A_877, %get3A_878] {strides = array<i32>} : memref<100x128xf32, #tpu.memory_space<vmem>>, vector<1x16xf32>,
      %get3A_880 = vector.shape_cast %get3A_879 : vector<1x16xf32> to vector<16xf32>
      %get3A_881 = arith.constant 50 : i32
      %get3A_882 = arith.index_cast %get3A_881 : i32 to index
      %get3A_883 = arith.constant 112 : index
      %get3A_884 = tpu.vector_load %arg9[%get3A_882, %get3A_883] {strides = array<i32>} : memref<100x128xf32, #tpu.memory_space<vmem>>, vector<1x16xf32>,
      %get3A_885 = vector.shape_cast %get3A_884 : vector<1x16xf32> to vector<16xf32>
      %parallel_loop3A_886 = arith.constant 51 : i32
      %parallel_loop3A_887 = arith.constant 100 : i32
      %parallel_loop3A_888 = arith.constant 1 : i32
      %parallel_loop3A_889:8 = scf.for %parallel_loop3A_958 = %parallel_loop3A_886 to %parallel_loop3A_887 step %parallel_loop3A_888 iter_args(%parallel_loop3A_959 = %get3A_850, %parallel_loop3A_960 = %get3A_855, %parallel_loop3A_961 = %get3A_860, %parallel_loop3A_962 = %get3A_865, %parallel_loop3A_963 = %get3A_870, %parallel_loop3A_964 = %get3A_875, %parallel_loop3A_965 = %get3A_880, %parallel_loop3A_966 = %get3A_885) -> (vector<16xf32>, vector<16xf32>, vector<16xf32>, vector<16xf32>, vector<16xf32>, vector<16xf32>, vector<16xf32>, vector<16xf32>)  : i32 {
        %parallel_loop3A_967 = arith.index_cast %parallel_loop3A_958 : i32 to index
        %parallel_loop3A_968 = arith.constant 0 : index
        %parallel_loop3A_969 = tpu.vector_load %arg9[%parallel_loop3A_967, %parallel_loop3A_968] {strides = array<i32>} : memref<100x128xf32, #tpu.memory_space<vmem>>, vector<1x16xf32>,
        %parallel_loop3A_970 = vector.shape_cast %parallel_loop3A_969 : vector<1x16xf32> to vector<16xf32>
        %parallel_loop3A_971 = arith.addf %parallel_loop3A_959, %parallel_loop3A_970 : vector<16xf32>
        %parallel_loop3A_972 = arith.index_cast %parallel_loop3A_958 : i32 to index
        %parallel_loop3A_973 = arith.constant 16 : index
        %parallel_loop3A_974 = tpu.vector_load %arg9[%parallel_loop3A_972, %parallel_loop3A_973] {strides = array<i32>} : memref<100x128xf32, #tpu.memory_space<vmem>>, vector<1x16xf32>,
        %parallel_loop3A_975 = vector.shape_cast %parallel_loop3A_974 : vector<1x16xf32> to vector<16xf32>
        %parallel_loop3A_976 = arith.addf %parallel_loop3A_960, %parallel_loop3A_975 : vector<16xf32>
        %parallel_loop3A_977 = arith.index_cast %parallel_loop3A_958 : i32 to index
        %parallel_loop3A_978 = arith.constant 32 : index
        %parallel_loop3A_979 = tpu.vector_load %arg9[%parallel_loop3A_977, %parallel_loop3A_978] {strides = array<i32>} : memref<100x128xf32, #tpu.memory_space<vmem>>, vector<1x16xf32>,
        %parallel_loop3A_980 = vector.shape_cast %parallel_loop3A_979 : vector<1x16xf32> to vector<16xf32>
        %parallel_loop3A_981 = arith.addf %parallel_loop3A_961, %parallel_loop3A_980 : vector<16xf32>
        %parallel_loop3A_982 = arith.index_cast %parallel_loop3A_958 : i32 to index
        %parallel_loop3A_983 = arith.constant 48 : index
        %parallel_loop3A_984 = tpu.vector_load %arg9[%parallel_loop3A_982, %parallel_loop3A_983] {strides = array<i32>} : memref<100x128xf32, #tpu.memory_space<vmem>>, vector<1x16xf32>,
        %parallel_loop3A_985 = vector.shape_cast %parallel_loop3A_984 : vector<1x16xf32> to vector<16xf32>
        %parallel_loop3A_986 = arith.addf %parallel_loop3A_962, %parallel_loop3A_985 : vector<16xf32>
        %parallel_loop3A_987 = arith.index_cast %parallel_loop3A_958 : i32 to index
        %parallel_loop3A_988 = arith.constant 64 : index
        %parallel_loop3A_989 = tpu.vector_load %arg9[%parallel_loop3A_987, %parallel_loop3A_988] {strides = array<i32>} : memref<100x128xf32, #tpu.memory_space<vmem>>, vector<1x16xf32>,
        %parallel_loop3A_990 = vector.shape_cast %parallel_loop3A_989 : vector<1x16xf32> to vector<16xf32>
        %parallel_loop3A_991 = arith.addf %parallel_loop3A_963, %parallel_loop3A_990 : vector<16xf32>
        %parallel_loop3A_992 = arith.index_cast %parallel_loop3A_958 : i32 to index
        %parallel_loop3A_993 = arith.constant 80 : index
        %parallel_loop3A_994 = tpu.vector_load %arg9[%parallel_loop3A_992, %parallel_loop3A_993] {strides = array<i32>} : memref<100x128xf32, #tpu.memory_space<vmem>>, vector<1x16xf32>,
        %parallel_loop3A_995 = vector.shape_cast %parallel_loop3A_994 : vector<1x16xf32> to vector<16xf32>
        %parallel_loop3A_996 = arith.addf %parallel_loop3A_964, %parallel_loop3A_995 : vector<16xf32>
        %parallel_loop3A_997 = arith.index_cast %parallel_loop3A_958 : i32 to index
        %parallel_loop3A_998 = arith.constant 96 : index
        %parallel_loop3A_999 = tpu.vector_load %arg9[%parallel_loop3A_997, %parallel_loop3A_998] {strides = array<i32>} : memref<100x128xf32, #tpu.memory_space<vmem>>, vector<1x16xf32>,
        %parallel_loop3A_1000 = vector.shape_cast %parallel_loop3A_999 : vector<1x16xf32> to vector<16xf32>
        %parallel_loop3A_1001 = arith.addf %parallel_loop3A_965, %parallel_loop3A_1000 : vector<16xf32>
        %parallel_loop3A_1002 = arith.index_cast %parallel_loop3A_958 : i32 to index
        %parallel_loop3A_1003 = arith.constant 112 : index
        %parallel_loop3A_1004 = tpu.vector_load %arg9[%parallel_loop3A_1002, %parallel_loop3A_1003] {strides = array<i32>} : memref<100x128xf32, #tpu.memory_space<vmem>>, vector<1x16xf32>,
        %parallel_loop3A_1005 = vector.shape_cast %parallel_loop3A_1004 : vector<1x16xf32> to vector<16xf32>
        %parallel_loop3A_1006 = arith.addf %parallel_loop3A_966, %parallel_loop3A_1005 : vector<16xf32>
        scf.yield %parallel_loop3A_971, %parallel_loop3A_976, %parallel_loop3A_981, %parallel_loop3A_986, %parallel_loop3A_991, %parallel_loop3A_996, %parallel_loop3A_1001, %parallel_loop3A_1006 : vector<16xf32>, vector<16xf32>, vector<16xf32>, vector<16xf32>, vector<16xf32>, vector<16xf32>, vector<16xf32>, vector<16xf32>
      } {sc.loop_unroll_factor = 7 : i64, sc.parallel_access}
      %swap3A_890 = arith.constant 7 : i32
      %swap3A_891 = arith.index_cast %swap3A_890 : i32 to index
      %swap3A_892 = arith.constant 0 : index
      %swap3A_893 = tpu.vector_load %arg10[%swap3A_891, %swap3A_892] {strides = array<i32>} : memref<8x128xf32, #tpu.memory_space<vmem>>, vector<1x16xf32>,
      %swap3A_894 = vector.shape_cast %swap3A_893 : vector<1x16xf32> to vector<16xf32>
      %swap3A_895 = vector.shape_cast %parallel_loop3A_889#0 : vector<16xf32> to vector<1x16xf32>
      tpu.vector_store %arg10[%swap3A_891, %swap3A_892], %swap3A_895 {strides = array<i32>} : memref<8x128xf32, #tpu.memory_space<vmem>>, vector<1x16xf32>,
      %swap3A_896 = arith.constant 7 : i32
      %swap3A_897 = arith.index_cast %swap3A_896 : i32 to index
      %swap3A_898 = arith.constant 16 : index
      %swap3A_899 = tpu.vector_load %arg10[%swap3A_897, %swap3A_898] {strides = array<i32>} : memref<8x128xf32, #tpu.memory_space<vmem>>, vector<1x16xf32>,
      %swap3A_900 = vector.shape_cast %swap3A_899 : vector<1x16xf32> to vector<16xf32>
      %swap3A_901 = vector.shape_cast %parallel_loop3A_889#1 : vector<16xf32> to vector<1x16xf32>
      tpu.vector_store %arg10[%swap3A_897, %swap3A_898], %swap3A_901 {strides = array<i32>} : memref<8x128xf32, #tpu.memory_space<vmem>>, vector<1x16xf32>,
      %swap3A_902 = arith.constant 7 : i32
      %swap3A_903 = arith.index_cast %swap3A_902 : i32 to index
      %swap3A_904 = arith.constant 32 : index
      %swap3A_905 = tpu.vector_load %arg10[%swap3A_903, %swap3A_904] {strides = array<i32>} : memref<8x128xf32, #tpu.memory_space<vmem>>, vector<1x16xf32>,
      %swap3A_906 = vector.shape_cast %swap3A_905 : vector<1x16xf32> to vector<16xf32>
      %swap3A_907 = vector.shape_cast %parallel_loop3A_889#2 : vector<16xf32> to vector<1x16xf32>
      tpu.vector_store %arg10[%swap3A_903, %swap3A_904], %swap3A_907 {strides = array<i32>} : memref<8x128xf32, #tpu.memory_space<vmem>>, vector<1x16xf32>,
      %swap3A_908 = arith.constant 7 : i32
      %swap3A_909 = arith.index_cast %swap3A_908 : i32 to index
      %swap3A_910 = arith.constant 48 : index
      %swap3A_911 = tpu.vector_load %arg10[%swap3A_909, %swap3A_910] {strides = array<i32>} : memref<8x128xf32, #tpu.memory_space<vmem>>, vector<1x16xf32>,
      %swap3A_912 = vector.shape_cast %swap3A_911 : vector<1x16xf32> to vector<16xf32>
      %swap3A_913 = vector.shape_cast %parallel_loop3A_889#3 : vector<16xf32> to vector<1x16xf32>
      tpu.vector_store %arg10[%swap3A_909, %swap3A_910], %swap3A_913 {strides = array<i32>} : memref<8x128xf32, #tpu.memory_space<vmem>>, vector<1x16xf32>,
      %swap3A_914 = arith.constant 7 : i32
      %swap3A_915 = arith.index_cast %swap3A_914 : i32 to index
      %swap3A_916 = arith.constant 64 : index
      %swap3A_917 = tpu.vector_load %arg10[%swap3A_915, %swap3A_916] {strides = array<i32>} : memref<8x128xf32, #tpu.memory_space<vmem>>, vector<1x16xf32>,
      %swap3A_918 = vector.shape_cast %swap3A_917 : vector<1x16xf32> to vector<16xf32>
      %swap3A_919 = vector.shape_cast %parallel_loop3A_889#4 : vector<16xf32> to vector<1x16xf32>
      tpu.vector_store %arg10[%swap3A_915, %swap3A_916], %swap3A_919 {strides = array<i32>} : memref<8x128xf32, #tpu.memory_space<vmem>>, vector<1x16xf32>,
      %swap3A_920 = arith.constant 7 : i32
      %swap3A_921 = arith.index_cast %swap3A_920 : i32 to index
      %swap3A_922 = arith.constant 80 : index
      %swap3A_923 = tpu.vector_load %arg10[%swap3A_921, %swap3A_922] {strides = array<i32>} : memref<8x128xf32, #tpu.memory_space<vmem>>, vector<1x16xf32>,
      %swap3A_924 = vector.shape_cast %swap3A_923 : vector<1x16xf32> to vector<16xf32>
      %swap3A_925 = vector.shape_cast %parallel_loop3A_889#5 : vector<16xf32> to vector<1x16xf32>
      tpu.vector_store %arg10[%swap3A_921, %swap3A_922], %swap3A_925 {strides = array<i32>} : memref<8x128xf32, #tpu.memory_space<vmem>>, vector<1x16xf32>,
      %swap3A_926 = arith.constant 7 : i32
      %swap3A_927 = arith.index_cast %swap3A_926 : i32 to index
      %swap3A_928 = arith.constant 96 : index
      %swap3A_929 = tpu.vector_load %arg10[%swap3A_927, %swap3A_928] {strides = array<i32>} : memref<8x128xf32, #tpu.memory_space<vmem>>, vector<1x16xf32>,
      %swap3A_930 = vector.shape_cast %swap3A_929 : vector<1x16xf32> to vector<16xf32>
      %swap3A_931 = vector.shape_cast %parallel_loop3A_889#6 : vector<16xf32> to vector<1x16xf32>
      tpu.vector_store %arg10[%swap3A_927, %swap3A_928], %swap3A_931 {strides = array<i32>} : memref<8x128xf32, #tpu.memory_space<vmem>>, vector<1x16xf32>,
      %swap3A_932 = arith.constant 7 : i32
      %swap3A_933 = arith.index_cast %swap3A_932 : i32 to index
      %swap3A_934 = arith.constant 112 : index
      %swap3A_935 = tpu.vector_load %arg10[%swap3A_933, %swap3A_934] {strides = array<i32>} : memref<8x128xf32, #tpu.memory_space<vmem>>, vector<1x16xf32>,
      %swap3A_936 = vector.shape_cast %swap3A_935 : vector<1x16xf32> to vector<16xf32>
      %swap3A_937 = vector.shape_cast %parallel_loop3A_889#7 : vector<16xf32> to vector<1x16xf32>
      tpu.vector_store %arg10[%swap3A_933, %swap3A_934], %swap3A_937 {strides = array<i32>} : memref<8x128xf32, #tpu.memory_space<vmem>>, vector<1x16xf32>,
      %mul3A_938 = arith.constant 2 : i32
      %mul3A_939 = arith.muli %mul3A_938, %add3A_741 : i32
      %add3A_940 = arith.addi %mul3A_4, %mul3A_939 : i32
      %dma_start3A_941 = arith.constant 6 : i32
      %dma_start3A_942 = arith.constant 0 : i32
      %dma_start3A_943 = tpu.memref_slice %arg10[%dma_start3A_941, %dma_start3A_942] : memref<8x128xf32, #tpu.memory_space<vmem>> -> memref<2x128xf32, #tpu.memory_space<vmem>>
      %dma_start3A_944 = arith.constant 0 : i32
      %dma_start3A_945 = tpu.memref_slice %arg4[%add3A_940, %dma_start3A_944] : memref<8192x128xf32, #tpu.memory_space<hbm>> -> memref<2x128xf32, #tpu.memory_space<hbm>>
      %dma_start3A_946 = arith.constant 0 : i32
      %dma_start3A_947 = tpu.memref_slice %arg4[%add3A_940, %dma_start3A_946] : memref<8192x128xf32, #tpu.memory_space<hbm>> -> memref<2x128xf32, #tpu.memory_space<hbm>>
      %dma_start3A_948 = arith.constant 6 : i32
      %dma_start3A_949 = arith.constant 0 : i32
      %dma_start3A_950 = tpu.memref_slice %arg10[%dma_start3A_948, %dma_start3A_949] : memref<8x128xf32, #tpu.memory_space<vmem>> -> memref<2x128xf32, #tpu.memory_space<vmem>>
      tpu.enqueue_dma source(%dma_start3A_950 : memref<2x128xf32, #tpu.memory_space<vmem>>) target(%dma_start3A_947 : memref<2x128xf32, #tpu.memory_space<hbm>>) target_semaphore(%arg18 : memref<!tpu.dma_semaphore, #tpu.memory_space<semaphore_mem>>)
      %add3A_951 = arith.constant 4 : i32
      %add3A_952 = arith.addi %add3A_741, %add3A_951 : i32
      %lt3A_953 = arith.constant 128 : i32
      %lt3A_954 = arith.cmpi slt, %add3A_952, %lt3A_953 : i32
      %convert_element_type3A_955 = arith.extui %lt3A_954 : i1 to i32
      %cond3A_956 = arith.constant 0 : i32
      %cond3A_957 = arith.cmpi ne, %convert_element_type3A_955, %cond3A_956 : i32
      scf.if %cond3A_957 {
        %dma_start3A_958 = arith.constant 0 : i32
        %dma_start3A_959 = tpu.memref_slice %arg5[%add3A_952, %dma_start3A_958] : memref<128x100xi32, #tpu.memory_space<vmem>> -> memref<1x100xi32, #tpu.memory_space<vmem>>
        %dma_start3A_960 = tpu.memref_squeeze %dma_start3A_959 : memref<1x100xi32, #tpu.memory_space<vmem>> -> memref<100xi32, #tpu.memory_space<vmem>>
        %dma_start3A_961 = arith.constant 0 : i32
        %dma_start3A_962 = arith.constant 0 : i32
        %dma_start3A_963 = tpu.memref_slice %arg3[%dma_start3A_961, %dma_start3A_962] : memref<100000x128xf32, #tpu.memory_space<hbm>> -> memref<100000x128xf32, #tpu.memory_space<hbm>>
        tpu.enqueue_indirect_dma source(%dma_start3A_963 : memref<100000x128xf32, #tpu.memory_space<hbm>>) target(%arg9 : memref<100x128xf32, #tpu.memory_space<vmem>>) offsets(%dma_start3A_960 : memref<100xi32, #tpu.memory_space<vmem>>) semaphore(%arg14 : memref<!tpu.dma_semaphore, #tpu.memory_space<semaphore_mem>>)
      } else {
      }
    }
    %scan3A_36 = arith.constant 32 : i32
    %dma_wait3A = arith.constant 0 : i32
    %dma_wait3A_37 = arith.constant 0 : i32
    %dma_wait3A_38 = tpu.memref_slice %arg10[%dma_wait3A, %dma_wait3A_37] : memref<8x128xf32, #tpu.memory_space<vmem>> -> memref<2x128xf32, #tpu.memory_space<vmem>>
    %dma_wait3A_39 = arith.constant 0 : i32
    %dma_wait3A_40 = arith.constant 0 : i32
    %dma_wait3A_41 = tpu.memref_slice %arg4[%dma_wait3A_39, %dma_wait3A_40] : memref<8192x128xf32, #tpu.memory_space<hbm>> -> memref<2x128xf32, #tpu.memory_space<hbm>>
    %dma_wait3A_42 = arith.constant 0 : i32
    %dma_wait3A_43 = arith.constant 0 : i32
    %dma_wait3A_44 = tpu.memref_slice %arg4[%dma_wait3A_42, %dma_wait3A_43] : memref<8192x128xf32, #tpu.memory_space<hbm>> -> memref<2x128xf32, #tpu.memory_space<hbm>>
    %dma_wait3A_45 = arith.constant 0 : i32
    %dma_wait3A_46 = arith.constant 0 : i32
    %dma_wait3A_47 = tpu.memref_slice %arg10[%dma_wait3A_45, %dma_wait3A_46] : memref<8x128xf32, #tpu.memory_space<vmem>> -> memref<2x128xf32, #tpu.memory_space<vmem>>
    tpu.wait_dma2 semaphore(%arg15 : memref<!tpu.dma_semaphore, #tpu.memory_space<semaphore_mem>>) src(%dma_wait3A_47 : memref<2x128xf32, #tpu.memory_space<vmem>>) dst(%dma_wait3A_44 : memref<2x128xf32, #tpu.memory_space<hbm>>)
    %dma_wait3A_48 = arith.constant 2 : i32
    %dma_wait3A_49 = arith.constant 0 : i32
    %dma_wait3A_50 = tpu.memref_slice %arg10[%dma_wait3A_48, %dma_wait3A_49] : memref<8x128xf32, #tpu.memory_space<vmem>> -> memref<2x128xf32, #tpu.memory_space<vmem>>
    %dma_wait3A_51 = arith.constant 0 : i32
    %dma_wait3A_52 = arith.constant 0 : i32
    %dma_wait3A_53 = tpu.memref_slice %arg4[%dma_wait3A_51, %dma_wait3A_52] : memref<8192x128xf32, #tpu.memory_space<hbm>> -> memref<2x128xf32, #tpu.memory_space<hbm>>
    %dma_wait3A_54 = arith.constant 0 : i32
    %dma_wait3A_55 = arith.constant 0 : i32
    %dma_wait3A_56 = tpu.memref_slice %arg4[%dma_wait3A_54, %dma_wait3A_55] : memref<8192x128xf32, #tpu.memory_space<hbm>> -> memref<2x128xf32, #tpu.memory_space<hbm>>
    %dma_wait3A_57 = arith.constant 2 : i32
    %dma_wait3A_58 = arith.constant 0 : i32
    %dma_wait3A_59 = tpu.memref_slice %arg10[%dma_wait3A_57, %dma_wait3A_58] : memref<8x128xf32, #tpu.memory_space<vmem>> -> memref<2x128xf32, #tpu.memory_space<vmem>>
    tpu.wait_dma2 semaphore(%arg16 : memref<!tpu.dma_semaphore, #tpu.memory_space<semaphore_mem>>) src(%dma_wait3A_59 : memref<2x128xf32, #tpu.memory_space<vmem>>) dst(%dma_wait3A_56 : memref<2x128xf32, #tpu.memory_space<hbm>>)
    %dma_wait3A_60 = arith.constant 4 : i32
    %dma_wait3A_61 = arith.constant 0 : i32
    %dma_wait3A_62 = tpu.memref_slice %arg10[%dma_wait3A_60, %dma_wait3A_61] : memref<8x128xf32, #tpu.memory_space<vmem>> -> memref<2x128xf32, #tpu.memory_space<vmem>>
    %dma_wait3A_63 = arith.constant 0 : i32
    %dma_wait3A_64 = arith.constant 0 : i32
    %dma_wait3A_65 = tpu.memref_slice %arg4[%dma_wait3A_63, %dma_wait3A_64] : memref<8192x128xf32, #tpu.memory_space<hbm>> -> memref<2x128xf32, #tpu.memory_space<hbm>>
    %dma_wait3A_66 = arith.constant 0 : i32
    %dma_wait3A_67 = arith.constant 0 : i32
    %dma_wait3A_68 = tpu.memref_slice %arg4[%dma_wait3A_66, %dma_wait3A_67] : memref<8192x128xf32, #tpu.memory_space<hbm>> -> memref<2x128xf32, #tpu.memory_space<hbm>>
    %dma_wait3A_69 = arith.constant 4 : i32
    %dma_wait3A_70 = arith.constant 0 : i32
    %dma_wait3A_71 = tpu.memref_slice %arg10[%dma_wait3A_69, %dma_wait3A_70] : memref<8x128xf32, #tpu.memory_space<vmem>> -> memref<2x128xf32, #tpu.memory_space<vmem>>
    tpu.wait_dma2 semaphore(%arg17 : memref<!tpu.dma_semaphore, #tpu.memory_space<semaphore_mem>>) src(%dma_wait3A_71 : memref<2x128xf32, #tpu.memory_space<vmem>>) dst(%dma_wait3A_68 : memref<2x128xf32, #tpu.memory_space<hbm>>)
    %dma_wait3A_72 = arith.constant 6 : i32
    %dma_wait3A_73 = arith.constant 0 : i32
    %dma_wait3A_74 = tpu.memref_slice %arg10[%dma_wait3A_72, %dma_wait3A_73] : memref<8x128xf32, #tpu.memory_space<vmem>> -> memref<2x128xf32, #tpu.memory_space<vmem>>
    %dma_wait3A_75 = arith.constant 0 : i32
    %dma_wait3A_76 = arith.constant 0 : i32
    %dma_wait3A_77 = tpu.memref_slice %arg4[%dma_wait3A_75, %dma_wait3A_76] : memref<8192x128xf32, #tpu.memory_space<hbm>> -> memref<2x128xf32, #tpu.memory_space<hbm>>
    %dma_wait3A_78 = arith.constant 0 : i32
    %dma_wait3A_79 = arith.constant 0 : i32
    %dma_wait3A_80 = tpu.memref_slice %arg4[%dma_wait3A_78, %dma_wait3A_79] : memref<8192x128xf32, #tpu.memory_space<hbm>> -> memref<2x128xf32, #tpu.memory_space<hbm>>
    %dma_wait3A_81 = arith.constant 6 : i32
    %dma_wait3A_82 = arith.constant 0 : i32
    %dma_wait3A_83 = tpu.memref_slice %arg10[%dma_wait3A_81, %dma_wait3A_82] : memref<8x128xf32, #tpu.memory_space<vmem>> -> memref<2x128xf32, #tpu.memory_space<vmem>>
    tpu.wait_dma2 semaphore(%arg18 : memref<!tpu.dma_semaphore, #tpu.memory_space<semaphore_mem>>) src(%dma_wait3A_83 : memref<2x128xf32, #tpu.memory_space<vmem>>) dst(%dma_wait3A_80 : memref<2x128xf32, #tpu.memory_space<hbm>>)
    return
  }
}

#map = affine_map<(d0, d1) -> (0, 0)>
module attributes {stable_mosaic.version = 14 : i64} {
  func.func @_pool_body(%arg0: i32, %arg1: i32, %arg2: memref<4096x100xi32, #tpu.memory_space<hbm>>, %arg3: memref<100000x128xf32, #tpu.memory_space<hbm>>, %arg4: memref<8192x128xf32, #tpu.memory_space<hbm>>, %arg5: memref<128x100xi32, #tpu.memory_space<vmem>>, %arg6: memref<100x128xf32, #tpu.memory_space<vmem>>, %arg7: memref<100x128xf32, #tpu.memory_space<vmem>>, %arg8: memref<100x128xf32, #tpu.memory_space<vmem>>, %arg9: memref<100x128xf32, #tpu.memory_space<vmem>>, %arg10: memref<8x128xf32, #tpu.memory_space<vmem>>, %arg11: memref<!tpu.dma_semaphore, #tpu.memory_space<semaphore_mem>>, %arg12: memref<!tpu.dma_semaphore, #tpu.memory_space<semaphore_mem>>, %arg13: memref<!tpu.dma_semaphore, #tpu.memory_space<semaphore_mem>>, %arg14: memref<!tpu.dma_semaphore, #tpu.memory_space<semaphore_mem>>, %arg15: memref<!tpu.dma_semaphore, #tpu.memory_space<semaphore_mem>>, %arg16: memref<!tpu.dma_semaphore, #tpu.memory_space<semaphore_mem>>, %arg17: memref<!tpu.dma_semaphore, #tpu.memory_space<semaphore_mem>>, %arg18: memref<!tpu.dma_semaphore, #tpu.memory_space<semaphore_mem>>) attributes {dimension_semantics = [#tpu.dimension_semantics<core_parallel>, #tpu.dimension_semantics<subcore_parallel>], iteration_bounds = array<i64: 2, 16>, scalar_prefetch = 0 : i64, scratch_operands = 14 : i64, tpu.core_type = #tpu.core_type<sc_vector_subcore>, window_params = [{transform_indices = #map}, {transform_indices = #map}, {transform_indices = #map}]} {
    %mul3A = arith.constant 2 : i32
    %mul3A_0 = arith.muli %arg1, %mul3A : i32
    %add3A = arith.addi %mul3A_0, %arg0 : i32
    %mul3A_1 = arith.constant 128 : i32
    %mul3A_2 = arith.muli %add3A, %mul3A_1 : i32
    %mul3A_3 = arith.constant 256 : i32
    %mul3A_4 = arith.muli %add3A, %mul3A_3 : i32
    "tpu.region"() ({
      %run_scoped3A = tpu.sem_alloc : memref<!tpu.dma_semaphore, #tpu.memory_space<semaphore_mem>>
      %dma_start3A_84 = arith.constant 0 : i32
      %dma_start3A_85 = tpu.memref_slice %arg2[%mul3A_2, %dma_start3A_84] : memref<4096x100xi32, #tpu.memory_space<hbm>> -> memref<128x100xi32, #tpu.memory_space<hbm>>
      %dma_start3A_86 = arith.constant 0 : i32
      %dma_start3A_87 = tpu.memref_slice %arg2[%mul3A_2, %dma_start3A_86] : memref<4096x100xi32, #tpu.memory_space<hbm>> -> memref<128x100xi32, #tpu.memory_space<hbm>>
      tpu.enqueue_dma source(%dma_start3A_87 : memref<128x100xi32, #tpu.memory_space<hbm>>) target(%arg5 : memref<128x100xi32, #tpu.memory_space<vmem>>) target_semaphore(%run_scoped3A : memref<!tpu.dma_semaphore, #tpu.memory_space<semaphore_mem>>)
      %dma_wait3A_88 = arith.constant 0 : i32
      %dma_wait3A_89 = tpu.memref_slice %arg2[%mul3A_2, %dma_wait3A_88] : memref<4096x100xi32, #tpu.memory_space<hbm>> -> memref<128x100xi32, #tpu.memory_space<hbm>>
      %dma_wait3A_90 = arith.constant 0 : i32
      %dma_wait3A_91 = tpu.memref_slice %arg2[%mul3A_2, %dma_wait3A_90] : memref<4096x100xi32, #tpu.memory_space<hbm>> -> memref<128x100xi32, #tpu.memory_space<hbm>>
      tpu.wait_dma2 semaphore(%run_scoped3A : memref<!tpu.dma_semaphore, #tpu.memory_space<semaphore_mem>>) src(%dma_wait3A_91 : memref<128x100xi32, #tpu.memory_space<hbm>>) dst(%arg5 : memref<128x100xi32, #tpu.memory_space<vmem>>)
      tpu.yield
    }) : () -> ()
    %dma_start3A = arith.constant 0 : i32
    %dma_start3A_5 = arith.constant 0 : i32
    %dma_start3A_6 = tpu.memref_slice %arg5[%dma_start3A, %dma_start3A_5] : memref<128x100xi32, #tpu.memory_space<vmem>> -> memref<1x100xi32, #tpu.memory_space<vmem>>
    %dma_start3A_7 = tpu.memref_squeeze %dma_start3A_6 : memref<1x100xi32, #tpu.memory_space<vmem>> -> memref<100xi32, #tpu.memory_space<vmem>>
    %dma_start3A_8 = arith.constant 0 : i32
    %dma_start3A_9 = arith.constant 0 : i32
    %dma_start3A_10 = tpu.memref_slice %arg3[%dma_start3A_8, %dma_start3A_9] : memref<100000x128xf32, #tpu.memory_space<hbm>> -> memref<100000x128xf32, #tpu.memory_space<hbm>>
    tpu.enqueue_indirect_dma source(%dma_start3A_10 : memref<100000x128xf32, #tpu.memory_space<hbm>>) target(%arg6 : memref<100x128xf32, #tpu.memory_space<vmem>>) offsets(%dma_start3A_7 : memref<100xi32, #tpu.memory_space<vmem>>) semaphore(%arg11 : memref<!tpu.dma_semaphore, #tpu.memory_space<semaphore_mem>>)
    %dma_start3A_11 = arith.constant 1 : i32
    %dma_start3A_12 = arith.constant 0 : i32
    %dma_start3A_13 = tpu.memref_slice %arg5[%dma_start3A_11, %dma_start3A_12] : memref<128x100xi32, #tpu.memory_space<vmem>> -> memref<1x100xi32, #tpu.memory_space<vmem>>
    %dma_start3A_14 = tpu.memref_squeeze %dma_start3A_13 : memref<1x100xi32, #tpu.memory_space<vmem>> -> memref<100xi32, #tpu.memory_space<vmem>>
    %dma_start3A_15 = arith.constant 0 : i32
    %dma_start3A_16 = arith.constant 0 : i32
    %dma_start3A_17 = tpu.memref_slice %arg3[%dma_start3A_15, %dma_start3A_16] : memref<100000x128xf32, #tpu.memory_space<hbm>> -> memref<100000x128xf32, #tpu.memory_space<hbm>>
    tpu.enqueue_indirect_dma source(%dma_start3A_17 : memref<100000x128xf32, #tpu.memory_space<hbm>>) target(%arg7 : memref<100x128xf32, #tpu.memory_space<vmem>>) offsets(%dma_start3A_14 : memref<100xi32, #tpu.memory_space<vmem>>) semaphore(%arg12 : memref<!tpu.dma_semaphore, #tpu.memory_space<semaphore_mem>>)
    %dma_start3A_18 = arith.constant 2 : i32
    %dma_start3A_19 = arith.constant 0 : i32
    %dma_start3A_20 = tpu.memref_slice %arg5[%dma_start3A_18, %dma_start3A_19] : memref<128x100xi32, #tpu.memory_space<vmem>> -> memref<1x100xi32, #tpu.memory_space<vmem>>
    %dma_start3A_21 = tpu.memref_squeeze %dma_start3A_20 : memref<1x100xi32, #tpu.memory_space<vmem>> -> memref<100xi32, #tpu.memory_space<vmem>>
    %dma_start3A_22 = arith.constant 0 : i32
    %dma_start3A_23 = arith.constant 0 : i32
    %dma_start3A_24 = tpu.memref_slice %arg3[%dma_start3A_22, %dma_start3A_23] : memref<100000x128xf32, #tpu.memory_space<hbm>> -> memref<100000x128xf32, #tpu.memory_space<hbm>>
    tpu.enqueue_indirect_dma source(%dma_start3A_24 : memref<100000x128xf32, #tpu.memory_space<hbm>>) target(%arg8 : memref<100x128xf32, #tpu.memory_space<vmem>>) offsets(%dma_start3A_21 : memref<100xi32, #tpu.memory_space<vmem>>) semaphore(%arg13 : memref<!tpu.dma_semaphore, #tpu.memory_space<semaphore_mem>>)
    %dma_start3A_25 = arith.constant 3 : i32
    %dma_start3A_26 = arith.constant 0 : i32
    %dma_start3A_27 = tpu.memref_slice %arg5[%dma_start3A_25, %dma_start3A_26] : memref<128x100xi32, #tpu.memory_space<vmem>> -> memref<1x100xi32, #tpu.memory_space<vmem>>
    %dma_start3A_28 = tpu.memref_squeeze %dma_start3A_27 : memref<1x100xi32, #tpu.memory_space<vmem>> -> memref<100xi32, #tpu.memory_space<vmem>>
    %dma_start3A_29 = arith.constant 0 : i32
    %dma_start3A_30 = arith.constant 0 : i32
    %dma_start3A_31 = tpu.memref_slice %arg3[%dma_start3A_29, %dma_start3A_30] : memref<100000x128xf32, #tpu.memory_space<hbm>> -> memref<100000x128xf32, #tpu.memory_space<hbm>>
    tpu.enqueue_indirect_dma source(%dma_start3A_31 : memref<100000x128xf32, #tpu.memory_space<hbm>>) target(%arg9 : memref<100x128xf32, #tpu.memory_space<vmem>>) offsets(%dma_start3A_28 : memref<100xi32, #tpu.memory_space<vmem>>) semaphore(%arg14 : memref<!tpu.dma_semaphore, #tpu.memory_space<semaphore_mem>>)
    %scan3A = arith.constant 0 : i32
    %scan3A_32 = arith.constant 0 : i32
    %scan3A_33 = arith.constant 32 : i32
    %scan3A_34 = arith.addi %scan3A_32, %scan3A_33 : i32
    %scan3A_35 = arith.constant 1 : i32
    scf.for %scan3A_84 = %scan3A_32 to %scan3A_34 step %scan3A_35  : i32 {
      %mul3A_85 = arith.constant 4 : i32
      %mul3A_86 = arith.muli %mul3A_85, %scan3A_84 : i32
      %add3A_87 = arith.constant 0 : i32
      %add3A_88 = arith.addi %mul3A_86, %add3A_87 : i32
      %dma_wait3A_89 = arith.constant 0 : i32
      %dma_wait3A_90 = arith.constant 0 : i32
      %dma_wait3A_91 = tpu.memref_slice %arg5[%dma_wait3A_89, %dma_wait3A_90] : memref<128x100xi32, #tpu.memory_space<vmem>> -> memref<1x100xi32, #tpu.memory_space<vmem>>
      %dma_wait3A_92 = tpu.memref_squeeze %dma_wait3A_91 : memref<1x100xi32, #tpu.memory_space<vmem>> -> memref<100xi32, #tpu.memory_space<vmem>>
      %dma_wait3A_93 = arith.constant 0 : i32
      %dma_wait3A_94 = arith.constant 0 : i32
      %dma_wait3A_95 = tpu.memref_slice %arg3[%dma_wait3A_93, %dma_wait3A_94] : memref<100000x128xf32, #tpu.memory_space<hbm>> -> memref<100000x128xf32, #tpu.memory_space<hbm>>
      tpu.wait_indirect_dma semaphore(%arg11 : memref<!tpu.dma_semaphore, #tpu.memory_space<semaphore_mem>>) src(%dma_wait3A_95 : memref<100000x128xf32, #tpu.memory_space<hbm>>) dst(%arg6 : memref<100x128xf32, #tpu.memory_space<vmem>>)
      %ge3A = arith.constant 1 : i32
      %ge3A_96 = arith.cmpi sge, %scan3A_84, %ge3A : i32
      %convert_element_type3A = arith.extui %ge3A_96 : i1 to i32
      %cond3A = arith.constant 0 : i32
      %cond3A_97 = arith.cmpi ne, %convert_element_type3A, %cond3A : i32
      scf.if %cond3A_97 {
        %dma_wait3A_958 = arith.constant 0 : i32
        %dma_wait3A_959 = arith.constant 0 : i32
        %dma_wait3A_960 = tpu.memref_slice %arg10[%dma_wait3A_958, %dma_wait3A_959] : memref<8x128xf32, #tpu.memory_space<vmem>> -> memref<2x128xf32, #tpu.memory_space<vmem>>
        %dma_wait3A_961 = arith.constant 0 : i32
        %dma_wait3A_962 = arith.constant 0 : i32
        %dma_wait3A_963 = tpu.memref_slice %arg4[%dma_wait3A_961, %dma_wait3A_962] : memref<8192x128xf32, #tpu.memory_space<hbm>> -> memref<2x128xf32, #tpu.memory_space<hbm>>
        %dma_wait3A_964 = arith.constant 0 : i32
        %dma_wait3A_965 = arith.constant 0 : i32
        %dma_wait3A_966 = tpu.memref_slice %arg4[%dma_wait3A_964, %dma_wait3A_965] : memref<8192x128xf32, #tpu.memory_space<hbm>> -> memref<2x128xf32, #tpu.memory_space<hbm>>
        %dma_wait3A_967 = arith.constant 0 : i32
        %dma_wait3A_968 = arith.constant 0 : i32
        %dma_wait3A_969 = tpu.memref_slice %arg10[%dma_wait3A_967, %dma_wait3A_968] : memref<8x128xf32, #tpu.memory_space<vmem>> -> memref<2x128xf32, #tpu.memory_space<vmem>>
        tpu.wait_dma2 semaphore(%arg15 : memref<!tpu.dma_semaphore, #tpu.memory_space<semaphore_mem>>) src(%dma_wait3A_969 : memref<2x128xf32, #tpu.memory_space<vmem>>) dst(%dma_wait3A_966 : memref<2x128xf32, #tpu.memory_space<hbm>>)
      } else {
      }
      %get3A = arith.constant 0 : i32
      %get3A_98 = arith.index_cast %get3A : i32 to index
      %get3A_99 = arith.constant 0 : index
      %get3A_100 = tpu.vector_load %arg6[%get3A_98, %get3A_99] {strides = array<i32>} : memref<100x128xf32, #tpu.memory_space<vmem>>, vector<1x16xf32>,
      %get3A_101 = vector.shape_cast %get3A_100 : vector<1x16xf32> to vector<16xf32>
      %get3A_102 = arith.constant 0 : i32
      %get3A_103 = arith.index_cast %get3A_102 : i32 to index
      %get3A_104 = arith.constant 16 : index
      %get3A_105 = tpu.vector_load %arg6[%get3A_103, %get3A_104] {strides = array<i32>} : memref<100x128xf32, #tpu.memory_space<vmem>>, vector<1x16xf32>,
      %get3A_106 = vector.shape_cast %get3A_105 : vector<1x16xf32> to vector<16xf32>
      %get3A_107 = arith.constant 0 : i32
      %get3A_108 = arith.index_cast %get3A_107 : i32 to index
      %get3A_109 = arith.constant 32 : index
      %get3A_110 = tpu.vector_load %arg6[%get3A_108, %get3A_109] {strides = array<i32>} : memref<100x128xf32, #tpu.memory_space<vmem>>, vector<1x16xf32>,
      %get3A_111 = vector.shape_cast %get3A_110 : vector<1x16xf32> to vector<16xf32>
      %get3A_112 = arith.constant 0 : i32
      %get3A_113 = arith.index_cast %get3A_112 : i32 to index
      %get3A_114 = arith.constant 48 : index
      %get3A_115 = tpu.vector_load %arg6[%get3A_113, %get3A_114] {strides = array<i32>} : memref<100x128xf32, #tpu.memory_space<vmem>>, vector<1x16xf32>,
      %get3A_116 = vector.shape_cast %get3A_115 : vector<1x16xf32> to vector<16xf32>
      %get3A_117 = arith.constant 0 : i32
      %get3A_118 = arith.index_cast %get3A_117 : i32 to index
      %get3A_119 = arith.constant 64 : index
      %get3A_120 = tpu.vector_load %arg6[%get3A_118, %get3A_119] {strides = array<i32>} : memref<100x128xf32, #tpu.memory_space<vmem>>, vector<1x16xf32>,
      %get3A_121 = vector.shape_cast %get3A_120 : vector<1x16xf32> to vector<16xf32>
      %get3A_122 = arith.constant 0 : i32
      %get3A_123 = arith.index_cast %get3A_122 : i32 to index
      %get3A_124 = arith.constant 80 : index
      %get3A_125 = tpu.vector_load %arg6[%get3A_123, %get3A_124] {strides = array<i32>} : memref<100x128xf32, #tpu.memory_space<vmem>>, vector<1x16xf32>,
      %get3A_126 = vector.shape_cast %get3A_125 : vector<1x16xf32> to vector<16xf32>
      %get3A_127 = arith.constant 0 : i32
      %get3A_128 = arith.index_cast %get3A_127 : i32 to index
      %get3A_129 = arith.constant 96 : index
      %get3A_130 = tpu.vector_load %arg6[%get3A_128, %get3A_129] {strides = array<i32>} : memref<100x128xf32, #tpu.memory_space<vmem>>, vector<1x16xf32>,
      %get3A_131 = vector.shape_cast %get3A_130 : vector<1x16xf32> to vector<16xf32>
      %get3A_132 = arith.constant 0 : i32
      %get3A_133 = arith.index_cast %get3A_132 : i32 to index
      %get3A_134 = arith.constant 112 : index
      %get3A_135 = tpu.vector_load %arg6[%get3A_133, %get3A_134] {strides = array<i32>} : memref<100x128xf32, #tpu.memory_space<vmem>>, vector<1x16xf32>,
      %get3A_136 = vector.shape_cast %get3A_135 : vector<1x16xf32> to vector<16xf32>
      %parallel_loop3A = arith.constant 1 : i32
      %parallel_loop3A_137 = arith.constant 50 : i32
      %parallel_loop3A_138 = arith.constant 1 : i32
      %parallel_loop3A_139:8 = scf.for %parallel_loop3A_958 = %parallel_loop3A to %parallel_loop3A_137 step %parallel_loop3A_138 iter_args(%parallel_loop3A_959 = %get3A_101, %parallel_loop3A_960 = %get3A_106, %parallel_loop3A_961 = %get3A_111, %parallel_loop3A_962 = %get3A_116, %parallel_loop3A_963 = %get3A_121, %parallel_loop3A_964 = %get3A_126, %parallel_loop3A_965 = %get3A_131, %parallel_loop3A_966 = %get3A_136) -> (vector<16xf32>, vector<16xf32>, vector<16xf32>, vector<16xf32>, vector<16xf32>, vector<16xf32>, vector<16xf32>, vector<16xf32>)  : i32 {
        %parallel_loop3A_967 = arith.index_cast %parallel_loop3A_958 : i32 to index
        %parallel_loop3A_968 = arith.constant 0 : index
        %parallel_loop3A_969 = tpu.vector_load %arg6[%parallel_loop3A_967, %parallel_loop3A_968] {strides = array<i32>} : memref<100x128xf32, #tpu.memory_space<vmem>>, vector<1x16xf32>,
        %parallel_loop3A_970 = vector.shape_cast %parallel_loop3A_969 : vector<1x16xf32> to vector<16xf32>
        %parallel_loop3A_971 = arith.addf %parallel_loop3A_959, %parallel_loop3A_970 : vector<16xf32>
        %parallel_loop3A_972 = arith.index_cast %parallel_loop3A_958 : i32 to index
        %parallel_loop3A_973 = arith.constant 16 : index
        %parallel_loop3A_974 = tpu.vector_load %arg6[%parallel_loop3A_972, %parallel_loop3A_973] {strides = array<i32>} : memref<100x128xf32, #tpu.memory_space<vmem>>, vector<1x16xf32>,
        %parallel_loop3A_975 = vector.shape_cast %parallel_loop3A_974 : vector<1x16xf32> to vector<16xf32>
        %parallel_loop3A_976 = arith.addf %parallel_loop3A_960, %parallel_loop3A_975 : vector<16xf32>
        %parallel_loop3A_977 = arith.index_cast %parallel_loop3A_958 : i32 to index
        %parallel_loop3A_978 = arith.constant 32 : index
        %parallel_loop3A_979 = tpu.vector_load %arg6[%parallel_loop3A_977, %parallel_loop3A_978] {strides = array<i32>} : memref<100x128xf32, #tpu.memory_space<vmem>>, vector<1x16xf32>,
        %parallel_loop3A_980 = vector.shape_cast %parallel_loop3A_979 : vector<1x16xf32> to vector<16xf32>
        %parallel_loop3A_981 = arith.addf %parallel_loop3A_961, %parallel_loop3A_980 : vector<16xf32>
        %parallel_loop3A_982 = arith.index_cast %parallel_loop3A_958 : i32 to index
        %parallel_loop3A_983 = arith.constant 48 : index
        %parallel_loop3A_984 = tpu.vector_load %arg6[%parallel_loop3A_982, %parallel_loop3A_983] {strides = array<i32>} : memref<100x128xf32, #tpu.memory_space<vmem>>, vector<1x16xf32>,
        %parallel_loop3A_985 = vector.shape_cast %parallel_loop3A_984 : vector<1x16xf32> to vector<16xf32>
        %parallel_loop3A_986 = arith.addf %parallel_loop3A_962, %parallel_loop3A_985 : vector<16xf32>
        %parallel_loop3A_987 = arith.index_cast %parallel_loop3A_958 : i32 to index
        %parallel_loop3A_988 = arith.constant 64 : index
        %parallel_loop3A_989 = tpu.vector_load %arg6[%parallel_loop3A_987, %parallel_loop3A_988] {strides = array<i32>} : memref<100x128xf32, #tpu.memory_space<vmem>>, vector<1x16xf32>,
        %parallel_loop3A_990 = vector.shape_cast %parallel_loop3A_989 : vector<1x16xf32> to vector<16xf32>
        %parallel_loop3A_991 = arith.addf %parallel_loop3A_963, %parallel_loop3A_990 : vector<16xf32>
        %parallel_loop3A_992 = arith.index_cast %parallel_loop3A_958 : i32 to index
        %parallel_loop3A_993 = arith.constant 80 : index
        %parallel_loop3A_994 = tpu.vector_load %arg6[%parallel_loop3A_992, %parallel_loop3A_993] {strides = array<i32>} : memref<100x128xf32, #tpu.memory_space<vmem>>, vector<1x16xf32>,
        %parallel_loop3A_995 = vector.shape_cast %parallel_loop3A_994 : vector<1x16xf32> to vector<16xf32>
        %parallel_loop3A_996 = arith.addf %parallel_loop3A_964, %parallel_loop3A_995 : vector<16xf32>
        %parallel_loop3A_997 = arith.index_cast %parallel_loop3A_958 : i32 to index
        %parallel_loop3A_998 = arith.constant 96 : index
        %parallel_loop3A_999 = tpu.vector_load %arg6[%parallel_loop3A_997, %parallel_loop3A_998] {strides = array<i32>} : memref<100x128xf32, #tpu.memory_space<vmem>>, vector<1x16xf32>,
        %parallel_loop3A_1000 = vector.shape_cast %parallel_loop3A_999 : vector<1x16xf32> to vector<16xf32>
        %parallel_loop3A_1001 = arith.addf %parallel_loop3A_965, %parallel_loop3A_1000 : vector<16xf32>
        %parallel_loop3A_1002 = arith.index_cast %parallel_loop3A_958 : i32 to index
        %parallel_loop3A_1003 = arith.constant 112 : index
        %parallel_loop3A_1004 = tpu.vector_load %arg6[%parallel_loop3A_1002, %parallel_loop3A_1003] {strides = array<i32>} : memref<100x128xf32, #tpu.memory_space<vmem>>, vector<1x16xf32>,
        %parallel_loop3A_1005 = vector.shape_cast %parallel_loop3A_1004 : vector<1x16xf32> to vector<16xf32>
        %parallel_loop3A_1006 = arith.addf %parallel_loop3A_966, %parallel_loop3A_1005 : vector<16xf32>
        scf.yield %parallel_loop3A_971, %parallel_loop3A_976, %parallel_loop3A_981, %parallel_loop3A_986, %parallel_loop3A_991, %parallel_loop3A_996, %parallel_loop3A_1001, %parallel_loop3A_1006 : vector<16xf32>, vector<16xf32>, vector<16xf32>, vector<16xf32>, vector<16xf32>, vector<16xf32>, vector<16xf32>, vector<16xf32>
      } {sc.loop_unroll_factor = 7 : i64, sc.parallel_access}
      %swap3A = arith.constant 0 : i32
      %swap3A_140 = arith.index_cast %swap3A : i32 to index
      %swap3A_141 = arith.constant 0 : index
      %swap3A_142 = tpu.vector_load %arg10[%swap3A_140, %swap3A_141] {strides = array<i32>} : memref<8x128xf32, #tpu.memory_space<vmem>>, vector<1x16xf32>,
      %swap3A_143 = vector.shape_cast %swap3A_142 : vector<1x16xf32> to vector<16xf32>
      %swap3A_144 = vector.shape_cast %parallel_loop3A_139#0 : vector<16xf32> to vector<1x16xf32>
      tpu.vector_store %arg10[%swap3A_140, %swap3A_141], %swap3A_144 {strides = array<i32>} : memref<8x128xf32, #tpu.memory_space<vmem>>, vector<1x16xf32>,
      %swap3A_145 = arith.constant 0 : i32
      %swap3A_146 = arith.index_cast %swap3A_145 : i32 to index
      %swap3A_147 = arith.constant 16 : index
      %swap3A_148 = tpu.vector_load %arg10[%swap3A_146, %swap3A_147] {strides = array<i32>} : memref<8x128xf32, #tpu.memory_space<vmem>>, vector<1x16xf32>,
      %swap3A_149 = vector.shape_cast %swap3A_148 : vector<1x16xf32> to vector<16xf32>
      %swap3A_150 = vector.shape_cast %parallel_loop3A_139#1 : vector<16xf32> to vector<1x16xf32>
      tpu.vector_store %arg10[%swap3A_146, %swap3A_147], %swap3A_150 {strides = array<i32>} : memref<8x128xf32, #tpu.memory_space<vmem>>, vector<1x16xf32>,
      %swap3A_151 = arith.constant 0 : i32
      %swap3A_152 = arith.index_cast %swap3A_151 : i32 to index
      %swap3A_153 = arith.constant 32 : index
      %swap3A_154 = tpu.vector_load %arg10[%swap3A_152, %swap3A_153] {strides = array<i32>} : memref<8x128xf32, #tpu.memory_space<vmem>>, vector<1x16xf32>,
      %swap3A_155 = vector.shape_cast %swap3A_154 : vector<1x16xf32> to vector<16xf32>
      %swap3A_156 = vector.shape_cast %parallel_loop3A_139#2 : vector<16xf32> to vector<1x16xf32>
      tpu.vector_store %arg10[%swap3A_152, %swap3A_153], %swap3A_156 {strides = array<i32>} : memref<8x128xf32, #tpu.memory_space<vmem>>, vector<1x16xf32>,
      %swap3A_157 = arith.constant 0 : i32
      %swap3A_158 = arith.index_cast %swap3A_157 : i32 to index
      %swap3A_159 = arith.constant 48 : index
      %swap3A_160 = tpu.vector_load %arg10[%swap3A_158, %swap3A_159] {strides = array<i32>} : memref<8x128xf32, #tpu.memory_space<vmem>>, vector<1x16xf32>,
      %swap3A_161 = vector.shape_cast %swap3A_160 : vector<1x16xf32> to vector<16xf32>
      %swap3A_162 = vector.shape_cast %parallel_loop3A_139#3 : vector<16xf32> to vector<1x16xf32>
      tpu.vector_store %arg10[%swap3A_158, %swap3A_159], %swap3A_162 {strides = array<i32>} : memref<8x128xf32, #tpu.memory_space<vmem>>, vector<1x16xf32>,
      %swap3A_163 = arith.constant 0 : i32
      %swap3A_164 = arith.index_cast %swap3A_163 : i32 to index
      %swap3A_165 = arith.constant 64 : index
      %swap3A_166 = tpu.vector_load %arg10[%swap3A_164, %swap3A_165] {strides = array<i32>} : memref<8x128xf32, #tpu.memory_space<vmem>>, vector<1x16xf32>,
      %swap3A_167 = vector.shape_cast %swap3A_166 : vector<1x16xf32> to vector<16xf32>
      %swap3A_168 = vector.shape_cast %parallel_loop3A_139#4 : vector<16xf32> to vector<1x16xf32>
      tpu.vector_store %arg10[%swap3A_164, %swap3A_165], %swap3A_168 {strides = array<i32>} : memref<8x128xf32, #tpu.memory_space<vmem>>, vector<1x16xf32>,
      %swap3A_169 = arith.constant 0 : i32
      %swap3A_170 = arith.index_cast %swap3A_169 : i32 to index
      %swap3A_171 = arith.constant 80 : index
      %swap3A_172 = tpu.vector_load %arg10[%swap3A_170, %swap3A_171] {strides = array<i32>} : memref<8x128xf32, #tpu.memory_space<vmem>>, vector<1x16xf32>,
      %swap3A_173 = vector.shape_cast %swap3A_172 : vector<1x16xf32> to vector<16xf32>
      %swap3A_174 = vector.shape_cast %parallel_loop3A_139#5 : vector<16xf32> to vector<1x16xf32>
      tpu.vector_store %arg10[%swap3A_170, %swap3A_171], %swap3A_174 {strides = array<i32>} : memref<8x128xf32, #tpu.memory_space<vmem>>, vector<1x16xf32>,
      %swap3A_175 = arith.constant 0 : i32
      %swap3A_176 = arith.index_cast %swap3A_175 : i32 to index
      %swap3A_177 = arith.constant 96 : index
      %swap3A_178 = tpu.vector_load %arg10[%swap3A_176, %swap3A_177] {strides = array<i32>} : memref<8x128xf32, #tpu.memory_space<vmem>>, vector<1x16xf32>,
      %swap3A_179 = vector.shape_cast %swap3A_178 : vector<1x16xf32> to vector<16xf32>
      %swap3A_180 = vector.shape_cast %parallel_loop3A_139#6 : vector<16xf32> to vector<1x16xf32>
      tpu.vector_store %arg10[%swap3A_176, %swap3A_177], %swap3A_180 {strides = array<i32>} : memref<8x128xf32, #tpu.memory_space<vmem>>, vector<1x16xf32>,
      %swap3A_181 = arith.constant 0 : i32
      %swap3A_182 = arith.index_cast %swap3A_181 : i32 to index
      %swap3A_183 = arith.constant 112 : index
      %swap3A_184 = tpu.vector_load %arg10[%swap3A_182, %swap3A_183] {strides = array<i32>} : memref<8x128xf32, #tpu.memory_space<vmem>>, vector<1x16xf32>,
      %swap3A_185 = vector.shape_cast %swap3A_184 : vector<1x16xf32> to vector<16xf32>
      %swap3A_186 = vector.shape_cast %parallel_loop3A_139#7 : vector<16xf32> to vector<1x16xf32>
      tpu.vector_store %arg10[%swap3A_182, %swap3A_183], %swap3A_186 {strides = array<i32>} : memref<8x128xf32, #tpu.memory_space<vmem>>, vector<1x16xf32>,
      %get3A_187 = arith.constant 50 : i32
      %get3A_188 = arith.index_cast %get3A_187 : i32 to index
      %get3A_189 = arith.constant 0 : index
      %get3A_190 = tpu.vector_load %arg6[%get3A_188, %get3A_189] {strides = array<i32>} : memref<100x128xf32, #tpu.memory_space<vmem>>, vector<1x16xf32>,
      %get3A_191 = vector.shape_cast %get3A_190 : vector<1x16xf32> to vector<16xf32>
      %get3A_192 = arith.constant 50 : i32
      %get3A_193 = arith.index_cast %get3A_192 : i32 to index
      %get3A_194 = arith.constant 16 : index
      %get3A_195 = tpu.vector_load %arg6[%get3A_193, %get3A_194] {strides = array<i32>} : memref<100x128xf32, #tpu.memory_space<vmem>>, vector<1x16xf32>,
      %get3A_196 = vector.shape_cast %get3A_195 : vector<1x16xf32> to vector<16xf32>
      %get3A_197 = arith.constant 50 : i32
      %get3A_198 = arith.index_cast %get3A_197 : i32 to index
      %get3A_199 = arith.constant 32 : index
      %get3A_200 = tpu.vector_load %arg6[%get3A_198, %get3A_199] {strides = array<i32>} : memref<100x128xf32, #tpu.memory_space<vmem>>, vector<1x16xf32>,
      %get3A_201 = vector.shape_cast %get3A_200 : vector<1x16xf32> to vector<16xf32>
      %get3A_202 = arith.constant 50 : i32
      %get3A_203 = arith.index_cast %get3A_202 : i32 to index
      %get3A_204 = arith.constant 48 : index
      %get3A_205 = tpu.vector_load %arg6[%get3A_203, %get3A_204] {strides = array<i32>} : memref<100x128xf32, #tpu.memory_space<vmem>>, vector<1x16xf32>,
      %get3A_206 = vector.shape_cast %get3A_205 : vector<1x16xf32> to vector<16xf32>
      %get3A_207 = arith.constant 50 : i32
      %get3A_208 = arith.index_cast %get3A_207 : i32 to index
      %get3A_209 = arith.constant 64 : index
      %get3A_210 = tpu.vector_load %arg6[%get3A_208, %get3A_209] {strides = array<i32>} : memref<100x128xf32, #tpu.memory_space<vmem>>, vector<1x16xf32>,
      %get3A_211 = vector.shape_cast %get3A_210 : vector<1x16xf32> to vector<16xf32>
      %get3A_212 = arith.constant 50 : i32
      %get3A_213 = arith.index_cast %get3A_212 : i32 to index
      %get3A_214 = arith.constant 80 : index
      %get3A_215 = tpu.vector_load %arg6[%get3A_213, %get3A_214] {strides = array<i32>} : memref<100x128xf32, #tpu.memory_space<vmem>>, vector<1x16xf32>,
      %get3A_216 = vector.shape_cast %get3A_215 : vector<1x16xf32> to vector<16xf32>
      %get3A_217 = arith.constant 50 : i32
      %get3A_218 = arith.index_cast %get3A_217 : i32 to index
      %get3A_219 = arith.constant 96 : index
      %get3A_220 = tpu.vector_load %arg6[%get3A_218, %get3A_219] {strides = array<i32>} : memref<100x128xf32, #tpu.memory_space<vmem>>, vector<1x16xf32>,
      %get3A_221 = vector.shape_cast %get3A_220 : vector<1x16xf32> to vector<16xf32>
      %get3A_222 = arith.constant 50 : i32
      %get3A_223 = arith.index_cast %get3A_222 : i32 to index
      %get3A_224 = arith.constant 112 : index
      %get3A_225 = tpu.vector_load %arg6[%get3A_223, %get3A_224] {strides = array<i32>} : memref<100x128xf32, #tpu.memory_space<vmem>>, vector<1x16xf32>,
      %get3A_226 = vector.shape_cast %get3A_225 : vector<1x16xf32> to vector<16xf32>
      %parallel_loop3A_227 = arith.constant 51 : i32
      %parallel_loop3A_228 = arith.constant 100 : i32
      %parallel_loop3A_229 = arith.constant 1 : i32
      %parallel_loop3A_230:8 = scf.for %parallel_loop3A_958 = %parallel_loop3A_227 to %parallel_loop3A_228 step %parallel_loop3A_229 iter_args(%parallel_loop3A_959 = %get3A_191, %parallel_loop3A_960 = %get3A_196, %parallel_loop3A_961 = %get3A_201, %parallel_loop3A_962 = %get3A_206, %parallel_loop3A_963 = %get3A_211, %parallel_loop3A_964 = %get3A_216, %parallel_loop3A_965 = %get3A_221, %parallel_loop3A_966 = %get3A_226) -> (vector<16xf32>, vector<16xf32>, vector<16xf32>, vector<16xf32>, vector<16xf32>, vector<16xf32>, vector<16xf32>, vector<16xf32>)  : i32 {
        %parallel_loop3A_967 = arith.index_cast %parallel_loop3A_958 : i32 to index
        %parallel_loop3A_968 = arith.constant 0 : index
        %parallel_loop3A_969 = tpu.vector_load %arg6[%parallel_loop3A_967, %parallel_loop3A_968] {strides = array<i32>} : memref<100x128xf32, #tpu.memory_space<vmem>>, vector<1x16xf32>,
        %parallel_loop3A_970 = vector.shape_cast %parallel_loop3A_969 : vector<1x16xf32> to vector<16xf32>
        %parallel_loop3A_971 = arith.addf %parallel_loop3A_959, %parallel_loop3A_970 : vector<16xf32>
        %parallel_loop3A_972 = arith.index_cast %parallel_loop3A_958 : i32 to index
        %parallel_loop3A_973 = arith.constant 16 : index
        %parallel_loop3A_974 = tpu.vector_load %arg6[%parallel_loop3A_972, %parallel_loop3A_973] {strides = array<i32>} : memref<100x128xf32, #tpu.memory_space<vmem>>, vector<1x16xf32>,
        %parallel_loop3A_975 = vector.shape_cast %parallel_loop3A_974 : vector<1x16xf32> to vector<16xf32>
        %parallel_loop3A_976 = arith.addf %parallel_loop3A_960, %parallel_loop3A_975 : vector<16xf32>
        %parallel_loop3A_977 = arith.index_cast %parallel_loop3A_958 : i32 to index
        %parallel_loop3A_978 = arith.constant 32 : index
        %parallel_loop3A_979 = tpu.vector_load %arg6[%parallel_loop3A_977, %parallel_loop3A_978] {strides = array<i32>} : memref<100x128xf32, #tpu.memory_space<vmem>>, vector<1x16xf32>,
        %parallel_loop3A_980 = vector.shape_cast %parallel_loop3A_979 : vector<1x16xf32> to vector<16xf32>
        %parallel_loop3A_981 = arith.addf %parallel_loop3A_961, %parallel_loop3A_980 : vector<16xf32>
        %parallel_loop3A_982 = arith.index_cast %parallel_loop3A_958 : i32 to index
        %parallel_loop3A_983 = arith.constant 48 : index
        %parallel_loop3A_984 = tpu.vector_load %arg6[%parallel_loop3A_982, %parallel_loop3A_983] {strides = array<i32>} : memref<100x128xf32, #tpu.memory_space<vmem>>, vector<1x16xf32>,
        %parallel_loop3A_985 = vector.shape_cast %parallel_loop3A_984 : vector<1x16xf32> to vector<16xf32>
        %parallel_loop3A_986 = arith.addf %parallel_loop3A_962, %parallel_loop3A_985 : vector<16xf32>
        %parallel_loop3A_987 = arith.index_cast %parallel_loop3A_958 : i32 to index
        %parallel_loop3A_988 = arith.constant 64 : index
        %parallel_loop3A_989 = tpu.vector_load %arg6[%parallel_loop3A_987, %parallel_loop3A_988] {strides = array<i32>} : memref<100x128xf32, #tpu.memory_space<vmem>>, vector<1x16xf32>,
        %parallel_loop3A_990 = vector.shape_cast %parallel_loop3A_989 : vector<1x16xf32> to vector<16xf32>
        %parallel_loop3A_991 = arith.addf %parallel_loop3A_963, %parallel_loop3A_990 : vector<16xf32>
        %parallel_loop3A_992 = arith.index_cast %parallel_loop3A_958 : i32 to index
        %parallel_loop3A_993 = arith.constant 80 : index
        %parallel_loop3A_994 = tpu.vector_load %arg6[%parallel_loop3A_992, %parallel_loop3A_993] {strides = array<i32>} : memref<100x128xf32, #tpu.memory_space<vmem>>, vector<1x16xf32>,
        %parallel_loop3A_995 = vector.shape_cast %parallel_loop3A_994 : vector<1x16xf32> to vector<16xf32>
        %parallel_loop3A_996 = arith.addf %parallel_loop3A_964, %parallel_loop3A_995 : vector<16xf32>
        %parallel_loop3A_997 = arith.index_cast %parallel_loop3A_958 : i32 to index
        %parallel_loop3A_998 = arith.constant 96 : index
        %parallel_loop3A_999 = tpu.vector_load %arg6[%parallel_loop3A_997, %parallel_loop3A_998] {strides = array<i32>} : memref<100x128xf32, #tpu.memory_space<vmem>>, vector<1x16xf32>,
        %parallel_loop3A_1000 = vector.shape_cast %parallel_loop3A_999 : vector<1x16xf32> to vector<16xf32>
        %parallel_loop3A_1001 = arith.addf %parallel_loop3A_965, %parallel_loop3A_1000 : vector<16xf32>
        %parallel_loop3A_1002 = arith.index_cast %parallel_loop3A_958 : i32 to index
        %parallel_loop3A_1003 = arith.constant 112 : index
        %parallel_loop3A_1004 = tpu.vector_load %arg6[%parallel_loop3A_1002, %parallel_loop3A_1003] {strides = array<i32>} : memref<100x128xf32, #tpu.memory_space<vmem>>, vector<1x16xf32>,
        %parallel_loop3A_1005 = vector.shape_cast %parallel_loop3A_1004 : vector<1x16xf32> to vector<16xf32>
        %parallel_loop3A_1006 = arith.addf %parallel_loop3A_966, %parallel_loop3A_1005 : vector<16xf32>
        scf.yield %parallel_loop3A_971, %parallel_loop3A_976, %parallel_loop3A_981, %parallel_loop3A_986, %parallel_loop3A_991, %parallel_loop3A_996, %parallel_loop3A_1001, %parallel_loop3A_1006 : vector<16xf32>, vector<16xf32>, vector<16xf32>, vector<16xf32>, vector<16xf32>, vector<16xf32>, vector<16xf32>, vector<16xf32>
      } {sc.loop_unroll_factor = 7 : i64, sc.parallel_access}
      %swap3A_231 = arith.constant 1 : i32
      %swap3A_232 = arith.index_cast %swap3A_231 : i32 to index
      %swap3A_233 = arith.constant 0 : index
      %swap3A_234 = tpu.vector_load %arg10[%swap3A_232, %swap3A_233] {strides = array<i32>} : memref<8x128xf32, #tpu.memory_space<vmem>>, vector<1x16xf32>,
      %swap3A_235 = vector.shape_cast %swap3A_234 : vector<1x16xf32> to vector<16xf32>
      %swap3A_236 = vector.shape_cast %parallel_loop3A_230#0 : vector<16xf32> to vector<1x16xf32>
      tpu.vector_store %arg10[%swap3A_232, %swap3A_233], %swap3A_236 {strides = array<i32>} : memref<8x128xf32, #tpu.memory_space<vmem>>, vector<1x16xf32>,
      %swap3A_237 = arith.constant 1 : i32
      %swap3A_238 = arith.index_cast %swap3A_237 : i32 to index
      %swap3A_239 = arith.constant 16 : index
      %swap3A_240 = tpu.vector_load %arg10[%swap3A_238, %swap3A_239] {strides = array<i32>} : memref<8x128xf32, #tpu.memory_space<vmem>>, vector<1x16xf32>,
      %swap3A_241 = vector.shape_cast %swap3A_240 : vector<1x16xf32> to vector<16xf32>
      %swap3A_242 = vector.shape_cast %parallel_loop3A_230#1 : vector<16xf32> to vector<1x16xf32>
      tpu.vector_store %arg10[%swap3A_238, %swap3A_239], %swap3A_242 {strides = array<i32>} : memref<8x128xf32, #tpu.memory_space<vmem>>, vector<1x16xf32>,
      %swap3A_243 = arith.constant 1 : i32
      %swap3A_244 = arith.index_cast %swap3A_243 : i32 to index
      %swap3A_245 = arith.constant 32 : index
      %swap3A_246 = tpu.vector_load %arg10[%swap3A_244, %swap3A_245] {strides = array<i32>} : memref<8x128xf32, #tpu.memory_space<vmem>>, vector<1x16xf32>,
      %swap3A_247 = vector.shape_cast %swap3A_246 : vector<1x16xf32> to vector<16xf32>
      %swap3A_248 = vector.shape_cast %parallel_loop3A_230#2 : vector<16xf32> to vector<1x16xf32>
      tpu.vector_store %arg10[%swap3A_244, %swap3A_245], %swap3A_248 {strides = array<i32>} : memref<8x128xf32, #tpu.memory_space<vmem>>, vector<1x16xf32>,
      %swap3A_249 = arith.constant 1 : i32
      %swap3A_250 = arith.index_cast %swap3A_249 : i32 to index
      %swap3A_251 = arith.constant 48 : index
      %swap3A_252 = tpu.vector_load %arg10[%swap3A_250, %swap3A_251] {strides = array<i32>} : memref<8x128xf32, #tpu.memory_space<vmem>>, vector<1x16xf32>,
      %swap3A_253 = vector.shape_cast %swap3A_252 : vector<1x16xf32> to vector<16xf32>
      %swap3A_254 = vector.shape_cast %parallel_loop3A_230#3 : vector<16xf32> to vector<1x16xf32>
      tpu.vector_store %arg10[%swap3A_250, %swap3A_251], %swap3A_254 {strides = array<i32>} : memref<8x128xf32, #tpu.memory_space<vmem>>, vector<1x16xf32>,
      %swap3A_255 = arith.constant 1 : i32
      %swap3A_256 = arith.index_cast %swap3A_255 : i32 to index
      %swap3A_257 = arith.constant 64 : index
      %swap3A_258 = tpu.vector_load %arg10[%swap3A_256, %swap3A_257] {strides = array<i32>} : memref<8x128xf32, #tpu.memory_space<vmem>>, vector<1x16xf32>,
      %swap3A_259 = vector.shape_cast %swap3A_258 : vector<1x16xf32> to vector<16xf32>
      %swap3A_260 = vector.shape_cast %parallel_loop3A_230#4 : vector<16xf32> to vector<1x16xf32>
      tpu.vector_store %arg10[%swap3A_256, %swap3A_257], %swap3A_260 {strides = array<i32>} : memref<8x128xf32, #tpu.memory_space<vmem>>, vector<1x16xf32>,
      %swap3A_261 = arith.constant 1 : i32
      %swap3A_262 = arith.index_cast %swap3A_261 : i32 to index
      %swap3A_263 = arith.constant 80 : index
      %swap3A_264 = tpu.vector_load %arg10[%swap3A_262, %swap3A_263] {strides = array<i32>} : memref<8x128xf32, #tpu.memory_space<vmem>>, vector<1x16xf32>,
      %swap3A_265 = vector.shape_cast %swap3A_264 : vector<1x16xf32> to vector<16xf32>
      %swap3A_266 = vector.shape_cast %parallel_loop3A_230#5 : vector<16xf32> to vector<1x16xf32>
      tpu.vector_store %arg10[%swap3A_262, %swap3A_263], %swap3A_266 {strides = array<i32>} : memref<8x128xf32, #tpu.memory_space<vmem>>, vector<1x16xf32>,
      %swap3A_267 = arith.constant 1 : i32
      %swap3A_268 = arith.index_cast %swap3A_267 : i32 to index
      %swap3A_269 = arith.constant 96 : index
      %swap3A_270 = tpu.vector_load %arg10[%swap3A_268, %swap3A_269] {strides = array<i32>} : memref<8x128xf32, #tpu.memory_space<vmem>>, vector<1x16xf32>,
      %swap3A_271 = vector.shape_cast %swap3A_270 : vector<1x16xf32> to vector<16xf32>
      %swap3A_272 = vector.shape_cast %parallel_loop3A_230#6 : vector<16xf32> to vector<1x16xf32>
      tpu.vector_store %arg10[%swap3A_268, %swap3A_269], %swap3A_272 {strides = array<i32>} : memref<8x128xf32, #tpu.memory_space<vmem>>, vector<1x16xf32>,
      %swap3A_273 = arith.constant 1 : i32
      %swap3A_274 = arith.index_cast %swap3A_273 : i32 to index
      %swap3A_275 = arith.constant 112 : index
      %swap3A_276 = tpu.vector_load %arg10[%swap3A_274, %swap3A_275] {strides = array<i32>} : memref<8x128xf32, #tpu.memory_space<vmem>>, vector<1x16xf32>,
      %swap3A_277 = vector.shape_cast %swap3A_276 : vector<1x16xf32> to vector<16xf32>
      %swap3A_278 = vector.shape_cast %parallel_loop3A_230#7 : vector<16xf32> to vector<1x16xf32>
      tpu.vector_store %arg10[%swap3A_274, %swap3A_275], %swap3A_278 {strides = array<i32>} : memref<8x128xf32, #tpu.memory_space<vmem>>, vector<1x16xf32>,
      %mul3A_279 = arith.constant 2 : i32
      %mul3A_280 = arith.muli %mul3A_279, %add3A_88 : i32
      %add3A_281 = arith.addi %mul3A_4, %mul3A_280 : i32
      %dma_start3A_282 = arith.constant 0 : i32
      %dma_start3A_283 = arith.constant 0 : i32
      %dma_start3A_284 = tpu.memref_slice %arg10[%dma_start3A_282, %dma_start3A_283] : memref<8x128xf32, #tpu.memory_space<vmem>> -> memref<2x128xf32, #tpu.memory_space<vmem>>
      %dma_start3A_285 = arith.constant 0 : i32
      %dma_start3A_286 = tpu.memref_slice %arg4[%add3A_281, %dma_start3A_285] : memref<8192x128xf32, #tpu.memory_space<hbm>> -> memref<2x128xf32, #tpu.memory_space<hbm>>
      %dma_start3A_287 = arith.constant 0 : i32
      %dma_start3A_288 = tpu.memref_slice %arg4[%add3A_281, %dma_start3A_287] : memref<8192x128xf32, #tpu.memory_space<hbm>> -> memref<2x128xf32, #tpu.memory_space<hbm>>
      %dma_start3A_289 = arith.constant 0 : i32
      %dma_start3A_290 = arith.constant 0 : i32
      %dma_start3A_291 = tpu.memref_slice %arg10[%dma_start3A_289, %dma_start3A_290] : memref<8x128xf32, #tpu.memory_space<vmem>> -> memref<2x128xf32, #tpu.memory_space<vmem>>
      tpu.enqueue_dma source(%dma_start3A_291 : memref<2x128xf32, #tpu.memory_space<vmem>>) target(%dma_start3A_288 : memref<2x128xf32, #tpu.memory_space<hbm>>) target_semaphore(%arg15 : memref<!tpu.dma_semaphore, #tpu.memory_space<semaphore_mem>>)
      %add3A_292 = arith.constant 4 : i32
      %add3A_293 = arith.addi %add3A_88, %add3A_292 : i32
      %lt3A = arith.constant 128 : i32
      %lt3A_294 = arith.cmpi slt, %add3A_293, %lt3A : i32
      %convert_element_type3A_295 = arith.extui %lt3A_294 : i1 to i32
      %cond3A_296 = arith.constant 0 : i32
      %cond3A_297 = arith.cmpi ne, %convert_element_type3A_295, %cond3A_296 : i32
      scf.if %cond3A_297 {
        %dma_start3A_958 = arith.constant 0 : i32
        %dma_start3A_959 = tpu.memref_slice %arg5[%add3A_293, %dma_start3A_958] : memref<128x100xi32, #tpu.memory_space<vmem>> -> memref<1x100xi32, #tpu.memory_space<vmem>>
        %dma_start3A_960 = tpu.memref_squeeze %dma_start3A_959 : memref<1x100xi32, #tpu.memory_space<vmem>> -> memref<100xi32, #tpu.memory_space<vmem>>
        %dma_start3A_961 = arith.constant 0 : i32
        %dma_start3A_962 = arith.constant 0 : i32
        %dma_start3A_963 = tpu.memref_slice %arg3[%dma_start3A_961, %dma_start3A_962] : memref<100000x128xf32, #tpu.memory_space<hbm>> -> memref<100000x128xf32, #tpu.memory_space<hbm>>
        tpu.enqueue_indirect_dma source(%dma_start3A_963 : memref<100000x128xf32, #tpu.memory_space<hbm>>) target(%arg6 : memref<100x128xf32, #tpu.memory_space<vmem>>) offsets(%dma_start3A_960 : memref<100xi32, #tpu.memory_space<vmem>>) semaphore(%arg11 : memref<!tpu.dma_semaphore, #tpu.memory_space<semaphore_mem>>)
      } else {
      }
      %mul3A_298 = arith.constant 4 : i32
      %mul3A_299 = arith.muli %mul3A_298, %scan3A_84 : i32
      %add3A_300 = arith.constant 1 : i32
      %add3A_301 = arith.addi %mul3A_299, %add3A_300 : i32
      %dma_wait3A_302 = arith.constant 0 : i32
      %dma_wait3A_303 = arith.constant 0 : i32
      %dma_wait3A_304 = tpu.memref_slice %arg5[%dma_wait3A_302, %dma_wait3A_303] : memref<128x100xi32, #tpu.memory_space<vmem>> -> memref<1x100xi32, #tpu.memory_space<vmem>>
      %dma_wait3A_305 = tpu.memref_squeeze %dma_wait3A_304 : memref<1x100xi32, #tpu.memory_space<vmem>> -> memref<100xi32, #tpu.memory_space<vmem>>
      %dma_wait3A_306 = arith.constant 0 : i32
      %dma_wait3A_307 = arith.constant 0 : i32
      %dma_wait3A_308 = tpu.memref_slice %arg3[%dma_wait3A_306, %dma_wait3A_307] : memref<100000x128xf32, #tpu.memory_space<hbm>> -> memref<100000x128xf32, #tpu.memory_space<hbm>>
      tpu.wait_indirect_dma semaphore(%arg12 : memref<!tpu.dma_semaphore, #tpu.memory_space<semaphore_mem>>) src(%dma_wait3A_308 : memref<100000x128xf32, #tpu.memory_space<hbm>>) dst(%arg7 : memref<100x128xf32, #tpu.memory_space<vmem>>)
      %ge3A_309 = arith.constant 1 : i32
      %ge3A_310 = arith.cmpi sge, %scan3A_84, %ge3A_309 : i32
      %convert_element_type3A_311 = arith.extui %ge3A_310 : i1 to i32
      %cond3A_312 = arith.constant 0 : i32
      %cond3A_313 = arith.cmpi ne, %convert_element_type3A_311, %cond3A_312 : i32
      scf.if %cond3A_313 {
        %dma_wait3A_958 = arith.constant 2 : i32
        %dma_wait3A_959 = arith.constant 0 : i32
        %dma_wait3A_960 = tpu.memref_slice %arg10[%dma_wait3A_958, %dma_wait3A_959] : memref<8x128xf32, #tpu.memory_space<vmem>> -> memref<2x128xf32, #tpu.memory_space<vmem>>
        %dma_wait3A_961 = arith.constant 0 : i32
        %dma_wait3A_962 = arith.constant 0 : i32
        %dma_wait3A_963 = tpu.memref_slice %arg4[%dma_wait3A_961, %dma_wait3A_962] : memref<8192x128xf32, #tpu.memory_space<hbm>> -> memref<2x128xf32, #tpu.memory_space<hbm>>
        %dma_wait3A_964 = arith.constant 0 : i32
        %dma_wait3A_965 = arith.constant 0 : i32
        %dma_wait3A_966 = tpu.memref_slice %arg4[%dma_wait3A_964, %dma_wait3A_965] : memref<8192x128xf32, #tpu.memory_space<hbm>> -> memref<2x128xf32, #tpu.memory_space<hbm>>
        %dma_wait3A_967 = arith.constant 2 : i32
        %dma_wait3A_968 = arith.constant 0 : i32
        %dma_wait3A_969 = tpu.memref_slice %arg10[%dma_wait3A_967, %dma_wait3A_968] : memref<8x128xf32, #tpu.memory_space<vmem>> -> memref<2x128xf32, #tpu.memory_space<vmem>>
        tpu.wait_dma2 semaphore(%arg16 : memref<!tpu.dma_semaphore, #tpu.memory_space<semaphore_mem>>) src(%dma_wait3A_969 : memref<2x128xf32, #tpu.memory_space<vmem>>) dst(%dma_wait3A_966 : memref<2x128xf32, #tpu.memory_space<hbm>>)
      } else {
      }
      %get3A_314 = arith.constant 0 : i32
      %get3A_315 = arith.index_cast %get3A_314 : i32 to index
      %get3A_316 = arith.constant 0 : index
      %get3A_317 = tpu.vector_load %arg7[%get3A_315, %get3A_316] {strides = array<i32>} : memref<100x128xf32, #tpu.memory_space<vmem>>, vector<1x16xf32>,
      %get3A_318 = vector.shape_cast %get3A_317 : vector<1x16xf32> to vector<16xf32>
      %get3A_319 = arith.constant 0 : i32
      %get3A_320 = arith.index_cast %get3A_319 : i32 to index
      %get3A_321 = arith.constant 16 : index
      %get3A_322 = tpu.vector_load %arg7[%get3A_320, %get3A_321] {strides = array<i32>} : memref<100x128xf32, #tpu.memory_space<vmem>>, vector<1x16xf32>,
      %get3A_323 = vector.shape_cast %get3A_322 : vector<1x16xf32> to vector<16xf32>
      %get3A_324 = arith.constant 0 : i32
      %get3A_325 = arith.index_cast %get3A_324 : i32 to index
      %get3A_326 = arith.constant 32 : index
      %get3A_327 = tpu.vector_load %arg7[%get3A_325, %get3A_326] {strides = array<i32>} : memref<100x128xf32, #tpu.memory_space<vmem>>, vector<1x16xf32>,
      %get3A_328 = vector.shape_cast %get3A_327 : vector<1x16xf32> to vector<16xf32>
      %get3A_329 = arith.constant 0 : i32
      %get3A_330 = arith.index_cast %get3A_329 : i32 to index
      %get3A_331 = arith.constant 48 : index
      %get3A_332 = tpu.vector_load %arg7[%get3A_330, %get3A_331] {strides = array<i32>} : memref<100x128xf32, #tpu.memory_space<vmem>>, vector<1x16xf32>,
      %get3A_333 = vector.shape_cast %get3A_332 : vector<1x16xf32> to vector<16xf32>
      %get3A_334 = arith.constant 0 : i32
      %get3A_335 = arith.index_cast %get3A_334 : i32 to index
      %get3A_336 = arith.constant 64 : index
      %get3A_337 = tpu.vector_load %arg7[%get3A_335, %get3A_336] {strides = array<i32>} : memref<100x128xf32, #tpu.memory_space<vmem>>, vector<1x16xf32>,
      %get3A_338 = vector.shape_cast %get3A_337 : vector<1x16xf32> to vector<16xf32>
      %get3A_339 = arith.constant 0 : i32
      %get3A_340 = arith.index_cast %get3A_339 : i32 to index
      %get3A_341 = arith.constant 80 : index
      %get3A_342 = tpu.vector_load %arg7[%get3A_340, %get3A_341] {strides = array<i32>} : memref<100x128xf32, #tpu.memory_space<vmem>>, vector<1x16xf32>,
      %get3A_343 = vector.shape_cast %get3A_342 : vector<1x16xf32> to vector<16xf32>
      %get3A_344 = arith.constant 0 : i32
      %get3A_345 = arith.index_cast %get3A_344 : i32 to index
      %get3A_346 = arith.constant 96 : index
      %get3A_347 = tpu.vector_load %arg7[%get3A_345, %get3A_346] {strides = array<i32>} : memref<100x128xf32, #tpu.memory_space<vmem>>, vector<1x16xf32>,
      %get3A_348 = vector.shape_cast %get3A_347 : vector<1x16xf32> to vector<16xf32>
      %get3A_349 = arith.constant 0 : i32
      %get3A_350 = arith.index_cast %get3A_349 : i32 to index
      %get3A_351 = arith.constant 112 : index
      %get3A_352 = tpu.vector_load %arg7[%get3A_350, %get3A_351] {strides = array<i32>} : memref<100x128xf32, #tpu.memory_space<vmem>>, vector<1x16xf32>,
      %get3A_353 = vector.shape_cast %get3A_352 : vector<1x16xf32> to vector<16xf32>
      %parallel_loop3A_354 = arith.constant 1 : i32
      %parallel_loop3A_355 = arith.constant 50 : i32
      %parallel_loop3A_356 = arith.constant 1 : i32
      %parallel_loop3A_357:8 = scf.for %parallel_loop3A_958 = %parallel_loop3A_354 to %parallel_loop3A_355 step %parallel_loop3A_356 iter_args(%parallel_loop3A_959 = %get3A_318, %parallel_loop3A_960 = %get3A_323, %parallel_loop3A_961 = %get3A_328, %parallel_loop3A_962 = %get3A_333, %parallel_loop3A_963 = %get3A_338, %parallel_loop3A_964 = %get3A_343, %parallel_loop3A_965 = %get3A_348, %parallel_loop3A_966 = %get3A_353) -> (vector<16xf32>, vector<16xf32>, vector<16xf32>, vector<16xf32>, vector<16xf32>, vector<16xf32>, vector<16xf32>, vector<16xf32>)  : i32 {
        %parallel_loop3A_967 = arith.index_cast %parallel_loop3A_958 : i32 to index
        %parallel_loop3A_968 = arith.constant 0 : index
        %parallel_loop3A_969 = tpu.vector_load %arg7[%parallel_loop3A_967, %parallel_loop3A_968] {strides = array<i32>} : memref<100x128xf32, #tpu.memory_space<vmem>>, vector<1x16xf32>,
        %parallel_loop3A_970 = vector.shape_cast %parallel_loop3A_969 : vector<1x16xf32> to vector<16xf32>
        %parallel_loop3A_971 = arith.addf %parallel_loop3A_959, %parallel_loop3A_970 : vector<16xf32>
        %parallel_loop3A_972 = arith.index_cast %parallel_loop3A_958 : i32 to index
        %parallel_loop3A_973 = arith.constant 16 : index
        %parallel_loop3A_974 = tpu.vector_load %arg7[%parallel_loop3A_972, %parallel_loop3A_973] {strides = array<i32>} : memref<100x128xf32, #tpu.memory_space<vmem>>, vector<1x16xf32>,
        %parallel_loop3A_975 = vector.shape_cast %parallel_loop3A_974 : vector<1x16xf32> to vector<16xf32>
        %parallel_loop3A_976 = arith.addf %parallel_loop3A_960, %parallel_loop3A_975 : vector<16xf32>
        %parallel_loop3A_977 = arith.index_cast %parallel_loop3A_958 : i32 to index
        %parallel_loop3A_978 = arith.constant 32 : index
        %parallel_loop3A_979 = tpu.vector_load %arg7[%parallel_loop3A_977, %parallel_loop3A_978] {strides = array<i32>} : memref<100x128xf32, #tpu.memory_space<vmem>>, vector<1x16xf32>,
        %parallel_loop3A_980 = vector.shape_cast %parallel_loop3A_979 : vector<1x16xf32> to vector<16xf32>
        %parallel_loop3A_981 = arith.addf %parallel_loop3A_961, %parallel_loop3A_980 : vector<16xf32>
        %parallel_loop3A_982 = arith.index_cast %parallel_loop3A_958 : i32 to index
        %parallel_loop3A_983 = arith.constant 48 : index
        %parallel_loop3A_984 = tpu.vector_load %arg7[%parallel_loop3A_982, %parallel_loop3A_983] {strides = array<i32>} : memref<100x128xf32, #tpu.memory_space<vmem>>, vector<1x16xf32>,
        %parallel_loop3A_985 = vector.shape_cast %parallel_loop3A_984 : vector<1x16xf32> to vector<16xf32>
        %parallel_loop3A_986 = arith.addf %parallel_loop3A_962, %parallel_loop3A_985 : vector<16xf32>
        %parallel_loop3A_987 = arith.index_cast %parallel_loop3A_958 : i32 to index
        %parallel_loop3A_988 = arith.constant 64 : index
        %parallel_loop3A_989 = tpu.vector_load %arg7[%parallel_loop3A_987, %parallel_loop3A_988] {strides = array<i32>} : memref<100x128xf32, #tpu.memory_space<vmem>>, vector<1x16xf32>,
        %parallel_loop3A_990 = vector.shape_cast %parallel_loop3A_989 : vector<1x16xf32> to vector<16xf32>
        %parallel_loop3A_991 = arith.addf %parallel_loop3A_963, %parallel_loop3A_990 : vector<16xf32>
        %parallel_loop3A_992 = arith.index_cast %parallel_loop3A_958 : i32 to index
        %parallel_loop3A_993 = arith.constant 80 : index
        %parallel_loop3A_994 = tpu.vector_load %arg7[%parallel_loop3A_992, %parallel_loop3A_993] {strides = array<i32>} : memref<100x128xf32, #tpu.memory_space<vmem>>, vector<1x16xf32>,
        %parallel_loop3A_995 = vector.shape_cast %parallel_loop3A_994 : vector<1x16xf32> to vector<16xf32>
        %parallel_loop3A_996 = arith.addf %parallel_loop3A_964, %parallel_loop3A_995 : vector<16xf32>
        %parallel_loop3A_997 = arith.index_cast %parallel_loop3A_958 : i32 to index
        %parallel_loop3A_998 = arith.constant 96 : index
        %parallel_loop3A_999 = tpu.vector_load %arg7[%parallel_loop3A_997, %parallel_loop3A_998] {strides = array<i32>} : memref<100x128xf32, #tpu.memory_space<vmem>>, vector<1x16xf32>,
        %parallel_loop3A_1000 = vector.shape_cast %parallel_loop3A_999 : vector<1x16xf32> to vector<16xf32>
        %parallel_loop3A_1001 = arith.addf %parallel_loop3A_965, %parallel_loop3A_1000 : vector<16xf32>
        %parallel_loop3A_1002 = arith.index_cast %parallel_loop3A_958 : i32 to index
        %parallel_loop3A_1003 = arith.constant 112 : index
        %parallel_loop3A_1004 = tpu.vector_load %arg7[%parallel_loop3A_1002, %parallel_loop3A_1003] {strides = array<i32>} : memref<100x128xf32, #tpu.memory_space<vmem>>, vector<1x16xf32>,
        %parallel_loop3A_1005 = vector.shape_cast %parallel_loop3A_1004 : vector<1x16xf32> to vector<16xf32>
        %parallel_loop3A_1006 = arith.addf %parallel_loop3A_966, %parallel_loop3A_1005 : vector<16xf32>
        scf.yield %parallel_loop3A_971, %parallel_loop3A_976, %parallel_loop3A_981, %parallel_loop3A_986, %parallel_loop3A_991, %parallel_loop3A_996, %parallel_loop3A_1001, %parallel_loop3A_1006 : vector<16xf32>, vector<16xf32>, vector<16xf32>, vector<16xf32>, vector<16xf32>, vector<16xf32>, vector<16xf32>, vector<16xf32>
      } {sc.loop_unroll_factor = 7 : i64, sc.parallel_access}
      %swap3A_358 = arith.constant 2 : i32
      %swap3A_359 = arith.index_cast %swap3A_358 : i32 to index
      %swap3A_360 = arith.constant 0 : index
      %swap3A_361 = tpu.vector_load %arg10[%swap3A_359, %swap3A_360] {strides = array<i32>} : memref<8x128xf32, #tpu.memory_space<vmem>>, vector<1x16xf32>,
      %swap3A_362 = vector.shape_cast %swap3A_361 : vector<1x16xf32> to vector<16xf32>
      %swap3A_363 = vector.shape_cast %parallel_loop3A_357#0 : vector<16xf32> to vector<1x16xf32>
      tpu.vector_store %arg10[%swap3A_359, %swap3A_360], %swap3A_363 {strides = array<i32>} : memref<8x128xf32, #tpu.memory_space<vmem>>, vector<1x16xf32>,
      %swap3A_364 = arith.constant 2 : i32
      %swap3A_365 = arith.index_cast %swap3A_364 : i32 to index
      %swap3A_366 = arith.constant 16 : index
      %swap3A_367 = tpu.vector_load %arg10[%swap3A_365, %swap3A_366] {strides = array<i32>} : memref<8x128xf32, #tpu.memory_space<vmem>>, vector<1x16xf32>,
      %swap3A_368 = vector.shape_cast %swap3A_367 : vector<1x16xf32> to vector<16xf32>
      %swap3A_369 = vector.shape_cast %parallel_loop3A_357#1 : vector<16xf32> to vector<1x16xf32>
      tpu.vector_store %arg10[%swap3A_365, %swap3A_366], %swap3A_369 {strides = array<i32>} : memref<8x128xf32, #tpu.memory_space<vmem>>, vector<1x16xf32>,
      %swap3A_370 = arith.constant 2 : i32
      %swap3A_371 = arith.index_cast %swap3A_370 : i32 to index
      %swap3A_372 = arith.constant 32 : index
      %swap3A_373 = tpu.vector_load %arg10[%swap3A_371, %swap3A_372] {strides = array<i32>} : memref<8x128xf32, #tpu.memory_space<vmem>>, vector<1x16xf32>,
      %swap3A_374 = vector.shape_cast %swap3A_373 : vector<1x16xf32> to vector<16xf32>
      %swap3A_375 = vector.shape_cast %parallel_loop3A_357#2 : vector<16xf32> to vector<1x16xf32>
      tpu.vector_store %arg10[%swap3A_371, %swap3A_372], %swap3A_375 {strides = array<i32>} : memref<8x128xf32, #tpu.memory_space<vmem>>, vector<1x16xf32>,
      %swap3A_376 = arith.constant 2 : i32
      %swap3A_377 = arith.index_cast %swap3A_376 : i32 to index
      %swap3A_378 = arith.constant 48 : index
      %swap3A_379 = tpu.vector_load %arg10[%swap3A_377, %swap3A_378] {strides = array<i32>} : memref<8x128xf32, #tpu.memory_space<vmem>>, vector<1x16xf32>,
      %swap3A_380 = vector.shape_cast %swap3A_379 : vector<1x16xf32> to vector<16xf32>
      %swap3A_381 = vector.shape_cast %parallel_loop3A_357#3 : vector<16xf32> to vector<1x16xf32>
      tpu.vector_store %arg10[%swap3A_377, %swap3A_378], %swap3A_381 {strides = array<i32>} : memref<8x128xf32, #tpu.memory_space<vmem>>, vector<1x16xf32>,
      %swap3A_382 = arith.constant 2 : i32
      %swap3A_383 = arith.index_cast %swap3A_382 : i32 to index
      %swap3A_384 = arith.constant 64 : index
      %swap3A_385 = tpu.vector_load %arg10[%swap3A_383, %swap3A_384] {strides = array<i32>} : memref<8x128xf32, #tpu.memory_space<vmem>>, vector<1x16xf32>,
      %swap3A_386 = vector.shape_cast %swap3A_385 : vector<1x16xf32> to vector<16xf32>
      %swap3A_387 = vector.shape_cast %parallel_loop3A_357#4 : vector<16xf32> to vector<1x16xf32>
      tpu.vector_store %arg10[%swap3A_383, %swap3A_384], %swap3A_387 {strides = array<i32>} : memref<8x128xf32, #tpu.memory_space<vmem>>, vector<1x16xf32>,
      %swap3A_388 = arith.constant 2 : i32
      %swap3A_389 = arith.index_cast %swap3A_388 : i32 to index
      %swap3A_390 = arith.constant 80 : index
      %swap3A_391 = tpu.vector_load %arg10[%swap3A_389, %swap3A_390] {strides = array<i32>} : memref<8x128xf32, #tpu.memory_space<vmem>>, vector<1x16xf32>,
      %swap3A_392 = vector.shape_cast %swap3A_391 : vector<1x16xf32> to vector<16xf32>
      %swap3A_393 = vector.shape_cast %parallel_loop3A_357#5 : vector<16xf32> to vector<1x16xf32>
      tpu.vector_store %arg10[%swap3A_389, %swap3A_390], %swap3A_393 {strides = array<i32>} : memref<8x128xf32, #tpu.memory_space<vmem>>, vector<1x16xf32>,
      %swap3A_394 = arith.constant 2 : i32
      %swap3A_395 = arith.index_cast %swap3A_394 : i32 to index
      %swap3A_396 = arith.constant 96 : index
      %swap3A_397 = tpu.vector_load %arg10[%swap3A_395, %swap3A_396] {strides = array<i32>} : memref<8x128xf32, #tpu.memory_space<vmem>>, vector<1x16xf32>,
      %swap3A_398 = vector.shape_cast %swap3A_397 : vector<1x16xf32> to vector<16xf32>
      %swap3A_399 = vector.shape_cast %parallel_loop3A_357#6 : vector<16xf32> to vector<1x16xf32>
      tpu.vector_store %arg10[%swap3A_395, %swap3A_396], %swap3A_399 {strides = array<i32>} : memref<8x128xf32, #tpu.memory_space<vmem>>, vector<1x16xf32>,
      %swap3A_400 = arith.constant 2 : i32
      %swap3A_401 = arith.index_cast %swap3A_400 : i32 to index
      %swap3A_402 = arith.constant 112 : index
      %swap3A_403 = tpu.vector_load %arg10[%swap3A_401, %swap3A_402] {strides = array<i32>} : memref<8x128xf32, #tpu.memory_space<vmem>>, vector<1x16xf32>,
      %swap3A_404 = vector.shape_cast %swap3A_403 : vector<1x16xf32> to vector<16xf32>
      %swap3A_405 = vector.shape_cast %parallel_loop3A_357#7 : vector<16xf32> to vector<1x16xf32>
      tpu.vector_store %arg10[%swap3A_401, %swap3A_402], %swap3A_405 {strides = array<i32>} : memref<8x128xf32, #tpu.memory_space<vmem>>, vector<1x16xf32>,
      %get3A_406 = arith.constant 50 : i32
      %get3A_407 = arith.index_cast %get3A_406 : i32 to index
      %get3A_408 = arith.constant 0 : index
      %get3A_409 = tpu.vector_load %arg7[%get3A_407, %get3A_408] {strides = array<i32>} : memref<100x128xf32, #tpu.memory_space<vmem>>, vector<1x16xf32>,
      %get3A_410 = vector.shape_cast %get3A_409 : vector<1x16xf32> to vector<16xf32>
      %get3A_411 = arith.constant 50 : i32
      %get3A_412 = arith.index_cast %get3A_411 : i32 to index
      %get3A_413 = arith.constant 16 : index
      %get3A_414 = tpu.vector_load %arg7[%get3A_412, %get3A_413] {strides = array<i32>} : memref<100x128xf32, #tpu.memory_space<vmem>>, vector<1x16xf32>,
      %get3A_415 = vector.shape_cast %get3A_414 : vector<1x16xf32> to vector<16xf32>
      %get3A_416 = arith.constant 50 : i32
      %get3A_417 = arith.index_cast %get3A_416 : i32 to index
      %get3A_418 = arith.constant 32 : index
      %get3A_419 = tpu.vector_load %arg7[%get3A_417, %get3A_418] {strides = array<i32>} : memref<100x128xf32, #tpu.memory_space<vmem>>, vector<1x16xf32>,
      %get3A_420 = vector.shape_cast %get3A_419 : vector<1x16xf32> to vector<16xf32>
      %get3A_421 = arith.constant 50 : i32
      %get3A_422 = arith.index_cast %get3A_421 : i32 to index
      %get3A_423 = arith.constant 48 : index
      %get3A_424 = tpu.vector_load %arg7[%get3A_422, %get3A_423] {strides = array<i32>} : memref<100x128xf32, #tpu.memory_space<vmem>>, vector<1x16xf32>,
      %get3A_425 = vector.shape_cast %get3A_424 : vector<1x16xf32> to vector<16xf32>
      %get3A_426 = arith.constant 50 : i32
      %get3A_427 = arith.index_cast %get3A_426 : i32 to index
      %get3A_428 = arith.constant 64 : index
      %get3A_429 = tpu.vector_load %arg7[%get3A_427, %get3A_428] {strides = array<i32>} : memref<100x128xf32, #tpu.memory_space<vmem>>, vector<1x16xf32>,
      %get3A_430 = vector.shape_cast %get3A_429 : vector<1x16xf32> to vector<16xf32>
      %get3A_431 = arith.constant 50 : i32
      %get3A_432 = arith.index_cast %get3A_431 : i32 to index
      %get3A_433 = arith.constant 80 : index
      %get3A_434 = tpu.vector_load %arg7[%get3A_432, %get3A_433] {strides = array<i32>} : memref<100x128xf32, #tpu.memory_space<vmem>>, vector<1x16xf32>,
      %get3A_435 = vector.shape_cast %get3A_434 : vector<1x16xf32> to vector<16xf32>
      %get3A_436 = arith.constant 50 : i32
      %get3A_437 = arith.index_cast %get3A_436 : i32 to index
      %get3A_438 = arith.constant 96 : index
      %get3A_439 = tpu.vector_load %arg7[%get3A_437, %get3A_438] {strides = array<i32>} : memref<100x128xf32, #tpu.memory_space<vmem>>, vector<1x16xf32>,
      %get3A_440 = vector.shape_cast %get3A_439 : vector<1x16xf32> to vector<16xf32>
      %get3A_441 = arith.constant 50 : i32
      %get3A_442 = arith.index_cast %get3A_441 : i32 to index
      %get3A_443 = arith.constant 112 : index
      %get3A_444 = tpu.vector_load %arg7[%get3A_442, %get3A_443] {strides = array<i32>} : memref<100x128xf32, #tpu.memory_space<vmem>>, vector<1x16xf32>,
      %get3A_445 = vector.shape_cast %get3A_444 : vector<1x16xf32> to vector<16xf32>
      %parallel_loop3A_446 = arith.constant 51 : i32
      %parallel_loop3A_447 = arith.constant 100 : i32
      %parallel_loop3A_448 = arith.constant 1 : i32
      %parallel_loop3A_449:8 = scf.for %parallel_loop3A_958 = %parallel_loop3A_446 to %parallel_loop3A_447 step %parallel_loop3A_448 iter_args(%parallel_loop3A_959 = %get3A_410, %parallel_loop3A_960 = %get3A_415, %parallel_loop3A_961 = %get3A_420, %parallel_loop3A_962 = %get3A_425, %parallel_loop3A_963 = %get3A_430, %parallel_loop3A_964 = %get3A_435, %parallel_loop3A_965 = %get3A_440, %parallel_loop3A_966 = %get3A_445) -> (vector<16xf32>, vector<16xf32>, vector<16xf32>, vector<16xf32>, vector<16xf32>, vector<16xf32>, vector<16xf32>, vector<16xf32>)  : i32 {
        %parallel_loop3A_967 = arith.index_cast %parallel_loop3A_958 : i32 to index
        %parallel_loop3A_968 = arith.constant 0 : index
        %parallel_loop3A_969 = tpu.vector_load %arg7[%parallel_loop3A_967, %parallel_loop3A_968] {strides = array<i32>} : memref<100x128xf32, #tpu.memory_space<vmem>>, vector<1x16xf32>,
        %parallel_loop3A_970 = vector.shape_cast %parallel_loop3A_969 : vector<1x16xf32> to vector<16xf32>
        %parallel_loop3A_971 = arith.addf %parallel_loop3A_959, %parallel_loop3A_970 : vector<16xf32>
        %parallel_loop3A_972 = arith.index_cast %parallel_loop3A_958 : i32 to index
        %parallel_loop3A_973 = arith.constant 16 : index
        %parallel_loop3A_974 = tpu.vector_load %arg7[%parallel_loop3A_972, %parallel_loop3A_973] {strides = array<i32>} : memref<100x128xf32, #tpu.memory_space<vmem>>, vector<1x16xf32>,
        %parallel_loop3A_975 = vector.shape_cast %parallel_loop3A_974 : vector<1x16xf32> to vector<16xf32>
        %parallel_loop3A_976 = arith.addf %parallel_loop3A_960, %parallel_loop3A_975 : vector<16xf32>
        %parallel_loop3A_977 = arith.index_cast %parallel_loop3A_958 : i32 to index
        %parallel_loop3A_978 = arith.constant 32 : index
        %parallel_loop3A_979 = tpu.vector_load %arg7[%parallel_loop3A_977, %parallel_loop3A_978] {strides = array<i32>} : memref<100x128xf32, #tpu.memory_space<vmem>>, vector<1x16xf32>,
        %parallel_loop3A_980 = vector.shape_cast %parallel_loop3A_979 : vector<1x16xf32> to vector<16xf32>
        %parallel_loop3A_981 = arith.addf %parallel_loop3A_961, %parallel_loop3A_980 : vector<16xf32>
        %parallel_loop3A_982 = arith.index_cast %parallel_loop3A_958 : i32 to index
        %parallel_loop3A_983 = arith.constant 48 : index
        %parallel_loop3A_984 = tpu.vector_load %arg7[%parallel_loop3A_982, %parallel_loop3A_983] {strides = array<i32>} : memref<100x128xf32, #tpu.memory_space<vmem>>, vector<1x16xf32>,
        %parallel_loop3A_985 = vector.shape_cast %parallel_loop3A_984 : vector<1x16xf32> to vector<16xf32>
        %parallel_loop3A_986 = arith.addf %parallel_loop3A_962, %parallel_loop3A_985 : vector<16xf32>
        %parallel_loop3A_987 = arith.index_cast %parallel_loop3A_958 : i32 to index
        %parallel_loop3A_988 = arith.constant 64 : index
        %parallel_loop3A_989 = tpu.vector_load %arg7[%parallel_loop3A_987, %parallel_loop3A_988] {strides = array<i32>} : memref<100x128xf32, #tpu.memory_space<vmem>>, vector<1x16xf32>,
        %parallel_loop3A_990 = vector.shape_cast %parallel_loop3A_989 : vector<1x16xf32> to vector<16xf32>
        %parallel_loop3A_991 = arith.addf %parallel_loop3A_963, %parallel_loop3A_990 : vector<16xf32>
        %parallel_loop3A_992 = arith.index_cast %parallel_loop3A_958 : i32 to index
        %parallel_loop3A_993 = arith.constant 80 : index
        %parallel_loop3A_994 = tpu.vector_load %arg7[%parallel_loop3A_992, %parallel_loop3A_993] {strides = array<i32>} : memref<100x128xf32, #tpu.memory_space<vmem>>, vector<1x16xf32>,
        %parallel_loop3A_995 = vector.shape_cast %parallel_loop3A_994 : vector<1x16xf32> to vector<16xf32>
        %parallel_loop3A_996 = arith.addf %parallel_loop3A_964, %parallel_loop3A_995 : vector<16xf32>
        %parallel_loop3A_997 = arith.index_cast %parallel_loop3A_958 : i32 to index
        %parallel_loop3A_998 = arith.constant 96 : index
        %parallel_loop3A_999 = tpu.vector_load %arg7[%parallel_loop3A_997, %parallel_loop3A_998] {strides = array<i32>} : memref<100x128xf32, #tpu.memory_space<vmem>>, vector<1x16xf32>,
        %parallel_loop3A_1000 = vector.shape_cast %parallel_loop3A_999 : vector<1x16xf32> to vector<16xf32>
        %parallel_loop3A_1001 = arith.addf %parallel_loop3A_965, %parallel_loop3A_1000 : vector<16xf32>
        %parallel_loop3A_1002 = arith.index_cast %parallel_loop3A_958 : i32 to index
        %parallel_loop3A_1003 = arith.constant 112 : index
        %parallel_loop3A_1004 = tpu.vector_load %arg7[%parallel_loop3A_1002, %parallel_loop3A_1003] {strides = array<i32>} : memref<100x128xf32, #tpu.memory_space<vmem>>, vector<1x16xf32>,
        %parallel_loop3A_1005 = vector.shape_cast %parallel_loop3A_1004 : vector<1x16xf32> to vector<16xf32>
        %parallel_loop3A_1006 = arith.addf %parallel_loop3A_966, %parallel_loop3A_1005 : vector<16xf32>
        scf.yield %parallel_loop3A_971, %parallel_loop3A_976, %parallel_loop3A_981, %parallel_loop3A_986, %parallel_loop3A_991, %parallel_loop3A_996, %parallel_loop3A_1001, %parallel_loop3A_1006 : vector<16xf32>, vector<16xf32>, vector<16xf32>, vector<16xf32>, vector<16xf32>, vector<16xf32>, vector<16xf32>, vector<16xf32>
      } {sc.loop_unroll_factor = 7 : i64, sc.parallel_access}
      %swap3A_450 = arith.constant 3 : i32
      %swap3A_451 = arith.index_cast %swap3A_450 : i32 to index
      %swap3A_452 = arith.constant 0 : index
      %swap3A_453 = tpu.vector_load %arg10[%swap3A_451, %swap3A_452] {strides = array<i32>} : memref<8x128xf32, #tpu.memory_space<vmem>>, vector<1x16xf32>,
      %swap3A_454 = vector.shape_cast %swap3A_453 : vector<1x16xf32> to vector<16xf32>
      %swap3A_455 = vector.shape_cast %parallel_loop3A_449#0 : vector<16xf32> to vector<1x16xf32>
      tpu.vector_store %arg10[%swap3A_451, %swap3A_452], %swap3A_455 {strides = array<i32>} : memref<8x128xf32, #tpu.memory_space<vmem>>, vector<1x16xf32>,
      %swap3A_456 = arith.constant 3 : i32
      %swap3A_457 = arith.index_cast %swap3A_456 : i32 to index
      %swap3A_458 = arith.constant 16 : index
      %swap3A_459 = tpu.vector_load %arg10[%swap3A_457, %swap3A_458] {strides = array<i32>} : memref<8x128xf32, #tpu.memory_space<vmem>>, vector<1x16xf32>,
      %swap3A_460 = vector.shape_cast %swap3A_459 : vector<1x16xf32> to vector<16xf32>
      %swap3A_461 = vector.shape_cast %parallel_loop3A_449#1 : vector<16xf32> to vector<1x16xf32>
      tpu.vector_store %arg10[%swap3A_457, %swap3A_458], %swap3A_461 {strides = array<i32>} : memref<8x128xf32, #tpu.memory_space<vmem>>, vector<1x16xf32>,
      %swap3A_462 = arith.constant 3 : i32
      %swap3A_463 = arith.index_cast %swap3A_462 : i32 to index
      %swap3A_464 = arith.constant 32 : index
      %swap3A_465 = tpu.vector_load %arg10[%swap3A_463, %swap3A_464] {strides = array<i32>} : memref<8x128xf32, #tpu.memory_space<vmem>>, vector<1x16xf32>,
      %swap3A_466 = vector.shape_cast %swap3A_465 : vector<1x16xf32> to vector<16xf32>
      %swap3A_467 = vector.shape_cast %parallel_loop3A_449#2 : vector<16xf32> to vector<1x16xf32>
      tpu.vector_store %arg10[%swap3A_463, %swap3A_464], %swap3A_467 {strides = array<i32>} : memref<8x128xf32, #tpu.memory_space<vmem>>, vector<1x16xf32>,
      %swap3A_468 = arith.constant 3 : i32
      %swap3A_469 = arith.index_cast %swap3A_468 : i32 to index
      %swap3A_470 = arith.constant 48 : index
      %swap3A_471 = tpu.vector_load %arg10[%swap3A_469, %swap3A_470] {strides = array<i32>} : memref<8x128xf32, #tpu.memory_space<vmem>>, vector<1x16xf32>,
      %swap3A_472 = vector.shape_cast %swap3A_471 : vector<1x16xf32> to vector<16xf32>
      %swap3A_473 = vector.shape_cast %parallel_loop3A_449#3 : vector<16xf32> to vector<1x16xf32>
      tpu.vector_store %arg10[%swap3A_469, %swap3A_470], %swap3A_473 {strides = array<i32>} : memref<8x128xf32, #tpu.memory_space<vmem>>, vector<1x16xf32>,
      %swap3A_474 = arith.constant 3 : i32
      %swap3A_475 = arith.index_cast %swap3A_474 : i32 to index
      %swap3A_476 = arith.constant 64 : index
      %swap3A_477 = tpu.vector_load %arg10[%swap3A_475, %swap3A_476] {strides = array<i32>} : memref<8x128xf32, #tpu.memory_space<vmem>>, vector<1x16xf32>,
      %swap3A_478 = vector.shape_cast %swap3A_477 : vector<1x16xf32> to vector<16xf32>
      %swap3A_479 = vector.shape_cast %parallel_loop3A_449#4 : vector<16xf32> to vector<1x16xf32>
      tpu.vector_store %arg10[%swap3A_475, %swap3A_476], %swap3A_479 {strides = array<i32>} : memref<8x128xf32, #tpu.memory_space<vmem>>, vector<1x16xf32>,
      %swap3A_480 = arith.constant 3 : i32
      %swap3A_481 = arith.index_cast %swap3A_480 : i32 to index
      %swap3A_482 = arith.constant 80 : index
      %swap3A_483 = tpu.vector_load %arg10[%swap3A_481, %swap3A_482] {strides = array<i32>} : memref<8x128xf32, #tpu.memory_space<vmem>>, vector<1x16xf32>,
      %swap3A_484 = vector.shape_cast %swap3A_483 : vector<1x16xf32> to vector<16xf32>
      %swap3A_485 = vector.shape_cast %parallel_loop3A_449#5 : vector<16xf32> to vector<1x16xf32>
      tpu.vector_store %arg10[%swap3A_481, %swap3A_482], %swap3A_485 {strides = array<i32>} : memref<8x128xf32, #tpu.memory_space<vmem>>, vector<1x16xf32>,
      %swap3A_486 = arith.constant 3 : i32
      %swap3A_487 = arith.index_cast %swap3A_486 : i32 to index
      %swap3A_488 = arith.constant 96 : index
      %swap3A_489 = tpu.vector_load %arg10[%swap3A_487, %swap3A_488] {strides = array<i32>} : memref<8x128xf32, #tpu.memory_space<vmem>>, vector<1x16xf32>,
      %swap3A_490 = vector.shape_cast %swap3A_489 : vector<1x16xf32> to vector<16xf32>
      %swap3A_491 = vector.shape_cast %parallel_loop3A_449#6 : vector<16xf32> to vector<1x16xf32>
      tpu.vector_store %arg10[%swap3A_487, %swap3A_488], %swap3A_491 {strides = array<i32>} : memref<8x128xf32, #tpu.memory_space<vmem>>, vector<1x16xf32>,
      %swap3A_492 = arith.constant 3 : i32
      %swap3A_493 = arith.index_cast %swap3A_492 : i32 to index
      %swap3A_494 = arith.constant 112 : index
      %swap3A_495 = tpu.vector_load %arg10[%swap3A_493, %swap3A_494] {strides = array<i32>} : memref<8x128xf32, #tpu.memory_space<vmem>>, vector<1x16xf32>,
      %swap3A_496 = vector.shape_cast %swap3A_495 : vector<1x16xf32> to vector<16xf32>
      %swap3A_497 = vector.shape_cast %parallel_loop3A_449#7 : vector<16xf32> to vector<1x16xf32>
      tpu.vector_store %arg10[%swap3A_493, %swap3A_494], %swap3A_497 {strides = array<i32>} : memref<8x128xf32, #tpu.memory_space<vmem>>, vector<1x16xf32>,
      %mul3A_498 = arith.constant 2 : i32
      %mul3A_499 = arith.muli %mul3A_498, %add3A_301 : i32
      %add3A_500 = arith.addi %mul3A_4, %mul3A_499 : i32
      %dma_start3A_501 = arith.constant 2 : i32
      %dma_start3A_502 = arith.constant 0 : i32
      %dma_start3A_503 = tpu.memref_slice %arg10[%dma_start3A_501, %dma_start3A_502] : memref<8x128xf32, #tpu.memory_space<vmem>> -> memref<2x128xf32, #tpu.memory_space<vmem>>
      %dma_start3A_504 = arith.constant 0 : i32
      %dma_start3A_505 = tpu.memref_slice %arg4[%add3A_500, %dma_start3A_504] : memref<8192x128xf32, #tpu.memory_space<hbm>> -> memref<2x128xf32, #tpu.memory_space<hbm>>
      %dma_start3A_506 = arith.constant 0 : i32
      %dma_start3A_507 = tpu.memref_slice %arg4[%add3A_500, %dma_start3A_506] : memref<8192x128xf32, #tpu.memory_space<hbm>> -> memref<2x128xf32, #tpu.memory_space<hbm>>
      %dma_start3A_508 = arith.constant 2 : i32
      %dma_start3A_509 = arith.constant 0 : i32
      %dma_start3A_510 = tpu.memref_slice %arg10[%dma_start3A_508, %dma_start3A_509] : memref<8x128xf32, #tpu.memory_space<vmem>> -> memref<2x128xf32, #tpu.memory_space<vmem>>
      tpu.enqueue_dma source(%dma_start3A_510 : memref<2x128xf32, #tpu.memory_space<vmem>>) target(%dma_start3A_507 : memref<2x128xf32, #tpu.memory_space<hbm>>) target_semaphore(%arg16 : memref<!tpu.dma_semaphore, #tpu.memory_space<semaphore_mem>>)
      %add3A_511 = arith.constant 4 : i32
      %add3A_512 = arith.addi %add3A_301, %add3A_511 : i32
      %lt3A_513 = arith.constant 128 : i32
      %lt3A_514 = arith.cmpi slt, %add3A_512, %lt3A_513 : i32
      %convert_element_type3A_515 = arith.extui %lt3A_514 : i1 to i32
      %cond3A_516 = arith.constant 0 : i32
      %cond3A_517 = arith.cmpi ne, %convert_element_type3A_515, %cond3A_516 : i32
      scf.if %cond3A_517 {
        %dma_start3A_958 = arith.constant 0 : i32
        %dma_start3A_959 = tpu.memref_slice %arg5[%add3A_512, %dma_start3A_958] : memref<128x100xi32, #tpu.memory_space<vmem>> -> memref<1x100xi32, #tpu.memory_space<vmem>>
        %dma_start3A_960 = tpu.memref_squeeze %dma_start3A_959 : memref<1x100xi32, #tpu.memory_space<vmem>> -> memref<100xi32, #tpu.memory_space<vmem>>
        %dma_start3A_961 = arith.constant 0 : i32
        %dma_start3A_962 = arith.constant 0 : i32
        %dma_start3A_963 = tpu.memref_slice %arg3[%dma_start3A_961, %dma_start3A_962] : memref<100000x128xf32, #tpu.memory_space<hbm>> -> memref<100000x128xf32, #tpu.memory_space<hbm>>
        tpu.enqueue_indirect_dma source(%dma_start3A_963 : memref<100000x128xf32, #tpu.memory_space<hbm>>) target(%arg7 : memref<100x128xf32, #tpu.memory_space<vmem>>) offsets(%dma_start3A_960 : memref<100xi32, #tpu.memory_space<vmem>>) semaphore(%arg12 : memref<!tpu.dma_semaphore, #tpu.memory_space<semaphore_mem>>)
      } else {
      }
      %mul3A_518 = arith.constant 4 : i32
      %mul3A_519 = arith.muli %mul3A_518, %scan3A_84 : i32
      %add3A_520 = arith.constant 2 : i32
      %add3A_521 = arith.addi %mul3A_519, %add3A_520 : i32
      %dma_wait3A_522 = arith.constant 0 : i32
      %dma_wait3A_523 = arith.constant 0 : i32
      %dma_wait3A_524 = tpu.memref_slice %arg5[%dma_wait3A_522, %dma_wait3A_523] : memref<128x100xi32, #tpu.memory_space<vmem>> -> memref<1x100xi32, #tpu.memory_space<vmem>>
      %dma_wait3A_525 = tpu.memref_squeeze %dma_wait3A_524 : memref<1x100xi32, #tpu.memory_space<vmem>> -> memref<100xi32, #tpu.memory_space<vmem>>
      %dma_wait3A_526 = arith.constant 0 : i32
      %dma_wait3A_527 = arith.constant 0 : i32
      %dma_wait3A_528 = tpu.memref_slice %arg3[%dma_wait3A_526, %dma_wait3A_527] : memref<100000x128xf32, #tpu.memory_space<hbm>> -> memref<100000x128xf32, #tpu.memory_space<hbm>>
      tpu.wait_indirect_dma semaphore(%arg13 : memref<!tpu.dma_semaphore, #tpu.memory_space<semaphore_mem>>) src(%dma_wait3A_528 : memref<100000x128xf32, #tpu.memory_space<hbm>>) dst(%arg8 : memref<100x128xf32, #tpu.memory_space<vmem>>)
      %ge3A_529 = arith.constant 1 : i32
      %ge3A_530 = arith.cmpi sge, %scan3A_84, %ge3A_529 : i32
      %convert_element_type3A_531 = arith.extui %ge3A_530 : i1 to i32
      %cond3A_532 = arith.constant 0 : i32
      %cond3A_533 = arith.cmpi ne, %convert_element_type3A_531, %cond3A_532 : i32
      scf.if %cond3A_533 {
        %dma_wait3A_958 = arith.constant 4 : i32
        %dma_wait3A_959 = arith.constant 0 : i32
        %dma_wait3A_960 = tpu.memref_slice %arg10[%dma_wait3A_958, %dma_wait3A_959] : memref<8x128xf32, #tpu.memory_space<vmem>> -> memref<2x128xf32, #tpu.memory_space<vmem>>
        %dma_wait3A_961 = arith.constant 0 : i32
        %dma_wait3A_962 = arith.constant 0 : i32
        %dma_wait3A_963 = tpu.memref_slice %arg4[%dma_wait3A_961, %dma_wait3A_962] : memref<8192x128xf32, #tpu.memory_space<hbm>> -> memref<2x128xf32, #tpu.memory_space<hbm>>
        %dma_wait3A_964 = arith.constant 0 : i32
        %dma_wait3A_965 = arith.constant 0 : i32
        %dma_wait3A_966 = tpu.memref_slice %arg4[%dma_wait3A_964, %dma_wait3A_965] : memref<8192x128xf32, #tpu.memory_space<hbm>> -> memref<2x128xf32, #tpu.memory_space<hbm>>
        %dma_wait3A_967 = arith.constant 4 : i32
        %dma_wait3A_968 = arith.constant 0 : i32
        %dma_wait3A_969 = tpu.memref_slice %arg10[%dma_wait3A_967, %dma_wait3A_968] : memref<8x128xf32, #tpu.memory_space<vmem>> -> memref<2x128xf32, #tpu.memory_space<vmem>>
        tpu.wait_dma2 semaphore(%arg17 : memref<!tpu.dma_semaphore, #tpu.memory_space<semaphore_mem>>) src(%dma_wait3A_969 : memref<2x128xf32, #tpu.memory_space<vmem>>) dst(%dma_wait3A_966 : memref<2x128xf32, #tpu.memory_space<hbm>>)
      } else {
      }
      %get3A_534 = arith.constant 0 : i32
      %get3A_535 = arith.index_cast %get3A_534 : i32 to index
      %get3A_536 = arith.constant 0 : index
      %get3A_537 = tpu.vector_load %arg8[%get3A_535, %get3A_536] {strides = array<i32>} : memref<100x128xf32, #tpu.memory_space<vmem>>, vector<1x16xf32>,
      %get3A_538 = vector.shape_cast %get3A_537 : vector<1x16xf32> to vector<16xf32>
      %get3A_539 = arith.constant 0 : i32
      %get3A_540 = arith.index_cast %get3A_539 : i32 to index
      %get3A_541 = arith.constant 16 : index
      %get3A_542 = tpu.vector_load %arg8[%get3A_540, %get3A_541] {strides = array<i32>} : memref<100x128xf32, #tpu.memory_space<vmem>>, vector<1x16xf32>,
      %get3A_543 = vector.shape_cast %get3A_542 : vector<1x16xf32> to vector<16xf32>
      %get3A_544 = arith.constant 0 : i32
      %get3A_545 = arith.index_cast %get3A_544 : i32 to index
      %get3A_546 = arith.constant 32 : index
      %get3A_547 = tpu.vector_load %arg8[%get3A_545, %get3A_546] {strides = array<i32>} : memref<100x128xf32, #tpu.memory_space<vmem>>, vector<1x16xf32>,
      %get3A_548 = vector.shape_cast %get3A_547 : vector<1x16xf32> to vector<16xf32>
      %get3A_549 = arith.constant 0 : i32
      %get3A_550 = arith.index_cast %get3A_549 : i32 to index
      %get3A_551 = arith.constant 48 : index
      %get3A_552 = tpu.vector_load %arg8[%get3A_550, %get3A_551] {strides = array<i32>} : memref<100x128xf32, #tpu.memory_space<vmem>>, vector<1x16xf32>,
      %get3A_553 = vector.shape_cast %get3A_552 : vector<1x16xf32> to vector<16xf32>
      %get3A_554 = arith.constant 0 : i32
      %get3A_555 = arith.index_cast %get3A_554 : i32 to index
      %get3A_556 = arith.constant 64 : index
      %get3A_557 = tpu.vector_load %arg8[%get3A_555, %get3A_556] {strides = array<i32>} : memref<100x128xf32, #tpu.memory_space<vmem>>, vector<1x16xf32>,
      %get3A_558 = vector.shape_cast %get3A_557 : vector<1x16xf32> to vector<16xf32>
      %get3A_559 = arith.constant 0 : i32
      %get3A_560 = arith.index_cast %get3A_559 : i32 to index
      %get3A_561 = arith.constant 80 : index
      %get3A_562 = tpu.vector_load %arg8[%get3A_560, %get3A_561] {strides = array<i32>} : memref<100x128xf32, #tpu.memory_space<vmem>>, vector<1x16xf32>,
      %get3A_563 = vector.shape_cast %get3A_562 : vector<1x16xf32> to vector<16xf32>
      %get3A_564 = arith.constant 0 : i32
      %get3A_565 = arith.index_cast %get3A_564 : i32 to index
      %get3A_566 = arith.constant 96 : index
      %get3A_567 = tpu.vector_load %arg8[%get3A_565, %get3A_566] {strides = array<i32>} : memref<100x128xf32, #tpu.memory_space<vmem>>, vector<1x16xf32>,
      %get3A_568 = vector.shape_cast %get3A_567 : vector<1x16xf32> to vector<16xf32>
      %get3A_569 = arith.constant 0 : i32
      %get3A_570 = arith.index_cast %get3A_569 : i32 to index
      %get3A_571 = arith.constant 112 : index
      %get3A_572 = tpu.vector_load %arg8[%get3A_570, %get3A_571] {strides = array<i32>} : memref<100x128xf32, #tpu.memory_space<vmem>>, vector<1x16xf32>,
      %get3A_573 = vector.shape_cast %get3A_572 : vector<1x16xf32> to vector<16xf32>
      %parallel_loop3A_574 = arith.constant 1 : i32
      %parallel_loop3A_575 = arith.constant 50 : i32
      %parallel_loop3A_576 = arith.constant 1 : i32
      %parallel_loop3A_577:8 = scf.for %parallel_loop3A_958 = %parallel_loop3A_574 to %parallel_loop3A_575 step %parallel_loop3A_576 iter_args(%parallel_loop3A_959 = %get3A_538, %parallel_loop3A_960 = %get3A_543, %parallel_loop3A_961 = %get3A_548, %parallel_loop3A_962 = %get3A_553, %parallel_loop3A_963 = %get3A_558, %parallel_loop3A_964 = %get3A_563, %parallel_loop3A_965 = %get3A_568, %parallel_loop3A_966 = %get3A_573) -> (vector<16xf32>, vector<16xf32>, vector<16xf32>, vector<16xf32>, vector<16xf32>, vector<16xf32>, vector<16xf32>, vector<16xf32>)  : i32 {
        %parallel_loop3A_967 = arith.index_cast %parallel_loop3A_958 : i32 to index
        %parallel_loop3A_968 = arith.constant 0 : index
        %parallel_loop3A_969 = tpu.vector_load %arg8[%parallel_loop3A_967, %parallel_loop3A_968] {strides = array<i32>} : memref<100x128xf32, #tpu.memory_space<vmem>>, vector<1x16xf32>,
        %parallel_loop3A_970 = vector.shape_cast %parallel_loop3A_969 : vector<1x16xf32> to vector<16xf32>
        %parallel_loop3A_971 = arith.addf %parallel_loop3A_959, %parallel_loop3A_970 : vector<16xf32>
        %parallel_loop3A_972 = arith.index_cast %parallel_loop3A_958 : i32 to index
        %parallel_loop3A_973 = arith.constant 16 : index
        %parallel_loop3A_974 = tpu.vector_load %arg8[%parallel_loop3A_972, %parallel_loop3A_973] {strides = array<i32>} : memref<100x128xf32, #tpu.memory_space<vmem>>, vector<1x16xf32>,
        %parallel_loop3A_975 = vector.shape_cast %parallel_loop3A_974 : vector<1x16xf32> to vector<16xf32>
        %parallel_loop3A_976 = arith.addf %parallel_loop3A_960, %parallel_loop3A_975 : vector<16xf32>
        %parallel_loop3A_977 = arith.index_cast %parallel_loop3A_958 : i32 to index
        %parallel_loop3A_978 = arith.constant 32 : index
        %parallel_loop3A_979 = tpu.vector_load %arg8[%parallel_loop3A_977, %parallel_loop3A_978] {strides = array<i32>} : memref<100x128xf32, #tpu.memory_space<vmem>>, vector<1x16xf32>,
        %parallel_loop3A_980 = vector.shape_cast %parallel_loop3A_979 : vector<1x16xf32> to vector<16xf32>
        %parallel_loop3A_981 = arith.addf %parallel_loop3A_961, %parallel_loop3A_980 : vector<16xf32>
        %parallel_loop3A_982 = arith.index_cast %parallel_loop3A_958 : i32 to index
        %parallel_loop3A_983 = arith.constant 48 : index
        %parallel_loop3A_984 = tpu.vector_load %arg8[%parallel_loop3A_982, %parallel_loop3A_983] {strides = array<i32>} : memref<100x128xf32, #tpu.memory_space<vmem>>, vector<1x16xf32>,
        %parallel_loop3A_985 = vector.shape_cast %parallel_loop3A_984 : vector<1x16xf32> to vector<16xf32>
        %parallel_loop3A_986 = arith.addf %parallel_loop3A_962, %parallel_loop3A_985 : vector<16xf32>
        %parallel_loop3A_987 = arith.index_cast %parallel_loop3A_958 : i32 to index
        %parallel_loop3A_988 = arith.constant 64 : index
        %parallel_loop3A_989 = tpu.vector_load %arg8[%parallel_loop3A_987, %parallel_loop3A_988] {strides = array<i32>} : memref<100x128xf32, #tpu.memory_space<vmem>>, vector<1x16xf32>,
        %parallel_loop3A_990 = vector.shape_cast %parallel_loop3A_989 : vector<1x16xf32> to vector<16xf32>
        %parallel_loop3A_991 = arith.addf %parallel_loop3A_963, %parallel_loop3A_990 : vector<16xf32>
        %parallel_loop3A_992 = arith.index_cast %parallel_loop3A_958 : i32 to index
        %parallel_loop3A_993 = arith.constant 80 : index
        %parallel_loop3A_994 = tpu.vector_load %arg8[%parallel_loop3A_992, %parallel_loop3A_993] {strides = array<i32>} : memref<100x128xf32, #tpu.memory_space<vmem>>, vector<1x16xf32>,
        %parallel_loop3A_995 = vector.shape_cast %parallel_loop3A_994 : vector<1x16xf32> to vector<16xf32>
        %parallel_loop3A_996 = arith.addf %parallel_loop3A_964, %parallel_loop3A_995 : vector<16xf32>
        %parallel_loop3A_997 = arith.index_cast %parallel_loop3A_958 : i32 to index
        %parallel_loop3A_998 = arith.constant 96 : index
        %parallel_loop3A_999 = tpu.vector_load %arg8[%parallel_loop3A_997, %parallel_loop3A_998] {strides = array<i32>} : memref<100x128xf32, #tpu.memory_space<vmem>>, vector<1x16xf32>,
        %parallel_loop3A_1000 = vector.shape_cast %parallel_loop3A_999 : vector<1x16xf32> to vector<16xf32>
        %parallel_loop3A_1001 = arith.addf %parallel_loop3A_965, %parallel_loop3A_1000 : vector<16xf32>
        %parallel_loop3A_1002 = arith.index_cast %parallel_loop3A_958 : i32 to index
        %parallel_loop3A_1003 = arith.constant 112 : index
        %parallel_loop3A_1004 = tpu.vector_load %arg8[%parallel_loop3A_1002, %parallel_loop3A_1003] {strides = array<i32>} : memref<100x128xf32, #tpu.memory_space<vmem>>, vector<1x16xf32>,
        %parallel_loop3A_1005 = vector.shape_cast %parallel_loop3A_1004 : vector<1x16xf32> to vector<16xf32>
        %parallel_loop3A_1006 = arith.addf %parallel_loop3A_966, %parallel_loop3A_1005 : vector<16xf32>
        scf.yield %parallel_loop3A_971, %parallel_loop3A_976, %parallel_loop3A_981, %parallel_loop3A_986, %parallel_loop3A_991, %parallel_loop3A_996, %parallel_loop3A_1001, %parallel_loop3A_1006 : vector<16xf32>, vector<16xf32>, vector<16xf32>, vector<16xf32>, vector<16xf32>, vector<16xf32>, vector<16xf32>, vector<16xf32>
      } {sc.loop_unroll_factor = 7 : i64, sc.parallel_access}
      %swap3A_578 = arith.constant 4 : i32
      %swap3A_579 = arith.index_cast %swap3A_578 : i32 to index
      %swap3A_580 = arith.constant 0 : index
      %swap3A_581 = tpu.vector_load %arg10[%swap3A_579, %swap3A_580] {strides = array<i32>} : memref<8x128xf32, #tpu.memory_space<vmem>>, vector<1x16xf32>,
      %swap3A_582 = vector.shape_cast %swap3A_581 : vector<1x16xf32> to vector<16xf32>
      %swap3A_583 = vector.shape_cast %parallel_loop3A_577#0 : vector<16xf32> to vector<1x16xf32>
      tpu.vector_store %arg10[%swap3A_579, %swap3A_580], %swap3A_583 {strides = array<i32>} : memref<8x128xf32, #tpu.memory_space<vmem>>, vector<1x16xf32>,
      %swap3A_584 = arith.constant 4 : i32
      %swap3A_585 = arith.index_cast %swap3A_584 : i32 to index
      %swap3A_586 = arith.constant 16 : index
      %swap3A_587 = tpu.vector_load %arg10[%swap3A_585, %swap3A_586] {strides = array<i32>} : memref<8x128xf32, #tpu.memory_space<vmem>>, vector<1x16xf32>,
      %swap3A_588 = vector.shape_cast %swap3A_587 : vector<1x16xf32> to vector<16xf32>
      %swap3A_589 = vector.shape_cast %parallel_loop3A_577#1 : vector<16xf32> to vector<1x16xf32>
      tpu.vector_store %arg10[%swap3A_585, %swap3A_586], %swap3A_589 {strides = array<i32>} : memref<8x128xf32, #tpu.memory_space<vmem>>, vector<1x16xf32>,
      %swap3A_590 = arith.constant 4 : i32
      %swap3A_591 = arith.index_cast %swap3A_590 : i32 to index
      %swap3A_592 = arith.constant 32 : index
      %swap3A_593 = tpu.vector_load %arg10[%swap3A_591, %swap3A_592] {strides = array<i32>} : memref<8x128xf32, #tpu.memory_space<vmem>>, vector<1x16xf32>,
      %swap3A_594 = vector.shape_cast %swap3A_593 : vector<1x16xf32> to vector<16xf32>
      %swap3A_595 = vector.shape_cast %parallel_loop3A_577#2 : vector<16xf32> to vector<1x16xf32>
      tpu.vector_store %arg10[%swap3A_591, %swap3A_592], %swap3A_595 {strides = array<i32>} : memref<8x128xf32, #tpu.memory_space<vmem>>, vector<1x16xf32>,
      %swap3A_596 = arith.constant 4 : i32
      %swap3A_597 = arith.index_cast %swap3A_596 : i32 to index
      %swap3A_598 = arith.constant 48 : index
      %swap3A_599 = tpu.vector_load %arg10[%swap3A_597, %swap3A_598] {strides = array<i32>} : memref<8x128xf32, #tpu.memory_space<vmem>>, vector<1x16xf32>,
      %swap3A_600 = vector.shape_cast %swap3A_599 : vector<1x16xf32> to vector<16xf32>
      %swap3A_601 = vector.shape_cast %parallel_loop3A_577#3 : vector<16xf32> to vector<1x16xf32>
      tpu.vector_store %arg10[%swap3A_597, %swap3A_598], %swap3A_601 {strides = array<i32>} : memref<8x128xf32, #tpu.memory_space<vmem>>, vector<1x16xf32>,
      %swap3A_602 = arith.constant 4 : i32
      %swap3A_603 = arith.index_cast %swap3A_602 : i32 to index
      %swap3A_604 = arith.constant 64 : index
      %swap3A_605 = tpu.vector_load %arg10[%swap3A_603, %swap3A_604] {strides = array<i32>} : memref<8x128xf32, #tpu.memory_space<vmem>>, vector<1x16xf32>,
      %swap3A_606 = vector.shape_cast %swap3A_605 : vector<1x16xf32> to vector<16xf32>
      %swap3A_607 = vector.shape_cast %parallel_loop3A_577#4 : vector<16xf32> to vector<1x16xf32>
      tpu.vector_store %arg10[%swap3A_603, %swap3A_604], %swap3A_607 {strides = array<i32>} : memref<8x128xf32, #tpu.memory_space<vmem>>, vector<1x16xf32>,
      %swap3A_608 = arith.constant 4 : i32
      %swap3A_609 = arith.index_cast %swap3A_608 : i32 to index
      %swap3A_610 = arith.constant 80 : index
      %swap3A_611 = tpu.vector_load %arg10[%swap3A_609, %swap3A_610] {strides = array<i32>} : memref<8x128xf32, #tpu.memory_space<vmem>>, vector<1x16xf32>,
      %swap3A_612 = vector.shape_cast %swap3A_611 : vector<1x16xf32> to vector<16xf32>
      %swap3A_613 = vector.shape_cast %parallel_loop3A_577#5 : vector<16xf32> to vector<1x16xf32>
      tpu.vector_store %arg10[%swap3A_609, %swap3A_610], %swap3A_613 {strides = array<i32>} : memref<8x128xf32, #tpu.memory_space<vmem>>, vector<1x16xf32>,
      %swap3A_614 = arith.constant 4 : i32
      %swap3A_615 = arith.index_cast %swap3A_614 : i32 to index
      %swap3A_616 = arith.constant 96 : index
      %swap3A_617 = tpu.vector_load %arg10[%swap3A_615, %swap3A_616] {strides = array<i32>} : memref<8x128xf32, #tpu.memory_space<vmem>>, vector<1x16xf32>,
      %swap3A_618 = vector.shape_cast %swap3A_617 : vector<1x16xf32> to vector<16xf32>
      %swap3A_619 = vector.shape_cast %parallel_loop3A_577#6 : vector<16xf32> to vector<1x16xf32>
      tpu.vector_store %arg10[%swap3A_615, %swap3A_616], %swap3A_619 {strides = array<i32>} : memref<8x128xf32, #tpu.memory_space<vmem>>, vector<1x16xf32>,
      %swap3A_620 = arith.constant 4 : i32
      %swap3A_621 = arith.index_cast %swap3A_620 : i32 to index
      %swap3A_622 = arith.constant 112 : index
      %swap3A_623 = tpu.vector_load %arg10[%swap3A_621, %swap3A_622] {strides = array<i32>} : memref<8x128xf32, #tpu.memory_space<vmem>>, vector<1x16xf32>,
      %swap3A_624 = vector.shape_cast %swap3A_623 : vector<1x16xf32> to vector<16xf32>
      %swap3A_625 = vector.shape_cast %parallel_loop3A_577#7 : vector<16xf32> to vector<1x16xf32>
      tpu.vector_store %arg10[%swap3A_621, %swap3A_622], %swap3A_625 {strides = array<i32>} : memref<8x128xf32, #tpu.memory_space<vmem>>, vector<1x16xf32>,
      %get3A_626 = arith.constant 50 : i32
      %get3A_627 = arith.index_cast %get3A_626 : i32 to index
      %get3A_628 = arith.constant 0 : index
      %get3A_629 = tpu.vector_load %arg8[%get3A_627, %get3A_628] {strides = array<i32>} : memref<100x128xf32, #tpu.memory_space<vmem>>, vector<1x16xf32>,
      %get3A_630 = vector.shape_cast %get3A_629 : vector<1x16xf32> to vector<16xf32>
      %get3A_631 = arith.constant 50 : i32
      %get3A_632 = arith.index_cast %get3A_631 : i32 to index
      %get3A_633 = arith.constant 16 : index
      %get3A_634 = tpu.vector_load %arg8[%get3A_632, %get3A_633] {strides = array<i32>} : memref<100x128xf32, #tpu.memory_space<vmem>>, vector<1x16xf32>,
      %get3A_635 = vector.shape_cast %get3A_634 : vector<1x16xf32> to vector<16xf32>
      %get3A_636 = arith.constant 50 : i32
      %get3A_637 = arith.index_cast %get3A_636 : i32 to index
      %get3A_638 = arith.constant 32 : index
      %get3A_639 = tpu.vector_load %arg8[%get3A_637, %get3A_638] {strides = array<i32>} : memref<100x128xf32, #tpu.memory_space<vmem>>, vector<1x16xf32>,
      %get3A_640 = vector.shape_cast %get3A_639 : vector<1x16xf32> to vector<16xf32>
      %get3A_641 = arith.constant 50 : i32
      %get3A_642 = arith.index_cast %get3A_641 : i32 to index
      %get3A_643 = arith.constant 48 : index
      %get3A_644 = tpu.vector_load %arg8[%get3A_642, %get3A_643] {strides = array<i32>} : memref<100x128xf32, #tpu.memory_space<vmem>>, vector<1x16xf32>,
      %get3A_645 = vector.shape_cast %get3A_644 : vector<1x16xf32> to vector<16xf32>
      %get3A_646 = arith.constant 50 : i32
      %get3A_647 = arith.index_cast %get3A_646 : i32 to index
      %get3A_648 = arith.constant 64 : index
      %get3A_649 = tpu.vector_load %arg8[%get3A_647, %get3A_648] {strides = array<i32>} : memref<100x128xf32, #tpu.memory_space<vmem>>, vector<1x16xf32>,
      %get3A_650 = vector.shape_cast %get3A_649 : vector<1x16xf32> to vector<16xf32>
      %get3A_651 = arith.constant 50 : i32
      %get3A_652 = arith.index_cast %get3A_651 : i32 to index
      %get3A_653 = arith.constant 80 : index
      %get3A_654 = tpu.vector_load %arg8[%get3A_652, %get3A_653] {strides = array<i32>} : memref<100x128xf32, #tpu.memory_space<vmem>>, vector<1x16xf32>,
      %get3A_655 = vector.shape_cast %get3A_654 : vector<1x16xf32> to vector<16xf32>
      %get3A_656 = arith.constant 50 : i32
      %get3A_657 = arith.index_cast %get3A_656 : i32 to index
      %get3A_658 = arith.constant 96 : index
      %get3A_659 = tpu.vector_load %arg8[%get3A_657, %get3A_658] {strides = array<i32>} : memref<100x128xf32, #tpu.memory_space<vmem>>, vector<1x16xf32>,
      %get3A_660 = vector.shape_cast %get3A_659 : vector<1x16xf32> to vector<16xf32>
      %get3A_661 = arith.constant 50 : i32
      %get3A_662 = arith.index_cast %get3A_661 : i32 to index
      %get3A_663 = arith.constant 112 : index
      %get3A_664 = tpu.vector_load %arg8[%get3A_662, %get3A_663] {strides = array<i32>} : memref<100x128xf32, #tpu.memory_space<vmem>>, vector<1x16xf32>,
      %get3A_665 = vector.shape_cast %get3A_664 : vector<1x16xf32> to vector<16xf32>
      %parallel_loop3A_666 = arith.constant 51 : i32
      %parallel_loop3A_667 = arith.constant 100 : i32
      %parallel_loop3A_668 = arith.constant 1 : i32
      %parallel_loop3A_669:8 = scf.for %parallel_loop3A_958 = %parallel_loop3A_666 to %parallel_loop3A_667 step %parallel_loop3A_668 iter_args(%parallel_loop3A_959 = %get3A_630, %parallel_loop3A_960 = %get3A_635, %parallel_loop3A_961 = %get3A_640, %parallel_loop3A_962 = %get3A_645, %parallel_loop3A_963 = %get3A_650, %parallel_loop3A_964 = %get3A_655, %parallel_loop3A_965 = %get3A_660, %parallel_loop3A_966 = %get3A_665) -> (vector<16xf32>, vector<16xf32>, vector<16xf32>, vector<16xf32>, vector<16xf32>, vector<16xf32>, vector<16xf32>, vector<16xf32>)  : i32 {
        %parallel_loop3A_967 = arith.index_cast %parallel_loop3A_958 : i32 to index
        %parallel_loop3A_968 = arith.constant 0 : index
        %parallel_loop3A_969 = tpu.vector_load %arg8[%parallel_loop3A_967, %parallel_loop3A_968] {strides = array<i32>} : memref<100x128xf32, #tpu.memory_space<vmem>>, vector<1x16xf32>,
        %parallel_loop3A_970 = vector.shape_cast %parallel_loop3A_969 : vector<1x16xf32> to vector<16xf32>
        %parallel_loop3A_971 = arith.addf %parallel_loop3A_959, %parallel_loop3A_970 : vector<16xf32>
        %parallel_loop3A_972 = arith.index_cast %parallel_loop3A_958 : i32 to index
        %parallel_loop3A_973 = arith.constant 16 : index
        %parallel_loop3A_974 = tpu.vector_load %arg8[%parallel_loop3A_972, %parallel_loop3A_973] {strides = array<i32>} : memref<100x128xf32, #tpu.memory_space<vmem>>, vector<1x16xf32>,
        %parallel_loop3A_975 = vector.shape_cast %parallel_loop3A_974 : vector<1x16xf32> to vector<16xf32>
        %parallel_loop3A_976 = arith.addf %parallel_loop3A_960, %parallel_loop3A_975 : vector<16xf32>
        %parallel_loop3A_977 = arith.index_cast %parallel_loop3A_958 : i32 to index
        %parallel_loop3A_978 = arith.constant 32 : index
        %parallel_loop3A_979 = tpu.vector_load %arg8[%parallel_loop3A_977, %parallel_loop3A_978] {strides = array<i32>} : memref<100x128xf32, #tpu.memory_space<vmem>>, vector<1x16xf32>,
        %parallel_loop3A_980 = vector.shape_cast %parallel_loop3A_979 : vector<1x16xf32> to vector<16xf32>
        %parallel_loop3A_981 = arith.addf %parallel_loop3A_961, %parallel_loop3A_980 : vector<16xf32>
        %parallel_loop3A_982 = arith.index_cast %parallel_loop3A_958 : i32 to index
        %parallel_loop3A_983 = arith.constant 48 : index
        %parallel_loop3A_984 = tpu.vector_load %arg8[%parallel_loop3A_982, %parallel_loop3A_983] {strides = array<i32>} : memref<100x128xf32, #tpu.memory_space<vmem>>, vector<1x16xf32>,
        %parallel_loop3A_985 = vector.shape_cast %parallel_loop3A_984 : vector<1x16xf32> to vector<16xf32>
        %parallel_loop3A_986 = arith.addf %parallel_loop3A_962, %parallel_loop3A_985 : vector<16xf32>
        %parallel_loop3A_987 = arith.index_cast %parallel_loop3A_958 : i32 to index
        %parallel_loop3A_988 = arith.constant 64 : index
        %parallel_loop3A_989 = tpu.vector_load %arg8[%parallel_loop3A_987, %parallel_loop3A_988] {strides = array<i32>} : memref<100x128xf32, #tpu.memory_space<vmem>>, vector<1x16xf32>,
        %parallel_loop3A_990 = vector.shape_cast %parallel_loop3A_989 : vector<1x16xf32> to vector<16xf32>
        %parallel_loop3A_991 = arith.addf %parallel_loop3A_963, %parallel_loop3A_990 : vector<16xf32>
        %parallel_loop3A_992 = arith.index_cast %parallel_loop3A_958 : i32 to index
        %parallel_loop3A_993 = arith.constant 80 : index
        %parallel_loop3A_994 = tpu.vector_load %arg8[%parallel_loop3A_992, %parallel_loop3A_993] {strides = array<i32>} : memref<100x128xf32, #tpu.memory_space<vmem>>, vector<1x16xf32>,
        %parallel_loop3A_995 = vector.shape_cast %parallel_loop3A_994 : vector<1x16xf32> to vector<16xf32>
        %parallel_loop3A_996 = arith.addf %parallel_loop3A_964, %parallel_loop3A_995 : vector<16xf32>
        %parallel_loop3A_997 = arith.index_cast %parallel_loop3A_958 : i32 to index
        %parallel_loop3A_998 = arith.constant 96 : index
        %parallel_loop3A_999 = tpu.vector_load %arg8[%parallel_loop3A_997, %parallel_loop3A_998] {strides = array<i32>} : memref<100x128xf32, #tpu.memory_space<vmem>>, vector<1x16xf32>,
        %parallel_loop3A_1000 = vector.shape_cast %parallel_loop3A_999 : vector<1x16xf32> to vector<16xf32>
        %parallel_loop3A_1001 = arith.addf %parallel_loop3A_965, %parallel_loop3A_1000 : vector<16xf32>
        %parallel_loop3A_1002 = arith.index_cast %parallel_loop3A_958 : i32 to index
        %parallel_loop3A_1003 = arith.constant 112 : index
        %parallel_loop3A_1004 = tpu.vector_load %arg8[%parallel_loop3A_1002, %parallel_loop3A_1003] {strides = array<i32>} : memref<100x128xf32, #tpu.memory_space<vmem>>, vector<1x16xf32>,
        %parallel_loop3A_1005 = vector.shape_cast %parallel_loop3A_1004 : vector<1x16xf32> to vector<16xf32>
        %parallel_loop3A_1006 = arith.addf %parallel_loop3A_966, %parallel_loop3A_1005 : vector<16xf32>
        scf.yield %parallel_loop3A_971, %parallel_loop3A_976, %parallel_loop3A_981, %parallel_loop3A_986, %parallel_loop3A_991, %parallel_loop3A_996, %parallel_loop3A_1001, %parallel_loop3A_1006 : vector<16xf32>, vector<16xf32>, vector<16xf32>, vector<16xf32>, vector<16xf32>, vector<16xf32>, vector<16xf32>, vector<16xf32>
      } {sc.loop_unroll_factor = 7 : i64, sc.parallel_access}
      %swap3A_670 = arith.constant 5 : i32
      %swap3A_671 = arith.index_cast %swap3A_670 : i32 to index
      %swap3A_672 = arith.constant 0 : index
      %swap3A_673 = tpu.vector_load %arg10[%swap3A_671, %swap3A_672] {strides = array<i32>} : memref<8x128xf32, #tpu.memory_space<vmem>>, vector<1x16xf32>,
      %swap3A_674 = vector.shape_cast %swap3A_673 : vector<1x16xf32> to vector<16xf32>
      %swap3A_675 = vector.shape_cast %parallel_loop3A_669#0 : vector<16xf32> to vector<1x16xf32>
      tpu.vector_store %arg10[%swap3A_671, %swap3A_672], %swap3A_675 {strides = array<i32>} : memref<8x128xf32, #tpu.memory_space<vmem>>, vector<1x16xf32>,
      %swap3A_676 = arith.constant 5 : i32
      %swap3A_677 = arith.index_cast %swap3A_676 : i32 to index
      %swap3A_678 = arith.constant 16 : index
      %swap3A_679 = tpu.vector_load %arg10[%swap3A_677, %swap3A_678] {strides = array<i32>} : memref<8x128xf32, #tpu.memory_space<vmem>>, vector<1x16xf32>,
      %swap3A_680 = vector.shape_cast %swap3A_679 : vector<1x16xf32> to vector<16xf32>
      %swap3A_681 = vector.shape_cast %parallel_loop3A_669#1 : vector<16xf32> to vector<1x16xf32>
      tpu.vector_store %arg10[%swap3A_677, %swap3A_678], %swap3A_681 {strides = array<i32>} : memref<8x128xf32, #tpu.memory_space<vmem>>, vector<1x16xf32>,
      %swap3A_682 = arith.constant 5 : i32
      %swap3A_683 = arith.index_cast %swap3A_682 : i32 to index
      %swap3A_684 = arith.constant 32 : index
      %swap3A_685 = tpu.vector_load %arg10[%swap3A_683, %swap3A_684] {strides = array<i32>} : memref<8x128xf32, #tpu.memory_space<vmem>>, vector<1x16xf32>,
      %swap3A_686 = vector.shape_cast %swap3A_685 : vector<1x16xf32> to vector<16xf32>
      %swap3A_687 = vector.shape_cast %parallel_loop3A_669#2 : vector<16xf32> to vector<1x16xf32>
      tpu.vector_store %arg10[%swap3A_683, %swap3A_684], %swap3A_687 {strides = array<i32>} : memref<8x128xf32, #tpu.memory_space<vmem>>, vector<1x16xf32>,
      %swap3A_688 = arith.constant 5 : i32
      %swap3A_689 = arith.index_cast %swap3A_688 : i32 to index
      %swap3A_690 = arith.constant 48 : index
      %swap3A_691 = tpu.vector_load %arg10[%swap3A_689, %swap3A_690] {strides = array<i32>} : memref<8x128xf32, #tpu.memory_space<vmem>>, vector<1x16xf32>,
      %swap3A_692 = vector.shape_cast %swap3A_691 : vector<1x16xf32> to vector<16xf32>
      %swap3A_693 = vector.shape_cast %parallel_loop3A_669#3 : vector<16xf32> to vector<1x16xf32>
      tpu.vector_store %arg10[%swap3A_689, %swap3A_690], %swap3A_693 {strides = array<i32>} : memref<8x128xf32, #tpu.memory_space<vmem>>, vector<1x16xf32>,
      %swap3A_694 = arith.constant 5 : i32
      %swap3A_695 = arith.index_cast %swap3A_694 : i32 to index
      %swap3A_696 = arith.constant 64 : index
      %swap3A_697 = tpu.vector_load %arg10[%swap3A_695, %swap3A_696] {strides = array<i32>} : memref<8x128xf32, #tpu.memory_space<vmem>>, vector<1x16xf32>,
      %swap3A_698 = vector.shape_cast %swap3A_697 : vector<1x16xf32> to vector<16xf32>
      %swap3A_699 = vector.shape_cast %parallel_loop3A_669#4 : vector<16xf32> to vector<1x16xf32>
      tpu.vector_store %arg10[%swap3A_695, %swap3A_696], %swap3A_699 {strides = array<i32>} : memref<8x128xf32, #tpu.memory_space<vmem>>, vector<1x16xf32>,
      %swap3A_700 = arith.constant 5 : i32
      %swap3A_701 = arith.index_cast %swap3A_700 : i32 to index
      %swap3A_702 = arith.constant 80 : index
      %swap3A_703 = tpu.vector_load %arg10[%swap3A_701, %swap3A_702] {strides = array<i32>} : memref<8x128xf32, #tpu.memory_space<vmem>>, vector<1x16xf32>,
      %swap3A_704 = vector.shape_cast %swap3A_703 : vector<1x16xf32> to vector<16xf32>
      %swap3A_705 = vector.shape_cast %parallel_loop3A_669#5 : vector<16xf32> to vector<1x16xf32>
      tpu.vector_store %arg10[%swap3A_701, %swap3A_702], %swap3A_705 {strides = array<i32>} : memref<8x128xf32, #tpu.memory_space<vmem>>, vector<1x16xf32>,
      %swap3A_706 = arith.constant 5 : i32
      %swap3A_707 = arith.index_cast %swap3A_706 : i32 to index
      %swap3A_708 = arith.constant 96 : index
      %swap3A_709 = tpu.vector_load %arg10[%swap3A_707, %swap3A_708] {strides = array<i32>} : memref<8x128xf32, #tpu.memory_space<vmem>>, vector<1x16xf32>,
      %swap3A_710 = vector.shape_cast %swap3A_709 : vector<1x16xf32> to vector<16xf32>
      %swap3A_711 = vector.shape_cast %parallel_loop3A_669#6 : vector<16xf32> to vector<1x16xf32>
      tpu.vector_store %arg10[%swap3A_707, %swap3A_708], %swap3A_711 {strides = array<i32>} : memref<8x128xf32, #tpu.memory_space<vmem>>, vector<1x16xf32>,
      %swap3A_712 = arith.constant 5 : i32
      %swap3A_713 = arith.index_cast %swap3A_712 : i32 to index
      %swap3A_714 = arith.constant 112 : index
      %swap3A_715 = tpu.vector_load %arg10[%swap3A_713, %swap3A_714] {strides = array<i32>} : memref<8x128xf32, #tpu.memory_space<vmem>>, vector<1x16xf32>,
      %swap3A_716 = vector.shape_cast %swap3A_715 : vector<1x16xf32> to vector<16xf32>
      %swap3A_717 = vector.shape_cast %parallel_loop3A_669#7 : vector<16xf32> to vector<1x16xf32>
      tpu.vector_store %arg10[%swap3A_713, %swap3A_714], %swap3A_717 {strides = array<i32>} : memref<8x128xf32, #tpu.memory_space<vmem>>, vector<1x16xf32>,
      %mul3A_718 = arith.constant 2 : i32
      %mul3A_719 = arith.muli %mul3A_718, %add3A_521 : i32
      %add3A_720 = arith.addi %mul3A_4, %mul3A_719 : i32
      %dma_start3A_721 = arith.constant 4 : i32
      %dma_start3A_722 = arith.constant 0 : i32
      %dma_start3A_723 = tpu.memref_slice %arg10[%dma_start3A_721, %dma_start3A_722] : memref<8x128xf32, #tpu.memory_space<vmem>> -> memref<2x128xf32, #tpu.memory_space<vmem>>
      %dma_start3A_724 = arith.constant 0 : i32
      %dma_start3A_725 = tpu.memref_slice %arg4[%add3A_720, %dma_start3A_724] : memref<8192x128xf32, #tpu.memory_space<hbm>> -> memref<2x128xf32, #tpu.memory_space<hbm>>
      %dma_start3A_726 = arith.constant 0 : i32
      %dma_start3A_727 = tpu.memref_slice %arg4[%add3A_720, %dma_start3A_726] : memref<8192x128xf32, #tpu.memory_space<hbm>> -> memref<2x128xf32, #tpu.memory_space<hbm>>
      %dma_start3A_728 = arith.constant 4 : i32
      %dma_start3A_729 = arith.constant 0 : i32
      %dma_start3A_730 = tpu.memref_slice %arg10[%dma_start3A_728, %dma_start3A_729] : memref<8x128xf32, #tpu.memory_space<vmem>> -> memref<2x128xf32, #tpu.memory_space<vmem>>
      tpu.enqueue_dma source(%dma_start3A_730 : memref<2x128xf32, #tpu.memory_space<vmem>>) target(%dma_start3A_727 : memref<2x128xf32, #tpu.memory_space<hbm>>) target_semaphore(%arg17 : memref<!tpu.dma_semaphore, #tpu.memory_space<semaphore_mem>>)
      %add3A_731 = arith.constant 4 : i32
      %add3A_732 = arith.addi %add3A_521, %add3A_731 : i32
      %lt3A_733 = arith.constant 128 : i32
      %lt3A_734 = arith.cmpi slt, %add3A_732, %lt3A_733 : i32
      %convert_element_type3A_735 = arith.extui %lt3A_734 : i1 to i32
      %cond3A_736 = arith.constant 0 : i32
      %cond3A_737 = arith.cmpi ne, %convert_element_type3A_735, %cond3A_736 : i32
      scf.if %cond3A_737 {
        %dma_start3A_958 = arith.constant 0 : i32
        %dma_start3A_959 = tpu.memref_slice %arg5[%add3A_732, %dma_start3A_958] : memref<128x100xi32, #tpu.memory_space<vmem>> -> memref<1x100xi32, #tpu.memory_space<vmem>>
        %dma_start3A_960 = tpu.memref_squeeze %dma_start3A_959 : memref<1x100xi32, #tpu.memory_space<vmem>> -> memref<100xi32, #tpu.memory_space<vmem>>
        %dma_start3A_961 = arith.constant 0 : i32
        %dma_start3A_962 = arith.constant 0 : i32
        %dma_start3A_963 = tpu.memref_slice %arg3[%dma_start3A_961, %dma_start3A_962] : memref<100000x128xf32, #tpu.memory_space<hbm>> -> memref<100000x128xf32, #tpu.memory_space<hbm>>
        tpu.enqueue_indirect_dma source(%dma_start3A_963 : memref<100000x128xf32, #tpu.memory_space<hbm>>) target(%arg8 : memref<100x128xf32, #tpu.memory_space<vmem>>) offsets(%dma_start3A_960 : memref<100xi32, #tpu.memory_space<vmem>>) semaphore(%arg13 : memref<!tpu.dma_semaphore, #tpu.memory_space<semaphore_mem>>)
      } else {
      }
      %mul3A_738 = arith.constant 4 : i32
      %mul3A_739 = arith.muli %mul3A_738, %scan3A_84 : i32
      %add3A_740 = arith.constant 3 : i32
      %add3A_741 = arith.addi %mul3A_739, %add3A_740 : i32
      %dma_wait3A_742 = arith.constant 0 : i32
      %dma_wait3A_743 = arith.constant 0 : i32
      %dma_wait3A_744 = tpu.memref_slice %arg5[%dma_wait3A_742, %dma_wait3A_743] : memref<128x100xi32, #tpu.memory_space<vmem>> -> memref<1x100xi32, #tpu.memory_space<vmem>>
      %dma_wait3A_745 = tpu.memref_squeeze %dma_wait3A_744 : memref<1x100xi32, #tpu.memory_space<vmem>> -> memref<100xi32, #tpu.memory_space<vmem>>
      %dma_wait3A_746 = arith.constant 0 : i32
      %dma_wait3A_747 = arith.constant 0 : i32
      %dma_wait3A_748 = tpu.memref_slice %arg3[%dma_wait3A_746, %dma_wait3A_747] : memref<100000x128xf32, #tpu.memory_space<hbm>> -> memref<100000x128xf32, #tpu.memory_space<hbm>>
      tpu.wait_indirect_dma semaphore(%arg14 : memref<!tpu.dma_semaphore, #tpu.memory_space<semaphore_mem>>) src(%dma_wait3A_748 : memref<100000x128xf32, #tpu.memory_space<hbm>>) dst(%arg9 : memref<100x128xf32, #tpu.memory_space<vmem>>)
      %ge3A_749 = arith.constant 1 : i32
      %ge3A_750 = arith.cmpi sge, %scan3A_84, %ge3A_749 : i32
      %convert_element_type3A_751 = arith.extui %ge3A_750 : i1 to i32
      %cond3A_752 = arith.constant 0 : i32
      %cond3A_753 = arith.cmpi ne, %convert_element_type3A_751, %cond3A_752 : i32
      scf.if %cond3A_753 {
        %dma_wait3A_958 = arith.constant 6 : i32
        %dma_wait3A_959 = arith.constant 0 : i32
        %dma_wait3A_960 = tpu.memref_slice %arg10[%dma_wait3A_958, %dma_wait3A_959] : memref<8x128xf32, #tpu.memory_space<vmem>> -> memref<2x128xf32, #tpu.memory_space<vmem>>
        %dma_wait3A_961 = arith.constant 0 : i32
        %dma_wait3A_962 = arith.constant 0 : i32
        %dma_wait3A_963 = tpu.memref_slice %arg4[%dma_wait3A_961, %dma_wait3A_962] : memref<8192x128xf32, #tpu.memory_space<hbm>> -> memref<2x128xf32, #tpu.memory_space<hbm>>
        %dma_wait3A_964 = arith.constant 0 : i32
        %dma_wait3A_965 = arith.constant 0 : i32
        %dma_wait3A_966 = tpu.memref_slice %arg4[%dma_wait3A_964, %dma_wait3A_965] : memref<8192x128xf32, #tpu.memory_space<hbm>> -> memref<2x128xf32, #tpu.memory_space<hbm>>
        %dma_wait3A_967 = arith.constant 6 : i32
        %dma_wait3A_968 = arith.constant 0 : i32
        %dma_wait3A_969 = tpu.memref_slice %arg10[%dma_wait3A_967, %dma_wait3A_968] : memref<8x128xf32, #tpu.memory_space<vmem>> -> memref<2x128xf32, #tpu.memory_space<vmem>>
        tpu.wait_dma2 semaphore(%arg18 : memref<!tpu.dma_semaphore, #tpu.memory_space<semaphore_mem>>) src(%dma_wait3A_969 : memref<2x128xf32, #tpu.memory_space<vmem>>) dst(%dma_wait3A_966 : memref<2x128xf32, #tpu.memory_space<hbm>>)
      } else {
      }
      %get3A_754 = arith.constant 0 : i32
      %get3A_755 = arith.index_cast %get3A_754 : i32 to index
      %get3A_756 = arith.constant 0 : index
      %get3A_757 = tpu.vector_load %arg9[%get3A_755, %get3A_756] {strides = array<i32>} : memref<100x128xf32, #tpu.memory_space<vmem>>, vector<1x16xf32>,
      %get3A_758 = vector.shape_cast %get3A_757 : vector<1x16xf32> to vector<16xf32>
      %get3A_759 = arith.constant 0 : i32
      %get3A_760 = arith.index_cast %get3A_759 : i32 to index
      %get3A_761 = arith.constant 16 : index
      %get3A_762 = tpu.vector_load %arg9[%get3A_760, %get3A_761] {strides = array<i32>} : memref<100x128xf32, #tpu.memory_space<vmem>>, vector<1x16xf32>,
      %get3A_763 = vector.shape_cast %get3A_762 : vector<1x16xf32> to vector<16xf32>
      %get3A_764 = arith.constant 0 : i32
      %get3A_765 = arith.index_cast %get3A_764 : i32 to index
      %get3A_766 = arith.constant 32 : index
      %get3A_767 = tpu.vector_load %arg9[%get3A_765, %get3A_766] {strides = array<i32>} : memref<100x128xf32, #tpu.memory_space<vmem>>, vector<1x16xf32>,
      %get3A_768 = vector.shape_cast %get3A_767 : vector<1x16xf32> to vector<16xf32>
      %get3A_769 = arith.constant 0 : i32
      %get3A_770 = arith.index_cast %get3A_769 : i32 to index
      %get3A_771 = arith.constant 48 : index
      %get3A_772 = tpu.vector_load %arg9[%get3A_770, %get3A_771] {strides = array<i32>} : memref<100x128xf32, #tpu.memory_space<vmem>>, vector<1x16xf32>,
      %get3A_773 = vector.shape_cast %get3A_772 : vector<1x16xf32> to vector<16xf32>
      %get3A_774 = arith.constant 0 : i32
      %get3A_775 = arith.index_cast %get3A_774 : i32 to index
      %get3A_776 = arith.constant 64 : index
      %get3A_777 = tpu.vector_load %arg9[%get3A_775, %get3A_776] {strides = array<i32>} : memref<100x128xf32, #tpu.memory_space<vmem>>, vector<1x16xf32>,
      %get3A_778 = vector.shape_cast %get3A_777 : vector<1x16xf32> to vector<16xf32>
      %get3A_779 = arith.constant 0 : i32
      %get3A_780 = arith.index_cast %get3A_779 : i32 to index
      %get3A_781 = arith.constant 80 : index
      %get3A_782 = tpu.vector_load %arg9[%get3A_780, %get3A_781] {strides = array<i32>} : memref<100x128xf32, #tpu.memory_space<vmem>>, vector<1x16xf32>,
      %get3A_783 = vector.shape_cast %get3A_782 : vector<1x16xf32> to vector<16xf32>
      %get3A_784 = arith.constant 0 : i32
      %get3A_785 = arith.index_cast %get3A_784 : i32 to index
      %get3A_786 = arith.constant 96 : index
      %get3A_787 = tpu.vector_load %arg9[%get3A_785, %get3A_786] {strides = array<i32>} : memref<100x128xf32, #tpu.memory_space<vmem>>, vector<1x16xf32>,
      %get3A_788 = vector.shape_cast %get3A_787 : vector<1x16xf32> to vector<16xf32>
      %get3A_789 = arith.constant 0 : i32
      %get3A_790 = arith.index_cast %get3A_789 : i32 to index
      %get3A_791 = arith.constant 112 : index
      %get3A_792 = tpu.vector_load %arg9[%get3A_790, %get3A_791] {strides = array<i32>} : memref<100x128xf32, #tpu.memory_space<vmem>>, vector<1x16xf32>,
      %get3A_793 = vector.shape_cast %get3A_792 : vector<1x16xf32> to vector<16xf32>
      %parallel_loop3A_794 = arith.constant 1 : i32
      %parallel_loop3A_795 = arith.constant 50 : i32
      %parallel_loop3A_796 = arith.constant 1 : i32
      %parallel_loop3A_797:8 = scf.for %parallel_loop3A_958 = %parallel_loop3A_794 to %parallel_loop3A_795 step %parallel_loop3A_796 iter_args(%parallel_loop3A_959 = %get3A_758, %parallel_loop3A_960 = %get3A_763, %parallel_loop3A_961 = %get3A_768, %parallel_loop3A_962 = %get3A_773, %parallel_loop3A_963 = %get3A_778, %parallel_loop3A_964 = %get3A_783, %parallel_loop3A_965 = %get3A_788, %parallel_loop3A_966 = %get3A_793) -> (vector<16xf32>, vector<16xf32>, vector<16xf32>, vector<16xf32>, vector<16xf32>, vector<16xf32>, vector<16xf32>, vector<16xf32>)  : i32 {
        %parallel_loop3A_967 = arith.index_cast %parallel_loop3A_958 : i32 to index
        %parallel_loop3A_968 = arith.constant 0 : index
        %parallel_loop3A_969 = tpu.vector_load %arg9[%parallel_loop3A_967, %parallel_loop3A_968] {strides = array<i32>} : memref<100x128xf32, #tpu.memory_space<vmem>>, vector<1x16xf32>,
        %parallel_loop3A_970 = vector.shape_cast %parallel_loop3A_969 : vector<1x16xf32> to vector<16xf32>
        %parallel_loop3A_971 = arith.addf %parallel_loop3A_959, %parallel_loop3A_970 : vector<16xf32>
        %parallel_loop3A_972 = arith.index_cast %parallel_loop3A_958 : i32 to index
        %parallel_loop3A_973 = arith.constant 16 : index
        %parallel_loop3A_974 = tpu.vector_load %arg9[%parallel_loop3A_972, %parallel_loop3A_973] {strides = array<i32>} : memref<100x128xf32, #tpu.memory_space<vmem>>, vector<1x16xf32>,
        %parallel_loop3A_975 = vector.shape_cast %parallel_loop3A_974 : vector<1x16xf32> to vector<16xf32>
        %parallel_loop3A_976 = arith.addf %parallel_loop3A_960, %parallel_loop3A_975 : vector<16xf32>
        %parallel_loop3A_977 = arith.index_cast %parallel_loop3A_958 : i32 to index
        %parallel_loop3A_978 = arith.constant 32 : index
        %parallel_loop3A_979 = tpu.vector_load %arg9[%parallel_loop3A_977, %parallel_loop3A_978] {strides = array<i32>} : memref<100x128xf32, #tpu.memory_space<vmem>>, vector<1x16xf32>,
        %parallel_loop3A_980 = vector.shape_cast %parallel_loop3A_979 : vector<1x16xf32> to vector<16xf32>
        %parallel_loop3A_981 = arith.addf %parallel_loop3A_961, %parallel_loop3A_980 : vector<16xf32>
        %parallel_loop3A_982 = arith.index_cast %parallel_loop3A_958 : i32 to index
        %parallel_loop3A_983 = arith.constant 48 : index
        %parallel_loop3A_984 = tpu.vector_load %arg9[%parallel_loop3A_982, %parallel_loop3A_983] {strides = array<i32>} : memref<100x128xf32, #tpu.memory_space<vmem>>, vector<1x16xf32>,
        %parallel_loop3A_985 = vector.shape_cast %parallel_loop3A_984 : vector<1x16xf32> to vector<16xf32>
        %parallel_loop3A_986 = arith.addf %parallel_loop3A_962, %parallel_loop3A_985 : vector<16xf32>
        %parallel_loop3A_987 = arith.index_cast %parallel_loop3A_958 : i32 to index
        %parallel_loop3A_988 = arith.constant 64 : index
        %parallel_loop3A_989 = tpu.vector_load %arg9[%parallel_loop3A_987, %parallel_loop3A_988] {strides = array<i32>} : memref<100x128xf32, #tpu.memory_space<vmem>>, vector<1x16xf32>,
        %parallel_loop3A_990 = vector.shape_cast %parallel_loop3A_989 : vector<1x16xf32> to vector<16xf32>
        %parallel_loop3A_991 = arith.addf %parallel_loop3A_963, %parallel_loop3A_990 : vector<16xf32>
        %parallel_loop3A_992 = arith.index_cast %parallel_loop3A_958 : i32 to index
        %parallel_loop3A_993 = arith.constant 80 : index
        %parallel_loop3A_994 = tpu.vector_load %arg9[%parallel_loop3A_992, %parallel_loop3A_993] {strides = array<i32>} : memref<100x128xf32, #tpu.memory_space<vmem>>, vector<1x16xf32>,
        %parallel_loop3A_995 = vector.shape_cast %parallel_loop3A_994 : vector<1x16xf32> to vector<16xf32>
        %parallel_loop3A_996 = arith.addf %parallel_loop3A_964, %parallel_loop3A_995 : vector<16xf32>
        %parallel_loop3A_997 = arith.index_cast %parallel_loop3A_958 : i32 to index
        %parallel_loop3A_998 = arith.constant 96 : index
        %parallel_loop3A_999 = tpu.vector_load %arg9[%parallel_loop3A_997, %parallel_loop3A_998] {strides = array<i32>} : memref<100x128xf32, #tpu.memory_space<vmem>>, vector<1x16xf32>,
        %parallel_loop3A_1000 = vector.shape_cast %parallel_loop3A_999 : vector<1x16xf32> to vector<16xf32>
        %parallel_loop3A_1001 = arith.addf %parallel_loop3A_965, %parallel_loop3A_1000 : vector<16xf32>
        %parallel_loop3A_1002 = arith.index_cast %parallel_loop3A_958 : i32 to index
        %parallel_loop3A_1003 = arith.constant 112 : index
        %parallel_loop3A_1004 = tpu.vector_load %arg9[%parallel_loop3A_1002, %parallel_loop3A_1003] {strides = array<i32>} : memref<100x128xf32, #tpu.memory_space<vmem>>, vector<1x16xf32>,
        %parallel_loop3A_1005 = vector.shape_cast %parallel_loop3A_1004 : vector<1x16xf32> to vector<16xf32>
        %parallel_loop3A_1006 = arith.addf %parallel_loop3A_966, %parallel_loop3A_1005 : vector<16xf32>
        scf.yield %parallel_loop3A_971, %parallel_loop3A_976, %parallel_loop3A_981, %parallel_loop3A_986, %parallel_loop3A_991, %parallel_loop3A_996, %parallel_loop3A_1001, %parallel_loop3A_1006 : vector<16xf32>, vector<16xf32>, vector<16xf32>, vector<16xf32>, vector<16xf32>, vector<16xf32>, vector<16xf32>, vector<16xf32>
      } {sc.loop_unroll_factor = 7 : i64, sc.parallel_access}
      %swap3A_798 = arith.constant 6 : i32
      %swap3A_799 = arith.index_cast %swap3A_798 : i32 to index
      %swap3A_800 = arith.constant 0 : index
      %swap3A_801 = tpu.vector_load %arg10[%swap3A_799, %swap3A_800] {strides = array<i32>} : memref<8x128xf32, #tpu.memory_space<vmem>>, vector<1x16xf32>,
      %swap3A_802 = vector.shape_cast %swap3A_801 : vector<1x16xf32> to vector<16xf32>
      %swap3A_803 = vector.shape_cast %parallel_loop3A_797#0 : vector<16xf32> to vector<1x16xf32>
      tpu.vector_store %arg10[%swap3A_799, %swap3A_800], %swap3A_803 {strides = array<i32>} : memref<8x128xf32, #tpu.memory_space<vmem>>, vector<1x16xf32>,
      %swap3A_804 = arith.constant 6 : i32
      %swap3A_805 = arith.index_cast %swap3A_804 : i32 to index
      %swap3A_806 = arith.constant 16 : index
      %swap3A_807 = tpu.vector_load %arg10[%swap3A_805, %swap3A_806] {strides = array<i32>} : memref<8x128xf32, #tpu.memory_space<vmem>>, vector<1x16xf32>,
      %swap3A_808 = vector.shape_cast %swap3A_807 : vector<1x16xf32> to vector<16xf32>
      %swap3A_809 = vector.shape_cast %parallel_loop3A_797#1 : vector<16xf32> to vector<1x16xf32>
      tpu.vector_store %arg10[%swap3A_805, %swap3A_806], %swap3A_809 {strides = array<i32>} : memref<8x128xf32, #tpu.memory_space<vmem>>, vector<1x16xf32>,
      %swap3A_810 = arith.constant 6 : i32
      %swap3A_811 = arith.index_cast %swap3A_810 : i32 to index
      %swap3A_812 = arith.constant 32 : index
      %swap3A_813 = tpu.vector_load %arg10[%swap3A_811, %swap3A_812] {strides = array<i32>} : memref<8x128xf32, #tpu.memory_space<vmem>>, vector<1x16xf32>,
      %swap3A_814 = vector.shape_cast %swap3A_813 : vector<1x16xf32> to vector<16xf32>
      %swap3A_815 = vector.shape_cast %parallel_loop3A_797#2 : vector<16xf32> to vector<1x16xf32>
      tpu.vector_store %arg10[%swap3A_811, %swap3A_812], %swap3A_815 {strides = array<i32>} : memref<8x128xf32, #tpu.memory_space<vmem>>, vector<1x16xf32>,
      %swap3A_816 = arith.constant 6 : i32
      %swap3A_817 = arith.index_cast %swap3A_816 : i32 to index
      %swap3A_818 = arith.constant 48 : index
      %swap3A_819 = tpu.vector_load %arg10[%swap3A_817, %swap3A_818] {strides = array<i32>} : memref<8x128xf32, #tpu.memory_space<vmem>>, vector<1x16xf32>,
      %swap3A_820 = vector.shape_cast %swap3A_819 : vector<1x16xf32> to vector<16xf32>
      %swap3A_821 = vector.shape_cast %parallel_loop3A_797#3 : vector<16xf32> to vector<1x16xf32>
      tpu.vector_store %arg10[%swap3A_817, %swap3A_818], %swap3A_821 {strides = array<i32>} : memref<8x128xf32, #tpu.memory_space<vmem>>, vector<1x16xf32>,
      %swap3A_822 = arith.constant 6 : i32
      %swap3A_823 = arith.index_cast %swap3A_822 : i32 to index
      %swap3A_824 = arith.constant 64 : index
      %swap3A_825 = tpu.vector_load %arg10[%swap3A_823, %swap3A_824] {strides = array<i32>} : memref<8x128xf32, #tpu.memory_space<vmem>>, vector<1x16xf32>,
      %swap3A_826 = vector.shape_cast %swap3A_825 : vector<1x16xf32> to vector<16xf32>
      %swap3A_827 = vector.shape_cast %parallel_loop3A_797#4 : vector<16xf32> to vector<1x16xf32>
      tpu.vector_store %arg10[%swap3A_823, %swap3A_824], %swap3A_827 {strides = array<i32>} : memref<8x128xf32, #tpu.memory_space<vmem>>, vector<1x16xf32>,
      %swap3A_828 = arith.constant 6 : i32
      %swap3A_829 = arith.index_cast %swap3A_828 : i32 to index
      %swap3A_830 = arith.constant 80 : index
      %swap3A_831 = tpu.vector_load %arg10[%swap3A_829, %swap3A_830] {strides = array<i32>} : memref<8x128xf32, #tpu.memory_space<vmem>>, vector<1x16xf32>,
      %swap3A_832 = vector.shape_cast %swap3A_831 : vector<1x16xf32> to vector<16xf32>
      %swap3A_833 = vector.shape_cast %parallel_loop3A_797#5 : vector<16xf32> to vector<1x16xf32>
      tpu.vector_store %arg10[%swap3A_829, %swap3A_830], %swap3A_833 {strides = array<i32>} : memref<8x128xf32, #tpu.memory_space<vmem>>, vector<1x16xf32>,
      %swap3A_834 = arith.constant 6 : i32
      %swap3A_835 = arith.index_cast %swap3A_834 : i32 to index
      %swap3A_836 = arith.constant 96 : index
      %swap3A_837 = tpu.vector_load %arg10[%swap3A_835, %swap3A_836] {strides = array<i32>} : memref<8x128xf32, #tpu.memory_space<vmem>>, vector<1x16xf32>,
      %swap3A_838 = vector.shape_cast %swap3A_837 : vector<1x16xf32> to vector<16xf32>
      %swap3A_839 = vector.shape_cast %parallel_loop3A_797#6 : vector<16xf32> to vector<1x16xf32>
      tpu.vector_store %arg10[%swap3A_835, %swap3A_836], %swap3A_839 {strides = array<i32>} : memref<8x128xf32, #tpu.memory_space<vmem>>, vector<1x16xf32>,
      %swap3A_840 = arith.constant 6 : i32
      %swap3A_841 = arith.index_cast %swap3A_840 : i32 to index
      %swap3A_842 = arith.constant 112 : index
      %swap3A_843 = tpu.vector_load %arg10[%swap3A_841, %swap3A_842] {strides = array<i32>} : memref<8x128xf32, #tpu.memory_space<vmem>>, vector<1x16xf32>,
      %swap3A_844 = vector.shape_cast %swap3A_843 : vector<1x16xf32> to vector<16xf32>
      %swap3A_845 = vector.shape_cast %parallel_loop3A_797#7 : vector<16xf32> to vector<1x16xf32>
      tpu.vector_store %arg10[%swap3A_841, %swap3A_842], %swap3A_845 {strides = array<i32>} : memref<8x128xf32, #tpu.memory_space<vmem>>, vector<1x16xf32>,
      %get3A_846 = arith.constant 50 : i32
      %get3A_847 = arith.index_cast %get3A_846 : i32 to index
      %get3A_848 = arith.constant 0 : index
      %get3A_849 = tpu.vector_load %arg9[%get3A_847, %get3A_848] {strides = array<i32>} : memref<100x128xf32, #tpu.memory_space<vmem>>, vector<1x16xf32>,
      %get3A_850 = vector.shape_cast %get3A_849 : vector<1x16xf32> to vector<16xf32>
      %get3A_851 = arith.constant 50 : i32
      %get3A_852 = arith.index_cast %get3A_851 : i32 to index
      %get3A_853 = arith.constant 16 : index
      %get3A_854 = tpu.vector_load %arg9[%get3A_852, %get3A_853] {strides = array<i32>} : memref<100x128xf32, #tpu.memory_space<vmem>>, vector<1x16xf32>,
      %get3A_855 = vector.shape_cast %get3A_854 : vector<1x16xf32> to vector<16xf32>
      %get3A_856 = arith.constant 50 : i32
      %get3A_857 = arith.index_cast %get3A_856 : i32 to index
      %get3A_858 = arith.constant 32 : index
      %get3A_859 = tpu.vector_load %arg9[%get3A_857, %get3A_858] {strides = array<i32>} : memref<100x128xf32, #tpu.memory_space<vmem>>, vector<1x16xf32>,
      %get3A_860 = vector.shape_cast %get3A_859 : vector<1x16xf32> to vector<16xf32>
      %get3A_861 = arith.constant 50 : i32
      %get3A_862 = arith.index_cast %get3A_861 : i32 to index
      %get3A_863 = arith.constant 48 : index
      %get3A_864 = tpu.vector_load %arg9[%get3A_862, %get3A_863] {strides = array<i32>} : memref<100x128xf32, #tpu.memory_space<vmem>>, vector<1x16xf32>,
      %get3A_865 = vector.shape_cast %get3A_864 : vector<1x16xf32> to vector<16xf32>
      %get3A_866 = arith.constant 50 : i32
      %get3A_867 = arith.index_cast %get3A_866 : i32 to index
      %get3A_868 = arith.constant 64 : index
      %get3A_869 = tpu.vector_load %arg9[%get3A_867, %get3A_868] {strides = array<i32>} : memref<100x128xf32, #tpu.memory_space<vmem>>, vector<1x16xf32>,
      %get3A_870 = vector.shape_cast %get3A_869 : vector<1x16xf32> to vector<16xf32>
      %get3A_871 = arith.constant 50 : i32
      %get3A_872 = arith.index_cast %get3A_871 : i32 to index
      %get3A_873 = arith.constant 80 : index
      %get3A_874 = tpu.vector_load %arg9[%get3A_872, %get3A_873] {strides = array<i32>} : memref<100x128xf32, #tpu.memory_space<vmem>>, vector<1x16xf32>,
      %get3A_875 = vector.shape_cast %get3A_874 : vector<1x16xf32> to vector<16xf32>
      %get3A_876 = arith.constant 50 : i32
      %get3A_877 = arith.index_cast %get3A_876 : i32 to index
      %get3A_878 = arith.constant 96 : index
      %get3A_879 = tpu.vector_load %arg9[%get3A_877, %get3A_878] {strides = array<i32>} : memref<100x128xf32, #tpu.memory_space<vmem>>, vector<1x16xf32>,
      %get3A_880 = vector.shape_cast %get3A_879 : vector<1x16xf32> to vector<16xf32>
      %get3A_881 = arith.constant 50 : i32
      %get3A_882 = arith.index_cast %get3A_881 : i32 to index
      %get3A_883 = arith.constant 112 : index
      %get3A_884 = tpu.vector_load %arg9[%get3A_882, %get3A_883] {strides = array<i32>} : memref<100x128xf32, #tpu.memory_space<vmem>>, vector<1x16xf32>,
      %get3A_885 = vector.shape_cast %get3A_884 : vector<1x16xf32> to vector<16xf32>
      %parallel_loop3A_886 = arith.constant 51 : i32
      %parallel_loop3A_887 = arith.constant 100 : i32
      %parallel_loop3A_888 = arith.constant 1 : i32
      %parallel_loop3A_889:8 = scf.for %parallel_loop3A_958 = %parallel_loop3A_886 to %parallel_loop3A_887 step %parallel_loop3A_888 iter_args(%parallel_loop3A_959 = %get3A_850, %parallel_loop3A_960 = %get3A_855, %parallel_loop3A_961 = %get3A_860, %parallel_loop3A_962 = %get3A_865, %parallel_loop3A_963 = %get3A_870, %parallel_loop3A_964 = %get3A_875, %parallel_loop3A_965 = %get3A_880, %parallel_loop3A_966 = %get3A_885) -> (vector<16xf32>, vector<16xf32>, vector<16xf32>, vector<16xf32>, vector<16xf32>, vector<16xf32>, vector<16xf32>, vector<16xf32>)  : i32 {
        %parallel_loop3A_967 = arith.index_cast %parallel_loop3A_958 : i32 to index
        %parallel_loop3A_968 = arith.constant 0 : index
        %parallel_loop3A_969 = tpu.vector_load %arg9[%parallel_loop3A_967, %parallel_loop3A_968] {strides = array<i32>} : memref<100x128xf32, #tpu.memory_space<vmem>>, vector<1x16xf32>,
        %parallel_loop3A_970 = vector.shape_cast %parallel_loop3A_969 : vector<1x16xf32> to vector<16xf32>
        %parallel_loop3A_971 = arith.addf %parallel_loop3A_959, %parallel_loop3A_970 : vector<16xf32>
        %parallel_loop3A_972 = arith.index_cast %parallel_loop3A_958 : i32 to index
        %parallel_loop3A_973 = arith.constant 16 : index
        %parallel_loop3A_974 = tpu.vector_load %arg9[%parallel_loop3A_972, %parallel_loop3A_973] {strides = array<i32>} : memref<100x128xf32, #tpu.memory_space<vmem>>, vector<1x16xf32>,
        %parallel_loop3A_975 = vector.shape_cast %parallel_loop3A_974 : vector<1x16xf32> to vector<16xf32>
        %parallel_loop3A_976 = arith.addf %parallel_loop3A_960, %parallel_loop3A_975 : vector<16xf32>
        %parallel_loop3A_977 = arith.index_cast %parallel_loop3A_958 : i32 to index
        %parallel_loop3A_978 = arith.constant 32 : index
        %parallel_loop3A_979 = tpu.vector_load %arg9[%parallel_loop3A_977, %parallel_loop3A_978] {strides = array<i32>} : memref<100x128xf32, #tpu.memory_space<vmem>>, vector<1x16xf32>,
        %parallel_loop3A_980 = vector.shape_cast %parallel_loop3A_979 : vector<1x16xf32> to vector<16xf32>
        %parallel_loop3A_981 = arith.addf %parallel_loop3A_961, %parallel_loop3A_980 : vector<16xf32>
        %parallel_loop3A_982 = arith.index_cast %parallel_loop3A_958 : i32 to index
        %parallel_loop3A_983 = arith.constant 48 : index
        %parallel_loop3A_984 = tpu.vector_load %arg9[%parallel_loop3A_982, %parallel_loop3A_983] {strides = array<i32>} : memref<100x128xf32, #tpu.memory_space<vmem>>, vector<1x16xf32>,
        %parallel_loop3A_985 = vector.shape_cast %parallel_loop3A_984 : vector<1x16xf32> to vector<16xf32>
        %parallel_loop3A_986 = arith.addf %parallel_loop3A_962, %parallel_loop3A_985 : vector<16xf32>
        %parallel_loop3A_987 = arith.index_cast %parallel_loop3A_958 : i32 to index
        %parallel_loop3A_988 = arith.constant 64 : index
        %parallel_loop3A_989 = tpu.vector_load %arg9[%parallel_loop3A_987, %parallel_loop3A_988] {strides = array<i32>} : memref<100x128xf32, #tpu.memory_space<vmem>>, vector<1x16xf32>,
        %parallel_loop3A_990 = vector.shape_cast %parallel_loop3A_989 : vector<1x16xf32> to vector<16xf32>
        %parallel_loop3A_991 = arith.addf %parallel_loop3A_963, %parallel_loop3A_990 : vector<16xf32>
        %parallel_loop3A_992 = arith.index_cast %parallel_loop3A_958 : i32 to index
        %parallel_loop3A_993 = arith.constant 80 : index
        %parallel_loop3A_994 = tpu.vector_load %arg9[%parallel_loop3A_992, %parallel_loop3A_993] {strides = array<i32>} : memref<100x128xf32, #tpu.memory_space<vmem>>, vector<1x16xf32>,
        %parallel_loop3A_995 = vector.shape_cast %parallel_loop3A_994 : vector<1x16xf32> to vector<16xf32>
        %parallel_loop3A_996 = arith.addf %parallel_loop3A_964, %parallel_loop3A_995 : vector<16xf32>
        %parallel_loop3A_997 = arith.index_cast %parallel_loop3A_958 : i32 to index
        %parallel_loop3A_998 = arith.constant 96 : index
        %parallel_loop3A_999 = tpu.vector_load %arg9[%parallel_loop3A_997, %parallel_loop3A_998] {strides = array<i32>} : memref<100x128xf32, #tpu.memory_space<vmem>>, vector<1x16xf32>,
        %parallel_loop3A_1000 = vector.shape_cast %parallel_loop3A_999 : vector<1x16xf32> to vector<16xf32>
        %parallel_loop3A_1001 = arith.addf %parallel_loop3A_965, %parallel_loop3A_1000 : vector<16xf32>
        %parallel_loop3A_1002 = arith.index_cast %parallel_loop3A_958 : i32 to index
        %parallel_loop3A_1003 = arith.constant 112 : index
        %parallel_loop3A_1004 = tpu.vector_load %arg9[%parallel_loop3A_1002, %parallel_loop3A_1003] {strides = array<i32>} : memref<100x128xf32, #tpu.memory_space<vmem>>, vector<1x16xf32>,
        %parallel_loop3A_1005 = vector.shape_cast %parallel_loop3A_1004 : vector<1x16xf32> to vector<16xf32>
        %parallel_loop3A_1006 = arith.addf %parallel_loop3A_966, %parallel_loop3A_1005 : vector<16xf32>
        scf.yield %parallel_loop3A_971, %parallel_loop3A_976, %parallel_loop3A_981, %parallel_loop3A_986, %parallel_loop3A_991, %parallel_loop3A_996, %parallel_loop3A_1001, %parallel_loop3A_1006 : vector<16xf32>, vector<16xf32>, vector<16xf32>, vector<16xf32>, vector<16xf32>, vector<16xf32>, vector<16xf32>, vector<16xf32>
      } {sc.loop_unroll_factor = 7 : i64, sc.parallel_access}
      %swap3A_890 = arith.constant 7 : i32
      %swap3A_891 = arith.index_cast %swap3A_890 : i32 to index
      %swap3A_892 = arith.constant 0 : index
      %swap3A_893 = tpu.vector_load %arg10[%swap3A_891, %swap3A_892] {strides = array<i32>} : memref<8x128xf32, #tpu.memory_space<vmem>>, vector<1x16xf32>,
      %swap3A_894 = vector.shape_cast %swap3A_893 : vector<1x16xf32> to vector<16xf32>
      %swap3A_895 = vector.shape_cast %parallel_loop3A_889#0 : vector<16xf32> to vector<1x16xf32>
      tpu.vector_store %arg10[%swap3A_891, %swap3A_892], %swap3A_895 {strides = array<i32>} : memref<8x128xf32, #tpu.memory_space<vmem>>, vector<1x16xf32>,
      %swap3A_896 = arith.constant 7 : i32
      %swap3A_897 = arith.index_cast %swap3A_896 : i32 to index
      %swap3A_898 = arith.constant 16 : index
      %swap3A_899 = tpu.vector_load %arg10[%swap3A_897, %swap3A_898] {strides = array<i32>} : memref<8x128xf32, #tpu.memory_space<vmem>>, vector<1x16xf32>,
      %swap3A_900 = vector.shape_cast %swap3A_899 : vector<1x16xf32> to vector<16xf32>
      %swap3A_901 = vector.shape_cast %parallel_loop3A_889#1 : vector<16xf32> to vector<1x16xf32>
      tpu.vector_store %arg10[%swap3A_897, %swap3A_898], %swap3A_901 {strides = array<i32>} : memref<8x128xf32, #tpu.memory_space<vmem>>, vector<1x16xf32>,
      %swap3A_902 = arith.constant 7 : i32
      %swap3A_903 = arith.index_cast %swap3A_902 : i32 to index
      %swap3A_904 = arith.constant 32 : index
      %swap3A_905 = tpu.vector_load %arg10[%swap3A_903, %swap3A_904] {strides = array<i32>} : memref<8x128xf32, #tpu.memory_space<vmem>>, vector<1x16xf32>,
      %swap3A_906 = vector.shape_cast %swap3A_905 : vector<1x16xf32> to vector<16xf32>
      %swap3A_907 = vector.shape_cast %parallel_loop3A_889#2 : vector<16xf32> to vector<1x16xf32>
      tpu.vector_store %arg10[%swap3A_903, %swap3A_904], %swap3A_907 {strides = array<i32>} : memref<8x128xf32, #tpu.memory_space<vmem>>, vector<1x16xf32>,
      %swap3A_908 = arith.constant 7 : i32
      %swap3A_909 = arith.index_cast %swap3A_908 : i32 to index
      %swap3A_910 = arith.constant 48 : index
      %swap3A_911 = tpu.vector_load %arg10[%swap3A_909, %swap3A_910] {strides = array<i32>} : memref<8x128xf32, #tpu.memory_space<vmem>>, vector<1x16xf32>,
      %swap3A_912 = vector.shape_cast %swap3A_911 : vector<1x16xf32> to vector<16xf32>
      %swap3A_913 = vector.shape_cast %parallel_loop3A_889#3 : vector<16xf32> to vector<1x16xf32>
      tpu.vector_store %arg10[%swap3A_909, %swap3A_910], %swap3A_913 {strides = array<i32>} : memref<8x128xf32, #tpu.memory_space<vmem>>, vector<1x16xf32>,
      %swap3A_914 = arith.constant 7 : i32
      %swap3A_915 = arith.index_cast %swap3A_914 : i32 to index
      %swap3A_916 = arith.constant 64 : index
      %swap3A_917 = tpu.vector_load %arg10[%swap3A_915, %swap3A_916] {strides = array<i32>} : memref<8x128xf32, #tpu.memory_space<vmem>>, vector<1x16xf32>,
      %swap3A_918 = vector.shape_cast %swap3A_917 : vector<1x16xf32> to vector<16xf32>
      %swap3A_919 = vector.shape_cast %parallel_loop3A_889#4 : vector<16xf32> to vector<1x16xf32>
      tpu.vector_store %arg10[%swap3A_915, %swap3A_916], %swap3A_919 {strides = array<i32>} : memref<8x128xf32, #tpu.memory_space<vmem>>, vector<1x16xf32>,
      %swap3A_920 = arith.constant 7 : i32
      %swap3A_921 = arith.index_cast %swap3A_920 : i32 to index
      %swap3A_922 = arith.constant 80 : index
      %swap3A_923 = tpu.vector_load %arg10[%swap3A_921, %swap3A_922] {strides = array<i32>} : memref<8x128xf32, #tpu.memory_space<vmem>>, vector<1x16xf32>,
      %swap3A_924 = vector.shape_cast %swap3A_923 : vector<1x16xf32> to vector<16xf32>
      %swap3A_925 = vector.shape_cast %parallel_loop3A_889#5 : vector<16xf32> to vector<1x16xf32>
      tpu.vector_store %arg10[%swap3A_921, %swap3A_922], %swap3A_925 {strides = array<i32>} : memref<8x128xf32, #tpu.memory_space<vmem>>, vector<1x16xf32>,
      %swap3A_926 = arith.constant 7 : i32
      %swap3A_927 = arith.index_cast %swap3A_926 : i32 to index
      %swap3A_928 = arith.constant 96 : index
      %swap3A_929 = tpu.vector_load %arg10[%swap3A_927, %swap3A_928] {strides = array<i32>} : memref<8x128xf32, #tpu.memory_space<vmem>>, vector<1x16xf32>,
      %swap3A_930 = vector.shape_cast %swap3A_929 : vector<1x16xf32> to vector<16xf32>
      %swap3A_931 = vector.shape_cast %parallel_loop3A_889#6 : vector<16xf32> to vector<1x16xf32>
      tpu.vector_store %arg10[%swap3A_927, %swap3A_928], %swap3A_931 {strides = array<i32>} : memref<8x128xf32, #tpu.memory_space<vmem>>, vector<1x16xf32>,
      %swap3A_932 = arith.constant 7 : i32
      %swap3A_933 = arith.index_cast %swap3A_932 : i32 to index
      %swap3A_934 = arith.constant 112 : index
      %swap3A_935 = tpu.vector_load %arg10[%swap3A_933, %swap3A_934] {strides = array<i32>} : memref<8x128xf32, #tpu.memory_space<vmem>>, vector<1x16xf32>,
      %swap3A_936 = vector.shape_cast %swap3A_935 : vector<1x16xf32> to vector<16xf32>
      %swap3A_937 = vector.shape_cast %parallel_loop3A_889#7 : vector<16xf32> to vector<1x16xf32>
      tpu.vector_store %arg10[%swap3A_933, %swap3A_934], %swap3A_937 {strides = array<i32>} : memref<8x128xf32, #tpu.memory_space<vmem>>, vector<1x16xf32>,
      %mul3A_938 = arith.constant 2 : i32
      %mul3A_939 = arith.muli %mul3A_938, %add3A_741 : i32
      %add3A_940 = arith.addi %mul3A_4, %mul3A_939 : i32
      %dma_start3A_941 = arith.constant 6 : i32
      %dma_start3A_942 = arith.constant 0 : i32
      %dma_start3A_943 = tpu.memref_slice %arg10[%dma_start3A_941, %dma_start3A_942] : memref<8x128xf32, #tpu.memory_space<vmem>> -> memref<2x128xf32, #tpu.memory_space<vmem>>
      %dma_start3A_944 = arith.constant 0 : i32
      %dma_start3A_945 = tpu.memref_slice %arg4[%add3A_940, %dma_start3A_944] : memref<8192x128xf32, #tpu.memory_space<hbm>> -> memref<2x128xf32, #tpu.memory_space<hbm>>
      %dma_start3A_946 = arith.constant 0 : i32
      %dma_start3A_947 = tpu.memref_slice %arg4[%add3A_940, %dma_start3A_946] : memref<8192x128xf32, #tpu.memory_space<hbm>> -> memref<2x128xf32, #tpu.memory_space<hbm>>
      %dma_start3A_948 = arith.constant 6 : i32
      %dma_start3A_949 = arith.constant 0 : i32
      %dma_start3A_950 = tpu.memref_slice %arg10[%dma_start3A_948, %dma_start3A_949] : memref<8x128xf32, #tpu.memory_space<vmem>> -> memref<2x128xf32, #tpu.memory_space<vmem>>
      tpu.enqueue_dma source(%dma_start3A_950 : memref<2x128xf32, #tpu.memory_space<vmem>>) target(%dma_start3A_947 : memref<2x128xf32, #tpu.memory_space<hbm>>) target_semaphore(%arg18 : memref<!tpu.dma_semaphore, #tpu.memory_space<semaphore_mem>>)
      %add3A_951 = arith.constant 4 : i32
      %add3A_952 = arith.addi %add3A_741, %add3A_951 : i32
      %lt3A_953 = arith.constant 128 : i32
      %lt3A_954 = arith.cmpi slt, %add3A_952, %lt3A_953 : i32
      %convert_element_type3A_955 = arith.extui %lt3A_954 : i1 to i32
      %cond3A_956 = arith.constant 0 : i32
      %cond3A_957 = arith.cmpi ne, %convert_element_type3A_955, %cond3A_956 : i32
      scf.if %cond3A_957 {
        %dma_start3A_958 = arith.constant 0 : i32
        %dma_start3A_959 = tpu.memref_slice %arg5[%add3A_952, %dma_start3A_958] : memref<128x100xi32, #tpu.memory_space<vmem>> -> memref<1x100xi32, #tpu.memory_space<vmem>>
        %dma_start3A_960 = tpu.memref_squeeze %dma_start3A_959 : memref<1x100xi32, #tpu.memory_space<vmem>> -> memref<100xi32, #tpu.memory_space<vmem>>
        %dma_start3A_961 = arith.constant 0 : i32
        %dma_start3A_962 = arith.constant 0 : i32
        %dma_start3A_963 = tpu.memref_slice %arg3[%dma_start3A_961, %dma_start3A_962] : memref<100000x128xf32, #tpu.memory_space<hbm>> -> memref<100000x128xf32, #tpu.memory_space<hbm>>
        tpu.enqueue_indirect_dma source(%dma_start3A_963 : memref<100000x128xf32, #tpu.memory_space<hbm>>) target(%arg9 : memref<100x128xf32, #tpu.memory_space<vmem>>) offsets(%dma_start3A_960 : memref<100xi32, #tpu.memory_space<vmem>>) semaphore(%arg14 : memref<!tpu.dma_semaphore, #tpu.memory_space<semaphore_mem>>)
      } else {
      }
    }
    %scan3A_36 = arith.constant 32 : i32
    %dma_wait3A = arith.constant 0 : i32
    %dma_wait3A_37 = arith.constant 0 : i32
    %dma_wait3A_38 = tpu.memref_slice %arg10[%dma_wait3A, %dma_wait3A_37] : memref<8x128xf32, #tpu.memory_space<vmem>> -> memref<2x128xf32, #tpu.memory_space<vmem>>
    %dma_wait3A_39 = arith.constant 0 : i32
    %dma_wait3A_40 = arith.constant 0 : i32
    %dma_wait3A_41 = tpu.memref_slice %arg4[%dma_wait3A_39, %dma_wait3A_40] : memref<8192x128xf32, #tpu.memory_space<hbm>> -> memref<2x128xf32, #tpu.memory_space<hbm>>
    %dma_wait3A_42 = arith.constant 0 : i32
    %dma_wait3A_43 = arith.constant 0 : i32
    %dma_wait3A_44 = tpu.memref_slice %arg4[%dma_wait3A_42, %dma_wait3A_43] : memref<8192x128xf32, #tpu.memory_space<hbm>> -> memref<2x128xf32, #tpu.memory_space<hbm>>
    %dma_wait3A_45 = arith.constant 0 : i32
    %dma_wait3A_46 = arith.constant 0 : i32
    %dma_wait3A_47 = tpu.memref_slice %arg10[%dma_wait3A_45, %dma_wait3A_46] : memref<8x128xf32, #tpu.memory_space<vmem>> -> memref<2x128xf32, #tpu.memory_space<vmem>>
    tpu.wait_dma2 semaphore(%arg15 : memref<!tpu.dma_semaphore, #tpu.memory_space<semaphore_mem>>) src(%dma_wait3A_47 : memref<2x128xf32, #tpu.memory_space<vmem>>) dst(%dma_wait3A_44 : memref<2x128xf32, #tpu.memory_space<hbm>>)
    %dma_wait3A_48 = arith.constant 2 : i32
    %dma_wait3A_49 = arith.constant 0 : i32
    %dma_wait3A_50 = tpu.memref_slice %arg10[%dma_wait3A_48, %dma_wait3A_49] : memref<8x128xf32, #tpu.memory_space<vmem>> -> memref<2x128xf32, #tpu.memory_space<vmem>>
    %dma_wait3A_51 = arith.constant 0 : i32
    %dma_wait3A_52 = arith.constant 0 : i32
    %dma_wait3A_53 = tpu.memref_slice %arg4[%dma_wait3A_51, %dma_wait3A_52] : memref<8192x128xf32, #tpu.memory_space<hbm>> -> memref<2x128xf32, #tpu.memory_space<hbm>>
    %dma_wait3A_54 = arith.constant 0 : i32
    %dma_wait3A_55 = arith.constant 0 : i32
    %dma_wait3A_56 = tpu.memref_slice %arg4[%dma_wait3A_54, %dma_wait3A_55] : memref<8192x128xf32, #tpu.memory_space<hbm>> -> memref<2x128xf32, #tpu.memory_space<hbm>>
    %dma_wait3A_57 = arith.constant 2 : i32
    %dma_wait3A_58 = arith.constant 0 : i32
    %dma_wait3A_59 = tpu.memref_slice %arg10[%dma_wait3A_57, %dma_wait3A_58] : memref<8x128xf32, #tpu.memory_space<vmem>> -> memref<2x128xf32, #tpu.memory_space<vmem>>
    tpu.wait_dma2 semaphore(%arg16 : memref<!tpu.dma_semaphore, #tpu.memory_space<semaphore_mem>>) src(%dma_wait3A_59 : memref<2x128xf32, #tpu.memory_space<vmem>>) dst(%dma_wait3A_56 : memref<2x128xf32, #tpu.memory_space<hbm>>)
    %dma_wait3A_60 = arith.constant 4 : i32
    %dma_wait3A_61 = arith.constant 0 : i32
    %dma_wait3A_62 = tpu.memref_slice %arg10[%dma_wait3A_60, %dma_wait3A_61] : memref<8x128xf32, #tpu.memory_space<vmem>> -> memref<2x128xf32, #tpu.memory_space<vmem>>
    %dma_wait3A_63 = arith.constant 0 : i32
    %dma_wait3A_64 = arith.constant 0 : i32
    %dma_wait3A_65 = tpu.memref_slice %arg4[%dma_wait3A_63, %dma_wait3A_64] : memref<8192x128xf32, #tpu.memory_space<hbm>> -> memref<2x128xf32, #tpu.memory_space<hbm>>
    %dma_wait3A_66 = arith.constant 0 : i32
    %dma_wait3A_67 = arith.constant 0 : i32
    %dma_wait3A_68 = tpu.memref_slice %arg4[%dma_wait3A_66, %dma_wait3A_67] : memref<8192x128xf32, #tpu.memory_space<hbm>> -> memref<2x128xf32, #tpu.memory_space<hbm>>
    %dma_wait3A_69 = arith.constant 4 : i32
    %dma_wait3A_70 = arith.constant 0 : i32
    %dma_wait3A_71 = tpu.memref_slice %arg10[%dma_wait3A_69, %dma_wait3A_70] : memref<8x128xf32, #tpu.memory_space<vmem>> -> memref<2x128xf32, #tpu.memory_space<vmem>>
    tpu.wait_dma2 semaphore(%arg17 : memref<!tpu.dma_semaphore, #tpu.memory_space<semaphore_mem>>) src(%dma_wait3A_71 : memref<2x128xf32, #tpu.memory_space<vmem>>) dst(%dma_wait3A_68 : memref<2x128xf32, #tpu.memory_space<hbm>>)
    %dma_wait3A_72 = arith.constant 6 : i32
    %dma_wait3A_73 = arith.constant 0 : i32
    %dma_wait3A_74 = tpu.memref_slice %arg10[%dma_wait3A_72, %dma_wait3A_73] : memref<8x128xf32, #tpu.memory_space<vmem>> -> memref<2x128xf32, #tpu.memory_space<vmem>>
    %dma_wait3A_75 = arith.constant 0 : i32
    %dma_wait3A_76 = arith.constant 0 : i32
    %dma_wait3A_77 = tpu.memref_slice %arg4[%dma_wait3A_75, %dma_wait3A_76] : memref<8192x128xf32, #tpu.memory_space<hbm>> -> memref<2x128xf32, #tpu.memory_space<hbm>>
    %dma_wait3A_78 = arith.constant 0 : i32
    %dma_wait3A_79 = arith.constant 0 : i32
    %dma_wait3A_80 = tpu.memref_slice %arg4[%dma_wait3A_78, %dma_wait3A_79] : memref<8192x128xf32, #tpu.memory_space<hbm>> -> memref<2x128xf32, #tpu.memory_space<hbm>>
    %dma_wait3A_81 = arith.constant 6 : i32
    %dma_wait3A_82 = arith.constant 0 : i32
    %dma_wait3A_83 = tpu.memref_slice %arg10[%dma_wait3A_81, %dma_wait3A_82] : memref<8x128xf32, #tpu.memory_space<vmem>> -> memref<2x128xf32, #tpu.memory_space<vmem>>
    tpu.wait_dma2 semaphore(%arg18 : memref<!tpu.dma_semaphore, #tpu.memory_space<semaphore_mem>>) src(%dma_wait3A_83 : memref<2x128xf32, #tpu.memory_space<vmem>>) dst(%dma_wait3A_80 : memref<2x128xf32, #tpu.memory_space<hbm>>)
    return
  }
}

module attributes {stable_mosaic.version = 14 : i64} {
  func.func @_mlp_body(%arg0: i32, %arg1: memref<512x128xf32, #tpu.memory_space<vmem>>, %arg2: memref<128x1024xbf16, #tpu.memory_space<vmem>>, %arg3: memref<1024x1xf32, #tpu.memory_space<vmem>>, %arg4: memref<1024x128xbf16, #tpu.memory_space<vmem>>, %arg5: memref<128x1xf32, #tpu.memory_space<vmem>>, %arg6: memref<128x1000xbf16, #tpu.memory_space<vmem>>, %arg7: memref<1000x1xf32, #tpu.memory_space<vmem>>, %arg8: memref<1000x512xf32, #tpu.memory_space<vmem>>) attributes {dimension_semantics = [#tpu.dimension_semantics<arbitrary>], iteration_bounds = array<i64: 16>, scalar_prefetch = 0 : i64, scratch_operands = 0 : i64, tpu.core_type = #tpu.core_type<tc>, window_params = [{transform_indices = @transform_0, window_bounds = array<i64: 512, 128>}, {pipeline_mode = #tpu.pipeline_mode<synchronous>, transform_indices = @transform_1, window_bounds = array<i64: 128, 1024>}, {pipeline_mode = #tpu.pipeline_mode<synchronous>, transform_indices = @transform_2, window_bounds = array<i64: 1024, 1>}, {pipeline_mode = #tpu.pipeline_mode<synchronous>, transform_indices = @transform_3, window_bounds = array<i64: 1024, 128>}, {pipeline_mode = #tpu.pipeline_mode<synchronous>, transform_indices = @transform_4, window_bounds = array<i64: 128, 1>}, {pipeline_mode = #tpu.pipeline_mode<synchronous>, transform_indices = @transform_5, window_bounds = array<i64: 128, 1000>}, {pipeline_mode = #tpu.pipeline_mode<synchronous>, transform_indices = @transform_6, window_bounds = array<i64: 1000, 1>}, {transform_indices = @transform_7, window_bounds = array<i64: 1000, 512>}]} {
    %get3A = arith.constant 0 : index
    %get3A_0 = arith.constant 0 : index
    %get3A_1 = vector.load %arg1[%get3A, %get3A_0] : memref<512x128xf32, #tpu.memory_space<vmem>>, vector<512x128xf32>
    %convert_element_type3A = arith.truncf %get3A_1 : vector<512x128xf32> to vector<512x128xbf16>
    %get3A_2 = arith.constant 0 : index
    %get3A_3 = arith.constant 0 : index
    %get3A_4 = vector.load %arg2[%get3A_2, %get3A_3] : memref<128x1024xbf16, #tpu.memory_space<vmem>>, vector<128x1024xbf16>
    %dot_general3A = arith.constant dense<0.000000e+00> : vector<1024x512xf32>
    %dot_general3A_5 = tpu.matmul %get3A_4, %convert_element_type3A, %dot_general3A {dimension_numbers = #tpu.dot_dimension_numbers<[0], [1], [1], [0], [0, 1, 1, 0], [], []>, transpose_lhs_hint = false} : vector<128x1024xbf16>, vector<512x128xbf16>, vector<1024x512xf32> -> vector<1024x512xf32>
    %get3A_6 = arith.constant 0 : index
    %get3A_7 = arith.constant 0 : index
    %get3A_8 = vector.load %arg3[%get3A_6, %get3A_7] : memref<1024x1xf32, #tpu.memory_space<vmem>>, vector<1024x1xf32>
    %add3A = vector.broadcast %get3A_8 : vector<1024x1xf32> to vector<1024x512xf32>
    %add3A_9 = arith.addf %dot_general3A_5, %add3A : vector<1024x512xf32>
    %gt3A = arith.constant 0.000000e+00 : f32
    %gt3A_10 = vector.broadcast %gt3A : f32 to vector<1024x512xf32>
    %gt3A_11 = arith.cmpf ogt, %add3A_9, %gt3A_10 : vector<1024x512xf32>
    %mul3A = arith.constant 0.00999999977 : f32
    %mul3A_12 = vector.broadcast %mul3A : f32 to vector<1024x512xf32>
    %mul3A_13 = arith.mulf %mul3A_12, %add3A_9 : vector<1024x512xf32>
    %select_n3A = arith.select %gt3A_11, %add3A_9, %mul3A_13 : vector<1024x512xi1>, vector<1024x512xf32>
    %convert_element_type3A_14 = arith.truncf %select_n3A : vector<1024x512xf32> to vector<1024x512xbf16>
    %get3A_15 = arith.constant 0 : index
    %get3A_16 = arith.constant 0 : index
    %get3A_17 = vector.load %arg4[%get3A_15, %get3A_16] : memref<1024x128xbf16, #tpu.memory_space<vmem>>, vector<1024x128xbf16>
    %dot_general3A_18 = arith.constant dense<0.000000e+00> : vector<128x512xf32>
    %dot_general3A_19 = tpu.matmul %get3A_17, %convert_element_type3A_14, %dot_general3A_18 {dimension_numbers = #tpu.dot_dimension_numbers<[0], [0], [1], [1], [0, 1, 1, 1], [], []>, transpose_lhs_hint = false} : vector<1024x128xbf16>, vector<1024x512xbf16>, vector<128x512xf32> -> vector<128x512xf32>
    %get3A_20 = arith.constant 0 : index
    %get3A_21 = arith.constant 0 : index
    %get3A_22 = vector.load %arg5[%get3A_20, %get3A_21] : memref<128x1xf32, #tpu.memory_space<vmem>>, vector<128x1xf32>
    %add3A_23 = vector.broadcast %get3A_22 : vector<128x1xf32> to vector<128x512xf32>
    %add3A_24 = arith.addf %dot_general3A_19, %add3A_23 : vector<128x512xf32>
    %gt3A_25 = arith.constant 0.000000e+00 : f32
    %gt3A_26 = vector.broadcast %gt3A_25 : f32 to vector<128x512xf32>
    %gt3A_27 = arith.cmpf ogt, %add3A_24, %gt3A_26 : vector<128x512xf32>
    %mul3A_28 = arith.constant 0.00999999977 : f32
    %mul3A_29 = vector.broadcast %mul3A_28 : f32 to vector<128x512xf32>
    %mul3A_30 = arith.mulf %mul3A_29, %add3A_24 : vector<128x512xf32>
    %select_n3A_31 = arith.select %gt3A_27, %add3A_24, %mul3A_30 : vector<128x512xi1>, vector<128x512xf32>
    %convert_element_type3A_32 = arith.truncf %select_n3A_31 : vector<128x512xf32> to vector<128x512xbf16>
    %get3A_33 = arith.constant 0 : index
    %get3A_34 = arith.constant 0 : index
    %get3A_35 = vector.load %arg6[%get3A_33, %get3A_34] : memref<128x1000xbf16, #tpu.memory_space<vmem>>, vector<128x1000xbf16>
    %dot_general3A_36 = arith.constant dense<0.000000e+00> : vector<1000x512xf32>
    %dot_general3A_37 = tpu.matmul %get3A_35, %convert_element_type3A_32, %dot_general3A_36 {dimension_numbers = #tpu.dot_dimension_numbers<[0], [0], [1], [1], [0, 1, 1, 1], [], []>, transpose_lhs_hint = false} : vector<128x1000xbf16>, vector<128x512xbf16>, vector<1000x512xf32> -> vector<1000x512xf32>
    %get3A_38 = arith.constant 0 : index
    %get3A_39 = arith.constant 0 : index
    %get3A_40 = vector.load %arg7[%get3A_38, %get3A_39] : memref<1000x1xf32, #tpu.memory_space<vmem>>, vector<1000x1xf32>
    %add3A_41 = vector.broadcast %get3A_40 : vector<1000x1xf32> to vector<1000x512xf32>
    %add3A_42 = arith.addf %dot_general3A_37, %add3A_41 : vector<1000x512xf32>
    %reduce_max3A = arith.constant dense<0xFF800000> : vector<512xf32>
    %reduce_max3A_43 = vector.multi_reduction <maximumf>, %add3A_42, %reduce_max3A [0] : vector<1000x512xf32> to vector<512xf32>
    %broadcast_in_dim3A = vector.shape_cast %reduce_max3A_43 : vector<512xf32> to vector<1x512xf32>
    %sub3A = vector.broadcast %broadcast_in_dim3A : vector<1x512xf32> to vector<1000x512xf32>
    %sub3A_44 = arith.subf %add3A_42, %sub3A : vector<1000x512xf32>
    %exp3A = math.exp %sub3A_44 : vector<1000x512xf32>
    %reduce_sum3A = arith.constant dense<0.000000e+00> : vector<512xf32>
    %reduce_sum3A_45 = vector.multi_reduction <add>, %exp3A, %reduce_sum3A [0] : vector<1000x512xf32> to vector<512xf32>
    %broadcast_in_dim3A_46 = vector.shape_cast %reduce_sum3A_45 : vector<512xf32> to vector<1x512xf32>
    %log3A = math.log %broadcast_in_dim3A_46 : vector<1x512xf32>
    %sub3A_47 = vector.broadcast %broadcast_in_dim3A : vector<1x512xf32> to vector<1000x512xf32>
    %sub3A_48 = arith.subf %add3A_42, %sub3A_47 : vector<1000x512xf32>
    %sub3A_49 = vector.broadcast %log3A : vector<1x512xf32> to vector<1000x512xf32>
    %sub3A_50 = arith.subf %sub3A_48, %sub3A_49 : vector<1000x512xf32>
    %swap3A = arith.constant 0 : index
    %swap3A_51 = arith.constant 0 : index
    %swap3A_52 = vector.load %arg8[%swap3A, %swap3A_51] : memref<1000x512xf32, #tpu.memory_space<vmem>>, vector<1000x512xf32>
    tpu.vector_store %arg8[%swap3A, %swap3A_51], %sub3A_50 {strides = array<i32>} : memref<1000x512xf32, #tpu.memory_space<vmem>>, vector<1000x512xf32>,
    return
  }
  func.func @transform_0(%arg0: i32) -> (i32, i32) {
    %c0_i32 = arith.constant 0 : i32
    %c0_i32_0 = arith.constant 0 : i32
    return %arg0, %c0_i32 : i32, i32
  }
  func.func @transform_1(%arg0: i32) -> (i32, i32) {
    %c0_i32 = arith.constant 0 : i32
    %c0_i32_0 = arith.constant 0 : i32
    %c0_i32_1 = arith.constant 0 : i32
    return %c0_i32, %c0_i32_0 : i32, i32
  }
  func.func @transform_2(%arg0: i32) -> (i32, i32) {
    %c0_i32 = arith.constant 0 : i32
    %c0_i32_0 = arith.constant 0 : i32
    %c0_i32_1 = arith.constant 0 : i32
    return %c0_i32, %c0_i32_0 : i32, i32
  }
  func.func @transform_3(%arg0: i32) -> (i32, i32) {
    %c0_i32 = arith.constant 0 : i32
    %c0_i32_0 = arith.constant 0 : i32
    %c0_i32_1 = arith.constant 0 : i32
    return %c0_i32, %c0_i32_0 : i32, i32
  }
  func.func @transform_4(%arg0: i32) -> (i32, i32) {
    %c0_i32 = arith.constant 0 : i32
    %c0_i32_0 = arith.constant 0 : i32
    %c0_i32_1 = arith.constant 0 : i32
    return %c0_i32, %c0_i32_0 : i32, i32
  }
  func.func @transform_5(%arg0: i32) -> (i32, i32) {
    %c0_i32 = arith.constant 0 : i32
    %c0_i32_0 = arith.constant 0 : i32
    %c0_i32_1 = arith.constant 0 : i32
    return %c0_i32, %c0_i32_0 : i32, i32
  }
  func.func @transform_6(%arg0: i32) -> (i32, i32) {
    %c0_i32 = arith.constant 0 : i32
    %c0_i32_0 = arith.constant 0 : i32
    %c0_i32_1 = arith.constant 0 : i32
    return %c0_i32, %c0_i32_0 : i32, i32
  }
  func.func @transform_7(%arg0: i32) -> (i32, i32) {
    %add3A = arith.constant 0 : i32
    %add3A_0 = arith.addi %arg0, %add3A : i32
    %c0_i32 = arith.constant 0 : i32
    %c0_i32_1 = arith.constant 0 : i32
    return %c0_i32, %add3A_0 : i32, i32
  }
}

module attributes {stable_mosaic.version = 14 : i64} {
  func.func @_mlp_pass_body(%arg0: i32, %arg1: memref<512x128xf32, #tpu.memory_space<vmem>>, %arg2: memref<8x128xf32, #tpu.memory_space<vmem>>, %arg3: memref<128x1024xbf16, #tpu.memory_space<vmem>>, %arg4: memref<1024x1xf32, #tpu.memory_space<vmem>>, %arg5: memref<1024x128xbf16, #tpu.memory_space<vmem>>, %arg6: memref<128x1xf32, #tpu.memory_space<vmem>>, %arg7: memref<128x1000xbf16, #tpu.memory_space<vmem>>, %arg8: memref<1000x1xf32, #tpu.memory_space<vmem>>, %arg9: memref<1000x512xf32, #tpu.memory_space<vmem>>) attributes {dimension_semantics = [#tpu.dimension_semantics<arbitrary>], iteration_bounds = array<i64: 16>, scalar_prefetch = 0 : i64, scratch_operands = 0 : i64, tpu.core_type = #tpu.core_type<tc>, window_params = [{transform_indices = @transform_0, window_bounds = array<i64: 512, 128>}, {transform_indices = @transform_1, window_bounds = array<i64: 8, 128>}, {pipeline_mode = #tpu.pipeline_mode<synchronous>, transform_indices = @transform_2, window_bounds = array<i64: 128, 1024>}, {pipeline_mode = #tpu.pipeline_mode<synchronous>, transform_indices = @transform_3, window_bounds = array<i64: 1024, 1>}, {pipeline_mode = #tpu.pipeline_mode<synchronous>, transform_indices = @transform_4, window_bounds = array<i64: 1024, 128>}, {pipeline_mode = #tpu.pipeline_mode<synchronous>, transform_indices = @transform_5, window_bounds = array<i64: 128, 1>}, {pipeline_mode = #tpu.pipeline_mode<synchronous>, transform_indices = @transform_6, window_bounds = array<i64: 128, 1000>}, {pipeline_mode = #tpu.pipeline_mode<synchronous>, transform_indices = @transform_7, window_bounds = array<i64: 1000, 1>}, {transform_indices = @transform_8, window_bounds = array<i64: 1000, 512>}]} {
    %get3A = arith.constant 0 : index
    %get3A_0 = arith.constant 0 : index
    %get3A_1 = vector.load %arg1[%get3A, %get3A_0] : memref<512x128xf32, #tpu.memory_space<vmem>>, vector<512x128xf32>
    %convert_element_type3A = arith.truncf %get3A_1 : vector<512x128xf32> to vector<512x128xbf16>
    %get3A_2 = arith.constant 0 : index
    %get3A_3 = arith.constant 0 : index
    %get3A_4 = vector.load %arg3[%get3A_2, %get3A_3] : memref<128x1024xbf16, #tpu.memory_space<vmem>>, vector<128x1024xbf16>
    %dot_general3A = arith.constant dense<0.000000e+00> : vector<1024x512xf32>
    %dot_general3A_5 = tpu.matmul %get3A_4, %convert_element_type3A, %dot_general3A {dimension_numbers = #tpu.dot_dimension_numbers<[0], [1], [1], [0], [0, 1, 1, 0], [], []>, transpose_lhs_hint = false} : vector<128x1024xbf16>, vector<512x128xbf16>, vector<1024x512xf32> -> vector<1024x512xf32>
    %get3A_6 = arith.constant 0 : index
    %get3A_7 = arith.constant 0 : index
    %get3A_8 = vector.load %arg4[%get3A_6, %get3A_7] : memref<1024x1xf32, #tpu.memory_space<vmem>>, vector<1024x1xf32>
    %add3A = vector.broadcast %get3A_8 : vector<1024x1xf32> to vector<1024x512xf32>
    %add3A_9 = arith.addf %dot_general3A_5, %add3A : vector<1024x512xf32>
    %gt3A = arith.constant 0.000000e+00 : f32
    %gt3A_10 = vector.broadcast %gt3A : f32 to vector<1024x512xf32>
    %gt3A_11 = arith.cmpf ogt, %add3A_9, %gt3A_10 : vector<1024x512xf32>
    %mul3A = arith.constant 0.00999999977 : f32
    %mul3A_12 = vector.broadcast %mul3A : f32 to vector<1024x512xf32>
    %mul3A_13 = arith.mulf %mul3A_12, %add3A_9 : vector<1024x512xf32>
    %select_n3A = arith.select %gt3A_11, %add3A_9, %mul3A_13 : vector<1024x512xi1>, vector<1024x512xf32>
    %convert_element_type3A_14 = arith.truncf %select_n3A : vector<1024x512xf32> to vector<1024x512xbf16>
    %get3A_15 = arith.constant 0 : index
    %get3A_16 = arith.constant 0 : index
    %get3A_17 = vector.load %arg5[%get3A_15, %get3A_16] : memref<1024x128xbf16, #tpu.memory_space<vmem>>, vector<1024x128xbf16>
    %dot_general3A_18 = arith.constant dense<0.000000e+00> : vector<128x512xf32>
    %dot_general3A_19 = tpu.matmul %get3A_17, %convert_element_type3A_14, %dot_general3A_18 {dimension_numbers = #tpu.dot_dimension_numbers<[0], [0], [1], [1], [0, 1, 1, 1], [], []>, transpose_lhs_hint = false} : vector<1024x128xbf16>, vector<1024x512xbf16>, vector<128x512xf32> -> vector<128x512xf32>
    %get3A_20 = arith.constant 0 : index
    %get3A_21 = arith.constant 0 : index
    %get3A_22 = vector.load %arg6[%get3A_20, %get3A_21] : memref<128x1xf32, #tpu.memory_space<vmem>>, vector<128x1xf32>
    %add3A_23 = vector.broadcast %get3A_22 : vector<128x1xf32> to vector<128x512xf32>
    %add3A_24 = arith.addf %dot_general3A_19, %add3A_23 : vector<128x512xf32>
    %gt3A_25 = arith.constant 0.000000e+00 : f32
    %gt3A_26 = vector.broadcast %gt3A_25 : f32 to vector<128x512xf32>
    %gt3A_27 = arith.cmpf ogt, %add3A_24, %gt3A_26 : vector<128x512xf32>
    %mul3A_28 = arith.constant 0.00999999977 : f32
    %mul3A_29 = vector.broadcast %mul3A_28 : f32 to vector<128x512xf32>
    %mul3A_30 = arith.mulf %mul3A_29, %add3A_24 : vector<128x512xf32>
    %select_n3A_31 = arith.select %gt3A_27, %add3A_24, %mul3A_30 : vector<128x512xi1>, vector<128x512xf32>
    %convert_element_type3A_32 = arith.truncf %select_n3A_31 : vector<128x512xf32> to vector<128x512xbf16>
    %get3A_33 = arith.constant 0 : index
    %get3A_34 = arith.constant 0 : index
    %get3A_35 = vector.load %arg7[%get3A_33, %get3A_34] : memref<128x1000xbf16, #tpu.memory_space<vmem>>, vector<128x1000xbf16>
    %dot_general3A_36 = arith.constant dense<0.000000e+00> : vector<1000x512xf32>
    %dot_general3A_37 = tpu.matmul %get3A_35, %convert_element_type3A_32, %dot_general3A_36 {dimension_numbers = #tpu.dot_dimension_numbers<[0], [0], [1], [1], [0, 1, 1, 1], [], []>, transpose_lhs_hint = false} : vector<128x1000xbf16>, vector<128x512xbf16>, vector<1000x512xf32> -> vector<1000x512xf32>
    %get3A_38 = arith.constant 0 : index
    %get3A_39 = arith.constant 0 : index
    %get3A_40 = vector.load %arg8[%get3A_38, %get3A_39] : memref<1000x1xf32, #tpu.memory_space<vmem>>, vector<1000x1xf32>
    %add3A_41 = vector.broadcast %get3A_40 : vector<1000x1xf32> to vector<1000x512xf32>
    %add3A_42 = arith.addf %dot_general3A_37, %add3A_41 : vector<1000x512xf32>
    %reduce_max3A = arith.constant dense<0xFF800000> : vector<512xf32>
    %reduce_max3A_43 = vector.multi_reduction <maximumf>, %add3A_42, %reduce_max3A [0] : vector<1000x512xf32> to vector<512xf32>
    %broadcast_in_dim3A = vector.shape_cast %reduce_max3A_43 : vector<512xf32> to vector<1x512xf32>
    %sub3A = vector.broadcast %broadcast_in_dim3A : vector<1x512xf32> to vector<1000x512xf32>
    %sub3A_44 = arith.subf %add3A_42, %sub3A : vector<1000x512xf32>
    %exp3A = math.exp %sub3A_44 : vector<1000x512xf32>
    %reduce_sum3A = arith.constant dense<0.000000e+00> : vector<512xf32>
    %reduce_sum3A_45 = vector.multi_reduction <add>, %exp3A, %reduce_sum3A [0] : vector<1000x512xf32> to vector<512xf32>
    %broadcast_in_dim3A_46 = vector.shape_cast %reduce_sum3A_45 : vector<512xf32> to vector<1x512xf32>
    %log3A = math.log %broadcast_in_dim3A_46 : vector<1x512xf32>
    %sub3A_47 = vector.broadcast %broadcast_in_dim3A : vector<1x512xf32> to vector<1000x512xf32>
    %sub3A_48 = arith.subf %add3A_42, %sub3A_47 : vector<1000x512xf32>
    %sub3A_49 = vector.broadcast %log3A : vector<1x512xf32> to vector<1000x512xf32>
    %sub3A_50 = arith.subf %sub3A_48, %sub3A_49 : vector<1000x512xf32>
    %swap3A = arith.constant 0 : index
    %swap3A_51 = arith.constant 0 : index
    %swap3A_52 = vector.load %arg9[%swap3A, %swap3A_51] : memref<1000x512xf32, #tpu.memory_space<vmem>>, vector<1000x512xf32>
    tpu.vector_store %arg9[%swap3A, %swap3A_51], %sub3A_50 {strides = array<i32>} : memref<1000x512xf32, #tpu.memory_space<vmem>>, vector<1000x512xf32>,
    return
  }
  func.func @transform_0(%arg0: i32) -> (i32, i32) {
    %c0_i32 = arith.constant 0 : i32
    %c0_i32_0 = arith.constant 0 : i32
    return %arg0, %c0_i32 : i32, i32
  }
  func.func @transform_1(%arg0: i32) -> (i32, i32) {
    %c0_i32 = arith.constant 0 : i32
    %c0_i32_0 = arith.constant 0 : i32
    %c0_i32_1 = arith.constant 0 : i32
    return %c0_i32, %c0_i32_0 : i32, i32
  }
  func.func @transform_2(%arg0: i32) -> (i32, i32) {
    %c0_i32 = arith.constant 0 : i32
    %c0_i32_0 = arith.constant 0 : i32
    %c0_i32_1 = arith.constant 0 : i32
    return %c0_i32, %c0_i32_0 : i32, i32
  }
  func.func @transform_3(%arg0: i32) -> (i32, i32) {
    %c0_i32 = arith.constant 0 : i32
    %c0_i32_0 = arith.constant 0 : i32
    %c0_i32_1 = arith.constant 0 : i32
    return %c0_i32, %c0_i32_0 : i32, i32
  }
  func.func @transform_4(%arg0: i32) -> (i32, i32) {
    %c0_i32 = arith.constant 0 : i32
    %c0_i32_0 = arith.constant 0 : i32
    %c0_i32_1 = arith.constant 0 : i32
    return %c0_i32, %c0_i32_0 : i32, i32
  }
  func.func @transform_5(%arg0: i32) -> (i32, i32) {
    %c0_i32 = arith.constant 0 : i32
    %c0_i32_0 = arith.constant 0 : i32
    %c0_i32_1 = arith.constant 0 : i32
    return %c0_i32, %c0_i32_0 : i32, i32
  }
  func.func @transform_6(%arg0: i32) -> (i32, i32) {
    %c0_i32 = arith.constant 0 : i32
    %c0_i32_0 = arith.constant 0 : i32
    %c0_i32_1 = arith.constant 0 : i32
    return %c0_i32, %c0_i32_0 : i32, i32
  }
  func.func @transform_7(%arg0: i32) -> (i32, i32) {
    %c0_i32 = arith.constant 0 : i32
    %c0_i32_0 = arith.constant 0 : i32
    %c0_i32_1 = arith.constant 0 : i32
    return %c0_i32, %c0_i32_0 : i32, i32
  }
  func.func @transform_8(%arg0: i32) -> (i32, i32) {
    %add3A = arith.constant 16 : i32
    %add3A_0 = arith.addi %arg0, %add3A : i32
    %c0_i32 = arith.constant 0 : i32
    %c0_i32_1 = arith.constant 0 : i32
    return %c0_i32, %add3A_0 : i32, i32
  }
}

</mosaic_0001>

<sc_bundles>
// kernel: kernel.6.cloned.1.call-start
scs
__scs_entry_jumppad:
0x0: {  	(pc) =	sbr.rel $0x88, $3  }
0x1: {  	(tag) =	ssettag $0x0;
	lr =	simm.s32 $0x1  }
0x2: {  	[smem:$0x3F99] =	sst lr;
	_ =	strace $0xD0000000  }
0x3: {  	_ = 	snop  }
0x4: {  	_ = 	snop  }
0x5: {  	_ = 	snop  }
0x6: {  	_ = 	snop  }
0x7: {  	_ = 	snop  }
__scs_overlays_trampoline_lowered:
0x8: {  	[smem:$0x3FA8] =	sst s0  }
0x9: {  	[smem:$0x3FA9] =	sst s1  }
0xa: {  	[smem:$0x3FAA] =	sst s2  }
0xb: {  	[smem:$0x3FAB] =	sst s3  }
0xc: {  	[smem:$0x3FAC] =	sst s4  }
0xd: {  	[smem:$0x3FAD] =	sst s5  }
0xe: {  	[smem:$0x3FAE] =	sst s6  }
0xf: {  	[smem:$0x3FAF] =	sst s7  }
0x10: {  	[smem:$0x3FB0] =	sst s8  }
0x11: {  	[smem:$0x3FB1] =	sst s9;
	s0 =	simm.s32 @!p0 $0x0  }
0x12: {  	s1 =	sld [smem:$0x3F97];
	s0 =	simm.s32 @p0 $0x1  }
0x13: {  	[smem:$0x3FB2] =	sst s0;
	s0 =	simm.s32 @!p1 $0x0  }
0x14: {  	s2 =	sld [smem:$0x3F96];
	s0 =	simm.s32 @p1 $0x1  }
0x15: {  	[smem:$0x3FB3] =	sst s0;
	s0 =	simm.s32 @!p2 $0x0  }
0x16: {  	s3 =	sld [smem:$0x3FDB];
	s0 =	simm.s32 @p2 $0x1  }
0x17: {  	s4 =	simm.s32 $0x1BF5;
	[smem:$0x3FB5] =	sst s0  }
0x18: {  	s0 =	sld [smem:$0x3F98];
	_ =	swait.ge [sflag:s4], $0x0  }
0x19: {  	s7 =	sld [smem:$0x3F99]  }
0x1a: {  	s8 =	sadd.s32 $0xFFFFE003, lr  }
0x1b: {  	s9 =	sadd.s32 $0xFFFFFEF7, lr;
	s5 =	simm.s32 $0xFFFFFFFF;
	p2 =	slt.u32 s8, $0xFFFFF086  }
0x1c: {  	p1 =	slt.u32 s9, $0xF7A;
	s5 =	simm.s32 @!p2 $0x0  }
0x1d: {  	s5 =	simm.s32 @p1 $0x1;
	p0 =	seq.s32 s7, s2  }
0x1e: {  	s7 =	smul.u32 @!p0 $0xF7A, s2;
	p2 =	seq.s32 @!p0 s5, $0x0  }
0x1f: {  	s9 =	smul.u32 $0xF7A, s1;
	s8 =	simm.s32 @!p0 $0x1BF5;
	p2 =	por !p2, p0  }
0x20: {  	[sflag:s8] =	ssyncset.s32 @!p0 $0xFFFFF086;
	s6 =	sadd.s32 @!p0 s3, s7;
	s7 =	simm.s32 @!p0 $0x108  }
0x21: {  	s3 =	sadd.s32 s3, s9;
	s6 =	sadd.s32 @!p0 $0x88, s6;
	s7 =	simm.s32 @p2 $0x1082  }
0x22: {  	[simem:s7], [sflag:s8] =	dma.local @!p0 [hbm:s6], $0xF7A  }
0x23: {  	s9 =	sor.u32 $0xD0000000, s2;
	s6 =	simm.s32 $0x108;
	_ =	swait.ge @!p0 [sflag:s8], $0x0  }
0x24: {  	s3 =	sadd.s32 $0x88, s3;
	s6 =	simm.s32 @!p1 $0x1082;
	[sflag:s4] =	ssyncset.s32 $0xFFFFF086  }
0x25: {  	[simem:s6], [sflag:s4] =	dma.local [hbm:s3], $0xF7A  }
0x26: {  	[smem:$0x3F99] =	sst s1;
	(tag) =	ssettag s2;
	_ =	strace s9  }
0x27: {  	s1 =	sld [smem:$0x3FA9]  }
0x28: {  	s2 =	sld [smem:$0x3FAA]  }
0x29: {  	s4 =	sld [smem:$0x3FAC]  }
0x2a: {  	p0 =	seq.s32 s5, $0x0;
	s5 =	sld [smem:$0x3FAD]  }
0x2b: {  	s6 =	sld [smem:$0x3FAE]  }
0x2c: {  	s7 =	sld [smem:$0x3FAF]  }
0x2d: {  	s3 =	simm.s32 $0x108;
	s8 =	sld [smem:$0x3FB0]  }
0x2e: {  	s3 =	simm.s32 @!p0 $0x1082;
	s9 =	sld [smem:$0x3FB1]  }
0x2f: {  	lr =	sadd.s32 s0, s3;
	s0 =	sld [smem:$0x3FA8]  }
0x30: {  	s3 =	sld [smem:$0x3FAB]  }
0x31: {  	[smem:$0x3FB4] =	sst s10  }
0x32: {  	s10 =	sld [smem:$0x3FB2];
	_ =	sdelay $0x3  }
0x33: {  	p0 =	seq.s32 s10, $0x1;
	s10 =	sld [smem:$0x3FB4];
	_ =	sdelay $0x3  }
0x34: {  	[smem:$0x3FB4] =	sst s10  }
0x35: {  	s10 =	sld [smem:$0x3FB3];
	_ =	sdelay $0x3  }
0x36: {  	p1 =	seq.s32 s10, $0x1;
	s10 =	sld [smem:$0x3FB4];
	_ =	sdelay $0x3  }
0x37: {  	[smem:$0x3FB4] =	sst s10  }
0x38: {  	s10 =	sld [smem:$0x3FB5]  }
0x39: {  	_ = 	snop;
	(pc) =	sbr.ind lr, $3  }
0x3a: {  	_ = 	snop  }
0x3b: {  	_ = 	snop  }
0x3c: {  	p2 =	seq.s32 s10, $0x1;
	s10 =	sld [smem:$0x3FB4]  }
0x3d: {  	_ =	shalt  }
0x3e: {  	_ =	shalt  }
0x3f: {  	_ =	shalt  }
0x40: {  	_ =	shalt  }
0x41: {  	_ =	shalt  }
0x42: {  	_ =	shalt  }
0x43: {  	_ =	shalt  }
0x44: {  	_ =	shalt  }
0x45: {  	_ =	shalt  }
0x46: {  	_ =	shalt  }
0x47: {  	_ =	shalt  }
0x48: {  	_ =	shalt  }
0x49: {  	_ =	shalt  }
0x4a: {  	_ =	shalt  }
0x4b: {  	_ =	shalt  }
0x4c: {  	_ =	shalt  }
0x4d: {  	_ =	shalt  }
0x4e: {  	_ =	shalt  }
0x4f: {  	_ =	shalt  }
0x50: {  	_ =	shalt  }
0x51: {  	_ =	shalt  }
0x52: {  	_ =	shalt  }
0x53: {  	_ =	shalt  }
0x54: {  	_ =	shalt  }
0x55: {  	_ =	shalt  }
0x56: {  	_ =	shalt  }
0x57: {  	_ =	shalt  }
0x58: {  	_ =	shalt  }
0x59: {  	_ =	shalt  }
0x5a: {  	_ =	shalt  }
0x5b: {  	_ =	shalt  }
0x5c: {  	_ =	shalt  }
0x5d: {  	_ =	shalt  }
0x5e: {  	_ =	shalt  }
0x5f: {  	_ =	shalt  }
0x60: {  	_ =	shalt  }
0x61: {  	_ =	shalt  }
0x62: {  	_ =	shalt  }
0x63: {  	_ =	shalt  }
0x64: {  	_ =	shalt  }
0x65: {  	_ =	shalt  }
0x66: {  	_ =	shalt  }
0x67: {  	_ =	shalt  }
0x68: {  	_ =	shalt  }
0x69: {  	_ =	shalt  }
0x6a: {  	_ =	shalt  }
0x6b: {  	_ =	shalt  }
0x6c: {  	_ =	shalt  }
0x6d: {  	_ =	shalt  }
0x6e: {  	_ =	shalt  }
0x6f: {  	_ =	shalt  }
0x70: {  	_ =	shalt  }
0x71: {  	_ =	shalt  }
0x72: {  	_ =	shalt  }
0x73: {  	_ =	shalt  }
0x74: {  	_ =	shalt  }
0x75: {  	_ =	shalt  }
0x76: {  	_ =	shalt  }
0x77: {  	_ =	shalt  }
0x78: {  	_ =	shalt  }
0x79: {  	_ =	shalt  }
0x7a: {  	_ =	shalt  }
0x7b: {  	_ =	shalt  }
0x7c: {  	_ =	shalt  }
0x7d: {  	_ =	shalt  }
0x7e: {  	_ =	shalt  }
0x7f: {  	_ =	shalt  }
0x80: {  	_ =	shalt  }
0x81: {  	_ =	shalt  }
0x82: {  	_ =	shalt  }
0x83: {  	_ =	shalt  }
0x84: {  	_ =	shalt  }
0x85: {  	_ =	shalt  }
0x86: {  	_ =	shalt  }
0x87: {  	_ =	shalt  }
.Lfunc_end0:
.L_simem_size_0:
called_computation_lowered:
.L_overlay_start_0:
0x88: {  	s2 =	sld [smem:$0x3FD9]  }
0x89: {  	s3 =	sld [smem:$0x3FFE];
	_ =	sdelay $0x1  }
0x8a: {  	s1 =	srdreg.scid  }
0x8b: {  	s0 =	sand.u32 $0x1, s1  }
0x8c: {  	s17 =	sshll.u32 s0, $0xA;
	s2 =	sadd.s32 s3, s2  }
0x8d: {  	s2 =	sadd.s32 s2, s17  }
0x8e: {  	[smem:$0x3FC0] =	sst s2  }
0x8f: {  	_ = 	snop  }
0x90: {  	s2 =	sld [smem:$0x3FC8]  }
0x91: {  	s18 =	sld [smem:$0x3FD0];
	(tm) =	ssettm $0x1  }
0x92: {  	s4 =	sld [smem:$0x3FFB];
	_ =	sdelay $0x3  }
0x93: {  	_ =	strace s4  }
0x94: {  	s4 =	sld [smem:$0x3FFC];
	_ =	sdelay $0x3  }
0x95: {  	_ =	strace s4  }
0x96: {  	s4 =	sld [smem:$0x3FFD];
	_ =	sdelay $0x3  }
0x97: {  	_ =	strace s4  }
0x98: {  	_ =	strace $0x8FFFFFFF  }
0x99: {  	s19 =	sld [smem:$0x3FDB];
	_ =	sdelay $0x1  }
0x9a: {  	s5 =	simm.s32 $_scs_section_size  }
0x9b: {  	s6 =	simm.s32 $_size__tile_overlayer_lowered;
	s7 =	simm.s32 $_tile_overlayer_lowered  }
0x9c: {  	s22 =	simm.s32 $0x1BFF;
	s21 =	sshll.u32 s7, $0x1;
	s4 =	sadd.s32 s5, s19  }
0x9d: {  	s8 =	simm.s32 $0x0;
	s20 =	sshll.u32 s6, $0x1;
	s6 =	sadd.s32 s21, s4  }
0x9e: {  	[timem:s8], [sflag:s22] =	dma.local [hbm:s6], s20  }
0x9f: {  	_ =	swait.ge [sflag:s22], s20  }
0xa0: {  	s5 =	ssub.s32 $0x0, s20;
	[sflag:s22] =	ssyncset.done $0x0  }
0xa1: {  	[sflag:s22] =	ssyncadd.s32 s5;
	_ =	sdelay $0x1  }
0xa2: {  	s23 =	simm.s32 $0x1B8B  }
0xa3: {  	_ =	swait.ge [sflag:s23], $0x1  }
0xa4: {  	[sflag:s23] =	ssyncset.done $0x0  }
0xa5: {  	s25 =	simm.s32 $0x1B8E;
	s24 =	sld [smem:$0x3FFE];
	[sflag:s23] =	ssyncadd.s32 $0xFFFFFFFF  }
0xa6: {  	s26 =	simm.s32 $execute0_lowered;
	[smem:$0x3FD2] =	sst s25  }
0xa7: {  	s6 =	sshll.u32 s26, $0x1;
	_ =	strace $0x80000046;
	[dreg:$0x1] =	wrdreg $0xFFFFFFFF  }
0xa8: {  	s28 =	simm.s32 $_size_execute0_lowered;
	s4 =	sadd.s32 s4, s6;
	[dreg:$0x0] =	wrdreg $0x0  }
0xa9: {  	s6 =	sshll.u32 s28, $0x1;
	[dreg:$0x2] =	wrdreg s4  }
0xaa: {  	[dreg:$0x3] =	wrdreg s6  }
0xab: {  	[dreg:$0x4] =	wrdreg $0xC0  }
0xac: {  	_ =	task [dreg:s8], $0x5FFFF  }
0xad: {  	[dreg:$0x1] =	wrdreg $0xFFFFFFFF  }
0xae: {  	[dreg:$0x0] =	wrdreg $0x60  }
0xaf: {  	[dreg:$0x2] =	wrdreg s24  }
0xb0: {  	[dreg:$0x3] =	wrdreg s2  }
0xb1: {  	[dreg:$0x4] =	wrdreg s18  }
0xb2: {  	[dreg:$0x5] =	wrdreg $0x9  }
0xb3: {  	_ =	task.clear_ibuf [dreg:s8], $0x6FFFF;
	_ =	strace $0x90000046  }
0xb4: {  	s29 =	simm.s32 $0x9;
	_ =	strace $0x80000048  }
0xb5: {  	_ =	swait.ge [sflag:s29], $0x1  }
0xb6: {  	[sflag:s29] =	ssyncadd.s32 $0xFFFFFFFF  }
0xb7: {  	_ =	strace $0x90000048  }
0xb8: {  	_ =	sfence  }
0xb9: {  	s30 =	sld [smem:$0x0];
	_ =	sdelay $0x2  }
0xba: {  	s31 =	sshll.u32 s1, $0xD;
	s1 =	sshrl.u32 s1, $0x2  }
0xbb: {  	s3 =	sand.u32 $0x4000, s31;
	s1 =	sadd.s32 s1, s30  }
0xbc: {  	s0 =	sor.u32 s3, s0;
	s1 =	sshll.u32 s1, $0x11  }
0xbd: {  	s0 =	sor.u32 s1, s0  }
0xbe: {  	s0 =	sadd.s32 $0x8F2B, s0  }
0xbf: {  	[sflag:s0] =	ssyncadd.remote.s32 $0x1  }
0xc0: {  	_ =	sfence.sel $0xFFFF  }
0xc1: {  	[dreg:$0x0] =	wrdreg $0xFFFFFFFF;
	(pc) =	sbr.abs _section_cstart, $3  }
0xc2: {  	[dreg:$0x1] =	wrdreg $0xFFFFFFFF  }
0xc3: {  	_ =	task.clear_ibuf [dreg:s8], $0x2FFFF;
	_ =	strace $0x9FFFFFFF  }
0xc4: {  	(tm) =	ssettm $0x7FFFFFFF  }
0xc5: {  	_ =	shalt  }
tec
execute0_lowered:
.L_overlay_start_1:
0x0: {  	(tag) =	ssettag $0x1  }
0x1: {  	s0 =	rddreg [dreg:$0x0]  }
0x2: {  	s2 =	rddreg [dreg:$0x1]  }
0x3: {  	s3 =	rddreg [dreg:$0x2]  }
0x4: {  	s1 =	srdreg.scid;
	s4 =	stileid.u32;
	s9 =	simm.s32 $0x9  }
0x5: {  	s10 =	simm.s32 $0x64;
	s11 =	simm.s32 $0x4000;
	s13 =	simm.s32 $0x7400  }
0x6: {  	s15 =	simm.s32 $0xA800;
	s17 =	simm.s32 $0xDC00;
	s18 =	simm.s32 $0x1  }
0x7: {  	s19 =	simm.s32 $0x11000;
	s20 =	simm.s32 $0x2;
	s21 =	simm.s32 $0x6  }
0x8: {  	s22 =	simm.s32 $0x11100;
	s23 =	simm.s32 $0x3;
	s24 =	simm.s32 $0x7  }
0x9: {  	s25 =	simm.s32 $0x11200;
	s28 =	simm.s32 $0x8;
	s29 =	simm.s32 $0x11300  }
0xa: {  	s30 =	simm.s32 $0x5;
	s1 =	sand.u32 $0x1, s1;
	s5 =	sshll.u32 s4, $0x1  }
0xb: {  	s31 =	simm.s32 $0x0;
	s4 =	simm.s32 $0x0;
	s7 =	sor.u32 s1, s5  }
.Ltmp0:
0xc: {  	s1 =	ssub.s32 $0x2, s1;
	[smem:$0x7FF] =	sst s4;
	(pc) =	sbr.rel .LBB2_1-.Ltmp0, $4  }
0xd: {  	s5 =	sshll.u32 s7, $0xB;
	s6 =	sshrl.u32 s1, $0x1;
	_ =	strace $0x80000047  }
0xe: {  	s26 =	sshll.u32 s7, $0xC;
	s0 =	sadd.s32 s5, s0;
	s1 =	ssub.s32 s1, s6  }
0xf: {  	s5 =	sshll.u32 s7, $0x8;
	s7 =	sadd.s32 s3, s26;
	s0 =	sadd.s32 $0x1A00, s0  }
0x10: {  	s26 =	simm.s32 $0x4;
	s8 =	smax.u32 s1, $0x1;
	[dreg:$0x4] =	wrdreg s0  }
.LBB2_32:
0x11: {  	_ =	swait.ge [sflag:s30], $0x100  }
0x12: {  	[sflag:s30] =	ssyncset.done $0x0  }
0x13: {  	[sflag:s30] =	ssyncadd.s32 $0xFFFFFF00  }
0x14: {  	_ =	swait.ge [sflag:s21], $0x100  }
0x15: {  	[sflag:s21] =	ssyncset.done $0x0  }
0x16: {  	s31 =	sadd.s32 $0x1, s31;
	[sflag:s21] =	ssyncadd.s32 $0xFFFFFF00  }
0x17: {  	p0 =	sne.s32 s31, s8;
	_ =	swait.ge [sflag:s24], $0x100  }
.Ltmp1:
0x18: {  	[sflag:s24] =	ssyncset.done $0x0;
	(pc) =	sbr.rel @!p0 .LBB2_33-.Ltmp1, $4  }
0x19: {  	[sflag:s24] =	ssyncadd.s32 $0xFFFFFF00  }
0x1a: {  	_ =	swait.ge [sflag:s28], $0x100  }
0x1b: {  	[sflag:s28] =	ssyncset.done $0x0  }
0x1c: {  	[sflag:s28] =	ssyncadd.s32 $0xFFFFFF00  }
.LBB2_1:
0x1d: {  	s0 =	rddreg [dreg:$0x4]  }
0x1e: {  	[tilespmem:s4], [sflag:$0x9] =	stream.linear.gather [hbm4b:s0+s4], $0x4000, $0x38;
	[tilespmem:$0x11400] =	vst v63  }
0x1f: {  	_ =	swait.ge [sflag:s9], $0x4000  }
0x20: {  	[sflag:s9] =	ssyncset.done $0x0  }
0x21: {  	[sflag:s9] =	ssyncadd.s32 $0xFFFFC000  }
0x22: {  	[tilespmem:s11], [sflag:$0x1] =	stream.indirect.gather [hbm4b:s2+s10], $0x80, s4, s10, $0xb8;
	[tilespmem:$0x11400] =	vst v63  }
0x23: {  	s12 =	simm.s32 $0x80  }
0x24: {  	[tilespmem:s13], [sflag:$0x2] =	stream.indirect.gather [hbm4b:s2+s10], $0x80, s12, s10, $0xb8;
	[tilespmem:$0x11400] =	vst v63  }
0x25: {  	s14 =	simm.s32 $0x100  }
0x26: {  	[tilespmem:s15], [sflag:$0x3] =	stream.indirect.gather [hbm4b:s2+s10], $0x80, s14, s10, $0xb8;
	[tilespmem:$0x11400] =	vst v63  }
0x27: {  	s16 =	simm.s32 $0x180;
	s0 =	simm.s32 $0x0  }
0x28: {  	[tilespmem:s17], [sflag:$0x4] =	stream.indirect.gather [hbm4b:s2+s10], $0x80, s16, s10, $0xb8;
	[tilespmem:$0x11400] =	vst v63  }
.LBB2_2:
0x29: {  	_ =	swait.ge [sflag:s18], $0x3200  }
0x2a: {  	p0 =	seq.s32 s0, $0x0;
	[sflag:s18] =	ssyncset.done $0x0  }
0x2b: {  	s1 =	simm.s32 @!p0 $0x5;
	[sflag:s18] =	ssyncadd.s32 $0xFFFFCE00  }
0x2c: {  	_ =	swait.ge @!p0 [sflag:s1], $0x100  }
0x2d: {  	[sflag:s1] =	ssyncset.done @!p0 $0x0  }
0x2e: {  	[sflag:s1] =	ssyncadd.s32 @!p0 $0xFFFFFF00  }
0x2f: {  	v8 =	vld [tilespmem:$0x4000]  }
0x30: {  	v10 =	vld [tilespmem:$0x4010]  }
0x31: {  	v5 =	vld [tilespmem:$0x4020]  }
0x32: {  	v4 =	vld [tilespmem:$0x4030]  }
0x33: {  	v3 =	vld [tilespmem:$0x4040]  }
0x34: {  	v2 =	vld [tilespmem:$0x4050]  }
0x35: {  	v1 =	vld [tilespmem:$0x4060]  }
0x36: {  	s16 =	simm.s32 $0xF0;
	v0 =	vld [tilespmem:$0x4070]  }
0x37: {  	v6 =	vld [tilespmem:s16+$0x4000]  }
0x38: {  	v9 =	vld [tilespmem:s16+$0x3F90]  }
0x39: {  	v13 =	vld [tilespmem:s16+$0x3FA0]  }
0x3a: {  	v12 =	vld [tilespmem:s16+$0x3FB0]  }
0x3b: {  	v11 =	vld [tilespmem:s16+$0x3FC0]  }
0x3c: {  	v7 =	vld [tilespmem:s16+$0x3FD0]  }
0x3d: {  	v0 =	vadd.f32 v6, v0;
	v6 =	vld [tilespmem:s16+$0x3FE0]  }
0x3e: {  	s12 =	simm.s32 $0x170;
	s14 =	simm.s32 $0x7C0;
	s1 =	sshll.u32 s0, $0xB;
	v9 =	vadd.f32 v9, v8;
	v10 =	vadd.f32 v13, v10;
	v8 =	vld [tilespmem:s16+$0x3FF0]  }
.LBB2_3:
0x3f: {  	p1 =	sne.s32 s14, $0x63C0;
	v13 =	vld [tilespmem:s12+$0x4000];
	v5 =	vadd.f32 v12, v5  }
0x40: {  	v14 =	vld [tilespmem:s12+$0x3F90];
	v4 =	vadd.f32 v11, v4  }
0x41: {  	v15 =	vld [tilespmem:s12+$0x3FA0];
	v3 =	vadd.f32 v7, v3  }
.Ltmp2:
0x42: {  	v12 =	vld [tilespmem:s12+$0x3FB0];
	v2 =	vadd.f32 v6, v2;
	(pc) =	sbr.rel @p1 .LBB2_3-.Ltmp2, $4  }
0x43: {  	v11 =	vld [tilespmem:s12+$0x3FC0];
	v1 =	vadd.f32 v8, v1  }
0x44: {  	v7 =	vld [tilespmem:s12+$0x3FD0];
	v0 =	vadd.f32 v13, v0  }
0x45: {  	v9 =	vadd.f32 v14, v9;
	v6 =	vld [tilespmem:s12+$0x3FE0]  }
0x46: {  	v10 =	vadd.f32 v15, v10;
	v8 =	vld [tilespmem:s12+$0x3FF0];
	s12 =	sshra.s32 s14, $0x2;
	s14 =	sadd.s32 $0x200, s14  }
0x47: {  	v13 =	vld [tilespmem:s12+$0x4000]  }
0x48: {  	v14 =	vld [tilespmem:s12+$0x3F90]  }
0x49: {  	v15 =	vld [tilespmem:s12+$0x3FA0]  }
0x4a: {  	v16 =	vld [tilespmem:s12+$0x3FB0]  }
0x4b: {  	v17 =	vld [tilespmem:s12+$0x3FC0]  }
0x4c: {  	v18 =	vld [tilespmem:s12+$0x3FD0];
	v5 =	vadd.f32 v12, v5;
	v4 =	vadd.f32 v11, v4  }
0x4d: {  	v12 =	vld [tilespmem:s12+$0x3FE0];
	v3 =	vadd.f32 v7, v3;
	v9 =	vadd.f32 v14, v9  }
0x4e: {  	v11 =	vld [tilespmem:s12+$0x3FF0];
	v2 =	vadd.f32 v6, v2;
	v10 =	vadd.f32 v15, v10  }
0x4f: {  	v6 =	vadd.f32 v8, v1;
	v1 =	vld [tilespmem:$0x5920];
	v5 =	vadd.f32 v16, v5;
	[tilespmem:$0x11000] =	vst v9  }
0x50: {  	v4 =	vadd.f32 v17, v4;
	v14 =	vld [tilespmem:$0x5910];
	[tilespmem:$0x11010] =	vst v10  }
0x51: {  	v3 =	vadd.f32 v18, v3;
	v7 =	vadd.f32 v13, v0;
	v0 =	vld [tilespmem:$0x5960];
	[tilespmem:$0x11020] =	vst v5  }
0x52: {  	v9 =	vld [tilespmem:$0x5900];
	[tilespmem:$0x11030] =	vst v4  }
0x53: {  	v6 =	vadd.f32 v11, v6;
	v5 =	vadd.f32 v12, v2;
	v2 =	vld [tilespmem:$0x5930];
	[tilespmem:$0x11040] =	vst v3  }
0x54: {  	v3 =	vld [tilespmem:$0x5940];
	[tilespmem:$0x11070] =	vst v7  }
0x55: {  	v4 =	vld [tilespmem:$0x5950];
	[tilespmem:$0x11060] =	vst v6  }
0x56: {  	s16 =	simm.s32 $0x0;
	[tilespmem:$0x11050] =	vst v5;
	v5 =	vld [tilespmem:$0x5970]  }
0x57: {  	v7 =	vld [tilespmem:s16+$0x59F0]  }
0x58: {  	v8 =	vld [tilespmem:s16+$0x5980]  }
0x59: {  	v11 =	vld [tilespmem:s16+$0x5990]  }
0x5a: {  	v12 =	vld [tilespmem:s16+$0x59A0]  }
0x5b: {  	v10 =	vld [tilespmem:s16+$0x59B0]  }
0x5c: {  	v6 =	vld [tilespmem:s16+$0x59C0]  }
0x5d: {  	v5 =	vadd.f32 v7, v5;
	v7 =	vld [tilespmem:s16+$0x59D0]  }
0x5e: {  	s14 =	simm.s32 $0x400;
	s12 =	simm.s32 $0x80;
	v8 =	vadd.f32 v8, v9;
	v9 =	vadd.f32 v11, v14;
	v11 =	vld [tilespmem:s16+$0x59E0]  }
.LBB2_5:
0x5f: {  	p1 =	sne.s32 s14, $0x6000;
	v13 =	vld [tilespmem:s12+$0x59F0];
	v1 =	vadd.f32 v12, v1  }
0x60: {  	v14 =	vld [tilespmem:s12+$0x5980];
	v2 =	vadd.f32 v10, v2  }
0x61: {  	v15 =	vld [tilespmem:s12+$0x5990];
	v3 =	vadd.f32 v6, v3  }
.Ltmp3:
0x62: {  	v12 =	vld [tilespmem:s12+$0x59A0];
	v4 =	vadd.f32 v7, v4;
	(pc) =	sbr.rel @p1 .LBB2_5-.Ltmp3, $4  }
0x63: {  	v10 =	vld [tilespmem:s12+$0x59B0];
	v0 =	vadd.f32 v11, v0  }
0x64: {  	v6 =	vld [tilespmem:s12+$0x59C0];
	v5 =	vadd.f32 v13, v5  }
0x65: {  	v8 =	vadd.f32 v14, v8;
	v7 =	vld [tilespmem:s12+$0x59D0]  }
0x66: {  	v9 =	vadd.f32 v15, v9;
	v11 =	vld [tilespmem:s12+$0x59E0];
	s12 =	sshra.s32 s14, $0x2;
	s14 =	sadd.s32 $0x200, s14  }
0x67: {  	v14 =	vld [tilespmem:s12+$0x5980]  }
0x68: {  	v15 =	vld [tilespmem:s12+$0x5990]  }
0x69: {  	v16 =	vld [tilespmem:s12+$0x59A0]  }
0x6a: {  	v17 =	vld [tilespmem:s12+$0x59B0]  }
0x6b: {  	v18 =	vld [tilespmem:s12+$0x59C0]  }
0x6c: {  	v1 =	vadd.f32 v12, v1;
	v60 =	vld [tilespmem:s12+$0x59D0];
	v8 =	vadd.f32 v14, v8  }
0x6d: {  	v13 =	vld [tilespmem:s12+$0x59F0];
	v2 =	vadd.f32 v10, v2;
	v9 =	vadd.f32 v15, v9  }
0x6e: {  	v61 =	vld [tilespmem:s12+$0x59E0];
	v3 =	vadd.f32 v6, v3;
	v1 =	vadd.f32 v16, v1;
	[tilespmem:$0x11080] =	vst v8  }
0x6f: {  	v4 =	vadd.f32 v7, v4;
	v2 =	vadd.f32 v17, v2;
	[tilespmem:$0x11090] =	vst v9  }
0x70: {  	v3 =	vadd.f32 v18, v3;
	[tilespmem:$0x110A0] =	vst v1  }
0x71: {  	p1 =	sne.s32 s0, $0x1F;
	v0 =	vadd.f32 v11, v0;
	v62 =	vadd.f32 v60, v4;
	[tilespmem:$0x110B0] =	vst v2  }
.Ltmp4:
0x72: {  	v63 =	vadd.f32 v13, v5;
	[tilespmem:$0x110C0] =	vst v3;
	(pc) =	sbr.rel @p1 .LBB2_8-.Ltmp4, $4  }
0x73: {  	v0 =	vadd.f32 v61, v0;
	[tilespmem:$0x110D0] =	vst v62  }
0x74: {  	s16 =	sshll.u32 s0, $0x7;
	[tilespmem:$0x110F0] =	vst v63  }
0x75: {  	s12 =	sadd.s32 s16, s7;
	[tilespmem:$0x110E0] =	vst v0  }
0x76: {  	[hbm4b:s12+s4] =	stream.linear.scatter [tilespmem:s19], [sflag:$0x5], $0x100, $0x38;
	[tilespmem:$0x11400] =	vst v63  }
.Ltmp5:
0x77: {  	(pc) =	sbr.rel .LBB2_9-.Ltmp5, $4  }
0x78: {  	_ = 	snop  }
0x79: {  	_ =	swait.ge [sflag:s20], $0x3200  }
0x7a: {  	[sflag:s20] =	ssyncset.done $0x0  }
0x7b: {  	[sflag:s20] =	ssyncadd.s32 $0xFFFFCE00  }
.LBB2_8:
0x7c: {  	s12 =	sshrl.u32 s1, $0x2  }
.Ltmp6:
0x7d: {  	s12 =	sadd.s32 $0x200, s12;
	(pc) =	sbr.rel @p0 .LBB2_10-.Ltmp6, $4  }
0x7e: {  	[tilespmem:s11], [sflag:$0x1] =	stream.indirect.gather [hbm4b:s2+s10], $0x80, s12, s10, $0xb8;
	[tilespmem:$0x11400] =	vst v63  }
0x7f: {  	_ =	swait.ge [sflag:s20], $0x3200  }
0x80: {  	[sflag:s20] =	ssyncset.done $0x0  }
0x81: {  	[sflag:s20] =	ssyncadd.s32 $0xFFFFCE00  }
.LBB2_9:
0x82: {  	_ =	swait.ge [sflag:s21], $0x100  }
0x83: {  	[sflag:s21] =	ssyncset.done $0x0  }
0x84: {  	[sflag:s21] =	ssyncadd.s32 $0xFFFFFF00  }
.LBB2_10:
0x85: {  	v8 =	vld [tilespmem:$0x7400]  }
0x86: {  	v10 =	vld [tilespmem:$0x7410]  }
0x87: {  	v5 =	vld [tilespmem:$0x7420]  }
0x88: {  	v4 =	vld [tilespmem:$0x7430]  }
0x89: {  	v3 =	vld [tilespmem:$0x7440]  }
0x8a: {  	v2 =	vld [tilespmem:$0x7450]  }
0x8b: {  	v1 =	vld [tilespmem:$0x7460]  }
0x8c: {  	v0 =	vld [tilespmem:$0x7470];
	s16 =	simm.s32 $0xF0  }
0x8d: {  	v6 =	vld [tilespmem:s16+$0x7400]  }
0x8e: {  	v9 =	vld [tilespmem:s16+$0x7390]  }
0x8f: {  	v13 =	vld [tilespmem:s16+$0x73A0]  }
0x90: {  	v12 =	vld [tilespmem:s16+$0x73B0]  }
0x91: {  	v11 =	vld [tilespmem:s16+$0x73C0]  }
0x92: {  	v7 =	vld [tilespmem:s16+$0x73D0]  }
0x93: {  	v0 =	vadd.f32 v6, v0;
	v6 =	vld [tilespmem:s16+$0x73E0]  }
0x94: {  	s12 =	simm.s32 $0x170;
	s14 =	simm.s32 $0x7C0;
	v9 =	vadd.f32 v9, v8;
	v10 =	vadd.f32 v13, v10;
	v8 =	vld [tilespmem:s16+$0x73F0]  }
.LBB2_11:
0x95: {  	p2 =	sne.s32 s14, $0x63C0;
	v13 =	vld [tilespmem:s12+$0x7400];
	v5 =	vadd.f32 v12, v5  }
0x96: {  	v14 =	vld [tilespmem:s12+$0x7390];
	v4 =	vadd.f32 v11, v4  }
0x97: {  	v15 =	vld [tilespmem:s12+$0x73A0];
	v3 =	vadd.f32 v7, v3  }
.Ltmp7:
0x98: {  	v12 =	vld [tilespmem:s12+$0x73B0];
	v2 =	vadd.f32 v6, v2;
	(pc) =	sbr.rel @p2 .LBB2_11-.Ltmp7, $4  }
0x99: {  	v11 =	vld [tilespmem:s12+$0x73C0];
	v1 =	vadd.f32 v8, v1  }
0x9a: {  	v7 =	vld [tilespmem:s12+$0x73D0];
	v0 =	vadd.f32 v13, v0  }
0x9b: {  	v9 =	vadd.f32 v14, v9;
	v6 =	vld [tilespmem:s12+$0x73E0]  }
0x9c: {  	v10 =	vadd.f32 v15, v10;
	v8 =	vld [tilespmem:s12+$0x73F0];
	s12 =	sshra.s32 s14, $0x2;
	s14 =	sadd.s32 $0x200, s14  }
0x9d: {  	v13 =	vld [tilespmem:s12+$0x7400]  }
0x9e: {  	v14 =	vld [tilespmem:s12+$0x7390]  }
0x9f: {  	v15 =	vld [tilespmem:s12+$0x73A0]  }
0xa0: {  	v16 =	vld [tilespmem:s12+$0x73B0]  }
0xa1: {  	v17 =	vld [tilespmem:s12+$0x73C0]  }
0xa2: {  	v18 =	vld [tilespmem:s12+$0x73D0];
	v5 =	vadd.f32 v12, v5  }
0xa3: {  	v4 =	vadd.f32 v11, v4;
	v11 =	vld [tilespmem:s12+$0x73F0];
	v9 =	vadd.f32 v14, v9  }
0xa4: {  	v12 =	vld [tilespmem:s12+$0x73E0];
	v3 =	vadd.f32 v7, v3;
	v10 =	vadd.f32 v15, v10  }
0xa5: {  	v6 =	vadd.f32 v6, v2;
	v2 =	vld [tilespmem:$0x8D20];
	v5 =	vadd.f32 v16, v5;
	[tilespmem:$0x11100] =	vst v9  }
0xa6: {  	v1 =	vadd.f32 v8, v1;
	v4 =	vadd.f32 v17, v4;
	v14 =	vld [tilespmem:$0x8D10];
	[tilespmem:$0x11110] =	vst v10  }
0xa7: {  	v7 =	vadd.f32 v18, v3;
	v3 =	vld [tilespmem:$0x8D30];
	[tilespmem:$0x11120] =	vst v5  }
0xa8: {  	v1 =	vadd.f32 v11, v1;
	v9 =	vld [tilespmem:$0x8D00];
	[tilespmem:$0x11130] =	vst v4  }
0xa9: {  	v5 =	vadd.f32 v12, v6;
	[tilespmem:$0x11140] =	vst v7;
	v4 =	vld [tilespmem:$0x8D40]  }
0xaa: {  	v6 =	vadd.f32 v13, v0;
	v0 =	vld [tilespmem:$0x8D60];
	[tilespmem:$0x11160] =	vst v1  }
0xab: {  	v1 =	vld [tilespmem:$0x8D70];
	[tilespmem:$0x11150] =	vst v5  }
0xac: {  	s16 =	simm.s32 $0x0;
	v5 =	vld [tilespmem:$0x8D50];
	[tilespmem:$0x11170] =	vst v6  }
0xad: {  	v7 =	vld [tilespmem:s16+$0x8DF0]  }
0xae: {  	v8 =	vld [tilespmem:s16+$0x8D80]  }
0xaf: {  	v11 =	vld [tilespmem:s16+$0x8D90]  }
0xb0: {  	v12 =	vld [tilespmem:s16+$0x8DA0]  }
0xb1: {  	v10 =	vld [tilespmem:s16+$0x8DB0]  }
0xb2: {  	v6 =	vld [tilespmem:s16+$0x8DC0]  }
0xb3: {  	v1 =	vadd.f32 v7, v1;
	v7 =	vld [tilespmem:s16+$0x8DD0]  }
0xb4: {  	s14 =	simm.s32 $0x400;
	s12 =	simm.s32 $0x80;
	v8 =	vadd.f32 v8, v9;
	v9 =	vadd.f32 v11, v14;
	v11 =	vld [tilespmem:s16+$0x8DE0]  }
.LBB2_13:
0xb5: {  	p2 =	sne.s32 s14, $0x6000;
	v13 =	vld [tilespmem:s12+$0x8DF0];
	v2 =	vadd.f32 v12, v2  }
0xb6: {  	v14 =	vld [tilespmem:s12+$0x8D80];
	v3 =	vadd.f32 v10, v3  }
0xb7: {  	v15 =	vld [tilespmem:s12+$0x8D90];
	v4 =	vadd.f32 v6, v4  }
.Ltmp8:
0xb8: {  	v12 =	vld [tilespmem:s12+$0x8DA0];
	v5 =	vadd.f32 v7, v5;
	(pc) =	sbr.rel @p2 .LBB2_13-.Ltmp8, $4  }
0xb9: {  	v10 =	vld [tilespmem:s12+$0x8DB0];
	v0 =	vadd.f32 v11, v0  }
0xba: {  	v6 =	vld [tilespmem:s12+$0x8DC0];
	v1 =	vadd.f32 v13, v1  }
0xbb: {  	v8 =	vadd.f32 v14, v8;
	v7 =	vld [tilespmem:s12+$0x8DD0]  }
0xbc: {  	v9 =	vadd.f32 v15, v9;
	v11 =	vld [tilespmem:s12+$0x8DE0];
	s12 =	sshra.s32 s14, $0x2;
	s14 =	sadd.s32 $0x200, s14  }
0xbd: {  	v14 =	vld [tilespmem:s12+$0x8D80]  }
0xbe: {  	v15 =	vld [tilespmem:s12+$0x8D90]  }
0xbf: {  	v16 =	vld [tilespmem:s12+$0x8DA0]  }
0xc0: {  	v17 =	vld [tilespmem:s12+$0x8DB0]  }
0xc1: {  	v18 =	vld [tilespmem:s12+$0x8DC0]  }
0xc2: {  	v2 =	vadd.f32 v12, v2;
	v61 =	vld [tilespmem:s12+$0x8DD0];
	v8 =	vadd.f32 v14, v8  }
0xc3: {  	v13 =	vld [tilespmem:s12+$0x8DF0];
	v3 =	vadd.f32 v10, v3;
	v9 =	vadd.f32 v15, v9  }
0xc4: {  	v62 =	vld [tilespmem:s12+$0x8DE0];
	v4 =	vadd.f32 v6, v4;
	v2 =	vadd.f32 v16, v2;
	[tilespmem:$0x11180] =	vst v8  }
0xc5: {  	v5 =	vadd.f32 v7, v5;
	v3 =	vadd.f32 v17, v3;
	[tilespmem:$0x11190] =	vst v9  }
0xc6: {  	s16 =	sshll.u32 s0, $0x3;
	v4 =	vadd.f32 v18, v4;
	[tilespmem:$0x111A0] =	vst v2  }
0xc7: {  	s12 =	sadd.s32 s16, s5;
	v0 =	vadd.f32 v11, v0;
	v63 =	vadd.f32 v61, v5;
	[tilespmem:$0x111B0] =	vst v3  }
.Ltmp9:
0xc8: {  	s12 =	sshll.u32 s12, $0x4;
	v1 =	vadd.f32 v13, v1;
	[tilespmem:$0x111C0] =	vst v4;
	(pc) =	sbr.rel @p1 .LBB2_16-.Ltmp9, $4  }
0xc9: {  	s14 =	sadd.s32 $0x20, s12;
	v0 =	vadd.f32 v62, v0;
	[tilespmem:$0x111D0] =	vst v63  }
0xca: {  	s14 =	sand.u32 $0x1FFFFFA0, s14;
	[tilespmem:$0x111F0] =	vst v1  }
0xcb: {  	s14 =	sadd.s32 s3, s14;
	[tilespmem:$0x111E0] =	vst v0  }
0xcc: {  	[hbm4b:s14+s4] =	stream.linear.scatter [tilespmem:s22], [sflag:$0x6], $0x100, $0x38;
	[tilespmem:$0x11400] =	vst v63  }
.Ltmp10:
0xcd: {  	(pc) =	sbr.rel .LBB2_17-.Ltmp10, $4  }
0xce: {  	_ = 	snop  }
0xcf: {  	_ =	swait.ge [sflag:s23], $0x3200  }
0xd0: {  	[sflag:s23] =	ssyncset.done $0x0  }
0xd1: {  	[sflag:s23] =	ssyncadd.s32 $0xFFFFCE00  }
.LBB2_16:
0xd2: {  	s14 =	sshrl.u32 s1, $0x2  }
.Ltmp11:
0xd3: {  	s14 =	sadd.s32 $0x280, s14;
	(pc) =	sbr.rel @p0 .LBB2_18-.Ltmp11, $4  }
0xd4: {  	[tilespmem:s13], [sflag:$0x2] =	stream.indirect.gather [hbm4b:s2+s10], $0x80, s14, s10, $0xb8;
	[tilespmem:$0x11400] =	vst v63  }
0xd5: {  	_ =	swait.ge [sflag:s23], $0x3200  }
0xd6: {  	[sflag:s23] =	ssyncset.done $0x0  }
0xd7: {  	[sflag:s23] =	ssyncadd.s32 $0xFFFFCE00  }
.LBB2_17:
0xd8: {  	_ =	swait.ge [sflag:s24], $0x100  }
0xd9: {  	[sflag:s24] =	ssyncset.done $0x0  }
0xda: {  	[sflag:s24] =	ssyncadd.s32 $0xFFFFFF00  }
.LBB2_18:
0xdb: {  	v8 =	vld [tilespmem:$0xA800]  }
0xdc: {  	v10 =	vld [tilespmem:$0xA810]  }
0xdd: {  	v5 =	vld [tilespmem:$0xA820]  }
0xde: {  	v4 =	vld [tilespmem:$0xA830]  }
0xdf: {  	v3 =	vld [tilespmem:$0xA840]  }
0xe0: {  	v2 =	vld [tilespmem:$0xA850]  }
0xe1: {  	v1 =	vld [tilespmem:$0xA860]  }
0xe2: {  	v0 =	vld [tilespmem:$0xA870];
	s6 =	simm.s32 $0xF0  }
0xe3: {  	v6 =	vld [tilespmem:s6+$0xA800]  }
0xe4: {  	v9 =	vld [tilespmem:s6+$0xA790]  }
0xe5: {  	v13 =	vld [tilespmem:s6+$0xA7A0]  }
0xe6: {  	v12 =	vld [tilespmem:s6+$0xA7B0]  }
0xe7: {  	v11 =	vld [tilespmem:s6+$0xA7C0]  }
0xe8: {  	v7 =	vld [tilespmem:s6+$0xA7D0]  }
0xe9: {  	v0 =	vadd.f32 v6, v0;
	v6 =	vld [tilespmem:s6+$0xA7E0]  }
0xea: {  	s14 =	simm.s32 $0x170;
	s16 =	simm.s32 $0x7C0;
	v9 =	vadd.f32 v9, v8;
	v10 =	vadd.f32 v13, v10;
	v8 =	vld [tilespmem:s6+$0xA7F0]  }
.LBB2_19:
0xeb: {  	p2 =	sne.s32 s16, $0x63C0;
	v13 =	vld [tilespmem:s14+$0xA800];
	v5 =	vadd.f32 v12, v5  }
0xec: {  	v14 =	vld [tilespmem:s14+$0xA790];
	v4 =	vadd.f32 v11, v4  }
0xed: {  	v15 =	vld [tilespmem:s14+$0xA7A0];
	v3 =	vadd.f32 v7, v3  }
.Ltmp12:
0xee: {  	v12 =	vld [tilespmem:s14+$0xA7B0];
	v2 =	vadd.f32 v6, v2;
	(pc) =	sbr.rel @p2 .LBB2_19-.Ltmp12, $4  }
0xef: {  	v11 =	vld [tilespmem:s14+$0xA7C0];
	v1 =	vadd.f32 v8, v1  }
0xf0: {  	v7 =	vld [tilespmem:s14+$0xA7D0];
	v0 =	vadd.f32 v13, v0  }
0xf1: {  	v9 =	vadd.f32 v14, v9;
	v6 =	vld [tilespmem:s14+$0xA7E0]  }
0xf2: {  	v10 =	vadd.f32 v15, v10;
	v8 =	vld [tilespmem:s14+$0xA7F0];
	s14 =	sshra.s32 s16, $0x2;
	s16 =	sadd.s32 $0x200, s16  }
0xf3: {  	v13 =	vld [tilespmem:s14+$0xA800]  }
0xf4: {  	v14 =	vld [tilespmem:s14+$0xA790]  }
0xf5: {  	v15 =	vld [tilespmem:s14+$0xA7A0]  }
0xf6: {  	v16 =	vld [tilespmem:s14+$0xA7B0]  }
0xf7: {  	v17 =	vld [tilespmem:s14+$0xA7C0]  }
0xf8: {  	v18 =	vld [tilespmem:s14+$0xA7D0];
	v5 =	vadd.f32 v12, v5;
	v4 =	vadd.f32 v11, v4  }
0xf9: {  	v12 =	vld [tilespmem:s14+$0xA7E0];
	v3 =	vadd.f32 v7, v3;
	v9 =	vadd.f32 v14, v9  }
0xfa: {  	v11 =	vld [tilespmem:s14+$0xA7F0];
	v2 =	vadd.f32 v6, v2;
	v10 =	vadd.f32 v15, v10  }
0xfb: {  	v6 =	vadd.f32 v8, v1;
	v1 =	vld [tilespmem:$0xC120];
	v5 =	vadd.f32 v16, v5;
	[tilespmem:$0x11200] =	vst v9  }
0xfc: {  	v4 =	vadd.f32 v17, v4;
	v14 =	vld [tilespmem:$0xC110];
	[tilespmem:$0x11210] =	vst v10  }
0xfd: {  	v3 =	vadd.f32 v18, v3;
	v7 =	vadd.f32 v13, v0;
	v0 =	vld [tilespmem:$0xC160];
	[tilespmem:$0x11220] =	vst v5  }
0xfe: {  	v9 =	vld [tilespmem:$0xC100];
	[tilespmem:$0x11230] =	vst v4  }
0xff: {  	v6 =	vadd.f32 v11, v6;
	v5 =	vadd.f32 v12, v2;
	v2 =	vld [tilespmem:$0xC130];
	[tilespmem:$0x11240] =	vst v3  }
0x100: {  	v3 =	vld [tilespmem:$0xC140];
	[tilespmem:$0x11270] =	vst v7  }
0x101: {  	v4 =	vld [tilespmem:$0xC150];
	[tilespmem:$0x11260] =	vst v6  }
0x102: {  	s6 =	simm.s32 $0x0;
	[tilespmem:$0x11250] =	vst v5;
	v5 =	vld [tilespmem:$0xC170]  }
0x103: {  	v7 =	vld [tilespmem:s6+$0xC1F0]  }
0x104: {  	v8 =	vld [tilespmem:s6+$0xC180]  }
0x105: {  	v11 =	vld [tilespmem:s6+$0xC190]  }
0x106: {  	v12 =	vld [tilespmem:s6+$0xC1A0]  }
0x107: {  	v10 =	vld [tilespmem:s6+$0xC1B0]  }
0x108: {  	v6 =	vld [tilespmem:s6+$0xC1C0]  }
0x109: {  	v5 =	vadd.f32 v7, v5;
	v7 =	vld [tilespmem:s6+$0xC1D0]  }
0x10a: {  	s16 =	simm.s32 $0x400;
	s14 =	simm.s32 $0x80;
	v8 =	vadd.f32 v8, v9;
	v9 =	vadd.f32 v11, v14;
	v11 =	vld [tilespmem:s6+$0xC1E0]  }
.LBB2_21:
0x10b: {  	p2 =	sne.s32 s16, $0x6000;
	v13 =	vld [tilespmem:s14+$0xC1F0];
	v1 =	vadd.f32 v12, v1  }
0x10c: {  	v14 =	vld [tilespmem:s14+$0xC180];
	v2 =	vadd.f32 v10, v2  }
0x10d: {  	v15 =	vld [tilespmem:s14+$0xC190];
	v3 =	vadd.f32 v6, v3  }
.Ltmp13:
0x10e: {  	v12 =	vld [tilespmem:s14+$0xC1A0];
	v4 =	vadd.f32 v7, v4;
	(pc) =	sbr.rel @p2 .LBB2_21-.Ltmp13, $4  }
0x10f: {  	v10 =	vld [tilespmem:s14+$0xC1B0];
	v0 =	vadd.f32 v11, v0  }
0x110: {  	v6 =	vld [tilespmem:s14+$0xC1C0];
	v5 =	vadd.f32 v13, v5  }
0x111: {  	v8 =	vadd.f32 v14, v8;
	v7 =	vld [tilespmem:s14+$0xC1D0]  }
0x112: {  	v9 =	vadd.f32 v15, v9;
	v11 =	vld [tilespmem:s14+$0xC1E0];
	s14 =	sshra.s32 s16, $0x2;
	s16 =	sadd.s32 $0x200, s16  }
0x113: {  	v14 =	vld [tilespmem:s14+$0xC180]  }
0x114: {  	v15 =	vld [tilespmem:s14+$0xC190]  }
0x115: {  	v16 =	vld [tilespmem:s14+$0xC1A0]  }
0x116: {  	v17 =	vld [tilespmem:s14+$0xC1B0]  }
0x117: {  	v18 =	vld [tilespmem:s14+$0xC1C0]  }
0x118: {  	v1 =	vadd.f32 v12, v1;
	v60 =	vld [tilespmem:s14+$0xC1D0];
	v8 =	vadd.f32 v14, v8  }
0x119: {  	v13 =	vld [tilespmem:s14+$0xC1F0];
	v2 =	vadd.f32 v10, v2;
	v9 =	vadd.f32 v15, v9  }
0x11a: {  	v61 =	vld [tilespmem:s14+$0xC1E0];
	v3 =	vadd.f32 v6, v3;
	v1 =	vadd.f32 v16, v1;
	[tilespmem:$0x11280] =	vst v8  }
0x11b: {  	v4 =	vadd.f32 v7, v4;
	v2 =	vadd.f32 v17, v2;
	[tilespmem:$0x11290] =	vst v9  }
0x11c: {  	v3 =	vadd.f32 v18, v3;
	[tilespmem:$0x112A0] =	vst v1  }
0x11d: {  	v0 =	vadd.f32 v11, v0;
	v62 =	vadd.f32 v60, v4;
	[tilespmem:$0x112B0] =	vst v2  }
.Ltmp14:
0x11e: {  	v63 =	vadd.f32 v13, v5;
	[tilespmem:$0x112C0] =	vst v3;
	(pc) =	sbr.rel @p1 .LBB2_24-.Ltmp14, $4  }
0x11f: {  	s6 =	sadd.s32 $0x40, s12;
	v0 =	vadd.f32 v61, v0;
	[tilespmem:$0x112D0] =	vst v62  }
0x120: {  	s6 =	sand.u32 $0x1FFFFFC0, s6;
	[tilespmem:$0x112F0] =	vst v63  }
0x121: {  	s6 =	sadd.s32 s3, s6;
	[tilespmem:$0x112E0] =	vst v0  }
0x122: {  	[hbm4b:s6+s4] =	stream.linear.scatter [tilespmem:s25], [sflag:$0x7], $0x100, $0x38;
	[tilespmem:$0x11400] =	vst v63  }
.Ltmp15:
0x123: {  	(pc) =	sbr.rel .LBB2_25-.Ltmp15, $4  }
0x124: {  	_ = 	snop  }
0x125: {  	_ =	swait.ge [sflag:s26], $0x3200  }
0x126: {  	[sflag:s26] =	ssyncset.done $0x0  }
0x127: {  	[sflag:s26] =	ssyncadd.s32 $0xFFFFCE00  }
.LBB2_24:
0x128: {  	s6 =	sshrl.u32 s1, $0x2  }
.Ltmp16:
0x129: {  	s6 =	sadd.s32 $0x300, s6;
	(pc) =	sbr.rel @p0 .LBB2_26-.Ltmp16, $4  }
0x12a: {  	[tilespmem:s15], [sflag:$0x3] =	stream.indirect.gather [hbm4b:s2+s10], $0x80, s6, s10, $0xb8;
	[tilespmem:$0x11400] =	vst v63  }
0x12b: {  	_ =	swait.ge [sflag:s26], $0x3200  }
0x12c: {  	[sflag:s26] =	ssyncset.done $0x0  }
0x12d: {  	[sflag:s26] =	ssyncadd.s32 $0xFFFFCE00  }
.LBB2_25:
0x12e: {  	_ =	swait.ge [sflag:s28], $0x100  }
0x12f: {  	[sflag:s28] =	ssyncset.done $0x0  }
0x130: {  	[sflag:s28] =	ssyncadd.s32 $0xFFFFFF00  }
.LBB2_26:
0x131: {  	v8 =	vld [tilespmem:$0xDC00]  }
0x132: {  	v10 =	vld [tilespmem:$0xDC10]  }
0x133: {  	v5 =	vld [tilespmem:$0xDC20]  }
0x134: {  	v4 =	vld [tilespmem:$0xDC30]  }
0x135: {  	v3 =	vld [tilespmem:$0xDC40]  }
0x136: {  	v2 =	vld [tilespmem:$0xDC50]  }
0x137: {  	v1 =	vld [tilespmem:$0xDC60]  }
0x138: {  	v0 =	vld [tilespmem:$0xDC70];
	s6 =	simm.s32 $0xF0  }
0x139: {  	v6 =	vld [tilespmem:s6+$0xDC00]  }
0x13a: {  	v9 =	vld [tilespmem:s6+$0xDB90]  }
0x13b: {  	v13 =	vld [tilespmem:s6+$0xDBA0]  }
0x13c: {  	v12 =	vld [tilespmem:s6+$0xDBB0]  }
0x13d: {  	v11 =	vld [tilespmem:s6+$0xDBC0]  }
0x13e: {  	v7 =	vld [tilespmem:s6+$0xDBD0]  }
0x13f: {  	v0 =	vadd.f32 v6, v0;
	v6 =	vld [tilespmem:s6+$0xDBE0]  }
0x140: {  	s14 =	simm.s32 $0x170;
	s16 =	simm.s32 $0x7C0;
	v9 =	vadd.f32 v9, v8;
	v10 =	vadd.f32 v13, v10;
	v8 =	vld [tilespmem:s6+$0xDBF0]  }
.LBB2_27:
0x141: {  	p0 =	sne.s32 s16, $0x63C0;
	v13 =	vld [tilespmem:s14+$0xDC00];
	v5 =	vadd.f32 v12, v5  }
0x142: {  	v14 =	vld [tilespmem:s14+$0xDB90];
	v4 =	vadd.f32 v11, v4  }
0x143: {  	v15 =	vld [tilespmem:s14+$0xDBA0];
	v3 =	vadd.f32 v7, v3  }
.Ltmp17:
0x144: {  	v12 =	vld [tilespmem:s14+$0xDBB0];
	v2 =	vadd.f32 v6, v2;
	(pc) =	sbr.rel @p0 .LBB2_27-.Ltmp17, $4  }
0x145: {  	v11 =	vld [tilespmem:s14+$0xDBC0];
	v1 =	vadd.f32 v8, v1  }
0x146: {  	v7 =	vld [tilespmem:s14+$0xDBD0];
	v0 =	vadd.f32 v13, v0  }
0x147: {  	v9 =	vadd.f32 v14, v9;
	v6 =	vld [tilespmem:s14+$0xDBE0]  }
0x148: {  	v10 =	vadd.f32 v15, v10;
	v8 =	vld [tilespmem:s14+$0xDBF0];
	s14 =	sshra.s32 s16, $0x2;
	s16 =	sadd.s32 $0x200, s16  }
0x149: {  	v13 =	vld [tilespmem:s14+$0xDC00]  }
0x14a: {  	v14 =	vld [tilespmem:s14+$0xDB90]  }
0x14b: {  	v15 =	vld [tilespmem:s14+$0xDBA0]  }
0x14c: {  	v16 =	vld [tilespmem:s14+$0xDBB0]  }
0x14d: {  	v17 =	vld [tilespmem:s14+$0xDBC0]  }
0x14e: {  	v18 =	vld [tilespmem:s14+$0xDBD0];
	v5 =	vadd.f32 v12, v5;
	v4 =	vadd.f32 v11, v4  }
0x14f: {  	v12 =	vld [tilespmem:s14+$0xDBE0];
	v3 =	vadd.f32 v7, v3;
	v9 =	vadd.f32 v14, v9  }
0x150: {  	v11 =	vld [tilespmem:s14+$0xDBF0];
	v2 =	vadd.f32 v6, v2;
	v10 =	vadd.f32 v15, v10  }
0x151: {  	v6 =	vadd.f32 v8, v1;
	v1 =	vld [tilespmem:$0xF520];
	v5 =	vadd.f32 v16, v5;
	[tilespmem:$0x11300] =	vst v9  }
0x152: {  	v4 =	vadd.f32 v17, v4;
	v14 =	vld [tilespmem:$0xF510];
	[tilespmem:$0x11310] =	vst v10  }
0x153: {  	v3 =	vadd.f32 v18, v3;
	v7 =	vadd.f32 v13, v0;
	v0 =	vld [tilespmem:$0xF560];
	[tilespmem:$0x11320] =	vst v5  }
0x154: {  	v9 =	vld [tilespmem:$0xF500];
	[tilespmem:$0x11330] =	vst v4  }
0x155: {  	v6 =	vadd.f32 v11, v6;
	v5 =	vadd.f32 v12, v2;
	v2 =	vld [tilespmem:$0xF530];
	[tilespmem:$0x11340] =	vst v3  }
0x156: {  	v3 =	vld [tilespmem:$0xF540];
	[tilespmem:$0x11370] =	vst v7  }
0x157: {  	v4 =	vld [tilespmem:$0xF550];
	[tilespmem:$0x11360] =	vst v6  }
0x158: {  	s6 =	simm.s32 $0x0;
	[tilespmem:$0x11350] =	vst v5;
	v5 =	vld [tilespmem:$0xF570]  }
0x159: {  	v7 =	vld [tilespmem:s6+$0xF5F0]  }
0x15a: {  	v8 =	vld [tilespmem:s6+$0xF580]  }
0x15b: {  	v11 =	vld [tilespmem:s6+$0xF590]  }
0x15c: {  	v12 =	vld [tilespmem:s6+$0xF5A0]  }
0x15d: {  	v10 =	vld [tilespmem:s6+$0xF5B0]  }
0x15e: {  	v6 =	vld [tilespmem:s6+$0xF5C0]  }
0x15f: {  	v5 =	vadd.f32 v7, v5;
	v7 =	vld [tilespmem:s6+$0xF5D0]  }
0x160: {  	s16 =	simm.s32 $0x400;
	s14 =	simm.s32 $0x80;
	v8 =	vadd.f32 v8, v9;
	v9 =	vadd.f32 v11, v14;
	v11 =	vld [tilespmem:s6+$0xF5E0]  }
.LBB2_29:
0x161: {  	p0 =	sne.s32 s16, $0x6000;
	v13 =	vld [tilespmem:s14+$0xF5F0];
	v1 =	vadd.f32 v12, v1  }
0x162: {  	v14 =	vld [tilespmem:s14+$0xF580];
	v2 =	vadd.f32 v10, v2  }
0x163: {  	v15 =	vld [tilespmem:s14+$0xF590];
	v3 =	vadd.f32 v6, v3  }
.Ltmp18:
0x164: {  	v12 =	vld [tilespmem:s14+$0xF5A0];
	v4 =	vadd.f32 v7, v4;
	(pc) =	sbr.rel @p0 .LBB2_29-.Ltmp18, $4  }
0x165: {  	v10 =	vld [tilespmem:s14+$0xF5B0];
	v0 =	vadd.f32 v11, v0  }
0x166: {  	v6 =	vld [tilespmem:s14+$0xF5C0];
	v5 =	vadd.f32 v13, v5  }
0x167: {  	v8 =	vadd.f32 v14, v8;
	v7 =	vld [tilespmem:s14+$0xF5D0]  }
0x168: {  	v9 =	vadd.f32 v15, v9;
	v11 =	vld [tilespmem:s14+$0xF5E0];
	s14 =	sshra.s32 s16, $0x2;
	s16 =	sadd.s32 $0x200, s16  }
0x169: {  	v14 =	vld [tilespmem:s14+$0xF580]  }
0x16a: {  	v15 =	vld [tilespmem:s14+$0xF590]  }
0x16b: {  	v16 =	vld [tilespmem:s14+$0xF5A0]  }
0x16c: {  	v17 =	vld [tilespmem:s14+$0xF5B0]  }
0x16d: {  	v18 =	vld [tilespmem:s14+$0xF5C0]  }
0x16e: {  	v1 =	vadd.f32 v12, v1;
	v60 =	vld [tilespmem:s14+$0xF5D0];
	v8 =	vadd.f32 v14, v8  }
0x16f: {  	v13 =	vld [tilespmem:s14+$0xF5F0];
	v2 =	vadd.f32 v10, v2;
	v9 =	vadd.f32 v15, v9  }
0x170: {  	v61 =	vld [tilespmem:s14+$0xF5E0];
	v3 =	vadd.f32 v6, v3;
	v1 =	vadd.f32 v16, v1;
	[tilespmem:$0x11380] =	vst v8  }
0x171: {  	v4 =	vadd.f32 v7, v4;
	v2 =	vadd.f32 v17, v2;
	[tilespmem:$0x11390] =	vst v9  }
0x172: {  	v3 =	vadd.f32 v18, v3;
	[tilespmem:$0x113A0] =	vst v1  }
0x173: {  	p0 =	seq.s32 s0, $0x1F;
	v0 =	vadd.f32 v11, v0;
	v62 =	vadd.f32 v60, v4;
	[tilespmem:$0x113B0] =	vst v2  }
.Ltmp19:
0x174: {  	v63 =	vadd.f32 v13, v5;
	[tilespmem:$0x113C0] =	vst v3;
	(pc) =	sbr.rel @p0 .LBB2_32-.Ltmp19, $4  }
0x175: {  	s6 =	sadd.s32 $0x60, s12;
	v0 =	vadd.f32 v61, v0;
	[tilespmem:$0x113D0] =	vst v62  }
0x176: {  	s6 =	sand.u32 $0x1FFFFFE0, s6;
	[tilespmem:$0x113F0] =	vst v63  }
0x177: {  	s6 =	sadd.s32 s3, s6;
	[tilespmem:$0x113E0] =	vst v0  }
0x178: {  	[hbm4b:s6+s4] =	stream.linear.scatter [tilespmem:s29], [sflag:$0x8], $0x100, $0x38;
	[tilespmem:$0x11400] =	vst v63  }
.Ltmp20:
0x179: {  	(pc) =	sbr.rel .LBB2_2-.Ltmp20, $4  }
0x17a: {  	_ = 	snop  }
0x17b: {  	s1 =	sshrl.u32 s1, $0x2  }
0x17c: {  	s0 =	sadd.s32 $0x1, s0;
	s1 =	sadd.s32 $0x380, s1  }
0x17d: {  	[tilespmem:s17], [sflag:$0x4] =	stream.indirect.gather [hbm4b:s2+s10], $0x80, s1, s10, $0xb8;
	[tilespmem:$0x11400] =	vst v63  }
.LBB2_33:
0x17e: {  	_ =	sfence.sel $0x180000  }
0x17f: {  	[bflag:$0x0] =	sbarrier.arrive $0xFFFF  }
0x180: {  	_ =	strace $0x90000047  }
0x181: {  	s0 =	stileid.u32;
	[bflag:$0x2] =	sbarrier.arrive $0xFFFF  }
0x182: {  	p0 =	sne.s32 s0, $0x0;
	s0 =	rddreg [dreg:$0x3]  }
0x183: {  	s0 =	sadd.s32 @!p0 $0x100000, s0  }
0x184: {  	[sflag:s0] =	ssyncadd.tile.s32 @!p0 $0x1;
	_ =	shalt  }
.Lfunc_end2:
_tile_overlayer_lowered:
.L_overlay_start_2:
0x185: {  	(tag) =	ssettag $0x2  }
0x186: {  	s0 =	rddreg [dreg:$0x0];
	s2 =	stileid.u32  }
0x187: {  	s1 =	rddreg [dreg:$0x1];
	p0 =	sne.s32 s2, $0x0  }
0x188: {  	s3 =	rddreg [dreg:$0x2];
	[bflag:$0x3] =	sbarrier.arrive $0xFFFF;
	s2 =	simm.s32 @!p0 $0x1C09  }
0x189: {  	[timem:s3], [sflag:s2] =	dma.local @!p0 [hbm:s0], s1  }
0x18a: {  	s0 =	simm.s32 @!p0 $0x9  }
0x18b: {  	_ =	swait.ge @!p0 [sflag:s0], s1  }
0x18c: {  	s1 =	ssub.s32 @!p0 $0x0, s1;
	[sflag:s0] =	ssyncset.done @!p0 $0x0  }
0x18d: {  	[sflag:s0] =	ssyncadd.s32 @!p0 s1  }
0x18e: {  	[bflag:$0x3] =	sbarrier.arrive $0xFFFF  }
0x18f: {  	_ =	shalt  }

// kernel: kernel.9.cloned.1.call-start
scs
__scs_entry_jumppad:
0x0: {  	(pc) =	sbr.rel $0x88, $3  }
0x1: {  	(tag) =	ssettag $0x0;
	lr =	simm.s32 $0x1  }
0x2: {  	[smem:$0x3F99] =	sst lr;
	_ =	strace $0xD0000000  }
0x3: {  	_ = 	snop  }
0x4: {  	_ = 	snop  }
0x5: {  	_ = 	snop  }
0x6: {  	_ = 	snop  }
0x7: {  	_ = 	snop  }
__scs_overlays_trampoline_lowered:
0x8: {  	[smem:$0x3FA8] =	sst s0  }
0x9: {  	[smem:$0x3FA9] =	sst s1  }
0xa: {  	[smem:$0x3FAA] =	sst s2  }
0xb: {  	[smem:$0x3FAB] =	sst s3  }
0xc: {  	[smem:$0x3FAC] =	sst s4  }
0xd: {  	[smem:$0x3FAD] =	sst s5  }
0xe: {  	[smem:$0x3FAE] =	sst s6  }
0xf: {  	[smem:$0x3FAF] =	sst s7  }
0x10: {  	[smem:$0x3FB0] =	sst s8  }
0x11: {  	[smem:$0x3FB1] =	sst s9;
	s0 =	simm.s32 @!p0 $0x0  }
0x12: {  	s1 =	sld [smem:$0x3F97];
	s0 =	simm.s32 @p0 $0x1  }
0x13: {  	[smem:$0x3FB2] =	sst s0;
	s0 =	simm.s32 @!p1 $0x0  }
0x14: {  	s2 =	sld [smem:$0x3F96];
	s0 =	simm.s32 @p1 $0x1  }
0x15: {  	[smem:$0x3FB3] =	sst s0;
	s0 =	simm.s32 @!p2 $0x0  }
0x16: {  	s3 =	sld [smem:$0x3FDB];
	s0 =	simm.s32 @p2 $0x1  }
0x17: {  	s4 =	simm.s32 $0x1BF5;
	[smem:$0x3FB5] =	sst s0  }
0x18: {  	s0 =	sld [smem:$0x3F98];
	_ =	swait.ge [sflag:s4], $0x0  }
0x19: {  	s7 =	sld [smem:$0x3F99]  }
0x1a: {  	s8 =	sadd.s32 $0xFFFFE003, lr  }
0x1b: {  	s9 =	sadd.s32 $0xFFFFFEF7, lr;
	s5 =	simm.s32 $0xFFFFFFFF;
	p2 =	slt.u32 s8, $0xFFFFF086  }
0x1c: {  	p1 =	slt.u32 s9, $0xF7A;
	s5 =	simm.s32 @!p2 $0x0  }
0x1d: {  	s5 =	simm.s32 @p1 $0x1;
	p0 =	seq.s32 s7, s2  }
0x1e: {  	s7 =	smul.u32 @!p0 $0xF7A, s2;
	p2 =	seq.s32 @!p0 s5, $0x0  }
0x1f: {  	s9 =	smul.u32 $0xF7A, s1;
	s8 =	simm.s32 @!p0 $0x1BF5;
	p2 =	por !p2, p0  }
0x20: {  	[sflag:s8] =	ssyncset.s32 @!p0 $0xFFFFF086;
	s6 =	sadd.s32 @!p0 s3, s7;
	s7 =	simm.s32 @!p0 $0x108  }
0x21: {  	s3 =	sadd.s32 s3, s9;
	s6 =	sadd.s32 @!p0 $0x88, s6;
	s7 =	simm.s32 @p2 $0x1082  }
0x22: {  	[simem:s7], [sflag:s8] =	dma.local @!p0 [hbm:s6], $0xF7A  }
0x23: {  	s9 =	sor.u32 $0xD0000000, s2;
	s6 =	simm.s32 $0x108;
	_ =	swait.ge @!p0 [sflag:s8], $0x0  }
0x24: {  	s3 =	sadd.s32 $0x88, s3;
	s6 =	simm.s32 @!p1 $0x1082;
	[sflag:s4] =	ssyncset.s32 $0xFFFFF086  }
0x25: {  	[simem:s6], [sflag:s4] =	dma.local [hbm:s3], $0xF7A  }
0x26: {  	[smem:$0x3F99] =	sst s1;
	(tag) =	ssettag s2;
	_ =	strace s9  }
0x27: {  	s1 =	sld [smem:$0x3FA9]  }
0x28: {  	s2 =	sld [smem:$0x3FAA]  }
0x29: {  	s4 =	sld [smem:$0x3FAC]  }
0x2a: {  	p0 =	seq.s32 s5, $0x0;
	s5 =	sld [smem:$0x3FAD]  }
0x2b: {  	s6 =	sld [smem:$0x3FAE]  }
0x2c: {  	s7 =	sld [smem:$0x3FAF]  }
0x2d: {  	s3 =	simm.s32 $0x108;
	s8 =	sld [smem:$0x3FB0]  }
0x2e: {  	s3 =	simm.s32 @!p0 $0x1082;
	s9 =	sld [smem:$0x3FB1]  }
0x2f: {  	lr =	sadd.s32 s0, s3;
	s0 =	sld [smem:$0x3FA8]  }
0x30: {  	s3 =	sld [smem:$0x3FAB]  }
0x31: {  	[smem:$0x3FB4] =	sst s10  }
0x32: {  	s10 =	sld [smem:$0x3FB2];
	_ =	sdelay $0x3  }
0x33: {  	p0 =	seq.s32 s10, $0x1;
	s10 =	sld [smem:$0x3FB4];
	_ =	sdelay $0x3  }
0x34: {  	[smem:$0x3FB4] =	sst s10  }
0x35: {  	s10 =	sld [smem:$0x3FB3];
	_ =	sdelay $0x3  }
0x36: {  	p1 =	seq.s32 s10, $0x1;
	s10 =	sld [smem:$0x3FB4];
	_ =	sdelay $0x3  }
0x37: {  	[smem:$0x3FB4] =	sst s10  }
0x38: {  	s10 =	sld [smem:$0x3FB5]  }
0x39: {  	_ = 	snop;
	(pc) =	sbr.ind lr, $3  }
0x3a: {  	_ = 	snop  }
0x3b: {  	_ = 	snop  }
0x3c: {  	p2 =	seq.s32 s10, $0x1;
	s10 =	sld [smem:$0x3FB4]  }
0x3d: {  	_ =	shalt  }
0x3e: {  	_ =	shalt  }
0x3f: {  	_ =	shalt  }
0x40: {  	_ =	shalt  }
0x41: {  	_ =	shalt  }
0x42: {  	_ =	shalt  }
0x43: {  	_ =	shalt  }
0x44: {  	_ =	shalt  }
0x45: {  	_ =	shalt  }
0x46: {  	_ =	shalt  }
0x47: {  	_ =	shalt  }
0x48: {  	_ =	shalt  }
0x49: {  	_ =	shalt  }
0x4a: {  	_ =	shalt  }
0x4b: {  	_ =	shalt  }
0x4c: {  	_ =	shalt  }
0x4d: {  	_ =	shalt  }
0x4e: {  	_ =	shalt  }
0x4f: {  	_ =	shalt  }
0x50: {  	_ =	shalt  }
0x51: {  	_ =	shalt  }
0x52: {  	_ =	shalt  }
0x53: {  	_ =	shalt  }
0x54: {  	_ =	shalt  }
0x55: {  	_ =	shalt  }
0x56: {  	_ =	shalt  }
0x57: {  	_ =	shalt  }
0x58: {  	_ =	shalt  }
0x59: {  	_ =	shalt  }
0x5a: {  	_ =	shalt  }
0x5b: {  	_ =	shalt  }
0x5c: {  	_ =	shalt  }
0x5d: {  	_ =	shalt  }
0x5e: {  	_ =	shalt  }
0x5f: {  	_ =	shalt  }
0x60: {  	_ =	shalt  }
0x61: {  	_ =	shalt  }
0x62: {  	_ =	shalt  }
0x63: {  	_ =	shalt  }
0x64: {  	_ =	shalt  }
0x65: {  	_ =	shalt  }
0x66: {  	_ =	shalt  }
0x67: {  	_ =	shalt  }
0x68: {  	_ =	shalt  }
0x69: {  	_ =	shalt  }
0x6a: {  	_ =	shalt  }
0x6b: {  	_ =	shalt  }
0x6c: {  	_ =	shalt  }
0x6d: {  	_ =	shalt  }
0x6e: {  	_ =	shalt  }
0x6f: {  	_ =	shalt  }
0x70: {  	_ =	shalt  }
0x71: {  	_ =	shalt  }
0x72: {  	_ =	shalt  }
0x73: {  	_ =	shalt  }
0x74: {  	_ =	shalt  }
0x75: {  	_ =	shalt  }
0x76: {  	_ =	shalt  }
0x77: {  	_ =	shalt  }
0x78: {  	_ =	shalt  }
0x79: {  	_ =	shalt  }
0x7a: {  	_ =	shalt  }
0x7b: {  	_ =	shalt  }
0x7c: {  	_ =	shalt  }
0x7d: {  	_ =	shalt  }
0x7e: {  	_ =	shalt  }
0x7f: {  	_ =	shalt  }
0x80: {  	_ =	shalt  }
0x81: {  	_ =	shalt  }
0x82: {  	_ =	shalt  }
0x83: {  	_ =	shalt  }
0x84: {  	_ =	shalt  }
0x85: {  	_ =	shalt  }
0x86: {  	_ =	shalt  }
0x87: {  	_ =	shalt  }
.Lfunc_end0:
.L_simem_size_0:
called_computation.1_lowered:
.L_overlay_start_0:
0x88: {  	s2 =	sld [smem:$0x3FD9]  }
0x89: {  	s3 =	sld [smem:$0x3FFE];
	_ =	sdelay $0x1  }
0x8a: {  	s1 =	srdreg.scid  }
0x8b: {  	s0 =	sand.u32 $0x1, s1  }
0x8c: {  	s17 =	sshll.u32 s0, $0xA;
	s2 =	sadd.s32 s3, s2  }
0x8d: {  	s2 =	sadd.s32 s2, s17  }
0x8e: {  	[smem:$0x3FC0] =	sst s2  }
0x8f: {  	_ = 	snop  }
0x90: {  	s18 =	sld [smem:$0x3FC8];
	(tm) =	ssettm $0x1  }
0x91: {  	s19 =	sld [smem:$0x3FFB];
	_ =	sdelay $0x3  }
0x92: {  	_ =	strace s19  }
0x93: {  	s2 =	sld [smem:$0x3FFC];
	_ =	sdelay $0x3  }
0x94: {  	_ =	strace s2  }
0x95: {  	s2 =	sld [smem:$0x3FFD];
	_ =	sdelay $0x3  }
0x96: {  	_ =	strace s2  }
0x97: {  	_ =	strace $0x8FFFFFFF  }
0x98: {  	s20 =	sld [smem:$0x3FDB];
	_ =	sdelay $0x1  }
0x99: {  	s4 =	simm.s32 $_scs_section_size  }
0x9a: {  	s5 =	simm.s32 $_size__tile_overlayer_lowered;
	s6 =	simm.s32 $_tile_overlayer_lowered  }
0x9b: {  	s7 =	simm.s32 $0x1BFF;
	s21 =	sshll.u32 s6, $0x1;
	s4 =	sadd.s32 s4, s20  }
0x9c: {  	s22 =	simm.s32 $0x0;
	s5 =	sshll.u32 s5, $0x1;
	s6 =	sadd.s32 s21, s4  }
0x9d: {  	[timem:s22], [sflag:s7] =	dma.local [hbm:s6], s5  }
0x9e: {  	_ =	swait.ge [sflag:s7], s5  }
0x9f: {  	s5 =	ssub.s32 $0x0, s5;
	[sflag:s7] =	ssyncset.done $0x0  }
0xa0: {  	[sflag:s7] =	ssyncadd.s32 s5;
	_ =	sdelay $0x1  }
0xa1: {  	s23 =	simm.s32 $0x1B8B  }
0xa2: {  	_ =	swait.ge [sflag:s23], $0x1  }
0xa3: {  	[sflag:s23] =	ssyncset.done $0x0  }
0xa4: {  	[sflag:s23] =	ssyncadd.s32 $0xFFFFFFFF  }
0xa5: {  	s5 =	sld [smem:$0x0]  }
0xa6: {  	s6 =	sand.u32 $0xFFFFFFFE, s1  }
0xa7: {  	p0 =	sne.s32 s1, s6  }
0xa8: {  	s6 =	sshll.u32 @p0 s6, $0xE  }
0xa9: {  	s6 =	sadd.s32 @p0 $0x11B8D, s6;
	s7 =	sshll.u32 @p0 s5, $0x11  }
0xaa: {  	s6 =	sor.u32 @p0 s7, s6  }
0xab: {  	[sflag:s6] =	ssyncadd.remote.s32 @p0 $0x1;
	_ =	sdelay $0x1  }
0xac: {  	s6 =	simm.s32 @p0 $0x1B8D  }
0xad: {  	_ =	swait.eq @p0 [sflag:s6], $0x1  }
0xae: {  	[sflag:s6] =	ssyncadd.s32 @p0 $0xFFFFFFFF  }
0xaf: {  	s7 =	sshll.u32 @!p0 s1, $0xE  }
0xb0: {  	s7 =	sor.u32 @!p0 $0x4000, s7;
	s6 =	simm.s32 @!p0 $0x1B8D  }
0xb1: {  	s5 =	sshll.u32 @!p0 s5, $0x11;
	s7 =	sadd.s32 @!p0 $0x11B8D, s7;
	_ =	swait.eq @!p0 [sflag:s6], $0x1  }
0xb2: {  	s5 =	sor.u32 @!p0 s5, s7;
	[sflag:s6] =	ssyncadd.s32 @!p0 $0xFFFFFFFF  }
0xb3: {  	s25 =	simm.s32 $0x1B8E;
	s24 =	sld [smem:$0x3FFE];
	[sflag:s5] =	ssyncadd.remote.s32 @!p0 $0x1  }
0xb4: {  	s26 =	simm.s32 $execute0_lowered;
	[smem:$0x3FD2] =	sst s25  }
0xb5: {  	s6 =	sshll.u32 s26, $0x1;
	_ =	strace $0x80000049;
	[dreg:$0x1] =	wrdreg $0xFFFFFFFF  }
0xb6: {  	s28 =	simm.s32 $_size_execute0_lowered;
	s4 =	sadd.s32 s4, s6;
	[dreg:$0x0] =	wrdreg $0x0  }
0xb7: {  	s6 =	sshll.u32 s28, $0x1;
	[dreg:$0x2] =	wrdreg s4  }
0xb8: {  	[dreg:$0x3] =	wrdreg s6  }
0xb9: {  	[dreg:$0x4] =	wrdreg $0xC0  }
0xba: {  	_ =	task [dreg:s22], $0x5FFFF  }
0xbb: {  	[dreg:$0x1] =	wrdreg $0xFFFFFFFF  }
0xbc: {  	[dreg:$0x0] =	wrdreg $0x60  }
0xbd: {  	[dreg:$0x2] =	wrdreg s24  }
0xbe: {  	[dreg:$0x3] =	wrdreg s18  }
0xbf: {  	[dreg:$0x4] =	wrdreg $0xA  }
0xc0: {  	_ =	task.clear_ibuf [dreg:s22], $0x5FFFF;
	_ =	strace $0x90000049  }
0xc1: {  	s29 =	simm.s32 $0xA;
	_ =	strace $0x8000004B  }
0xc2: {  	_ =	swait.ge [sflag:s29], $0x1  }
0xc3: {  	[sflag:s29] =	ssyncadd.s32 $0xFFFFFFFF  }
0xc4: {  	_ =	strace $0x9000004B  }
0xc5: {  	_ =	sfence  }
0xc6: {  	s30 =	sld [smem:$0x0];
	_ =	sdelay $0x2  }
0xc7: {  	s31 =	sshll.u32 s1, $0xD;
	s1 =	sshrl.u32 s1, $0x2  }
0xc8: {  	s4 =	sand.u32 $0x4000, s31;
	s1 =	sadd.s32 s1, s30  }
0xc9: {  	s0 =	sor.u32 s4, s0;
	s1 =	sshll.u32 s1, $0x11  }
0xca: {  	s0 =	sor.u32 s1, s0  }
0xcb: {  	s0 =	sadd.s32 $0x8F2B, s0  }
0xcc: {  	[sflag:s0] =	ssyncadd.remote.s32 $0x1  }
0xcd: {  	_ =	sfence.sel $0xFFFF  }
0xce: {  	[dreg:$0x0] =	wrdreg $0xFFFFFFFF;
	(pc) =	sbr.abs _section_cstart, $3  }
0xcf: {  	[dreg:$0x1] =	wrdreg $0xFFFFFFFF  }
0xd0: {  	_ =	task.clear_ibuf [dreg:s22], $0x2FFFF;
	_ =	strace $0x9FFFFFFF  }
0xd1: {  	(tm) =	ssettm $0x7FFFFFFF  }
tec
execute0_lowered:
.L_overlay_start_1:
0x0: {  	(tag) =	ssettag $0x1  }
0x1: {  	s0 =	rddreg [dreg:$0x0]  }
0x2: {  	s2 =	rddreg [dreg:$0x1];
	s1 =	srdreg.scid  }
0x3: {  	s4 =	stileid.u32;
	s3 =	simm.s32 $0x0;
	s9 =	simm.s32 $0x9  }
0x4: {  	s10 =	simm.s32 $0x64;
	s11 =	simm.s32 $0x4000;
	s13 =	simm.s32 $0x7400  }
0x5: {  	s15 =	simm.s32 $0xA800;
	s17 =	simm.s32 $0xDC00;
	s18 =	simm.s32 $0x1  }
0x6: {  	s19 =	simm.s32 $0x11000;
	s20 =	simm.s32 $0x2;
	s21 =	simm.s32 $0x6  }
0x7: {  	s22 =	simm.s32 $0x11100;
	s23 =	simm.s32 $0x3;
	s28 =	simm.s32 $0x8  }
0x8: {  	s29 =	simm.s32 $0x11300;
	s30 =	simm.s32 $0x5;
	s31 =	simm.s32 $0x0  }
0x9: {  	s1 =	sand.u32 $0x1, s1;
	s4 =	sshll.u32 s4, $0x1;
	[smem:$0x7FF] =	sst s3  }
0xa: {  	s7 =	sor.u32 s1, s4;
	s1 =	ssub.s32 $0x2, s1;
	_ =	strace $0x8000004A  }
.Ltmp0:
0xb: {  	s4 =	sshll.u32 s7, $0xB;
	s5 =	sshrl.u32 s1, $0x1;
	(pc) =	sbr.rel .LBB2_1-.Ltmp0, $4  }
0xc: {  	s26 =	sshll.u32 s7, $0xC;
	s6 =	sadd.s32 s4, s0;
	s4 =	sadd.s32 $0x21A00, s0  }
0xd: {  	s24 =	ssub.s32 s1, s5;
	s5 =	sshll.u32 s7, $0x8;
	s25 =	sadd.s32 $0x11A00, s6  }
0xe: {  	s7 =	sadd.s32 s4, s26;
	s8 =	smax.u32 s24, $0x1;
	s24 =	simm.s32 $0x7  }
0xf: {  	s26 =	simm.s32 $0x4;
	[dreg:$0x3] =	wrdreg s25;
	s25 =	simm.s32 $0x11200  }
.LBB2_32:
0x10: {  	_ =	swait.ge [sflag:s30], $0x100  }
0x11: {  	[sflag:s30] =	ssyncset.done $0x0  }
0x12: {  	[sflag:s30] =	ssyncadd.s32 $0xFFFFFF00  }
0x13: {  	_ =	swait.ge [sflag:s21], $0x100  }
0x14: {  	[sflag:s21] =	ssyncset.done $0x0  }
0x15: {  	s31 =	sadd.s32 $0x1, s31;
	[sflag:s21] =	ssyncadd.s32 $0xFFFFFF00  }
0x16: {  	p0 =	sne.s32 s31, s8;
	_ =	swait.ge [sflag:s24], $0x100  }
.Ltmp1:
0x17: {  	[sflag:s24] =	ssyncset.done $0x0;
	(pc) =	sbr.rel @!p0 .LBB2_33-.Ltmp1, $4  }
0x18: {  	[sflag:s24] =	ssyncadd.s32 $0xFFFFFF00  }
0x19: {  	_ =	swait.ge [sflag:s28], $0x100  }
0x1a: {  	[sflag:s28] =	ssyncset.done $0x0  }
0x1b: {  	[sflag:s28] =	ssyncadd.s32 $0xFFFFFF00  }
.LBB2_1:
0x1c: {  	s0 =	rddreg [dreg:$0x3]  }
0x1d: {  	[tilespmem:s3], [sflag:$0x9] =	stream.linear.gather [hbm4b:s0+s3], $0x4000, $0x38;
	[tilespmem:$0x11400] =	vst v63  }
0x1e: {  	_ =	swait.ge [sflag:s9], $0x4000  }
0x1f: {  	[sflag:s9] =	ssyncset.done $0x0  }
0x20: {  	[sflag:s9] =	ssyncadd.s32 $0xFFFFC000  }
0x21: {  	[tilespmem:s11], [sflag:$0x1] =	stream.indirect.gather [hbm4b:s2+s10], $0x80, s3, s10, $0xb8;
	[tilespmem:$0x11400] =	vst v63  }
0x22: {  	s12 =	simm.s32 $0x80  }
0x23: {  	[tilespmem:s13], [sflag:$0x2] =	stream.indirect.gather [hbm4b:s2+s10], $0x80, s12, s10, $0xb8;
	[tilespmem:$0x11400] =	vst v63  }
0x24: {  	s14 =	simm.s32 $0x100  }
0x25: {  	[tilespmem:s15], [sflag:$0x3] =	stream.indirect.gather [hbm4b:s2+s10], $0x80, s14, s10, $0xb8;
	[tilespmem:$0x11400] =	vst v63  }
0x26: {  	s16 =	simm.s32 $0x180;
	s0 =	simm.s32 $0x0  }
0x27: {  	[tilespmem:s17], [sflag:$0x4] =	stream.indirect.gather [hbm4b:s2+s10], $0x80, s16, s10, $0xb8;
	[tilespmem:$0x11400] =	vst v63  }
.LBB2_2:
0x28: {  	_ =	swait.ge [sflag:s18], $0x3200  }
0x29: {  	p0 =	seq.s32 s0, $0x0;
	[sflag:s18] =	ssyncset.done $0x0  }
0x2a: {  	s1 =	simm.s32 @!p0 $0x5;
	[sflag:s18] =	ssyncadd.s32 $0xFFFFCE00  }
0x2b: {  	_ =	swait.ge @!p0 [sflag:s1], $0x100  }
0x2c: {  	[sflag:s1] =	ssyncset.done @!p0 $0x0  }
0x2d: {  	[sflag:s1] =	ssyncadd.s32 @!p0 $0xFFFFFF00  }
0x2e: {  	v8 =	vld [tilespmem:$0x4000]  }
0x2f: {  	v10 =	vld [tilespmem:$0x4010]  }
0x30: {  	v5 =	vld [tilespmem:$0x4020]  }
0x31: {  	v4 =	vld [tilespmem:$0x4030]  }
0x32: {  	v3 =	vld [tilespmem:$0x4040]  }
0x33: {  	v2 =	vld [tilespmem:$0x4050]  }
0x34: {  	v1 =	vld [tilespmem:$0x4060]  }
0x35: {  	s16 =	simm.s32 $0xF0;
	v0 =	vld [tilespmem:$0x4070]  }
0x36: {  	v6 =	vld [tilespmem:s16+$0x4000]  }
0x37: {  	v9 =	vld [tilespmem:s16+$0x3F90]  }
0x38: {  	v13 =	vld [tilespmem:s16+$0x3FA0]  }
0x39: {  	v12 =	vld [tilespmem:s16+$0x3FB0]  }
0x3a: {  	v11 =	vld [tilespmem:s16+$0x3FC0]  }
0x3b: {  	v7 =	vld [tilespmem:s16+$0x3FD0]  }
0x3c: {  	v0 =	vadd.f32 v6, v0;
	v6 =	vld [tilespmem:s16+$0x3FE0]  }
0x3d: {  	s12 =	simm.s32 $0x170;
	s14 =	simm.s32 $0x7C0;
	s1 =	sshll.u32 s0, $0xB;
	v9 =	vadd.f32 v9, v8;
	v10 =	vadd.f32 v13, v10;
	v8 =	vld [tilespmem:s16+$0x3FF0]  }
.LBB2_3:
0x3e: {  	p1 =	sne.s32 s14, $0x63C0;
	v13 =	vld [tilespmem:s12+$0x4000];
	v5 =	vadd.f32 v12, v5  }
0x3f: {  	v14 =	vld [tilespmem:s12+$0x3F90];
	v4 =	vadd.f32 v11, v4  }
0x40: {  	v15 =	vld [tilespmem:s12+$0x3FA0];
	v3 =	vadd.f32 v7, v3  }
.Ltmp2:
0x41: {  	v12 =	vld [tilespmem:s12+$0x3FB0];
	v2 =	vadd.f32 v6, v2;
	(pc) =	sbr.rel @p1 .LBB2_3-.Ltmp2, $4  }
0x42: {  	v11 =	vld [tilespmem:s12+$0x3FC0];
	v1 =	vadd.f32 v8, v1  }
0x43: {  	v7 =	vld [tilespmem:s12+$0x3FD0];
	v0 =	vadd.f32 v13, v0  }
0x44: {  	v9 =	vadd.f32 v14, v9;
	v6 =	vld [tilespmem:s12+$0x3FE0]  }
0x45: {  	v10 =	vadd.f32 v15, v10;
	v8 =	vld [tilespmem:s12+$0x3FF0];
	s12 =	sshra.s32 s14, $0x2;
	s14 =	sadd.s32 $0x200, s14  }
0x46: {  	v13 =	vld [tilespmem:s12+$0x4000]  }
0x47: {  	v14 =	vld [tilespmem:s12+$0x3F90]  }
0x48: {  	v15 =	vld [tilespmem:s12+$0x3FA0]  }
0x49: {  	v16 =	vld [tilespmem:s12+$0x3FB0]  }
0x4a: {  	v17 =	vld [tilespmem:s12+$0x3FC0]  }
0x4b: {  	v18 =	vld [tilespmem:s12+$0x3FD0];
	v5 =	vadd.f32 v12, v5;
	v4 =	vadd.f32 v11, v4  }
0x4c: {  	v12 =	vld [tilespmem:s12+$0x3FE0];
	v3 =	vadd.f32 v7, v3;
	v9 =	vadd.f32 v14, v9  }
0x4d: {  	v11 =	vld [tilespmem:s12+$0x3FF0];
	v2 =	vadd.f32 v6, v2;
	v10 =	vadd.f32 v15, v10  }
0x4e: {  	v6 =	vadd.f32 v8, v1;
	v1 =	vld [tilespmem:$0x5920];
	v5 =	vadd.f32 v16, v5;
	[tilespmem:$0x11000] =	vst v9  }
0x4f: {  	v4 =	vadd.f32 v17, v4;
	v14 =	vld [tilespmem:$0x5910];
	[tilespmem:$0x11010] =	vst v10  }
0x50: {  	v3 =	vadd.f32 v18, v3;
	v7 =	vadd.f32 v13, v0;
	v0 =	vld [tilespmem:$0x5960];
	[tilespmem:$0x11020] =	vst v5  }
0x51: {  	v9 =	vld [tilespmem:$0x5900];
	[tilespmem:$0x11030] =	vst v4  }
0x52: {  	v6 =	vadd.f32 v11, v6;
	v5 =	vadd.f32 v12, v2;
	v2 =	vld [tilespmem:$0x5930];
	[tilespmem:$0x11040] =	vst v3  }
0x53: {  	v3 =	vld [tilespmem:$0x5940];
	[tilespmem:$0x11070] =	vst v7  }
0x54: {  	v4 =	vld [tilespmem:$0x5950];
	[tilespmem:$0x11060] =	vst v6  }
0x55: {  	s16 =	simm.s32 $0x0;
	[tilespmem:$0x11050] =	vst v5;
	v5 =	vld [tilespmem:$0x5970]  }
0x56: {  	v7 =	vld [tilespmem:s16+$0x59F0]  }
0x57: {  	v8 =	vld [tilespmem:s16+$0x5980]  }
0x58: {  	v11 =	vld [tilespmem:s16+$0x5990]  }
0x59: {  	v12 =	vld [tilespmem:s16+$0x59A0]  }
0x5a: {  	v10 =	vld [tilespmem:s16+$0x59B0]  }
0x5b: {  	v6 =	vld [tilespmem:s16+$0x59C0]  }
0x5c: {  	v5 =	vadd.f32 v7, v5;
	v7 =	vld [tilespmem:s16+$0x59D0]  }
0x5d: {  	s14 =	simm.s32 $0x400;
	s12 =	simm.s32 $0x80;
	v8 =	vadd.f32 v8, v9;
	v9 =	vadd.f32 v11, v14;
	v11 =	vld [tilespmem:s16+$0x59E0]  }
.LBB2_5:
0x5e: {  	p1 =	sne.s32 s14, $0x6000;
	v13 =	vld [tilespmem:s12+$0x59F0];
	v1 =	vadd.f32 v12, v1  }
0x5f: {  	v14 =	vld [tilespmem:s12+$0x5980];
	v2 =	vadd.f32 v10, v2  }
0x60: {  	v15 =	vld [tilespmem:s12+$0x5990];
	v3 =	vadd.f32 v6, v3  }
.Ltmp3:
0x61: {  	v12 =	vld [tilespmem:s12+$0x59A0];
	v4 =	vadd.f32 v7, v4;
	(pc) =	sbr.rel @p1 .LBB2_5-.Ltmp3, $4  }
0x62: {  	v10 =	vld [tilespmem:s12+$0x59B0];
	v0 =	vadd.f32 v11, v0  }
0x63: {  	v6 =	vld [tilespmem:s12+$0x59C0];
	v5 =	vadd.f32 v13, v5  }
0x64: {  	v8 =	vadd.f32 v14, v8;
	v7 =	vld [tilespmem:s12+$0x59D0]  }
0x65: {  	v9 =	vadd.f32 v15, v9;
	v11 =	vld [tilespmem:s12+$0x59E0];
	s12 =	sshra.s32 s14, $0x2;
	s14 =	sadd.s32 $0x200, s14  }
0x66: {  	v14 =	vld [tilespmem:s12+$0x5980]  }
0x67: {  	v15 =	vld [tilespmem:s12+$0x5990]  }
0x68: {  	v16 =	vld [tilespmem:s12+$0x59A0]  }
0x69: {  	v17 =	vld [tilespmem:s12+$0x59B0]  }
0x6a: {  	v18 =	vld [tilespmem:s12+$0x59C0]  }
0x6b: {  	v1 =	vadd.f32 v12, v1;
	v60 =	vld [tilespmem:s12+$0x59D0];
	v8 =	vadd.f32 v14, v8  }
0x6c: {  	v13 =	vld [tilespmem:s12+$0x59F0];
	v2 =	vadd.f32 v10, v2;
	v9 =	vadd.f32 v15, v9  }
0x6d: {  	v61 =	vld [tilespmem:s12+$0x59E0];
	v3 =	vadd.f32 v6, v3;
	v1 =	vadd.f32 v16, v1;
	[tilespmem:$0x11080] =	vst v8  }
0x6e: {  	v4 =	vadd.f32 v7, v4;
	v2 =	vadd.f32 v17, v2;
	[tilespmem:$0x11090] =	vst v9  }
0x6f: {  	v3 =	vadd.f32 v18, v3;
	[tilespmem:$0x110A0] =	vst v1  }
0x70: {  	p1 =	sne.s32 s0, $0x1F;
	v0 =	vadd.f32 v11, v0;
	v62 =	vadd.f32 v60, v4;
	[tilespmem:$0x110B0] =	vst v2  }
.Ltmp4:
0x71: {  	v63 =	vadd.f32 v13, v5;
	[tilespmem:$0x110C0] =	vst v3;
	(pc) =	sbr.rel @p1 .LBB2_8-.Ltmp4, $4  }
0x72: {  	v0 =	vadd.f32 v61, v0;
	[tilespmem:$0x110D0] =	vst v62  }
0x73: {  	s16 =	sshll.u32 s0, $0x7;
	[tilespmem:$0x110F0] =	vst v63  }
0x74: {  	s12 =	sadd.s32 s16, s7;
	[tilespmem:$0x110E0] =	vst v0  }
0x75: {  	[hbm4b:s12+s3] =	stream.linear.scatter [tilespmem:s19], [sflag:$0x5], $0x100, $0x38;
	[tilespmem:$0x11400] =	vst v63  }
.Ltmp5:
0x76: {  	(pc) =	sbr.rel .LBB2_9-.Ltmp5, $4  }
0x77: {  	_ = 	snop  }
0x78: {  	_ =	swait.ge [sflag:s20], $0x3200  }
0x79: {  	[sflag:s20] =	ssyncset.done $0x0  }
0x7a: {  	[sflag:s20] =	ssyncadd.s32 $0xFFFFCE00  }
.LBB2_8:
0x7b: {  	s12 =	sshrl.u32 s1, $0x2  }
.Ltmp6:
0x7c: {  	s12 =	sadd.s32 $0x200, s12;
	(pc) =	sbr.rel @p0 .LBB2_10-.Ltmp6, $4  }
0x7d: {  	[tilespmem:s11], [sflag:$0x1] =	stream.indirect.gather [hbm4b:s2+s10], $0x80, s12, s10, $0xb8;
	[tilespmem:$0x11400] =	vst v63  }
0x7e: {  	_ =	swait.ge [sflag:s20], $0x3200  }
0x7f: {  	[sflag:s20] =	ssyncset.done $0x0  }
0x80: {  	[sflag:s20] =	ssyncadd.s32 $0xFFFFCE00  }
.LBB2_9:
0x81: {  	_ =	swait.ge [sflag:s21], $0x100  }
0x82: {  	[sflag:s21] =	ssyncset.done $0x0  }
0x83: {  	[sflag:s21] =	ssyncadd.s32 $0xFFFFFF00  }
.LBB2_10:
0x84: {  	v8 =	vld [tilespmem:$0x7400]  }
0x85: {  	v10 =	vld [tilespmem:$0x7410]  }
0x86: {  	v5 =	vld [tilespmem:$0x7420]  }
0x87: {  	v4 =	vld [tilespmem:$0x7430]  }
0x88: {  	v3 =	vld [tilespmem:$0x7440]  }
0x89: {  	v2 =	vld [tilespmem:$0x7450]  }
0x8a: {  	v1 =	vld [tilespmem:$0x7460]  }
0x8b: {  	v0 =	vld [tilespmem:$0x7470];
	s16 =	simm.s32 $0xF0  }
0x8c: {  	v6 =	vld [tilespmem:s16+$0x7400]  }
0x8d: {  	v9 =	vld [tilespmem:s16+$0x7390]  }
0x8e: {  	v13 =	vld [tilespmem:s16+$0x73A0]  }
0x8f: {  	v12 =	vld [tilespmem:s16+$0x73B0]  }
0x90: {  	v11 =	vld [tilespmem:s16+$0x73C0]  }
0x91: {  	v7 =	vld [tilespmem:s16+$0x73D0]  }
0x92: {  	v0 =	vadd.f32 v6, v0;
	v6 =	vld [tilespmem:s16+$0x73E0]  }
0x93: {  	s12 =	simm.s32 $0x170;
	s14 =	simm.s32 $0x7C0;
	v9 =	vadd.f32 v9, v8;
	v10 =	vadd.f32 v13, v10;
	v8 =	vld [tilespmem:s16+$0x73F0]  }
.LBB2_11:
0x94: {  	p2 =	sne.s32 s14, $0x63C0;
	v13 =	vld [tilespmem:s12+$0x7400];
	v5 =	vadd.f32 v12, v5  }
0x95: {  	v14 =	vld [tilespmem:s12+$0x7390];
	v4 =	vadd.f32 v11, v4  }
0x96: {  	v15 =	vld [tilespmem:s12+$0x73A0];
	v3 =	vadd.f32 v7, v3  }
.Ltmp7:
0x97: {  	v12 =	vld [tilespmem:s12+$0x73B0];
	v2 =	vadd.f32 v6, v2;
	(pc) =	sbr.rel @p2 .LBB2_11-.Ltmp7, $4  }
0x98: {  	v11 =	vld [tilespmem:s12+$0x73C0];
	v1 =	vadd.f32 v8, v1  }
0x99: {  	v7 =	vld [tilespmem:s12+$0x73D0];
	v0 =	vadd.f32 v13, v0  }
0x9a: {  	v9 =	vadd.f32 v14, v9;
	v6 =	vld [tilespmem:s12+$0x73E0]  }
0x9b: {  	v10 =	vadd.f32 v15, v10;
	v8 =	vld [tilespmem:s12+$0x73F0];
	s12 =	sshra.s32 s14, $0x2;
	s14 =	sadd.s32 $0x200, s14  }
0x9c: {  	v13 =	vld [tilespmem:s12+$0x7400]  }
0x9d: {  	v14 =	vld [tilespmem:s12+$0x7390]  }
0x9e: {  	v15 =	vld [tilespmem:s12+$0x73A0]  }
0x9f: {  	v16 =	vld [tilespmem:s12+$0x73B0]  }
0xa0: {  	v17 =	vld [tilespmem:s12+$0x73C0]  }
0xa1: {  	v18 =	vld [tilespmem:s12+$0x73D0];
	v5 =	vadd.f32 v12, v5  }
0xa2: {  	v4 =	vadd.f32 v11, v4;
	v11 =	vld [tilespmem:s12+$0x73F0];
	v9 =	vadd.f32 v14, v9  }
0xa3: {  	v12 =	vld [tilespmem:s12+$0x73E0];
	v3 =	vadd.f32 v7, v3;
	v10 =	vadd.f32 v15, v10  }
0xa4: {  	v6 =	vadd.f32 v6, v2;
	v2 =	vld [tilespmem:$0x8D20];
	v5 =	vadd.f32 v16, v5;
	[tilespmem:$0x11100] =	vst v9  }
0xa5: {  	v1 =	vadd.f32 v8, v1;
	v4 =	vadd.f32 v17, v4;
	v14 =	vld [tilespmem:$0x8D10];
	[tilespmem:$0x11110] =	vst v10  }
0xa6: {  	v7 =	vadd.f32 v18, v3;
	v3 =	vld [tilespmem:$0x8D30];
	[tilespmem:$0x11120] =	vst v5  }
0xa7: {  	v1 =	vadd.f32 v11, v1;
	v9 =	vld [tilespmem:$0x8D00];
	[tilespmem:$0x11130] =	vst v4  }
0xa8: {  	v5 =	vadd.f32 v12, v6;
	[tilespmem:$0x11140] =	vst v7;
	v4 =	vld [tilespmem:$0x8D40]  }
0xa9: {  	v6 =	vadd.f32 v13, v0;
	v0 =	vld [tilespmem:$0x8D60];
	[tilespmem:$0x11160] =	vst v1  }
0xaa: {  	v1 =	vld [tilespmem:$0x8D70];
	[tilespmem:$0x11150] =	vst v5  }
0xab: {  	s16 =	simm.s32 $0x0;
	v5 =	vld [tilespmem:$0x8D50];
	[tilespmem:$0x11170] =	vst v6  }
0xac: {  	v7 =	vld [tilespmem:s16+$0x8DF0]  }
0xad: {  	v8 =	vld [tilespmem:s16+$0x8D80]  }
0xae: {  	v11 =	vld [tilespmem:s16+$0x8D90]  }
0xaf: {  	v12 =	vld [tilespmem:s16+$0x8DA0]  }
0xb0: {  	v10 =	vld [tilespmem:s16+$0x8DB0]  }
0xb1: {  	v6 =	vld [tilespmem:s16+$0x8DC0]  }
0xb2: {  	v1 =	vadd.f32 v7, v1;
	v7 =	vld [tilespmem:s16+$0x8DD0]  }
0xb3: {  	s14 =	simm.s32 $0x400;
	s12 =	simm.s32 $0x80;
	v8 =	vadd.f32 v8, v9;
	v9 =	vadd.f32 v11, v14;
	v11 =	vld [tilespmem:s16+$0x8DE0]  }
.LBB2_13:
0xb4: {  	p2 =	sne.s32 s14, $0x6000;
	v13 =	vld [tilespmem:s12+$0x8DF0];
	v2 =	vadd.f32 v12, v2  }
0xb5: {  	v14 =	vld [tilespmem:s12+$0x8D80];
	v3 =	vadd.f32 v10, v3  }
0xb6: {  	v15 =	vld [tilespmem:s12+$0x8D90];
	v4 =	vadd.f32 v6, v4  }
.Ltmp8:
0xb7: {  	v12 =	vld [tilespmem:s12+$0x8DA0];
	v5 =	vadd.f32 v7, v5;
	(pc) =	sbr.rel @p2 .LBB2_13-.Ltmp8, $4  }
0xb8: {  	v10 =	vld [tilespmem:s12+$0x8DB0];
	v0 =	vadd.f32 v11, v0  }
0xb9: {  	v6 =	vld [tilespmem:s12+$0x8DC0];
	v1 =	vadd.f32 v13, v1  }
0xba: {  	v8 =	vadd.f32 v14, v8;
	v7 =	vld [tilespmem:s12+$0x8DD0]  }
0xbb: {  	v9 =	vadd.f32 v15, v9;
	v11 =	vld [tilespmem:s12+$0x8DE0];
	s12 =	sshra.s32 s14, $0x2;
	s14 =	sadd.s32 $0x200, s14  }
0xbc: {  	v14 =	vld [tilespmem:s12+$0x8D80]  }
0xbd: {  	v15 =	vld [tilespmem:s12+$0x8D90]  }
0xbe: {  	v16 =	vld [tilespmem:s12+$0x8DA0]  }
0xbf: {  	v17 =	vld [tilespmem:s12+$0x8DB0]  }
0xc0: {  	v18 =	vld [tilespmem:s12+$0x8DC0]  }
0xc1: {  	v2 =	vadd.f32 v12, v2;
	v61 =	vld [tilespmem:s12+$0x8DD0];
	v8 =	vadd.f32 v14, v8  }
0xc2: {  	v13 =	vld [tilespmem:s12+$0x8DF0];
	v3 =	vadd.f32 v10, v3;
	v9 =	vadd.f32 v15, v9  }
0xc3: {  	v62 =	vld [tilespmem:s12+$0x8DE0];
	v4 =	vadd.f32 v6, v4;
	v2 =	vadd.f32 v16, v2;
	[tilespmem:$0x11180] =	vst v8  }
0xc4: {  	v5 =	vadd.f32 v7, v5;
	v3 =	vadd.f32 v17, v3;
	[tilespmem:$0x11190] =	vst v9  }
0xc5: {  	s16 =	sshll.u32 s0, $0x3;
	v4 =	vadd.f32 v18, v4;
	[tilespmem:$0x111A0] =	vst v2  }
0xc6: {  	s12 =	sadd.s32 s16, s5;
	v0 =	vadd.f32 v11, v0;
	v63 =	vadd.f32 v61, v5;
	[tilespmem:$0x111B0] =	vst v3  }
.Ltmp9:
0xc7: {  	s12 =	sshll.u32 s12, $0x4;
	v1 =	vadd.f32 v13, v1;
	[tilespmem:$0x111C0] =	vst v4;
	(pc) =	sbr.rel @p1 .LBB2_16-.Ltmp9, $4  }
0xc8: {  	s14 =	sadd.s32 $0x20, s12;
	v0 =	vadd.f32 v62, v0;
	[tilespmem:$0x111D0] =	vst v63  }
0xc9: {  	s14 =	sand.u32 $0x1FFFFFA0, s14;
	[tilespmem:$0x111F0] =	vst v1  }
0xca: {  	s14 =	sadd.s32 s4, s14;
	[tilespmem:$0x111E0] =	vst v0  }
0xcb: {  	[hbm4b:s14+s3] =	stream.linear.scatter [tilespmem:s22], [sflag:$0x6], $0x100, $0x38;
	[tilespmem:$0x11400] =	vst v63  }
.Ltmp10:
0xcc: {  	(pc) =	sbr.rel .LBB2_17-.Ltmp10, $4  }
0xcd: {  	_ = 	snop  }
0xce: {  	_ =	swait.ge [sflag:s23], $0x3200  }
0xcf: {  	[sflag:s23] =	ssyncset.done $0x0  }
0xd0: {  	[sflag:s23] =	ssyncadd.s32 $0xFFFFCE00  }
.LBB2_16:
0xd1: {  	s14 =	sshrl.u32 s1, $0x2  }
.Ltmp11:
0xd2: {  	s14 =	sadd.s32 $0x280, s14;
	(pc) =	sbr.rel @p0 .LBB2_18-.Ltmp11, $4  }
0xd3: {  	[tilespmem:s13], [sflag:$0x2] =	stream.indirect.gather [hbm4b:s2+s10], $0x80, s14, s10, $0xb8;
	[tilespmem:$0x11400] =	vst v63  }
0xd4: {  	_ =	swait.ge [sflag:s23], $0x3200  }
0xd5: {  	[sflag:s23] =	ssyncset.done $0x0  }
0xd6: {  	[sflag:s23] =	ssyncadd.s32 $0xFFFFCE00  }
.LBB2_17:
0xd7: {  	_ =	swait.ge [sflag:s24], $0x100  }
0xd8: {  	[sflag:s24] =	ssyncset.done $0x0  }
0xd9: {  	[sflag:s24] =	ssyncadd.s32 $0xFFFFFF00  }
.LBB2_18:
0xda: {  	v8 =	vld [tilespmem:$0xA800]  }
0xdb: {  	v10 =	vld [tilespmem:$0xA810]  }
0xdc: {  	v5 =	vld [tilespmem:$0xA820]  }
0xdd: {  	v4 =	vld [tilespmem:$0xA830]  }
0xde: {  	v3 =	vld [tilespmem:$0xA840]  }
0xdf: {  	v2 =	vld [tilespmem:$0xA850]  }
0xe0: {  	v1 =	vld [tilespmem:$0xA860]  }
0xe1: {  	v0 =	vld [tilespmem:$0xA870];
	s6 =	simm.s32 $0xF0  }
0xe2: {  	v6 =	vld [tilespmem:s6+$0xA800]  }
0xe3: {  	v9 =	vld [tilespmem:s6+$0xA790]  }
0xe4: {  	v13 =	vld [tilespmem:s6+$0xA7A0]  }
0xe5: {  	v12 =	vld [tilespmem:s6+$0xA7B0]  }
0xe6: {  	v11 =	vld [tilespmem:s6+$0xA7C0]  }
0xe7: {  	v7 =	vld [tilespmem:s6+$0xA7D0]  }
0xe8: {  	v0 =	vadd.f32 v6, v0;
	v6 =	vld [tilespmem:s6+$0xA7E0]  }
0xe9: {  	s14 =	simm.s32 $0x170;
	s16 =	simm.s32 $0x7C0;
	v9 =	vadd.f32 v9, v8;
	v10 =	vadd.f32 v13, v10;
	v8 =	vld [tilespmem:s6+$0xA7F0]  }
.LBB2_19:
0xea: {  	p2 =	sne.s32 s16, $0x63C0;
	v13 =	vld [tilespmem:s14+$0xA800];
	v5 =	vadd.f32 v12, v5  }
0xeb: {  	v14 =	vld [tilespmem:s14+$0xA790];
	v4 =	vadd.f32 v11, v4  }
0xec: {  	v15 =	vld [tilespmem:s14+$0xA7A0];
	v3 =	vadd.f32 v7, v3  }
.Ltmp12:
0xed: {  	v12 =	vld [tilespmem:s14+$0xA7B0];
	v2 =	vadd.f32 v6, v2;
	(pc) =	sbr.rel @p2 .LBB2_19-.Ltmp12, $4  }
0xee: {  	v11 =	vld [tilespmem:s14+$0xA7C0];
	v1 =	vadd.f32 v8, v1  }
0xef: {  	v7 =	vld [tilespmem:s14+$0xA7D0];
	v0 =	vadd.f32 v13, v0  }
0xf0: {  	v9 =	vadd.f32 v14, v9;
	v6 =	vld [tilespmem:s14+$0xA7E0]  }
0xf1: {  	v10 =	vadd.f32 v15, v10;
	v8 =	vld [tilespmem:s14+$0xA7F0];
	s14 =	sshra.s32 s16, $0x2;
	s16 =	sadd.s32 $0x200, s16  }
0xf2: {  	v13 =	vld [tilespmem:s14+$0xA800]  }
0xf3: {  	v14 =	vld [tilespmem:s14+$0xA790]  }
0xf4: {  	v15 =	vld [tilespmem:s14+$0xA7A0]  }
0xf5: {  	v16 =	vld [tilespmem:s14+$0xA7B0]  }
0xf6: {  	v17 =	vld [tilespmem:s14+$0xA7C0]  }
0xf7: {  	v18 =	vld [tilespmem:s14+$0xA7D0];
	v5 =	vadd.f32 v12, v5;
	v4 =	vadd.f32 v11, v4  }
0xf8: {  	v12 =	vld [tilespmem:s14+$0xA7E0];
	v3 =	vadd.f32 v7, v3;
	v9 =	vadd.f32 v14, v9  }
0xf9: {  	v11 =	vld [tilespmem:s14+$0xA7F0];
	v2 =	vadd.f32 v6, v2;
	v10 =	vadd.f32 v15, v10  }
0xfa: {  	v6 =	vadd.f32 v8, v1;
	v1 =	vld [tilespmem:$0xC120];
	v5 =	vadd.f32 v16, v5;
	[tilespmem:$0x11200] =	vst v9  }
0xfb: {  	v4 =	vadd.f32 v17, v4;
	v14 =	vld [tilespmem:$0xC110];
	[tilespmem:$0x11210] =	vst v10  }
0xfc: {  	v3 =	vadd.f32 v18, v3;
	v7 =	vadd.f32 v13, v0;
	v0 =	vld [tilespmem:$0xC160];
	[tilespmem:$0x11220] =	vst v5  }
0xfd: {  	v9 =	vld [tilespmem:$0xC100];
	[tilespmem:$0x11230] =	vst v4  }
0xfe: {  	v6 =	vadd.f32 v11, v6;
	v5 =	vadd.f32 v12, v2;
	v2 =	vld [tilespmem:$0xC130];
	[tilespmem:$0x11240] =	vst v3  }
0xff: {  	v3 =	vld [tilespmem:$0xC140];
	[tilespmem:$0x11270] =	vst v7  }
0x100: {  	v4 =	vld [tilespmem:$0xC150];
	[tilespmem:$0x11260] =	vst v6  }
0x101: {  	s6 =	simm.s32 $0x0;
	[tilespmem:$0x11250] =	vst v5;
	v5 =	vld [tilespmem:$0xC170]  }
0x102: {  	v7 =	vld [tilespmem:s6+$0xC1F0]  }
0x103: {  	v8 =	vld [tilespmem:s6+$0xC180]  }
0x104: {  	v11 =	vld [tilespmem:s6+$0xC190]  }
0x105: {  	v12 =	vld [tilespmem:s6+$0xC1A0]  }
0x106: {  	v10 =	vld [tilespmem:s6+$0xC1B0]  }
0x107: {  	v6 =	vld [tilespmem:s6+$0xC1C0]  }
0x108: {  	v5 =	vadd.f32 v7, v5;
	v7 =	vld [tilespmem:s6+$0xC1D0]  }
0x109: {  	s16 =	simm.s32 $0x400;
	s14 =	simm.s32 $0x80;
	v8 =	vadd.f32 v8, v9;
	v9 =	vadd.f32 v11, v14;
	v11 =	vld [tilespmem:s6+$0xC1E0]  }
.LBB2_21:
0x10a: {  	p2 =	sne.s32 s16, $0x6000;
	v13 =	vld [tilespmem:s14+$0xC1F0];
	v1 =	vadd.f32 v12, v1  }
0x10b: {  	v14 =	vld [tilespmem:s14+$0xC180];
	v2 =	vadd.f32 v10, v2  }
0x10c: {  	v15 =	vld [tilespmem:s14+$0xC190];
	v3 =	vadd.f32 v6, v3  }
.Ltmp13:
0x10d: {  	v12 =	vld [tilespmem:s14+$0xC1A0];
	v4 =	vadd.f32 v7, v4;
	(pc) =	sbr.rel @p2 .LBB2_21-.Ltmp13, $4  }
0x10e: {  	v10 =	vld [tilespmem:s14+$0xC1B0];
	v0 =	vadd.f32 v11, v0  }
0x10f: {  	v6 =	vld [tilespmem:s14+$0xC1C0];
	v5 =	vadd.f32 v13, v5  }
0x110: {  	v8 =	vadd.f32 v14, v8;
	v7 =	vld [tilespmem:s14+$0xC1D0]  }
0x111: {  	v9 =	vadd.f32 v15, v9;
	v11 =	vld [tilespmem:s14+$0xC1E0];
	s14 =	sshra.s32 s16, $0x2;
	s16 =	sadd.s32 $0x200, s16  }
0x112: {  	v14 =	vld [tilespmem:s14+$0xC180]  }
0x113: {  	v15 =	vld [tilespmem:s14+$0xC190]  }
0x114: {  	v16 =	vld [tilespmem:s14+$0xC1A0]  }
0x115: {  	v17 =	vld [tilespmem:s14+$0xC1B0]  }
0x116: {  	v18 =	vld [tilespmem:s14+$0xC1C0]  }
0x117: {  	v1 =	vadd.f32 v12, v1;
	v60 =	vld [tilespmem:s14+$0xC1D0];
	v8 =	vadd.f32 v14, v8  }
0x118: {  	v13 =	vld [tilespmem:s14+$0xC1F0];
	v2 =	vadd.f32 v10, v2;
	v9 =	vadd.f32 v15, v9  }
0x119: {  	v61 =	vld [tilespmem:s14+$0xC1E0];
	v3 =	vadd.f32 v6, v3;
	v1 =	vadd.f32 v16, v1;
	[tilespmem:$0x11280] =	vst v8  }
0x11a: {  	v4 =	vadd.f32 v7, v4;
	v2 =	vadd.f32 v17, v2;
	[tilespmem:$0x11290] =	vst v9  }
0x11b: {  	v3 =	vadd.f32 v18, v3;
	[tilespmem:$0x112A0] =	vst v1  }
0x11c: {  	v0 =	vadd.f32 v11, v0;
	v62 =	vadd.f32 v60, v4;
	[tilespmem:$0x112B0] =	vst v2  }
.Ltmp14:
0x11d: {  	v63 =	vadd.f32 v13, v5;
	[tilespmem:$0x112C0] =	vst v3;
	(pc) =	sbr.rel @p1 .LBB2_24-.Ltmp14, $4  }
0x11e: {  	s6 =	sadd.s32 $0x40, s12;
	v0 =	vadd.f32 v61, v0;
	[tilespmem:$0x112D0] =	vst v62  }
0x11f: {  	s6 =	sand.u32 $0x1FFFFFC0, s6;
	[tilespmem:$0x112F0] =	vst v63  }
0x120: {  	s6 =	sadd.s32 s4, s6;
	[tilespmem:$0x112E0] =	vst v0  }
0x121: {  	[hbm4b:s6+s3] =	stream.linear.scatter [tilespmem:s25], [sflag:$0x7], $0x100, $0x38;
	[tilespmem:$0x11400] =	vst v63  }
.Ltmp15:
0x122: {  	(pc) =	sbr.rel .LBB2_25-.Ltmp15, $4  }
0x123: {  	_ = 	snop  }
0x124: {  	_ =	swait.ge [sflag:s26], $0x3200  }
0x125: {  	[sflag:s26] =	ssyncset.done $0x0  }
0x126: {  	[sflag:s26] =	ssyncadd.s32 $0xFFFFCE00  }
.LBB2_24:
0x127: {  	s6 =	sshrl.u32 s1, $0x2  }
.Ltmp16:
0x128: {  	s6 =	sadd.s32 $0x300, s6;
	(pc) =	sbr.rel @p0 .LBB2_26-.Ltmp16, $4  }
0x129: {  	[tilespmem:s15], [sflag:$0x3] =	stream.indirect.gather [hbm4b:s2+s10], $0x80, s6, s10, $0xb8;
	[tilespmem:$0x11400] =	vst v63  }
0x12a: {  	_ =	swait.ge [sflag:s26], $0x3200  }
0x12b: {  	[sflag:s26] =	ssyncset.done $0x0  }
0x12c: {  	[sflag:s26] =	ssyncadd.s32 $0xFFFFCE00  }
.LBB2_25:
0x12d: {  	_ =	swait.ge [sflag:s28], $0x100  }
0x12e: {  	[sflag:s28] =	ssyncset.done $0x0  }
0x12f: {  	[sflag:s28] =	ssyncadd.s32 $0xFFFFFF00  }
.LBB2_26:
0x130: {  	v8 =	vld [tilespmem:$0xDC00]  }
0x131: {  	v10 =	vld [tilespmem:$0xDC10]  }
0x132: {  	v5 =	vld [tilespmem:$0xDC20]  }
0x133: {  	v4 =	vld [tilespmem:$0xDC30]  }
0x134: {  	v3 =	vld [tilespmem:$0xDC40]  }
0x135: {  	v2 =	vld [tilespmem:$0xDC50]  }
0x136: {  	v1 =	vld [tilespmem:$0xDC60]  }
0x137: {  	v0 =	vld [tilespmem:$0xDC70];
	s6 =	simm.s32 $0xF0  }
0x138: {  	v6 =	vld [tilespmem:s6+$0xDC00]  }
0x139: {  	v9 =	vld [tilespmem:s6+$0xDB90]  }
0x13a: {  	v13 =	vld [tilespmem:s6+$0xDBA0]  }
0x13b: {  	v12 =	vld [tilespmem:s6+$0xDBB0]  }
0x13c: {  	v11 =	vld [tilespmem:s6+$0xDBC0]  }
0x13d: {  	v7 =	vld [tilespmem:s6+$0xDBD0]  }
0x13e: {  	v0 =	vadd.f32 v6, v0;
	v6 =	vld [tilespmem:s6+$0xDBE0]  }
0x13f: {  	s14 =	simm.s32 $0x170;
	s16 =	simm.s32 $0x7C0;
	v9 =	vadd.f32 v9, v8;
	v10 =	vadd.f32 v13, v10;
	v8 =	vld [tilespmem:s6+$0xDBF0]  }
.LBB2_27:
0x140: {  	p0 =	sne.s32 s16, $0x63C0;
	v13 =	vld [tilespmem:s14+$0xDC00];
	v5 =	vadd.f32 v12, v5  }
0x141: {  	v14 =	vld [tilespmem:s14+$0xDB90];
	v4 =	vadd.f32 v11, v4  }
0x142: {  	v15 =	vld [tilespmem:s14+$0xDBA0];
	v3 =	vadd.f32 v7, v3  }
.Ltmp17:
0x143: {  	v12 =	vld [tilespmem:s14+$0xDBB0];
	v2 =	vadd.f32 v6, v2;
	(pc) =	sbr.rel @p0 .LBB2_27-.Ltmp17, $4  }
0x144: {  	v11 =	vld [tilespmem:s14+$0xDBC0];
	v1 =	vadd.f32 v8, v1  }
0x145: {  	v7 =	vld [tilespmem:s14+$0xDBD0];
	v0 =	vadd.f32 v13, v0  }
0x146: {  	v9 =	vadd.f32 v14, v9;
	v6 =	vld [tilespmem:s14+$0xDBE0]  }
0x147: {  	v10 =	vadd.f32 v15, v10;
	v8 =	vld [tilespmem:s14+$0xDBF0];
	s14 =	sshra.s32 s16, $0x2;
	s16 =	sadd.s32 $0x200, s16  }
0x148: {  	v13 =	vld [tilespmem:s14+$0xDC00]  }
0x149: {  	v14 =	vld [tilespmem:s14+$0xDB90]  }
0x14a: {  	v15 =	vld [tilespmem:s14+$0xDBA0]  }
0x14b: {  	v16 =	vld [tilespmem:s14+$0xDBB0]  }
0x14c: {  	v17 =	vld [tilespmem:s14+$0xDBC0]  }
0x14d: {  	v18 =	vld [tilespmem:s14+$0xDBD0];
	v5 =	vadd.f32 v12, v5;
	v4 =	vadd.f32 v11, v4  }
0x14e: {  	v12 =	vld [tilespmem:s14+$0xDBE0];
	v3 =	vadd.f32 v7, v3;
	v9 =	vadd.f32 v14, v9  }
0x14f: {  	v11 =	vld [tilespmem:s14+$0xDBF0];
	v2 =	vadd.f32 v6, v2;
	v10 =	vadd.f32 v15, v10  }
0x150: {  	v6 =	vadd.f32 v8, v1;
	v1 =	vld [tilespmem:$0xF520];
	v5 =	vadd.f32 v16, v5;
	[tilespmem:$0x11300] =	vst v9  }
0x151: {  	v4 =	vadd.f32 v17, v4;
	v14 =	vld [tilespmem:$0xF510];
	[tilespmem:$0x11310] =	vst v10  }
0x152: {  	v3 =	vadd.f32 v18, v3;
	v7 =	vadd.f32 v13, v0;
	v0 =	vld [tilespmem:$0xF560];
	[tilespmem:$0x11320] =	vst v5  }
0x153: {  	v9 =	vld [tilespmem:$0xF500];
	[tilespmem:$0x11330] =	vst v4  }
0x154: {  	v6 =	vadd.f32 v11, v6;
	v5 =	vadd.f32 v12, v2;
	v2 =	vld [tilespmem:$0xF530];
	[tilespmem:$0x11340] =	vst v3  }
0x155: {  	v3 =	vld [tilespmem:$0xF540];
	[tilespmem:$0x11370] =	vst v7  }
0x156: {  	v4 =	vld [tilespmem:$0xF550];
	[tilespmem:$0x11360] =	vst v6  }
0x157: {  	s6 =	simm.s32 $0x0;
	[tilespmem:$0x11350] =	vst v5;
	v5 =	vld [tilespmem:$0xF570]  }
0x158: {  	v7 =	vld [tilespmem:s6+$0xF5F0]  }
0x159: {  	v8 =	vld [tilespmem:s6+$0xF580]  }
0x15a: {  	v11 =	vld [tilespmem:s6+$0xF590]  }
0x15b: {  	v12 =	vld [tilespmem:s6+$0xF5A0]  }
0x15c: {  	v10 =	vld [tilespmem:s6+$0xF5B0]  }
0x15d: {  	v6 =	vld [tilespmem:s6+$0xF5C0]  }
0x15e: {  	v5 =	vadd.f32 v7, v5;
	v7 =	vld [tilespmem:s6+$0xF5D0]  }
0x15f: {  	s16 =	simm.s32 $0x400;
	s14 =	simm.s32 $0x80;
	v8 =	vadd.f32 v8, v9;
	v9 =	vadd.f32 v11, v14;
	v11 =	vld [tilespmem:s6+$0xF5E0]  }
.LBB2_29:
0x160: {  	p0 =	sne.s32 s16, $0x6000;
	v13 =	vld [tilespmem:s14+$0xF5F0];
	v1 =	vadd.f32 v12, v1  }
0x161: {  	v14 =	vld [tilespmem:s14+$0xF580];
	v2 =	vadd.f32 v10, v2  }
0x162: {  	v15 =	vld [tilespmem:s14+$0xF590];
	v3 =	vadd.f32 v6, v3  }
.Ltmp18:
0x163: {  	v12 =	vld [tilespmem:s14+$0xF5A0];
	v4 =	vadd.f32 v7, v4;
	(pc) =	sbr.rel @p0 .LBB2_29-.Ltmp18, $4  }
0x164: {  	v10 =	vld [tilespmem:s14+$0xF5B0];
	v0 =	vadd.f32 v11, v0  }
0x165: {  	v6 =	vld [tilespmem:s14+$0xF5C0];
	v5 =	vadd.f32 v13, v5  }
0x166: {  	v8 =	vadd.f32 v14, v8;
	v7 =	vld [tilespmem:s14+$0xF5D0]  }
0x167: {  	v9 =	vadd.f32 v15, v9;
	v11 =	vld [tilespmem:s14+$0xF5E0];
	s14 =	sshra.s32 s16, $0x2;
	s16 =	sadd.s32 $0x200, s16  }
0x168: {  	v14 =	vld [tilespmem:s14+$0xF580]  }
0x169: {  	v15 =	vld [tilespmem:s14+$0xF590]  }
0x16a: {  	v16 =	vld [tilespmem:s14+$0xF5A0]  }
0x16b: {  	v17 =	vld [tilespmem:s14+$0xF5B0]  }
0x16c: {  	v18 =	vld [tilespmem:s14+$0xF5C0]  }
0x16d: {  	v1 =	vadd.f32 v12, v1;
	v60 =	vld [tilespmem:s14+$0xF5D0];
	v8 =	vadd.f32 v14, v8  }
0x16e: {  	v13 =	vld [tilespmem:s14+$0xF5F0];
	v2 =	vadd.f32 v10, v2;
	v9 =	vadd.f32 v15, v9  }
0x16f: {  	v61 =	vld [tilespmem:s14+$0xF5E0];
	v3 =	vadd.f32 v6, v3;
	v1 =	vadd.f32 v16, v1;
	[tilespmem:$0x11380] =	vst v8  }
0x170: {  	v4 =	vadd.f32 v7, v4;
	v2 =	vadd.f32 v17, v2;
	[tilespmem:$0x11390] =	vst v9  }
0x171: {  	v3 =	vadd.f32 v18, v3;
	[tilespmem:$0x113A0] =	vst v1  }
0x172: {  	p0 =	seq.s32 s0, $0x1F;
	v0 =	vadd.f32 v11, v0;
	v62 =	vadd.f32 v60, v4;
	[tilespmem:$0x113B0] =	vst v2  }
.Ltmp19:
0x173: {  	v63 =	vadd.f32 v13, v5;
	[tilespmem:$0x113C0] =	vst v3;
	(pc) =	sbr.rel @p0 .LBB2_32-.Ltmp19, $4  }
0x174: {  	s6 =	sadd.s32 $0x60, s12;
	v0 =	vadd.f32 v61, v0;
	[tilespmem:$0x113D0] =	vst v62  }
0x175: {  	s6 =	sand.u32 $0x1FFFFFE0, s6;
	[tilespmem:$0x113F0] =	vst v63  }
0x176: {  	s6 =	sadd.s32 s4, s6;
	[tilespmem:$0x113E0] =	vst v0  }
0x177: {  	[hbm4b:s6+s3] =	stream.linear.scatter [tilespmem:s29], [sflag:$0x8], $0x100, $0x38;
	[tilespmem:$0x11400] =	vst v63  }
.Ltmp20:
0x178: {  	(pc) =	sbr.rel .LBB2_2-.Ltmp20, $4  }
0x179: {  	_ = 	snop  }
0x17a: {  	s1 =	sshrl.u32 s1, $0x2  }
0x17b: {  	s0 =	sadd.s32 $0x1, s0;
	s1 =	sadd.s32 $0x380, s1  }
0x17c: {  	[tilespmem:s17], [sflag:$0x4] =	stream.indirect.gather [hbm4b:s2+s10], $0x80, s1, s10, $0xb8;
	[tilespmem:$0x11400] =	vst v63  }
.LBB2_33:
0x17d: {  	_ =	sfence.sel $0x180000  }
0x17e: {  	[bflag:$0x0] =	sbarrier.arrive $0xFFFF  }
0x17f: {  	_ =	strace $0x9000004A  }
0x180: {  	s0 =	stileid.u32;
	[bflag:$0x2] =	sbarrier.arrive $0xFFFF  }
0x181: {  	p0 =	sne.s32 s0, $0x0;
	s0 =	rddreg [dreg:$0x2]  }
0x182: {  	s0 =	sadd.s32 @!p0 $0x100000, s0  }
0x183: {  	[sflag:s0] =	ssyncadd.tile.s32 @!p0 $0x1;
	_ =	shalt  }
.Lfunc_end2:
_tile_overlayer_lowered:
.L_overlay_start_2:
0x184: {  	(tag) =	ssettag $0x2  }
0x185: {  	s0 =	rddreg [dreg:$0x0];
	s2 =	stileid.u32  }
0x186: {  	s1 =	rddreg [dreg:$0x1];
	p0 =	sne.s32 s2, $0x0  }
0x187: {  	s3 =	rddreg [dreg:$0x2];
	[bflag:$0x3] =	sbarrier.arrive $0xFFFF;
	s2 =	simm.s32 @!p0 $0x1C09  }
0x188: {  	[timem:s3], [sflag:s2] =	dma.local @!p0 [hbm:s0], s1  }
0x189: {  	s0 =	simm.s32 @!p0 $0x9  }
0x18a: {  	_ =	swait.ge @!p0 [sflag:s0], s1  }
0x18b: {  	s1 =	ssub.s32 @!p0 $0x0, s1;
	[sflag:s0] =	ssyncset.done @!p0 $0x0  }
0x18c: {  	[sflag:s0] =	ssyncadd.s32 @!p0 s1  }
0x18d: {  	[bflag:$0x3] =	sbarrier.arrive $0xFFFF  }
0x18e: {  	_ =	shalt  }

</sc_bundles>
